<compile_context>
chip_gen: v7x
topology: tpu7x:2x2x1
jax: 0.10.2.dev20260603
libtpu: 0.0.44.dev20260713+nightly
codegen_flags: <defaults>
</compile_context>

<pallas_src>
import functools

import jax
import jax.numpy as jnp
from jax import lax
from jax.experimental import pallas as pl
from jax.experimental.pallas import tpu as pltpu
from jax.experimental.pallas import tpu_sc as plsc

_D = 64
_NC = 2
_NS = 16
_NW = _NC * _NS
_NBUF = 4


def kernel(batch, table):
    b = batch.shape[0]
    per_w = b // _NW
    idx = batch.astype(jnp.int32).reshape(_NW, per_w)

    tt = table.T

    mesh = plsc.VectorSubcoreMesh(core_axis_name="c", subcore_axis_name="s")
    cp = pltpu.CompilerParams(
        needs_layout_passes=False, disable_bounds_checks=True
    )

    @functools.partial(
        pl.kernel,
        mesh=mesh,
        compiler_params=cp,
        out_type=jax.ShapeDtypeStruct((_D, b), table.dtype),
        scratch_types=[
            pltpu.VMEM((per_w,), jnp.int32),
            pltpu.VMEM((_NBUF, _D, 128), jnp.float32),
            pltpu.VMEM((_D, per_w // 2), jnp.float32),
            pltpu.SemaphoreType.DMA((_NBUF,)),
        ],
    )
    def gather_kernel(tt_hbm, idx_hbm, out_hbm, idx_v, tiles_v, out_v, sems):
        wid = lax.axis_index("s") * _NC + lax.axis_index("c")
        pltpu.sync_copy(idx_hbm.at[wid], idx_v)

        iota16 = lax.iota(jnp.int32, 16)
        half_w = per_w // 2

        def fetch(r, slot):
            c128 = pl.multiple_of((r >> 7) * 128, 128)
            pltpu.async_copy(
                tt_hbm.at[:, pl.ds(c128, 128)],
                tiles_v.at[slot],
                sems.at[slot],
            )

        def wait(slot):
            pltpu.make_async_copy(
                tt_hbm.at[:, pl.ds(0, 128)],
                tiles_v.at[slot],
                sems.at[slot],
            ).wait()

        for half in range(2):
            base = half * half_w
            jv0 = idx_v[pl.ds(base, 16)]
            for t in range(_NBUF):
                fetch(jv0[t], t)

            @pl.loop(0, half_w, step=16)
            def _(j0, base=base):
                jv = idx_v[pl.ds(base + j0, 16)]
                nxt = jnp.minimum(base + j0 + 16, per_w - 16)
                jn = idx_v[pl.ds(nxt, 16)]
                for i in range(16):
                    slot = i % _NBUF
                    wait(slot)
                    lane = jnp.broadcast_to(jv[i] & 127, (16,))
                    col = jnp.broadcast_to(j0 + i, (16,))
                    for q in range(4):
                        vals = plsc.load_gather(
                            tiles_v.at[slot], [iota16 + 16 * q, lane]
                        )
                        plsc.store_scatter(
                            out_v, [iota16 + 16 * q, col], vals
                        )
                    nr = jv[i + _NBUF] if i < 16 - _NBUF else jn[i - (16 - _NBUF)]

                    @pl.when(j0 + i + _NBUF < half_w)
                    def _(nr=nr, slot=slot):
                        fetch(nr, slot)

            pltpu.sync_copy(
                out_v,
                out_hbm.at[:, pl.ds(wid * per_w + base, half_w)],
            )

    out = gather_kernel(tt, idx)
    return out.T.reshape(b, 1, _D)

# --- scband reference (transcript-rebuilt; emitter-appended) ---
"""Pipeline reference for scband-class-embedder-231928234049 (READ-ONLY COPY).

The authoritative reference and input builder live on the scoring server;
editing this copy changes nothing except your own understanding.
"""

import jax, jax.numpy as jnp
import numpy as np

N_CLASSES = 1000000
EMBED_DIM = 64
BATCH = 16384

def setup_inputs(seed: int = 0) -> dict:
    key = jax.random.key(seed)
    k1, k2 = jax.random.split(key)
    batch = jax.random.randint(k1, (BATCH,), 0, N_CLASSES, dtype=jnp.int64) if jax.config.jax_enable_x64 else jax.random.randint(k1, (BATCH,), 0, N_CLASSES, dtype=jnp.int32)
    table = jax.random.normal(k2, (N_CLASSES, EMBED_DIM), dtype=jnp.float32)
    return {"batch": batch, "table": table}

def reference(batch, table):
    # ClassEmbedder.forward: c = batch[key][:, None]; c = self.embedding(c)
    c = batch[:, None]                      # [B, 1] int indices
    out = jnp.take(table, c, axis=0)        # [B, 1, embed_dim] gather (SparseCore embedding lookup)
    return out

if __name__ == "__main__":
    import jax
    _d = setup_inputs()
    print(jax.jit(kernel)(*tuple(_d.values())))

</pallas_src>

<mosaic_0001>
#map = affine_map<(d0, d1) -> (0, 0)>
module attributes {stable_mosaic.version = 14 : i64} {
  func.func @gather_kernel(%arg0: i32, %arg1: i32, %arg2: memref<64x1000000xf32, #tpu.memory_space<hbm>>, %arg3: memref<32x512xi32, #tpu.memory_space<hbm>>, %arg4: memref<64x16384xf32, #tpu.memory_space<hbm>>, %arg5: memref<512xi32, #tpu.memory_space<vmem>>, %arg6: memref<4x64x128xf32, #tpu.memory_space<vmem>>, %arg7: memref<64x256xf32, #tpu.memory_space<vmem>>, %arg8: memref<4x!tpu.dma_semaphore, #tpu.memory_space<semaphore_mem>>) attributes {dimension_semantics = [#tpu.dimension_semantics<core_parallel>, #tpu.dimension_semantics<subcore_parallel>], iteration_bounds = array<i64: 2, 16>, scalar_prefetch = 0 : i64, scratch_operands = 4 : i64, tpu.core_type = #tpu.core_type<sc_vector_subcore>, window_params = [{transform_indices = #map}, {transform_indices = #map}, {transform_indices = #map}]} {
    %mul3A = arith.constant 2 : i32
    %mul3A_0 = arith.muli %arg1, %mul3A : i32
    %add3A = arith.addi %mul3A_0, %arg0 : i32
    "tpu.region"() ({
      %run_scoped3A = tpu.sem_alloc : memref<!tpu.dma_semaphore, #tpu.memory_space<semaphore_mem>>
      %dma_start3A_200 = arith.constant 0 : i32
      %dma_start3A_201 = tpu.memref_slice %arg3[%add3A, %dma_start3A_200] : memref<32x512xi32, #tpu.memory_space<hbm>> -> memref<1x512xi32, #tpu.memory_space<hbm>>
      %dma_start3A_202 = tpu.memref_squeeze %dma_start3A_201 : memref<1x512xi32, #tpu.memory_space<hbm>> -> memref<512xi32, #tpu.memory_space<hbm>>
      %dma_start3A_203 = arith.constant 0 : i32
      %dma_start3A_204 = tpu.memref_slice %arg3[%add3A, %dma_start3A_203] : memref<32x512xi32, #tpu.memory_space<hbm>> -> memref<1x512xi32, #tpu.memory_space<hbm>>
      %dma_start3A_205 = tpu.memref_squeeze %dma_start3A_204 : memref<1x512xi32, #tpu.memory_space<hbm>> -> memref<512xi32, #tpu.memory_space<hbm>>
      tpu.enqueue_dma source(%dma_start3A_205 : memref<512xi32, #tpu.memory_space<hbm>>) target(%arg5 : memref<512xi32, #tpu.memory_space<vmem>>) target_semaphore(%run_scoped3A : memref<!tpu.dma_semaphore, #tpu.memory_space<semaphore_mem>>)
      %dma_wait3A = arith.constant 0 : i32
      %dma_wait3A_206 = tpu.memref_slice %arg3[%add3A, %dma_wait3A] : memref<32x512xi32, #tpu.memory_space<hbm>> -> memref<1x512xi32, #tpu.memory_space<hbm>>
      %dma_wait3A_207 = tpu.memref_squeeze %dma_wait3A_206 : memref<1x512xi32, #tpu.memory_space<hbm>> -> memref<512xi32, #tpu.memory_space<hbm>>
      %dma_wait3A_208 = arith.constant 0 : i32
      %dma_wait3A_209 = tpu.memref_slice %arg3[%add3A, %dma_wait3A_208] : memref<32x512xi32, #tpu.memory_space<hbm>> -> memref<1x512xi32, #tpu.memory_space<hbm>>
      %dma_wait3A_210 = tpu.memref_squeeze %dma_wait3A_209 : memref<1x512xi32, #tpu.memory_space<hbm>> -> memref<512xi32, #tpu.memory_space<hbm>>
      tpu.wait_dma2 semaphore(%run_scoped3A : memref<!tpu.dma_semaphore, #tpu.memory_space<semaphore_mem>>) src(%dma_wait3A_210 : memref<512xi32, #tpu.memory_space<hbm>>) dst(%arg5 : memref<512xi32, #tpu.memory_space<vmem>>)
      tpu.yield
    }) : () -> ()
    %iota3A = tpu.iota {dimensions = array<i32: 0>} : vector<16xi32>
    %get3A = arith.constant 0 : index
    %get3A_1 = tpu.vector_load %arg5[%get3A] {strides = array<i32>} : memref<512xi32, #tpu.memory_space<vmem>>, vector<16xi32>,
    %slice3A = vector.extract_strided_slice %get3A_1 {offsets = [0], sizes = [1], strides = [1]} : vector<16xi32> to vector<1xi32>
    %squeeze3A = vector.extract %slice3A[0] : i32 from vector<1xi32>
    %shift_right_arithmetic3A = arith.constant 7 : i32
    %shift_right_arithmetic3A_2 = arith.shrsi %squeeze3A, %shift_right_arithmetic3A : i32
    %mul3A_3 = arith.constant 128 : i32
    %mul3A_4 = arith.muli %shift_right_arithmetic3A_2, %mul3A_3 : i32
    %multiple_of3A = tpu.assume_multiple %mul3A_4, 128 : i32
    %dma_start3A = arith.constant 0 : i32
    %dma_start3A_5 = arith.constant 0 : i32
    %dma_start3A_6 = arith.constant 0 : i32
    %dma_start3A_7 = arith.constant 0 : i32
    %dma_start3A_8 = tpu.memref_slice %arg6[%dma_start3A, %dma_start3A_6, %dma_start3A_7] : memref<4x64x128xf32, #tpu.memory_space<vmem>> -> memref<1x64x128xf32, #tpu.memory_space<vmem>>
    %dma_start3A_9 = tpu.memref_squeeze %dma_start3A_8 : memref<1x64x128xf32, #tpu.memory_space<vmem>> -> memref<64x128xf32, #tpu.memory_space<vmem>>
    %dma_start3A_10 = arith.constant 0 : i32
    %dma_start3A_11 = tpu.memref_slice %arg2[%dma_start3A_10, %multiple_of3A] : memref<64x1000000xf32, #tpu.memory_space<hbm>> -> memref<64x128xf32, #tpu.memory_space<hbm>>
    %dma_start3A_12 = tpu.memref_slice %arg8[%dma_start3A_5] : memref<4x!tpu.dma_semaphore, #tpu.memory_space<semaphore_mem>> -> memref<1x!tpu.dma_semaphore, #tpu.memory_space<semaphore_mem>>
    %dma_start3A_13 = tpu.memref_squeeze %dma_start3A_12 : memref<1x!tpu.dma_semaphore, #tpu.memory_space<semaphore_mem>> -> memref<!tpu.dma_semaphore, #tpu.memory_space<semaphore_mem>>
    %dma_start3A_14 = arith.constant 0 : i32
    %dma_start3A_15 = arith.constant 0 : i32
    %dma_start3A_16 = tpu.memref_slice %arg6[%dma_start3A, %dma_start3A_14, %dma_start3A_15] : memref<4x64x128xf32, #tpu.memory_space<vmem>> -> memref<1x64x128xf32, #tpu.memory_space<vmem>>
    %dma_start3A_17 = tpu.memref_squeeze %dma_start3A_16 : memref<1x64x128xf32, #tpu.memory_space<vmem>> -> memref<64x128xf32, #tpu.memory_space<vmem>>
    %dma_start3A_18 = arith.constant 0 : i32
    %dma_start3A_19 = tpu.memref_slice %arg2[%dma_start3A_18, %multiple_of3A] : memref<64x1000000xf32, #tpu.memory_space<hbm>> -> memref<64x128xf32, #tpu.memory_space<hbm>>
    tpu.enqueue_dma source(%dma_start3A_19 : memref<64x128xf32, #tpu.memory_space<hbm>>) target(%dma_start3A_17 : memref<64x128xf32, #tpu.memory_space<vmem>>) target_semaphore(%dma_start3A_13 : memref<!tpu.dma_semaphore, #tpu.memory_space<semaphore_mem>>)
    %slice3A_20 = vector.extract_strided_slice %get3A_1 {offsets = [1], sizes = [1], strides = [1]} : vector<16xi32> to vector<1xi32>
    %squeeze3A_21 = vector.extract %slice3A_20[0] : i32 from vector<1xi32>
    %shift_right_arithmetic3A_22 = arith.constant 7 : i32
    %shift_right_arithmetic3A_23 = arith.shrsi %squeeze3A_21, %shift_right_arithmetic3A_22 : i32
    %mul3A_24 = arith.constant 128 : i32
    %mul3A_25 = arith.muli %shift_right_arithmetic3A_23, %mul3A_24 : i32
    %multiple_of3A_26 = tpu.assume_multiple %mul3A_25, 128 : i32
    %dma_start3A_27 = arith.constant 1 : i32
    %dma_start3A_28 = arith.constant 1 : i32
    %dma_start3A_29 = arith.constant 0 : i32
    %dma_start3A_30 = arith.constant 0 : i32
    %dma_start3A_31 = tpu.memref_slice %arg6[%dma_start3A_27, %dma_start3A_29, %dma_start3A_30] : memref<4x64x128xf32, #tpu.memory_space<vmem>> -> memref<1x64x128xf32, #tpu.memory_space<vmem>>
    %dma_start3A_32 = tpu.memref_squeeze %dma_start3A_31 : memref<1x64x128xf32, #tpu.memory_space<vmem>> -> memref<64x128xf32, #tpu.memory_space<vmem>>
    %dma_start3A_33 = arith.constant 0 : i32
    %dma_start3A_34 = tpu.memref_slice %arg2[%dma_start3A_33, %multiple_of3A_26] : memref<64x1000000xf32, #tpu.memory_space<hbm>> -> memref<64x128xf32, #tpu.memory_space<hbm>>
    %dma_start3A_35 = tpu.memref_slice %arg8[%dma_start3A_28] : memref<4x!tpu.dma_semaphore, #tpu.memory_space<semaphore_mem>> -> memref<1x!tpu.dma_semaphore, #tpu.memory_space<semaphore_mem>>
    %dma_start3A_36 = tpu.memref_squeeze %dma_start3A_35 : memref<1x!tpu.dma_semaphore, #tpu.memory_space<semaphore_mem>> -> memref<!tpu.dma_semaphore, #tpu.memory_space<semaphore_mem>>
    %dma_start3A_37 = arith.constant 0 : i32
    %dma_start3A_38 = arith.constant 0 : i32
    %dma_start3A_39 = tpu.memref_slice %arg6[%dma_start3A_27, %dma_start3A_37, %dma_start3A_38] : memref<4x64x128xf32, #tpu.memory_space<vmem>> -> memref<1x64x128xf32, #tpu.memory_space<vmem>>
    %dma_start3A_40 = tpu.memref_squeeze %dma_start3A_39 : memref<1x64x128xf32, #tpu.memory_space<vmem>> -> memref<64x128xf32, #tpu.memory_space<vmem>>
    %dma_start3A_41 = arith.constant 0 : i32
    %dma_start3A_42 = tpu.memref_slice %arg2[%dma_start3A_41, %multiple_of3A_26] : memref<64x1000000xf32, #tpu.memory_space<hbm>> -> memref<64x128xf32, #tpu.memory_space<hbm>>
    tpu.enqueue_dma source(%dma_start3A_42 : memref<64x128xf32, #tpu.memory_space<hbm>>) target(%dma_start3A_40 : memref<64x128xf32, #tpu.memory_space<vmem>>) target_semaphore(%dma_start3A_36 : memref<!tpu.dma_semaphore, #tpu.memory_space<semaphore_mem>>)
    %slice3A_43 = vector.extract_strided_slice %get3A_1 {offsets = [2], sizes = [1], strides = [1]} : vector<16xi32> to vector<1xi32>
    %squeeze3A_44 = vector.extract %slice3A_43[0] : i32 from vector<1xi32>
    %shift_right_arithmetic3A_45 = arith.constant 7 : i32
    %shift_right_arithmetic3A_46 = arith.shrsi %squeeze3A_44, %shift_right_arithmetic3A_45 : i32
    %mul3A_47 = arith.constant 128 : i32
    %mul3A_48 = arith.muli %shift_right_arithmetic3A_46, %mul3A_47 : i32
    %multiple_of3A_49 = tpu.assume_multiple %mul3A_48, 128 : i32
    %dma_start3A_50 = arith.constant 2 : i32
    %dma_start3A_51 = arith.constant 2 : i32
    %dma_start3A_52 = arith.constant 0 : i32
    %dma_start3A_53 = arith.constant 0 : i32
    %dma_start3A_54 = tpu.memref_slice %arg6[%dma_start3A_50, %dma_start3A_52, %dma_start3A_53] : memref<4x64x128xf32, #tpu.memory_space<vmem>> -> memref<1x64x128xf32, #tpu.memory_space<vmem>>
    %dma_start3A_55 = tpu.memref_squeeze %dma_start3A_54 : memref<1x64x128xf32, #tpu.memory_space<vmem>> -> memref<64x128xf32, #tpu.memory_space<vmem>>
    %dma_start3A_56 = arith.constant 0 : i32
    %dma_start3A_57 = tpu.memref_slice %arg2[%dma_start3A_56, %multiple_of3A_49] : memref<64x1000000xf32, #tpu.memory_space<hbm>> -> memref<64x128xf32, #tpu.memory_space<hbm>>
    %dma_start3A_58 = tpu.memref_slice %arg8[%dma_start3A_51] : memref<4x!tpu.dma_semaphore, #tpu.memory_space<semaphore_mem>> -> memref<1x!tpu.dma_semaphore, #tpu.memory_space<semaphore_mem>>
    %dma_start3A_59 = tpu.memref_squeeze %dma_start3A_58 : memref<1x!tpu.dma_semaphore, #tpu.memory_space<semaphore_mem>> -> memref<!tpu.dma_semaphore, #tpu.memory_space<semaphore_mem>>
    %dma_start3A_60 = arith.constant 0 : i32
    %dma_start3A_61 = arith.constant 0 : i32
    %dma_start3A_62 = tpu.memref_slice %arg6[%dma_start3A_50, %dma_start3A_60, %dma_start3A_61] : memref<4x64x128xf32, #tpu.memory_space<vmem>> -> memref<1x64x128xf32, #tpu.memory_space<vmem>>
    %dma_start3A_63 = tpu.memref_squeeze %dma_start3A_62 : memref<1x64x128xf32, #tpu.memory_space<vmem>> -> memref<64x128xf32, #tpu.memory_space<vmem>>
    %dma_start3A_64 = arith.constant 0 : i32
    %dma_start3A_65 = tpu.memref_slice %arg2[%dma_start3A_64, %multiple_of3A_49] : memref<64x1000000xf32, #tpu.memory_space<hbm>> -> memref<64x128xf32, #tpu.memory_space<hbm>>
    tpu.enqueue_dma source(%dma_start3A_65 : memref<64x128xf32, #tpu.memory_space<hbm>>) target(%dma_start3A_63 : memref<64x128xf32, #tpu.memory_space<vmem>>) target_semaphore(%dma_start3A_59 : memref<!tpu.dma_semaphore, #tpu.memory_space<semaphore_mem>>)
    %slice3A_66 = vector.extract_strided_slice %get3A_1 {offsets = [3], sizes = [1], strides = [1]} : vector<16xi32> to vector<1xi32>
    %squeeze3A_67 = vector.extract %slice3A_66[0] : i32 from vector<1xi32>
    %shift_right_arithmetic3A_68 = arith.constant 7 : i32
    %shift_right_arithmetic3A_69 = arith.shrsi %squeeze3A_67, %shift_right_arithmetic3A_68 : i32
    %mul3A_70 = arith.constant 128 : i32
    %mul3A_71 = arith.muli %shift_right_arithmetic3A_69, %mul3A_70 : i32
    %multiple_of3A_72 = tpu.assume_multiple %mul3A_71, 128 : i32
    %dma_start3A_73 = arith.constant 3 : i32
    %dma_start3A_74 = arith.constant 3 : i32
    %dma_start3A_75 = arith.constant 0 : i32
    %dma_start3A_76 = arith.constant 0 : i32
    %dma_start3A_77 = tpu.memref_slice %arg6[%dma_start3A_73, %dma_start3A_75, %dma_start3A_76] : memref<4x64x128xf32, #tpu.memory_space<vmem>> -> memref<1x64x128xf32, #tpu.memory_space<vmem>>
    %dma_start3A_78 = tpu.memref_squeeze %dma_start3A_77 : memref<1x64x128xf32, #tpu.memory_space<vmem>> -> memref<64x128xf32, #tpu.memory_space<vmem>>
    %dma_start3A_79 = arith.constant 0 : i32
    %dma_start3A_80 = tpu.memref_slice %arg2[%dma_start3A_79, %multiple_of3A_72] : memref<64x1000000xf32, #tpu.memory_space<hbm>> -> memref<64x128xf32, #tpu.memory_space<hbm>>
    %dma_start3A_81 = tpu.memref_slice %arg8[%dma_start3A_74] : memref<4x!tpu.dma_semaphore, #tpu.memory_space<semaphore_mem>> -> memref<1x!tpu.dma_semaphore, #tpu.memory_space<semaphore_mem>>
    %dma_start3A_82 = tpu.memref_squeeze %dma_start3A_81 : memref<1x!tpu.dma_semaphore, #tpu.memory_space<semaphore_mem>> -> memref<!tpu.dma_semaphore, #tpu.memory_space<semaphore_mem>>
    %dma_start3A_83 = arith.constant 0 : i32
    %dma_start3A_84 = arith.constant 0 : i32
    %dma_start3A_85 = tpu.memref_slice %arg6[%dma_start3A_73, %dma_start3A_83, %dma_start3A_84] : memref<4x64x128xf32, #tpu.memory_space<vmem>> -> memref<1x64x128xf32, #tpu.memory_space<vmem>>
    %dma_start3A_86 = tpu.memref_squeeze %dma_start3A_85 : memref<1x64x128xf32, #tpu.memory_space<vmem>> -> memref<64x128xf32, #tpu.memory_space<vmem>>
    %dma_start3A_87 = arith.constant 0 : i32
    %dma_start3A_88 = tpu.memref_slice %arg2[%dma_start3A_87, %multiple_of3A_72] : memref<64x1000000xf32, #tpu.memory_space<hbm>> -> memref<64x128xf32, #tpu.memory_space<hbm>>
    tpu.enqueue_dma source(%dma_start3A_88 : memref<64x128xf32, #tpu.memory_space<hbm>>) target(%dma_start3A_86 : memref<64x128xf32, #tpu.memory_space<vmem>>) target_semaphore(%dma_start3A_82 : memref<!tpu.dma_semaphore, #tpu.memory_space<semaphore_mem>>)
    %scan3A = arith.constant 0 : i32
    %scan3A_89 = arith.constant 16 : i32
    %scan3A_90 = arith.addi %scan3A, %scan3A_89 : i32
    %scan3A_91 = arith.constant 1 : i32
    scf.for %scan3A_200 = %scan3A to %scan3A_90 step %scan3A_91  : i32 {
      %mul3A_201 = arith.constant 16 : i32
      %mul3A_202 = arith.muli %scan3A_200, %mul3A_201 : i32
      %add3A_203 = arith.constant 0 : i32
      %add3A_204 = arith.addi %add3A_203, %mul3A_202 : i32
      %add3A_205 = arith.constant 0 : i32
      %add3A_206 = arith.addi %add3A_205, %add3A_204 : i32
      %get3A_207 = arith.index_cast %add3A_206 : i32 to index
      %get3A_208 = tpu.vector_load %arg5[%get3A_207] {strides = array<i32>} : memref<512xi32, #tpu.memory_space<vmem>>, vector<16xi32>,
      %add3A_209 = arith.constant 0 : i32
      %add3A_210 = arith.addi %add3A_209, %add3A_204 : i32
      %add3A_211 = arith.constant 16 : i32
      %add3A_212 = arith.addi %add3A_210, %add3A_211 : i32
      %min3A = arith.constant 496 : i32
      %min3A_213 = arith.minsi %add3A_212, %min3A : i32
      %get3A_214 = arith.index_cast %min3A_213 : i32 to index
      %get3A_215 = tpu.vector_load %arg5[%get3A_214] {strides = array<i32>} : memref<512xi32, #tpu.memory_space<vmem>>, vector<16xi32>,
      %dma_wait3A = arith.constant 0 : i32
      %dma_wait3A_216 = arith.constant 0 : i32
      %dma_wait3A_217 = arith.constant 0 : i32
      %dma_wait3A_218 = arith.constant 0 : i32
      %dma_wait3A_219 = tpu.memref_slice %arg6[%dma_wait3A, %dma_wait3A_217, %dma_wait3A_218] : memref<4x64x128xf32, #tpu.memory_space<vmem>> -> memref<1x64x128xf32, #tpu.memory_space<vmem>>
      %dma_wait3A_220 = tpu.memref_squeeze %dma_wait3A_219 : memref<1x64x128xf32, #tpu.memory_space<vmem>> -> memref<64x128xf32, #tpu.memory_space<vmem>>
      %dma_wait3A_221 = arith.constant 0 : i32
      %dma_wait3A_222 = arith.constant 0 : i32
      %dma_wait3A_223 = tpu.memref_slice %arg2[%dma_wait3A_221, %dma_wait3A_222] : memref<64x1000000xf32, #tpu.memory_space<hbm>> -> memref<64x128xf32, #tpu.memory_space<hbm>>
      %dma_wait3A_224 = tpu.memref_slice %arg8[%dma_wait3A_216] : memref<4x!tpu.dma_semaphore, #tpu.memory_space<semaphore_mem>> -> memref<1x!tpu.dma_semaphore, #tpu.memory_space<semaphore_mem>>
      %dma_wait3A_225 = tpu.memref_squeeze %dma_wait3A_224 : memref<1x!tpu.dma_semaphore, #tpu.memory_space<semaphore_mem>> -> memref<!tpu.dma_semaphore, #tpu.memory_space<semaphore_mem>>
      %dma_wait3A_226 = arith.constant 0 : i32
      %dma_wait3A_227 = arith.constant 0 : i32
      %dma_wait3A_228 = tpu.memref_slice %arg6[%dma_wait3A, %dma_wait3A_226, %dma_wait3A_227] : memref<4x64x128xf32, #tpu.memory_space<vmem>> -> memref<1x64x128xf32, #tpu.memory_space<vmem>>
      %dma_wait3A_229 = tpu.memref_squeeze %dma_wait3A_228 : memref<1x64x128xf32, #tpu.memory_space<vmem>> -> memref<64x128xf32, #tpu.memory_space<vmem>>
      %dma_wait3A_230 = arith.constant 0 : i32
      %dma_wait3A_231 = arith.constant 0 : i32
      %dma_wait3A_232 = tpu.memref_slice %arg2[%dma_wait3A_230, %dma_wait3A_231] : memref<64x1000000xf32, #tpu.memory_space<hbm>> -> memref<64x128xf32, #tpu.memory_space<hbm>>
      tpu.wait_dma2 semaphore(%dma_wait3A_225 : memref<!tpu.dma_semaphore, #tpu.memory_space<semaphore_mem>>) src(%dma_wait3A_232 : memref<64x128xf32, #tpu.memory_space<hbm>>) dst(%dma_wait3A_229 : memref<64x128xf32, #tpu.memory_space<vmem>>)
      %slice3A_233 = vector.extract_strided_slice %get3A_208 {offsets = [0], sizes = [1], strides = [1]} : vector<16xi32> to vector<1xi32>
      %squeeze3A_234 = vector.extract %slice3A_233[0] : i32 from vector<1xi32>
      %and3A = arith.constant 127 : i32
      %and3A_235 = arith.andi %squeeze3A_234, %and3A : i32
      %broadcast_in_dim3A = vector.broadcast %and3A_235 : i32 to vector<16xi32>
      %add3A_236 = arith.constant 0 : i32
      %add3A_237 = arith.addi %add3A_204, %add3A_236 : i32
      %broadcast_in_dim3A_238 = vector.broadcast %add3A_237 : i32 to vector<16xi32>
      %add3A_239 = arith.constant 0 : i32
      %add3A_240 = vector.broadcast %add3A_239 : i32 to vector<16xi32>
      %add3A_241 = arith.addi %iota3A, %add3A_240 : vector<16xi32>
      %gather3A = arith.constant 0 : i32
      %gather3A_242 = arith.constant 0 : i32
      %gather3A_243 = arith.constant 0 : i32
      %gather3A_244 = tpu.memref_slice %arg6[%gather3A, %gather3A_242, %gather3A_243] : memref<4x64x128xf32, #tpu.memory_space<vmem>> -> memref<1x64x128xf32, #tpu.memory_space<vmem>>
      %gather3A_245 = tpu.memref_squeeze %gather3A_244 : memref<1x64x128xf32, #tpu.memory_space<vmem>> -> memref<64x128xf32, #tpu.memory_space<vmem>>
      %gather3A_246 = tpu.vector_load_idx %gather3A_245[%add3A_241, %broadcast_in_dim3A] : memref<64x128xf32, #tpu.memory_space<vmem>>[vector<16xi32>, vector<16xi32>], vector<16xf32>,
      %add3A_247 = arith.constant 0 : i32
      %add3A_248 = vector.broadcast %add3A_247 : i32 to vector<16xi32>
      %add3A_249 = arith.addi %iota3A, %add3A_248 : vector<16xi32>
      tpu.vector_store_idx %arg7[%add3A_249, %broadcast_in_dim3A_238], %gather3A_246 : memref<64x256xf32, #tpu.memory_space<vmem>>[vector<16xi32>, vector<16xi32>], vector<16xf32>,
      %add3A_250 = arith.constant 16 : i32
      %add3A_251 = vector.broadcast %add3A_250 : i32 to vector<16xi32>
      %add3A_252 = arith.addi %iota3A, %add3A_251 : vector<16xi32>
      %gather3A_253 = arith.constant 0 : i32
      %gather3A_254 = arith.constant 0 : i32
      %gather3A_255 = arith.constant 0 : i32
      %gather3A_256 = tpu.memref_slice %arg6[%gather3A_253, %gather3A_254, %gather3A_255] : memref<4x64x128xf32, #tpu.memory_space<vmem>> -> memref<1x64x128xf32, #tpu.memory_space<vmem>>
      %gather3A_257 = tpu.memref_squeeze %gather3A_256 : memref<1x64x128xf32, #tpu.memory_space<vmem>> -> memref<64x128xf32, #tpu.memory_space<vmem>>
      %gather3A_258 = tpu.vector_load_idx %gather3A_257[%add3A_252, %broadcast_in_dim3A] : memref<64x128xf32, #tpu.memory_space<vmem>>[vector<16xi32>, vector<16xi32>], vector<16xf32>,
      %add3A_259 = arith.constant 16 : i32
      %add3A_260 = vector.broadcast %add3A_259 : i32 to vector<16xi32>
      %add3A_261 = arith.addi %iota3A, %add3A_260 : vector<16xi32>
      tpu.vector_store_idx %arg7[%add3A_261, %broadcast_in_dim3A_238], %gather3A_258 : memref<64x256xf32, #tpu.memory_space<vmem>>[vector<16xi32>, vector<16xi32>], vector<16xf32>,
      %add3A_262 = arith.constant 32 : i32
      %add3A_263 = vector.broadcast %add3A_262 : i32 to vector<16xi32>
      %add3A_264 = arith.addi %iota3A, %add3A_263 : vector<16xi32>
      %gather3A_265 = arith.constant 0 : i32
      %gather3A_266 = arith.constant 0 : i32
      %gather3A_267 = arith.constant 0 : i32
      %gather3A_268 = tpu.memref_slice %arg6[%gather3A_265, %gather3A_266, %gather3A_267] : memref<4x64x128xf32, #tpu.memory_space<vmem>> -> memref<1x64x128xf32, #tpu.memory_space<vmem>>
      %gather3A_269 = tpu.memref_squeeze %gather3A_268 : memref<1x64x128xf32, #tpu.memory_space<vmem>> -> memref<64x128xf32, #tpu.memory_space<vmem>>
      %gather3A_270 = tpu.vector_load_idx %gather3A_269[%add3A_264, %broadcast_in_dim3A] : memref<64x128xf32, #tpu.memory_space<vmem>>[vector<16xi32>, vector<16xi32>], vector<16xf32>,
      %add3A_271 = arith.constant 32 : i32
      %add3A_272 = vector.broadcast %add3A_271 : i32 to vector<16xi32>
      %add3A_273 = arith.addi %iota3A, %add3A_272 : vector<16xi32>
      tpu.vector_store_idx %arg7[%add3A_273, %broadcast_in_dim3A_238], %gather3A_270 : memref<64x256xf32, #tpu.memory_space<vmem>>[vector<16xi32>, vector<16xi32>], vector<16xf32>,
      %add3A_274 = arith.constant 48 : i32
      %add3A_275 = vector.broadcast %add3A_274 : i32 to vector<16xi32>
      %add3A_276 = arith.addi %iota3A, %add3A_275 : vector<16xi32>
      %gather3A_277 = arith.constant 0 : i32
      %gather3A_278 = arith.constant 0 : i32
      %gather3A_279 = arith.constant 0 : i32
      %gather3A_280 = tpu.memref_slice %arg6[%gather3A_277, %gather3A_278, %gather3A_279] : memref<4x64x128xf32, #tpu.memory_space<vmem>> -> memref<1x64x128xf32, #tpu.memory_space<vmem>>
      %gather3A_281 = tpu.memref_squeeze %gather3A_280 : memref<1x64x128xf32, #tpu.memory_space<vmem>> -> memref<64x128xf32, #tpu.memory_space<vmem>>
      %gather3A_282 = tpu.vector_load_idx %gather3A_281[%add3A_276, %broadcast_in_dim3A] : memref<64x128xf32, #tpu.memory_space<vmem>>[vector<16xi32>, vector<16xi32>], vector<16xf32>,
      %add3A_283 = arith.constant 48 : i32
      %add3A_284 = vector.broadcast %add3A_283 : i32 to vector<16xi32>
      %add3A_285 = arith.addi %iota3A, %add3A_284 : vector<16xi32>
      tpu.vector_store_idx %arg7[%add3A_285, %broadcast_in_dim3A_238], %gather3A_282 : memref<64x256xf32, #tpu.memory_space<vmem>>[vector<16xi32>, vector<16xi32>], vector<16xf32>,
      %slice3A_286 = vector.extract_strided_slice %get3A_208 {offsets = [4], sizes = [1], strides = [1]} : vector<16xi32> to vector<1xi32>
      %squeeze3A_287 = vector.extract %slice3A_286[0] : i32 from vector<1xi32>
      %add3A_288 = arith.constant 0 : i32
      %add3A_289 = arith.addi %add3A_204, %add3A_288 : i32
      %add3A_290 = arith.constant 4 : i32
      %add3A_291 = arith.addi %add3A_289, %add3A_290 : i32
      %lt3A = arith.constant 256 : i32
      %lt3A_292 = arith.cmpi slt, %add3A_291, %lt3A : i32
      %convert_element_type3A = arith.extui %lt3A_292 : i1 to i32
      %cond3A = arith.constant 0 : i32
      %cond3A_293 = arith.cmpi ne, %convert_element_type3A, %cond3A : i32
      scf.if %cond3A_293 {
        %shift_right_arithmetic3A_1569 = arith.constant 7 : i32
        %shift_right_arithmetic3A_1570 = arith.shrsi %squeeze3A_287, %shift_right_arithmetic3A_1569 : i32
        %mul3A_1571 = arith.constant 128 : i32
        %mul3A_1572 = arith.muli %shift_right_arithmetic3A_1570, %mul3A_1571 : i32
        %multiple_of3A_1573 = tpu.assume_multiple %mul3A_1572, 128 : i32
        %dma_start3A_1574 = arith.constant 0 : i32
        %dma_start3A_1575 = arith.constant 0 : i32
        %dma_start3A_1576 = arith.constant 0 : i32
        %dma_start3A_1577 = arith.constant 0 : i32
        %dma_start3A_1578 = tpu.memref_slice %arg6[%dma_start3A_1574, %dma_start3A_1576, %dma_start3A_1577] : memref<4x64x128xf32, #tpu.memory_space<vmem>> -> memref<1x64x128xf32, #tpu.memory_space<vmem>>
        %dma_start3A_1579 = tpu.memref_squeeze %dma_start3A_1578 : memref<1x64x128xf32, #tpu.memory_space<vmem>> -> memref<64x128xf32, #tpu.memory_space<vmem>>
        %dma_start3A_1580 = arith.constant 0 : i32
        %dma_start3A_1581 = tpu.memref_slice %arg2[%dma_start3A_1580, %multiple_of3A_1573] : memref<64x1000000xf32, #tpu.memory_space<hbm>> -> memref<64x128xf32, #tpu.memory_space<hbm>>
        %dma_start3A_1582 = tpu.memref_slice %arg8[%dma_start3A_1575] : memref<4x!tpu.dma_semaphore, #tpu.memory_space<semaphore_mem>> -> memref<1x!tpu.dma_semaphore, #tpu.memory_space<semaphore_mem>>
        %dma_start3A_1583 = tpu.memref_squeeze %dma_start3A_1582 : memref<1x!tpu.dma_semaphore, #tpu.memory_space<semaphore_mem>> -> memref<!tpu.dma_semaphore, #tpu.memory_space<semaphore_mem>>
        %dma_start3A_1584 = arith.constant 0 : i32
        %dma_start3A_1585 = arith.constant 0 : i32
        %dma_start3A_1586 = tpu.memref_slice %arg6[%dma_start3A_1574, %dma_start3A_1584, %dma_start3A_1585] : memref<4x64x128xf32, #tpu.memory_space<vmem>> -> memref<1x64x128xf32, #tpu.memory_space<vmem>>
        %dma_start3A_1587 = tpu.memref_squeeze %dma_start3A_1586 : memref<1x64x128xf32, #tpu.memory_space<vmem>> -> memref<64x128xf32, #tpu.memory_space<vmem>>
        %dma_start3A_1588 = arith.constant 0 : i32
        %dma_start3A_1589 = tpu.memref_slice %arg2[%dma_start3A_1588, %multiple_of3A_1573] : memref<64x1000000xf32, #tpu.memory_space<hbm>> -> memref<64x128xf32, #tpu.memory_space<hbm>>
        tpu.enqueue_dma source(%dma_start3A_1589 : memref<64x128xf32, #tpu.memory_space<hbm>>) target(%dma_start3A_1587 : memref<64x128xf32, #tpu.memory_space<vmem>>) target_semaphore(%dma_start3A_1583 : memref<!tpu.dma_semaphore, #tpu.memory_space<semaphore_mem>>)
      } else {
      }
      %dma_wait3A_294 = arith.constant 1 : i32
      %dma_wait3A_295 = arith.constant 1 : i32
      %dma_wait3A_296 = arith.constant 0 : i32
      %dma_wait3A_297 = arith.constant 0 : i32
      %dma_wait3A_298 = tpu.memref_slice %arg6[%dma_wait3A_294, %dma_wait3A_296, %dma_wait3A_297] : memref<4x64x128xf32, #tpu.memory_space<vmem>> -> memref<1x64x128xf32, #tpu.memory_space<vmem>>
      %dma_wait3A_299 = tpu.memref_squeeze %dma_wait3A_298 : memref<1x64x128xf32, #tpu.memory_space<vmem>> -> memref<64x128xf32, #tpu.memory_space<vmem>>
      %dma_wait3A_300 = arith.constant 0 : i32
      %dma_wait3A_301 = arith.constant 0 : i32
      %dma_wait3A_302 = tpu.memref_slice %arg2[%dma_wait3A_300, %dma_wait3A_301] : memref<64x1000000xf32, #tpu.memory_space<hbm>> -> memref<64x128xf32, #tpu.memory_space<hbm>>
      %dma_wait3A_303 = tpu.memref_slice %arg8[%dma_wait3A_295] : memref<4x!tpu.dma_semaphore, #tpu.memory_space<semaphore_mem>> -> memref<1x!tpu.dma_semaphore, #tpu.memory_space<semaphore_mem>>
      %dma_wait3A_304 = tpu.memref_squeeze %dma_wait3A_303 : memref<1x!tpu.dma_semaphore, #tpu.memory_space<semaphore_mem>> -> memref<!tpu.dma_semaphore, #tpu.memory_space<semaphore_mem>>
      %dma_wait3A_305 = arith.constant 0 : i32
      %dma_wait3A_306 = arith.constant 0 : i32
      %dma_wait3A_307 = tpu.memref_slice %arg6[%dma_wait3A_294, %dma_wait3A_305, %dma_wait3A_306] : memref<4x64x128xf32, #tpu.memory_space<vmem>> -> memref<1x64x128xf32, #tpu.memory_space<vmem>>
      %dma_wait3A_308 = tpu.memref_squeeze %dma_wait3A_307 : memref<1x64x128xf32, #tpu.memory_space<vmem>> -> memref<64x128xf32, #tpu.memory_space<vmem>>
      %dma_wait3A_309 = arith.constant 0 : i32
      %dma_wait3A_310 = arith.constant 0 : i32
      %dma_wait3A_311 = tpu.memref_slice %arg2[%dma_wait3A_309, %dma_wait3A_310] : memref<64x1000000xf32, #tpu.memory_space<hbm>> -> memref<64x128xf32, #tpu.memory_space<hbm>>
      tpu.wait_dma2 semaphore(%dma_wait3A_304 : memref<!tpu.dma_semaphore, #tpu.memory_space<semaphore_mem>>) src(%dma_wait3A_311 : memref<64x128xf32, #tpu.memory_space<hbm>>) dst(%dma_wait3A_308 : memref<64x128xf32, #tpu.memory_space<vmem>>)
      %slice3A_312 = vector.extract_strided_slice %get3A_208 {offsets = [1], sizes = [1], strides = [1]} : vector<16xi32> to vector<1xi32>
      %squeeze3A_313 = vector.extract %slice3A_312[0] : i32 from vector<1xi32>
      %and3A_314 = arith.constant 127 : i32
      %and3A_315 = arith.andi %squeeze3A_313, %and3A_314 : i32
      %broadcast_in_dim3A_316 = vector.broadcast %and3A_315 : i32 to vector<16xi32>
      %add3A_317 = arith.constant 1 : i32
      %add3A_318 = arith.addi %add3A_204, %add3A_317 : i32
      %broadcast_in_dim3A_319 = vector.broadcast %add3A_318 : i32 to vector<16xi32>
      %add3A_320 = arith.constant 0 : i32
      %add3A_321 = vector.broadcast %add3A_320 : i32 to vector<16xi32>
      %add3A_322 = arith.addi %iota3A, %add3A_321 : vector<16xi32>
      %gather3A_323 = arith.constant 1 : i32
      %gather3A_324 = arith.constant 0 : i32
      %gather3A_325 = arith.constant 0 : i32
      %gather3A_326 = tpu.memref_slice %arg6[%gather3A_323, %gather3A_324, %gather3A_325] : memref<4x64x128xf32, #tpu.memory_space<vmem>> -> memref<1x64x128xf32, #tpu.memory_space<vmem>>
      %gather3A_327 = tpu.memref_squeeze %gather3A_326 : memref<1x64x128xf32, #tpu.memory_space<vmem>> -> memref<64x128xf32, #tpu.memory_space<vmem>>
      %gather3A_328 = tpu.vector_load_idx %gather3A_327[%add3A_322, %broadcast_in_dim3A_316] : memref<64x128xf32, #tpu.memory_space<vmem>>[vector<16xi32>, vector<16xi32>], vector<16xf32>,
      %add3A_329 = arith.constant 0 : i32
      %add3A_330 = vector.broadcast %add3A_329 : i32 to vector<16xi32>
      %add3A_331 = arith.addi %iota3A, %add3A_330 : vector<16xi32>
      tpu.vector_store_idx %arg7[%add3A_331, %broadcast_in_dim3A_319], %gather3A_328 : memref<64x256xf32, #tpu.memory_space<vmem>>[vector<16xi32>, vector<16xi32>], vector<16xf32>,
      %add3A_332 = arith.constant 16 : i32
      %add3A_333 = vector.broadcast %add3A_332 : i32 to vector<16xi32>
      %add3A_334 = arith.addi %iota3A, %add3A_333 : vector<16xi32>
      %gather3A_335 = arith.constant 1 : i32
      %gather3A_336 = arith.constant 0 : i32
      %gather3A_337 = arith.constant 0 : i32
      %gather3A_338 = tpu.memref_slice %arg6[%gather3A_335, %gather3A_336, %gather3A_337] : memref<4x64x128xf32, #tpu.memory_space<vmem>> -> memref<1x64x128xf32, #tpu.memory_space<vmem>>
      %gather3A_339 = tpu.memref_squeeze %gather3A_338 : memref<1x64x128xf32, #tpu.memory_space<vmem>> -> memref<64x128xf32, #tpu.memory_space<vmem>>
      %gather3A_340 = tpu.vector_load_idx %gather3A_339[%add3A_334, %broadcast_in_dim3A_316] : memref<64x128xf32, #tpu.memory_space<vmem>>[vector<16xi32>, vector<16xi32>], vector<16xf32>,
      %add3A_341 = arith.constant 16 : i32
      %add3A_342 = vector.broadcast %add3A_341 : i32 to vector<16xi32>
      %add3A_343 = arith.addi %iota3A, %add3A_342 : vector<16xi32>
      tpu.vector_store_idx %arg7[%add3A_343, %broadcast_in_dim3A_319], %gather3A_340 : memref<64x256xf32, #tpu.memory_space<vmem>>[vector<16xi32>, vector<16xi32>], vector<16xf32>,
      %add3A_344 = arith.constant 32 : i32
      %add3A_345 = vector.broadcast %add3A_344 : i32 to vector<16xi32>
      %add3A_346 = arith.addi %iota3A, %add3A_345 : vector<16xi32>
      %gather3A_347 = arith.constant 1 : i32
      %gather3A_348 = arith.constant 0 : i32
      %gather3A_349 = arith.constant 0 : i32
      %gather3A_350 = tpu.memref_slice %arg6[%gather3A_347, %gather3A_348, %gather3A_349] : memref<4x64x128xf32, #tpu.memory_space<vmem>> -> memref<1x64x128xf32, #tpu.memory_space<vmem>>
      %gather3A_351 = tpu.memref_squeeze %gather3A_350 : memref<1x64x128xf32, #tpu.memory_space<vmem>> -> memref<64x128xf32, #tpu.memory_space<vmem>>
      %gather3A_352 = tpu.vector_load_idx %gather3A_351[%add3A_346, %broadcast_in_dim3A_316] : memref<64x128xf32, #tpu.memory_space<vmem>>[vector<16xi32>, vector<16xi32>], vector<16xf32>,
      %add3A_353 = arith.constant 32 : i32
      %add3A_354 = vector.broadcast %add3A_353 : i32 to vector<16xi32>
      %add3A_355 = arith.addi %iota3A, %add3A_354 : vector<16xi32>
      tpu.vector_store_idx %arg7[%add3A_355, %broadcast_in_dim3A_319], %gather3A_352 : memref<64x256xf32, #tpu.memory_space<vmem>>[vector<16xi32>, vector<16xi32>], vector<16xf32>,
      %add3A_356 = arith.constant 48 : i32
      %add3A_357 = vector.broadcast %add3A_356 : i32 to vector<16xi32>
      %add3A_358 = arith.addi %iota3A, %add3A_357 : vector<16xi32>
      %gather3A_359 = arith.constant 1 : i32
      %gather3A_360 = arith.constant 0 : i32
      %gather3A_361 = arith.constant 0 : i32
      %gather3A_362 = tpu.memref_slice %arg6[%gather3A_359, %gather3A_360, %gather3A_361] : memref<4x64x128xf32, #tpu.memory_space<vmem>> -> memref<1x64x128xf32, #tpu.memory_space<vmem>>
      %gather3A_363 = tpu.memref_squeeze %gather3A_362 : memref<1x64x128xf32, #tpu.memory_space<vmem>> -> memref<64x128xf32, #tpu.memory_space<vmem>>
      %gather3A_364 = tpu.vector_load_idx %gather3A_363[%add3A_358, %broadcast_in_dim3A_316] : memref<64x128xf32, #tpu.memory_space<vmem>>[vector<16xi32>, vector<16xi32>], vector<16xf32>,
      %add3A_365 = arith.constant 48 : i32
      %add3A_366 = vector.broadcast %add3A_365 : i32 to vector<16xi32>
      %add3A_367 = arith.addi %iota3A, %add3A_366 : vector<16xi32>
      tpu.vector_store_idx %arg7[%add3A_367, %broadcast_in_dim3A_319], %gather3A_364 : memref<64x256xf32, #tpu.memory_space<vmem>>[vector<16xi32>, vector<16xi32>], vector<16xf32>,
      %slice3A_368 = vector.extract_strided_slice %get3A_208 {offsets = [5], sizes = [1], strides = [1]} : vector<16xi32> to vector<1xi32>
      %squeeze3A_369 = vector.extract %slice3A_368[0] : i32 from vector<1xi32>
      %add3A_370 = arith.constant 1 : i32
      %add3A_371 = arith.addi %add3A_204, %add3A_370 : i32
      %add3A_372 = arith.constant 4 : i32
      %add3A_373 = arith.addi %add3A_371, %add3A_372 : i32
      %lt3A_374 = arith.constant 256 : i32
      %lt3A_375 = arith.cmpi slt, %add3A_373, %lt3A_374 : i32
      %convert_element_type3A_376 = arith.extui %lt3A_375 : i1 to i32
      %cond3A_377 = arith.constant 0 : i32
      %cond3A_378 = arith.cmpi ne, %convert_element_type3A_376, %cond3A_377 : i32
      scf.if %cond3A_378 {
        %shift_right_arithmetic3A_1569 = arith.constant 7 : i32
        %shift_right_arithmetic3A_1570 = arith.shrsi %squeeze3A_369, %shift_right_arithmetic3A_1569 : i32
        %mul3A_1571 = arith.constant 128 : i32
        %mul3A_1572 = arith.muli %shift_right_arithmetic3A_1570, %mul3A_1571 : i32
        %multiple_of3A_1573 = tpu.assume_multiple %mul3A_1572, 128 : i32
        %dma_start3A_1574 = arith.constant 1 : i32
        %dma_start3A_1575 = arith.constant 1 : i32
        %dma_start3A_1576 = arith.constant 0 : i32
        %dma_start3A_1577 = arith.constant 0 : i32
        %dma_start3A_1578 = tpu.memref_slice %arg6[%dma_start3A_1574, %dma_start3A_1576, %dma_start3A_1577] : memref<4x64x128xf32, #tpu.memory_space<vmem>> -> memref<1x64x128xf32, #tpu.memory_space<vmem>>
        %dma_start3A_1579 = tpu.memref_squeeze %dma_start3A_1578 : memref<1x64x128xf32, #tpu.memory_space<vmem>> -> memref<64x128xf32, #tpu.memory_space<vmem>>
        %dma_start3A_1580 = arith.constant 0 : i32
        %dma_start3A_1581 = tpu.memref_slice %arg2[%dma_start3A_1580, %multiple_of3A_1573] : memref<64x1000000xf32, #tpu.memory_space<hbm>> -> memref<64x128xf32, #tpu.memory_space<hbm>>
        %dma_start3A_1582 = tpu.memref_slice %arg8[%dma_start3A_1575] : memref<4x!tpu.dma_semaphore, #tpu.memory_space<semaphore_mem>> -> memref<1x!tpu.dma_semaphore, #tpu.memory_space<semaphore_mem>>
        %dma_start3A_1583 = tpu.memref_squeeze %dma_start3A_1582 : memref<1x!tpu.dma_semaphore, #tpu.memory_space<semaphore_mem>> -> memref<!tpu.dma_semaphore, #tpu.memory_space<semaphore_mem>>
        %dma_start3A_1584 = arith.constant 0 : i32
        %dma_start3A_1585 = arith.constant 0 : i32
        %dma_start3A_1586 = tpu.memref_slice %arg6[%dma_start3A_1574, %dma_start3A_1584, %dma_start3A_1585] : memref<4x64x128xf32, #tpu.memory_space<vmem>> -> memref<1x64x128xf32, #tpu.memory_space<vmem>>
        %dma_start3A_1587 = tpu.memref_squeeze %dma_start3A_1586 : memref<1x64x128xf32, #tpu.memory_space<vmem>> -> memref<64x128xf32, #tpu.memory_space<vmem>>
        %dma_start3A_1588 = arith.constant 0 : i32
        %dma_start3A_1589 = tpu.memref_slice %arg2[%dma_start3A_1588, %multiple_of3A_1573] : memref<64x1000000xf32, #tpu.memory_space<hbm>> -> memref<64x128xf32, #tpu.memory_space<hbm>>
        tpu.enqueue_dma source(%dma_start3A_1589 : memref<64x128xf32, #tpu.memory_space<hbm>>) target(%dma_start3A_1587 : memref<64x128xf32, #tpu.memory_space<vmem>>) target_semaphore(%dma_start3A_1583 : memref<!tpu.dma_semaphore, #tpu.memory_space<semaphore_mem>>)
      } else {
      }
      %dma_wait3A_379 = arith.constant 2 : i32
      %dma_wait3A_380 = arith.constant 2 : i32
      %dma_wait3A_381 = arith.constant 0 : i32
      %dma_wait3A_382 = arith.constant 0 : i32
      %dma_wait3A_383 = tpu.memref_slice %arg6[%dma_wait3A_379, %dma_wait3A_381, %dma_wait3A_382] : memref<4x64x128xf32, #tpu.memory_space<vmem>> -> memref<1x64x128xf32, #tpu.memory_space<vmem>>
      %dma_wait3A_384 = tpu.memref_squeeze %dma_wait3A_383 : memref<1x64x128xf32, #tpu.memory_space<vmem>> -> memref<64x128xf32, #tpu.memory_space<vmem>>
      %dma_wait3A_385 = arith.constant 0 : i32
      %dma_wait3A_386 = arith.constant 0 : i32
      %dma_wait3A_387 = tpu.memref_slice %arg2[%dma_wait3A_385, %dma_wait3A_386] : memref<64x1000000xf32, #tpu.memory_space<hbm>> -> memref<64x128xf32, #tpu.memory_space<hbm>>
      %dma_wait3A_388 = tpu.memref_slice %arg8[%dma_wait3A_380] : memref<4x!tpu.dma_semaphore, #tpu.memory_space<semaphore_mem>> -> memref<1x!tpu.dma_semaphore, #tpu.memory_space<semaphore_mem>>
      %dma_wait3A_389 = tpu.memref_squeeze %dma_wait3A_388 : memref<1x!tpu.dma_semaphore, #tpu.memory_space<semaphore_mem>> -> memref<!tpu.dma_semaphore, #tpu.memory_space<semaphore_mem>>
      %dma_wait3A_390 = arith.constant 0 : i32
      %dma_wait3A_391 = arith.constant 0 : i32
      %dma_wait3A_392 = tpu.memref_slice %arg6[%dma_wait3A_379, %dma_wait3A_390, %dma_wait3A_391] : memref<4x64x128xf32, #tpu.memory_space<vmem>> -> memref<1x64x128xf32, #tpu.memory_space<vmem>>
      %dma_wait3A_393 = tpu.memref_squeeze %dma_wait3A_392 : memref<1x64x128xf32, #tpu.memory_space<vmem>> -> memref<64x128xf32, #tpu.memory_space<vmem>>
      %dma_wait3A_394 = arith.constant 0 : i32
      %dma_wait3A_395 = arith.constant 0 : i32
      %dma_wait3A_396 = tpu.memref_slice %arg2[%dma_wait3A_394, %dma_wait3A_395] : memref<64x1000000xf32, #tpu.memory_space<hbm>> -> memref<64x128xf32, #tpu.memory_space<hbm>>
      tpu.wait_dma2 semaphore(%dma_wait3A_389 : memref<!tpu.dma_semaphore, #tpu.memory_space<semaphore_mem>>) src(%dma_wait3A_396 : memref<64x128xf32, #tpu.memory_space<hbm>>) dst(%dma_wait3A_393 : memref<64x128xf32, #tpu.memory_space<vmem>>)
      %slice3A_397 = vector.extract_strided_slice %get3A_208 {offsets = [2], sizes = [1], strides = [1]} : vector<16xi32> to vector<1xi32>
      %squeeze3A_398 = vector.extract %slice3A_397[0] : i32 from vector<1xi32>
      %and3A_399 = arith.constant 127 : i32
      %and3A_400 = arith.andi %squeeze3A_398, %and3A_399 : i32
      %broadcast_in_dim3A_401 = vector.broadcast %and3A_400 : i32 to vector<16xi32>
      %add3A_402 = arith.constant 2 : i32
      %add3A_403 = arith.addi %add3A_204, %add3A_402 : i32
      %broadcast_in_dim3A_404 = vector.broadcast %add3A_403 : i32 to vector<16xi32>
      %add3A_405 = arith.constant 0 : i32
      %add3A_406 = vector.broadcast %add3A_405 : i32 to vector<16xi32>
      %add3A_407 = arith.addi %iota3A, %add3A_406 : vector<16xi32>
      %gather3A_408 = arith.constant 2 : i32
      %gather3A_409 = arith.constant 0 : i32
      %gather3A_410 = arith.constant 0 : i32
      %gather3A_411 = tpu.memref_slice %arg6[%gather3A_408, %gather3A_409, %gather3A_410] : memref<4x64x128xf32, #tpu.memory_space<vmem>> -> memref<1x64x128xf32, #tpu.memory_space<vmem>>
      %gather3A_412 = tpu.memref_squeeze %gather3A_411 : memref<1x64x128xf32, #tpu.memory_space<vmem>> -> memref<64x128xf32, #tpu.memory_space<vmem>>
      %gather3A_413 = tpu.vector_load_idx %gather3A_412[%add3A_407, %broadcast_in_dim3A_401] : memref<64x128xf32, #tpu.memory_space<vmem>>[vector<16xi32>, vector<16xi32>], vector<16xf32>,
      %add3A_414 = arith.constant 0 : i32
      %add3A_415 = vector.broadcast %add3A_414 : i32 to vector<16xi32>
      %add3A_416 = arith.addi %iota3A, %add3A_415 : vector<16xi32>
      tpu.vector_store_idx %arg7[%add3A_416, %broadcast_in_dim3A_404], %gather3A_413 : memref<64x256xf32, #tpu.memory_space<vmem>>[vector<16xi32>, vector<16xi32>], vector<16xf32>,
      %add3A_417 = arith.constant 16 : i32
      %add3A_418 = vector.broadcast %add3A_417 : i32 to vector<16xi32>
      %add3A_419 = arith.addi %iota3A, %add3A_418 : vector<16xi32>
      %gather3A_420 = arith.constant 2 : i32
      %gather3A_421 = arith.constant 0 : i32
      %gather3A_422 = arith.constant 0 : i32
      %gather3A_423 = tpu.memref_slice %arg6[%gather3A_420, %gather3A_421, %gather3A_422] : memref<4x64x128xf32, #tpu.memory_space<vmem>> -> memref<1x64x128xf32, #tpu.memory_space<vmem>>
      %gather3A_424 = tpu.memref_squeeze %gather3A_423 : memref<1x64x128xf32, #tpu.memory_space<vmem>> -> memref<64x128xf32, #tpu.memory_space<vmem>>
      %gather3A_425 = tpu.vector_load_idx %gather3A_424[%add3A_419, %broadcast_in_dim3A_401] : memref<64x128xf32, #tpu.memory_space<vmem>>[vector<16xi32>, vector<16xi32>], vector<16xf32>,
      %add3A_426 = arith.constant 16 : i32
      %add3A_427 = vector.broadcast %add3A_426 : i32 to vector<16xi32>
      %add3A_428 = arith.addi %iota3A, %add3A_427 : vector<16xi32>
      tpu.vector_store_idx %arg7[%add3A_428, %broadcast_in_dim3A_404], %gather3A_425 : memref<64x256xf32, #tpu.memory_space<vmem>>[vector<16xi32>, vector<16xi32>], vector<16xf32>,
      %add3A_429 = arith.constant 32 : i32
      %add3A_430 = vector.broadcast %add3A_429 : i32 to vector<16xi32>
      %add3A_431 = arith.addi %iota3A, %add3A_430 : vector<16xi32>
      %gather3A_432 = arith.constant 2 : i32
      %gather3A_433 = arith.constant 0 : i32
      %gather3A_434 = arith.constant 0 : i32
      %gather3A_435 = tpu.memref_slice %arg6[%gather3A_432, %gather3A_433, %gather3A_434] : memref<4x64x128xf32, #tpu.memory_space<vmem>> -> memref<1x64x128xf32, #tpu.memory_space<vmem>>
      %gather3A_436 = tpu.memref_squeeze %gather3A_435 : memref<1x64x128xf32, #tpu.memory_space<vmem>> -> memref<64x128xf32, #tpu.memory_space<vmem>>
      %gather3A_437 = tpu.vector_load_idx %gather3A_436[%add3A_431, %broadcast_in_dim3A_401] : memref<64x128xf32, #tpu.memory_space<vmem>>[vector<16xi32>, vector<16xi32>], vector<16xf32>,
      %add3A_438 = arith.constant 32 : i32
      %add3A_439 = vector.broadcast %add3A_438 : i32 to vector<16xi32>
      %add3A_440 = arith.addi %iota3A, %add3A_439 : vector<16xi32>
      tpu.vector_store_idx %arg7[%add3A_440, %broadcast_in_dim3A_404], %gather3A_437 : memref<64x256xf32, #tpu.memory_space<vmem>>[vector<16xi32>, vector<16xi32>], vector<16xf32>,
      %add3A_441 = arith.constant 48 : i32
      %add3A_442 = vector.broadcast %add3A_441 : i32 to vector<16xi32>
      %add3A_443 = arith.addi %iota3A, %add3A_442 : vector<16xi32>
      %gather3A_444 = arith.constant 2 : i32
      %gather3A_445 = arith.constant 0 : i32
      %gather3A_446 = arith.constant 0 : i32
      %gather3A_447 = tpu.memref_slice %arg6[%gather3A_444, %gather3A_445, %gather3A_446] : memref<4x64x128xf32, #tpu.memory_space<vmem>> -> memref<1x64x128xf32, #tpu.memory_space<vmem>>
      %gather3A_448 = tpu.memref_squeeze %gather3A_447 : memref<1x64x128xf32, #tpu.memory_space<vmem>> -> memref<64x128xf32, #tpu.memory_space<vmem>>
      %gather3A_449 = tpu.vector_load_idx %gather3A_448[%add3A_443, %broadcast_in_dim3A_401] : memref<64x128xf32, #tpu.memory_space<vmem>>[vector<16xi32>, vector<16xi32>], vector<16xf32>,
      %add3A_450 = arith.constant 48 : i32
      %add3A_451 = vector.broadcast %add3A_450 : i32 to vector<16xi32>
      %add3A_452 = arith.addi %iota3A, %add3A_451 : vector<16xi32>
      tpu.vector_store_idx %arg7[%add3A_452, %broadcast_in_dim3A_404], %gather3A_449 : memref<64x256xf32, #tpu.memory_space<vmem>>[vector<16xi32>, vector<16xi32>], vector<16xf32>,
      %slice3A_453 = vector.extract_strided_slice %get3A_208 {offsets = [6], sizes = [1], strides = [1]} : vector<16xi32> to vector<1xi32>
      %squeeze3A_454 = vector.extract %slice3A_453[0] : i32 from vector<1xi32>
      %add3A_455 = arith.constant 2 : i32
      %add3A_456 = arith.addi %add3A_204, %add3A_455 : i32
      %add3A_457 = arith.constant 4 : i32
      %add3A_458 = arith.addi %add3A_456, %add3A_457 : i32
      %lt3A_459 = arith.constant 256 : i32
      %lt3A_460 = arith.cmpi slt, %add3A_458, %lt3A_459 : i32
      %convert_element_type3A_461 = arith.extui %lt3A_460 : i1 to i32
      %cond3A_462 = arith.constant 0 : i32
      %cond3A_463 = arith.cmpi ne, %convert_element_type3A_461, %cond3A_462 : i32
      scf.if %cond3A_463 {
        %shift_right_arithmetic3A_1569 = arith.constant 7 : i32
        %shift_right_arithmetic3A_1570 = arith.shrsi %squeeze3A_454, %shift_right_arithmetic3A_1569 : i32
        %mul3A_1571 = arith.constant 128 : i32
        %mul3A_1572 = arith.muli %shift_right_arithmetic3A_1570, %mul3A_1571 : i32
        %multiple_of3A_1573 = tpu.assume_multiple %mul3A_1572, 128 : i32
        %dma_start3A_1574 = arith.constant 2 : i32
        %dma_start3A_1575 = arith.constant 2 : i32
        %dma_start3A_1576 = arith.constant 0 : i32
        %dma_start3A_1577 = arith.constant 0 : i32
        %dma_start3A_1578 = tpu.memref_slice %arg6[%dma_start3A_1574, %dma_start3A_1576, %dma_start3A_1577] : memref<4x64x128xf32, #tpu.memory_space<vmem>> -> memref<1x64x128xf32, #tpu.memory_space<vmem>>
        %dma_start3A_1579 = tpu.memref_squeeze %dma_start3A_1578 : memref<1x64x128xf32, #tpu.memory_space<vmem>> -> memref<64x128xf32, #tpu.memory_space<vmem>>
        %dma_start3A_1580 = arith.constant 0 : i32
        %dma_start3A_1581 = tpu.memref_slice %arg2[%dma_start3A_1580, %multiple_of3A_1573] : memref<64x1000000xf32, #tpu.memory_space<hbm>> -> memref<64x128xf32, #tpu.memory_space<hbm>>
        %dma_start3A_1582 = tpu.memref_slice %arg8[%dma_start3A_1575] : memref<4x!tpu.dma_semaphore, #tpu.memory_space<semaphore_mem>> -> memref<1x!tpu.dma_semaphore, #tpu.memory_space<semaphore_mem>>
        %dma_start3A_1583 = tpu.memref_squeeze %dma_start3A_1582 : memref<1x!tpu.dma_semaphore, #tpu.memory_space<semaphore_mem>> -> memref<!tpu.dma_semaphore, #tpu.memory_space<semaphore_mem>>
        %dma_start3A_1584 = arith.constant 0 : i32
        %dma_start3A_1585 = arith.constant 0 : i32
        %dma_start3A_1586 = tpu.memref_slice %arg6[%dma_start3A_1574, %dma_start3A_1584, %dma_start3A_1585] : memref<4x64x128xf32, #tpu.memory_space<vmem>> -> memref<1x64x128xf32, #tpu.memory_space<vmem>>
        %dma_start3A_1587 = tpu.memref_squeeze %dma_start3A_1586 : memref<1x64x128xf32, #tpu.memory_space<vmem>> -> memref<64x128xf32, #tpu.memory_space<vmem>>
        %dma_start3A_1588 = arith.constant 0 : i32
        %dma_start3A_1589 = tpu.memref_slice %arg2[%dma_start3A_1588, %multiple_of3A_1573] : memref<64x1000000xf32, #tpu.memory_space<hbm>> -> memref<64x128xf32, #tpu.memory_space<hbm>>
        tpu.enqueue_dma source(%dma_start3A_1589 : memref<64x128xf32, #tpu.memory_space<hbm>>) target(%dma_start3A_1587 : memref<64x128xf32, #tpu.memory_space<vmem>>) target_semaphore(%dma_start3A_1583 : memref<!tpu.dma_semaphore, #tpu.memory_space<semaphore_mem>>)
      } else {
      }
      %dma_wait3A_464 = arith.constant 3 : i32
      %dma_wait3A_465 = arith.constant 3 : i32
      %dma_wait3A_466 = arith.constant 0 : i32
      %dma_wait3A_467 = arith.constant 0 : i32
      %dma_wait3A_468 = tpu.memref_slice %arg6[%dma_wait3A_464, %dma_wait3A_466, %dma_wait3A_467] : memref<4x64x128xf32, #tpu.memory_space<vmem>> -> memref<1x64x128xf32, #tpu.memory_space<vmem>>
      %dma_wait3A_469 = tpu.memref_squeeze %dma_wait3A_468 : memref<1x64x128xf32, #tpu.memory_space<vmem>> -> memref<64x128xf32, #tpu.memory_space<vmem>>
      %dma_wait3A_470 = arith.constant 0 : i32
      %dma_wait3A_471 = arith.constant 0 : i32
      %dma_wait3A_472 = tpu.memref_slice %arg2[%dma_wait3A_470, %dma_wait3A_471] : memref<64x1000000xf32, #tpu.memory_space<hbm>> -> memref<64x128xf32, #tpu.memory_space<hbm>>
      %dma_wait3A_473 = tpu.memref_slice %arg8[%dma_wait3A_465] : memref<4x!tpu.dma_semaphore, #tpu.memory_space<semaphore_mem>> -> memref<1x!tpu.dma_semaphore, #tpu.memory_space<semaphore_mem>>
      %dma_wait3A_474 = tpu.memref_squeeze %dma_wait3A_473 : memref<1x!tpu.dma_semaphore, #tpu.memory_space<semaphore_mem>> -> memref<!tpu.dma_semaphore, #tpu.memory_space<semaphore_mem>>
      %dma_wait3A_475 = arith.constant 0 : i32
      %dma_wait3A_476 = arith.constant 0 : i32
      %dma_wait3A_477 = tpu.memref_slice %arg6[%dma_wait3A_464, %dma_wait3A_475, %dma_wait3A_476] : memref<4x64x128xf32, #tpu.memory_space<vmem>> -> memref<1x64x128xf32, #tpu.memory_space<vmem>>
      %dma_wait3A_478 = tpu.memref_squeeze %dma_wait3A_477 : memref<1x64x128xf32, #tpu.memory_space<vmem>> -> memref<64x128xf32, #tpu.memory_space<vmem>>
      %dma_wait3A_479 = arith.constant 0 : i32
      %dma_wait3A_480 = arith.constant 0 : i32
      %dma_wait3A_481 = tpu.memref_slice %arg2[%dma_wait3A_479, %dma_wait3A_480] : memref<64x1000000xf32, #tpu.memory_space<hbm>> -> memref<64x128xf32, #tpu.memory_space<hbm>>
      tpu.wait_dma2 semaphore(%dma_wait3A_474 : memref<!tpu.dma_semaphore, #tpu.memory_space<semaphore_mem>>) src(%dma_wait3A_481 : memref<64x128xf32, #tpu.memory_space<hbm>>) dst(%dma_wait3A_478 : memref<64x128xf32, #tpu.memory_space<vmem>>)
      %slice3A_482 = vector.extract_strided_slice %get3A_208 {offsets = [3], sizes = [1], strides = [1]} : vector<16xi32> to vector<1xi32>
      %squeeze3A_483 = vector.extract %slice3A_482[0] : i32 from vector<1xi32>
      %and3A_484 = arith.constant 127 : i32
      %and3A_485 = arith.andi %squeeze3A_483, %and3A_484 : i32
      %broadcast_in_dim3A_486 = vector.broadcast %and3A_485 : i32 to vector<16xi32>
      %add3A_487 = arith.constant 3 : i32
      %add3A_488 = arith.addi %add3A_204, %add3A_487 : i32
      %broadcast_in_dim3A_489 = vector.broadcast %add3A_488 : i32 to vector<16xi32>
      %add3A_490 = arith.constant 0 : i32
      %add3A_491 = vector.broadcast %add3A_490 : i32 to vector<16xi32>
      %add3A_492 = arith.addi %iota3A, %add3A_491 : vector<16xi32>
      %gather3A_493 = arith.constant 3 : i32
      %gather3A_494 = arith.constant 0 : i32
      %gather3A_495 = arith.constant 0 : i32
      %gather3A_496 = tpu.memref_slice %arg6[%gather3A_493, %gather3A_494, %gather3A_495] : memref<4x64x128xf32, #tpu.memory_space<vmem>> -> memref<1x64x128xf32, #tpu.memory_space<vmem>>
      %gather3A_497 = tpu.memref_squeeze %gather3A_496 : memref<1x64x128xf32, #tpu.memory_space<vmem>> -> memref<64x128xf32, #tpu.memory_space<vmem>>
      %gather3A_498 = tpu.vector_load_idx %gather3A_497[%add3A_492, %broadcast_in_dim3A_486] : memref<64x128xf32, #tpu.memory_space<vmem>>[vector<16xi32>, vector<16xi32>], vector<16xf32>,
      %add3A_499 = arith.constant 0 : i32
      %add3A_500 = vector.broadcast %add3A_499 : i32 to vector<16xi32>
      %add3A_501 = arith.addi %iota3A, %add3A_500 : vector<16xi32>
      tpu.vector_store_idx %arg7[%add3A_501, %broadcast_in_dim3A_489], %gather3A_498 : memref<64x256xf32, #tpu.memory_space<vmem>>[vector<16xi32>, vector<16xi32>], vector<16xf32>,
      %add3A_502 = arith.constant 16 : i32
      %add3A_503 = vector.broadcast %add3A_502 : i32 to vector<16xi32>
      %add3A_504 = arith.addi %iota3A, %add3A_503 : vector<16xi32>
      %gather3A_505 = arith.constant 3 : i32
      %gather3A_506 = arith.constant 0 : i32
      %gather3A_507 = arith.constant 0 : i32
      %gather3A_508 = tpu.memref_slice %arg6[%gather3A_505, %gather3A_506, %gather3A_507] : memref<4x64x128xf32, #tpu.memory_space<vmem>> -> memref<1x64x128xf32, #tpu.memory_space<vmem>>
      %gather3A_509 = tpu.memref_squeeze %gather3A_508 : memref<1x64x128xf32, #tpu.memory_space<vmem>> -> memref<64x128xf32, #tpu.memory_space<vmem>>
      %gather3A_510 = tpu.vector_load_idx %gather3A_509[%add3A_504, %broadcast_in_dim3A_486] : memref<64x128xf32, #tpu.memory_space<vmem>>[vector<16xi32>, vector<16xi32>], vector<16xf32>,
      %add3A_511 = arith.constant 16 : i32
      %add3A_512 = vector.broadcast %add3A_511 : i32 to vector<16xi32>
      %add3A_513 = arith.addi %iota3A, %add3A_512 : vector<16xi32>
      tpu.vector_store_idx %arg7[%add3A_513, %broadcast_in_dim3A_489], %gather3A_510 : memref<64x256xf32, #tpu.memory_space<vmem>>[vector<16xi32>, vector<16xi32>], vector<16xf32>,
      %add3A_514 = arith.constant 32 : i32
      %add3A_515 = vector.broadcast %add3A_514 : i32 to vector<16xi32>
      %add3A_516 = arith.addi %iota3A, %add3A_515 : vector<16xi32>
      %gather3A_517 = arith.constant 3 : i32
      %gather3A_518 = arith.constant 0 : i32
      %gather3A_519 = arith.constant 0 : i32
      %gather3A_520 = tpu.memref_slice %arg6[%gather3A_517, %gather3A_518, %gather3A_519] : memref<4x64x128xf32, #tpu.memory_space<vmem>> -> memref<1x64x128xf32, #tpu.memory_space<vmem>>
      %gather3A_521 = tpu.memref_squeeze %gather3A_520 : memref<1x64x128xf32, #tpu.memory_space<vmem>> -> memref<64x128xf32, #tpu.memory_space<vmem>>
      %gather3A_522 = tpu.vector_load_idx %gather3A_521[%add3A_516, %broadcast_in_dim3A_486] : memref<64x128xf32, #tpu.memory_space<vmem>>[vector<16xi32>, vector<16xi32>], vector<16xf32>,
      %add3A_523 = arith.constant 32 : i32
      %add3A_524 = vector.broadcast %add3A_523 : i32 to vector<16xi32>
      %add3A_525 = arith.addi %iota3A, %add3A_524 : vector<16xi32>
      tpu.vector_store_idx %arg7[%add3A_525, %broadcast_in_dim3A_489], %gather3A_522 : memref<64x256xf32, #tpu.memory_space<vmem>>[vector<16xi32>, vector<16xi32>], vector<16xf32>,
      %add3A_526 = arith.constant 48 : i32
      %add3A_527 = vector.broadcast %add3A_526 : i32 to vector<16xi32>
      %add3A_528 = arith.addi %iota3A, %add3A_527 : vector<16xi32>
      %gather3A_529 = arith.constant 3 : i32
      %gather3A_530 = arith.constant 0 : i32
      %gather3A_531 = arith.constant 0 : i32
      %gather3A_532 = tpu.memref_slice %arg6[%gather3A_529, %gather3A_530, %gather3A_531] : memref<4x64x128xf32, #tpu.memory_space<vmem>> -> memref<1x64x128xf32, #tpu.memory_space<vmem>>
      %gather3A_533 = tpu.memref_squeeze %gather3A_532 : memref<1x64x128xf32, #tpu.memory_space<vmem>> -> memref<64x128xf32, #tpu.memory_space<vmem>>
      %gather3A_534 = tpu.vector_load_idx %gather3A_533[%add3A_528, %broadcast_in_dim3A_486] : memref<64x128xf32, #tpu.memory_space<vmem>>[vector<16xi32>, vector<16xi32>], vector<16xf32>,
      %add3A_535 = arith.constant 48 : i32
      %add3A_536 = vector.broadcast %add3A_535 : i32 to vector<16xi32>
      %add3A_537 = arith.addi %iota3A, %add3A_536 : vector<16xi32>
      tpu.vector_store_idx %arg7[%add3A_537, %broadcast_in_dim3A_489], %gather3A_534 : memref<64x256xf32, #tpu.memory_space<vmem>>[vector<16xi32>, vector<16xi32>], vector<16xf32>,
      %slice3A_538 = vector.extract_strided_slice %get3A_208 {offsets = [7], sizes = [1], strides = [1]} : vector<16xi32> to vector<1xi32>
      %squeeze3A_539 = vector.extract %slice3A_538[0] : i32 from vector<1xi32>
      %add3A_540 = arith.constant 3 : i32
      %add3A_541 = arith.addi %add3A_204, %add3A_540 : i32
      %add3A_542 = arith.constant 4 : i32
      %add3A_543 = arith.addi %add3A_541, %add3A_542 : i32
      %lt3A_544 = arith.constant 256 : i32
      %lt3A_545 = arith.cmpi slt, %add3A_543, %lt3A_544 : i32
      %convert_element_type3A_546 = arith.extui %lt3A_545 : i1 to i32
      %cond3A_547 = arith.constant 0 : i32
      %cond3A_548 = arith.cmpi ne, %convert_element_type3A_546, %cond3A_547 : i32
      scf.if %cond3A_548 {
        %shift_right_arithmetic3A_1569 = arith.constant 7 : i32
        %shift_right_arithmetic3A_1570 = arith.shrsi %squeeze3A_539, %shift_right_arithmetic3A_1569 : i32
        %mul3A_1571 = arith.constant 128 : i32
        %mul3A_1572 = arith.muli %shift_right_arithmetic3A_1570, %mul3A_1571 : i32
        %multiple_of3A_1573 = tpu.assume_multiple %mul3A_1572, 128 : i32
        %dma_start3A_1574 = arith.constant 3 : i32
        %dma_start3A_1575 = arith.constant 3 : i32
        %dma_start3A_1576 = arith.constant 0 : i32
        %dma_start3A_1577 = arith.constant 0 : i32
        %dma_start3A_1578 = tpu.memref_slice %arg6[%dma_start3A_1574, %dma_start3A_1576, %dma_start3A_1577] : memref<4x64x128xf32, #tpu.memory_space<vmem>> -> memref<1x64x128xf32, #tpu.memory_space<vmem>>
        %dma_start3A_1579 = tpu.memref_squeeze %dma_start3A_1578 : memref<1x64x128xf32, #tpu.memory_space<vmem>> -> memref<64x128xf32, #tpu.memory_space<vmem>>
        %dma_start3A_1580 = arith.constant 0 : i32
        %dma_start3A_1581 = tpu.memref_slice %arg2[%dma_start3A_1580, %multiple_of3A_1573] : memref<64x1000000xf32, #tpu.memory_space<hbm>> -> memref<64x128xf32, #tpu.memory_space<hbm>>
        %dma_start3A_1582 = tpu.memref_slice %arg8[%dma_start3A_1575] : memref<4x!tpu.dma_semaphore, #tpu.memory_space<semaphore_mem>> -> memref<1x!tpu.dma_semaphore, #tpu.memory_space<semaphore_mem>>
        %dma_start3A_1583 = tpu.memref_squeeze %dma_start3A_1582 : memref<1x!tpu.dma_semaphore, #tpu.memory_space<semaphore_mem>> -> memref<!tpu.dma_semaphore, #tpu.memory_space<semaphore_mem>>
        %dma_start3A_1584 = arith.constant 0 : i32
        %dma_start3A_1585 = arith.constant 0 : i32
        %dma_start3A_1586 = tpu.memref_slice %arg6[%dma_start3A_1574, %dma_start3A_1584, %dma_start3A_1585] : memref<4x64x128xf32, #tpu.memory_space<vmem>> -> memref<1x64x128xf32, #tpu.memory_space<vmem>>
        %dma_start3A_1587 = tpu.memref_squeeze %dma_start3A_1586 : memref<1x64x128xf32, #tpu.memory_space<vmem>> -> memref<64x128xf32, #tpu.memory_space<vmem>>
        %dma_start3A_1588 = arith.constant 0 : i32
        %dma_start3A_1589 = tpu.memref_slice %arg2[%dma_start3A_1588, %multiple_of3A_1573] : memref<64x1000000xf32, #tpu.memory_space<hbm>> -> memref<64x128xf32, #tpu.memory_space<hbm>>
        tpu.enqueue_dma source(%dma_start3A_1589 : memref<64x128xf32, #tpu.memory_space<hbm>>) target(%dma_start3A_1587 : memref<64x128xf32, #tpu.memory_space<vmem>>) target_semaphore(%dma_start3A_1583 : memref<!tpu.dma_semaphore, #tpu.memory_space<semaphore_mem>>)
      } else {
      }
      %dma_wait3A_549 = arith.constant 0 : i32
      %dma_wait3A_550 = arith.constant 0 : i32
      %dma_wait3A_551 = arith.constant 0 : i32
      %dma_wait3A_552 = arith.constant 0 : i32
      %dma_wait3A_553 = tpu.memref_slice %arg6[%dma_wait3A_549, %dma_wait3A_551, %dma_wait3A_552] : memref<4x64x128xf32, #tpu.memory_space<vmem>> -> memref<1x64x128xf32, #tpu.memory_space<vmem>>
      %dma_wait3A_554 = tpu.memref_squeeze %dma_wait3A_553 : memref<1x64x128xf32, #tpu.memory_space<vmem>> -> memref<64x128xf32, #tpu.memory_space<vmem>>
      %dma_wait3A_555 = arith.constant 0 : i32
      %dma_wait3A_556 = arith.constant 0 : i32
      %dma_wait3A_557 = tpu.memref_slice %arg2[%dma_wait3A_555, %dma_wait3A_556] : memref<64x1000000xf32, #tpu.memory_space<hbm>> -> memref<64x128xf32, #tpu.memory_space<hbm>>
      %dma_wait3A_558 = tpu.memref_slice %arg8[%dma_wait3A_550] : memref<4x!tpu.dma_semaphore, #tpu.memory_space<semaphore_mem>> -> memref<1x!tpu.dma_semaphore, #tpu.memory_space<semaphore_mem>>
      %dma_wait3A_559 = tpu.memref_squeeze %dma_wait3A_558 : memref<1x!tpu.dma_semaphore, #tpu.memory_space<semaphore_mem>> -> memref<!tpu.dma_semaphore, #tpu.memory_space<semaphore_mem>>
      %dma_wait3A_560 = arith.constant 0 : i32
      %dma_wait3A_561 = arith.constant 0 : i32
      %dma_wait3A_562 = tpu.memref_slice %arg6[%dma_wait3A_549, %dma_wait3A_560, %dma_wait3A_561] : memref<4x64x128xf32, #tpu.memory_space<vmem>> -> memref<1x64x128xf32, #tpu.memory_space<vmem>>
      %dma_wait3A_563 = tpu.memref_squeeze %dma_wait3A_562 : memref<1x64x128xf32, #tpu.memory_space<vmem>> -> memref<64x128xf32, #tpu.memory_space<vmem>>
      %dma_wait3A_564 = arith.constant 0 : i32
      %dma_wait3A_565 = arith.constant 0 : i32
      %dma_wait3A_566 = tpu.memref_slice %arg2[%dma_wait3A_564, %dma_wait3A_565] : memref<64x1000000xf32, #tpu.memory_space<hbm>> -> memref<64x128xf32, #tpu.memory_space<hbm>>
      tpu.wait_dma2 semaphore(%dma_wait3A_559 : memref<!tpu.dma_semaphore, #tpu.memory_space<semaphore_mem>>) src(%dma_wait3A_566 : memref<64x128xf32, #tpu.memory_space<hbm>>) dst(%dma_wait3A_563 : memref<64x128xf32, #tpu.memory_space<vmem>>)
      %slice3A_567 = vector.extract_strided_slice %get3A_208 {offsets = [4], sizes = [1], strides = [1]} : vector<16xi32> to vector<1xi32>
      %squeeze3A_568 = vector.extract %slice3A_567[0] : i32 from vector<1xi32>
      %and3A_569 = arith.constant 127 : i32
      %and3A_570 = arith.andi %squeeze3A_568, %and3A_569 : i32
      %broadcast_in_dim3A_571 = vector.broadcast %and3A_570 : i32 to vector<16xi32>
      %add3A_572 = arith.constant 4 : i32
      %add3A_573 = arith.addi %add3A_204, %add3A_572 : i32
      %broadcast_in_dim3A_574 = vector.broadcast %add3A_573 : i32 to vector<16xi32>
      %add3A_575 = arith.constant 0 : i32
      %add3A_576 = vector.broadcast %add3A_575 : i32 to vector<16xi32>
      %add3A_577 = arith.addi %iota3A, %add3A_576 : vector<16xi32>
      %gather3A_578 = arith.constant 0 : i32
      %gather3A_579 = arith.constant 0 : i32
      %gather3A_580 = arith.constant 0 : i32
      %gather3A_581 = tpu.memref_slice %arg6[%gather3A_578, %gather3A_579, %gather3A_580] : memref<4x64x128xf32, #tpu.memory_space<vmem>> -> memref<1x64x128xf32, #tpu.memory_space<vmem>>
      %gather3A_582 = tpu.memref_squeeze %gather3A_581 : memref<1x64x128xf32, #tpu.memory_space<vmem>> -> memref<64x128xf32, #tpu.memory_space<vmem>>
      %gather3A_583 = tpu.vector_load_idx %gather3A_582[%add3A_577, %broadcast_in_dim3A_571] : memref<64x128xf32, #tpu.memory_space<vmem>>[vector<16xi32>, vector<16xi32>], vector<16xf32>,
      %add3A_584 = arith.constant 0 : i32
      %add3A_585 = vector.broadcast %add3A_584 : i32 to vector<16xi32>
      %add3A_586 = arith.addi %iota3A, %add3A_585 : vector<16xi32>
      tpu.vector_store_idx %arg7[%add3A_586, %broadcast_in_dim3A_574], %gather3A_583 : memref<64x256xf32, #tpu.memory_space<vmem>>[vector<16xi32>, vector<16xi32>], vector<16xf32>,
      %add3A_587 = arith.constant 16 : i32
      %add3A_588 = vector.broadcast %add3A_587 : i32 to vector<16xi32>
      %add3A_589 = arith.addi %iota3A, %add3A_588 : vector<16xi32>
      %gather3A_590 = arith.constant 0 : i32
      %gather3A_591 = arith.constant 0 : i32
      %gather3A_592 = arith.constant 0 : i32
      %gather3A_593 = tpu.memref_slice %arg6[%gather3A_590, %gather3A_591, %gather3A_592] : memref<4x64x128xf32, #tpu.memory_space<vmem>> -> memref<1x64x128xf32, #tpu.memory_space<vmem>>
      %gather3A_594 = tpu.memref_squeeze %gather3A_593 : memref<1x64x128xf32, #tpu.memory_space<vmem>> -> memref<64x128xf32, #tpu.memory_space<vmem>>
      %gather3A_595 = tpu.vector_load_idx %gather3A_594[%add3A_589, %broadcast_in_dim3A_571] : memref<64x128xf32, #tpu.memory_space<vmem>>[vector<16xi32>, vector<16xi32>], vector<16xf32>,
      %add3A_596 = arith.constant 16 : i32
      %add3A_597 = vector.broadcast %add3A_596 : i32 to vector<16xi32>
      %add3A_598 = arith.addi %iota3A, %add3A_597 : vector<16xi32>
      tpu.vector_store_idx %arg7[%add3A_598, %broadcast_in_dim3A_574], %gather3A_595 : memref<64x256xf32, #tpu.memory_space<vmem>>[vector<16xi32>, vector<16xi32>], vector<16xf32>,
      %add3A_599 = arith.constant 32 : i32
      %add3A_600 = vector.broadcast %add3A_599 : i32 to vector<16xi32>
      %add3A_601 = arith.addi %iota3A, %add3A_600 : vector<16xi32>
      %gather3A_602 = arith.constant 0 : i32
      %gather3A_603 = arith.constant 0 : i32
      %gather3A_604 = arith.constant 0 : i32
      %gather3A_605 = tpu.memref_slice %arg6[%gather3A_602, %gather3A_603, %gather3A_604] : memref<4x64x128xf32, #tpu.memory_space<vmem>> -> memref<1x64x128xf32, #tpu.memory_space<vmem>>
      %gather3A_606 = tpu.memref_squeeze %gather3A_605 : memref<1x64x128xf32, #tpu.memory_space<vmem>> -> memref<64x128xf32, #tpu.memory_space<vmem>>
      %gather3A_607 = tpu.vector_load_idx %gather3A_606[%add3A_601, %broadcast_in_dim3A_571] : memref<64x128xf32, #tpu.memory_space<vmem>>[vector<16xi32>, vector<16xi32>], vector<16xf32>,
      %add3A_608 = arith.constant 32 : i32
      %add3A_609 = vector.broadcast %add3A_608 : i32 to vector<16xi32>
      %add3A_610 = arith.addi %iota3A, %add3A_609 : vector<16xi32>
      tpu.vector_store_idx %arg7[%add3A_610, %broadcast_in_dim3A_574], %gather3A_607 : memref<64x256xf32, #tpu.memory_space<vmem>>[vector<16xi32>, vector<16xi32>], vector<16xf32>,
      %add3A_611 = arith.constant 48 : i32
      %add3A_612 = vector.broadcast %add3A_611 : i32 to vector<16xi32>
      %add3A_613 = arith.addi %iota3A, %add3A_612 : vector<16xi32>
      %gather3A_614 = arith.constant 0 : i32
      %gather3A_615 = arith.constant 0 : i32
      %gather3A_616 = arith.constant 0 : i32
      %gather3A_617 = tpu.memref_slice %arg6[%gather3A_614, %gather3A_615, %gather3A_616] : memref<4x64x128xf32, #tpu.memory_space<vmem>> -> memref<1x64x128xf32, #tpu.memory_space<vmem>>
      %gather3A_618 = tpu.memref_squeeze %gather3A_617 : memref<1x64x128xf32, #tpu.memory_space<vmem>> -> memref<64x128xf32, #tpu.memory_space<vmem>>
      %gather3A_619 = tpu.vector_load_idx %gather3A_618[%add3A_613, %broadcast_in_dim3A_571] : memref<64x128xf32, #tpu.memory_space<vmem>>[vector<16xi32>, vector<16xi32>], vector<16xf32>,
      %add3A_620 = arith.constant 48 : i32
      %add3A_621 = vector.broadcast %add3A_620 : i32 to vector<16xi32>
      %add3A_622 = arith.addi %iota3A, %add3A_621 : vector<16xi32>
      tpu.vector_store_idx %arg7[%add3A_622, %broadcast_in_dim3A_574], %gather3A_619 : memref<64x256xf32, #tpu.memory_space<vmem>>[vector<16xi32>, vector<16xi32>], vector<16xf32>,
      %slice3A_623 = vector.extract_strided_slice %get3A_208 {offsets = [8], sizes = [1], strides = [1]} : vector<16xi32> to vector<1xi32>
      %squeeze3A_624 = vector.extract %slice3A_623[0] : i32 from vector<1xi32>
      %add3A_625 = arith.constant 4 : i32
      %add3A_626 = arith.addi %add3A_204, %add3A_625 : i32
      %add3A_627 = arith.constant 4 : i32
      %add3A_628 = arith.addi %add3A_626, %add3A_627 : i32
      %lt3A_629 = arith.constant 256 : i32
      %lt3A_630 = arith.cmpi slt, %add3A_628, %lt3A_629 : i32
      %convert_element_type3A_631 = arith.extui %lt3A_630 : i1 to i32
      %cond3A_632 = arith.constant 0 : i32
      %cond3A_633 = arith.cmpi ne, %convert_element_type3A_631, %cond3A_632 : i32
      scf.if %cond3A_633 {
        %shift_right_arithmetic3A_1569 = arith.constant 7 : i32
        %shift_right_arithmetic3A_1570 = arith.shrsi %squeeze3A_624, %shift_right_arithmetic3A_1569 : i32
        %mul3A_1571 = arith.constant 128 : i32
        %mul3A_1572 = arith.muli %shift_right_arithmetic3A_1570, %mul3A_1571 : i32
        %multiple_of3A_1573 = tpu.assume_multiple %mul3A_1572, 128 : i32
        %dma_start3A_1574 = arith.constant 0 : i32
        %dma_start3A_1575 = arith.constant 0 : i32
        %dma_start3A_1576 = arith.constant 0 : i32
        %dma_start3A_1577 = arith.constant 0 : i32
        %dma_start3A_1578 = tpu.memref_slice %arg6[%dma_start3A_1574, %dma_start3A_1576, %dma_start3A_1577] : memref<4x64x128xf32, #tpu.memory_space<vmem>> -> memref<1x64x128xf32, #tpu.memory_space<vmem>>
        %dma_start3A_1579 = tpu.memref_squeeze %dma_start3A_1578 : memref<1x64x128xf32, #tpu.memory_space<vmem>> -> memref<64x128xf32, #tpu.memory_space<vmem>>
        %dma_start3A_1580 = arith.constant 0 : i32
        %dma_start3A_1581 = tpu.memref_slice %arg2[%dma_start3A_1580, %multiple_of3A_1573] : memref<64x1000000xf32, #tpu.memory_space<hbm>> -> memref<64x128xf32, #tpu.memory_space<hbm>>
        %dma_start3A_1582 = tpu.memref_slice %arg8[%dma_start3A_1575] : memref<4x!tpu.dma_semaphore, #tpu.memory_space<semaphore_mem>> -> memref<1x!tpu.dma_semaphore, #tpu.memory_space<semaphore_mem>>
        %dma_start3A_1583 = tpu.memref_squeeze %dma_start3A_1582 : memref<1x!tpu.dma_semaphore, #tpu.memory_space<semaphore_mem>> -> memref<!tpu.dma_semaphore, #tpu.memory_space<semaphore_mem>>
        %dma_start3A_1584 = arith.constant 0 : i32
        %dma_start3A_1585 = arith.constant 0 : i32
        %dma_start3A_1586 = tpu.memref_slice %arg6[%dma_start3A_1574, %dma_start3A_1584, %dma_start3A_1585] : memref<4x64x128xf32, #tpu.memory_space<vmem>> -> memref<1x64x128xf32, #tpu.memory_space<vmem>>
        %dma_start3A_1587 = tpu.memref_squeeze %dma_start3A_1586 : memref<1x64x128xf32, #tpu.memory_space<vmem>> -> memref<64x128xf32, #tpu.memory_space<vmem>>
        %dma_start3A_1588 = arith.constant 0 : i32
        %dma_start3A_1589 = tpu.memref_slice %arg2[%dma_start3A_1588, %multiple_of3A_1573] : memref<64x1000000xf32, #tpu.memory_space<hbm>> -> memref<64x128xf32, #tpu.memory_space<hbm>>
        tpu.enqueue_dma source(%dma_start3A_1589 : memref<64x128xf32, #tpu.memory_space<hbm>>) target(%dma_start3A_1587 : memref<64x128xf32, #tpu.memory_space<vmem>>) target_semaphore(%dma_start3A_1583 : memref<!tpu.dma_semaphore, #tpu.memory_space<semaphore_mem>>)
      } else {
      }
      %dma_wait3A_634 = arith.constant 1 : i32
      %dma_wait3A_635 = arith.constant 1 : i32
      %dma_wait3A_636 = arith.constant 0 : i32
      %dma_wait3A_637 = arith.constant 0 : i32
      %dma_wait3A_638 = tpu.memref_slice %arg6[%dma_wait3A_634, %dma_wait3A_636, %dma_wait3A_637] : memref<4x64x128xf32, #tpu.memory_space<vmem>> -> memref<1x64x128xf32, #tpu.memory_space<vmem>>
      %dma_wait3A_639 = tpu.memref_squeeze %dma_wait3A_638 : memref<1x64x128xf32, #tpu.memory_space<vmem>> -> memref<64x128xf32, #tpu.memory_space<vmem>>
      %dma_wait3A_640 = arith.constant 0 : i32
      %dma_wait3A_641 = arith.constant 0 : i32
      %dma_wait3A_642 = tpu.memref_slice %arg2[%dma_wait3A_640, %dma_wait3A_641] : memref<64x1000000xf32, #tpu.memory_space<hbm>> -> memref<64x128xf32, #tpu.memory_space<hbm>>
      %dma_wait3A_643 = tpu.memref_slice %arg8[%dma_wait3A_635] : memref<4x!tpu.dma_semaphore, #tpu.memory_space<semaphore_mem>> -> memref<1x!tpu.dma_semaphore, #tpu.memory_space<semaphore_mem>>
      %dma_wait3A_644 = tpu.memref_squeeze %dma_wait3A_643 : memref<1x!tpu.dma_semaphore, #tpu.memory_space<semaphore_mem>> -> memref<!tpu.dma_semaphore, #tpu.memory_space<semaphore_mem>>
      %dma_wait3A_645 = arith.constant 0 : i32
      %dma_wait3A_646 = arith.constant 0 : i32
      %dma_wait3A_647 = tpu.memref_slice %arg6[%dma_wait3A_634, %dma_wait3A_645, %dma_wait3A_646] : memref<4x64x128xf32, #tpu.memory_space<vmem>> -> memref<1x64x128xf32, #tpu.memory_space<vmem>>
      %dma_wait3A_648 = tpu.memref_squeeze %dma_wait3A_647 : memref<1x64x128xf32, #tpu.memory_space<vmem>> -> memref<64x128xf32, #tpu.memory_space<vmem>>
      %dma_wait3A_649 = arith.constant 0 : i32
      %dma_wait3A_650 = arith.constant 0 : i32
      %dma_wait3A_651 = tpu.memref_slice %arg2[%dma_wait3A_649, %dma_wait3A_650] : memref<64x1000000xf32, #tpu.memory_space<hbm>> -> memref<64x128xf32, #tpu.memory_space<hbm>>
      tpu.wait_dma2 semaphore(%dma_wait3A_644 : memref<!tpu.dma_semaphore, #tpu.memory_space<semaphore_mem>>) src(%dma_wait3A_651 : memref<64x128xf32, #tpu.memory_space<hbm>>) dst(%dma_wait3A_648 : memref<64x128xf32, #tpu.memory_space<vmem>>)
      %slice3A_652 = vector.extract_strided_slice %get3A_208 {offsets = [5], sizes = [1], strides = [1]} : vector<16xi32> to vector<1xi32>
      %squeeze3A_653 = vector.extract %slice3A_652[0] : i32 from vector<1xi32>
      %and3A_654 = arith.constant 127 : i32
      %and3A_655 = arith.andi %squeeze3A_653, %and3A_654 : i32
      %broadcast_in_dim3A_656 = vector.broadcast %and3A_655 : i32 to vector<16xi32>
      %add3A_657 = arith.constant 5 : i32
      %add3A_658 = arith.addi %add3A_204, %add3A_657 : i32
      %broadcast_in_dim3A_659 = vector.broadcast %add3A_658 : i32 to vector<16xi32>
      %add3A_660 = arith.constant 0 : i32
      %add3A_661 = vector.broadcast %add3A_660 : i32 to vector<16xi32>
      %add3A_662 = arith.addi %iota3A, %add3A_661 : vector<16xi32>
      %gather3A_663 = arith.constant 1 : i32
      %gather3A_664 = arith.constant 0 : i32
      %gather3A_665 = arith.constant 0 : i32
      %gather3A_666 = tpu.memref_slice %arg6[%gather3A_663, %gather3A_664, %gather3A_665] : memref<4x64x128xf32, #tpu.memory_space<vmem>> -> memref<1x64x128xf32, #tpu.memory_space<vmem>>
      %gather3A_667 = tpu.memref_squeeze %gather3A_666 : memref<1x64x128xf32, #tpu.memory_space<vmem>> -> memref<64x128xf32, #tpu.memory_space<vmem>>
      %gather3A_668 = tpu.vector_load_idx %gather3A_667[%add3A_662, %broadcast_in_dim3A_656] : memref<64x128xf32, #tpu.memory_space<vmem>>[vector<16xi32>, vector<16xi32>], vector<16xf32>,
      %add3A_669 = arith.constant 0 : i32
      %add3A_670 = vector.broadcast %add3A_669 : i32 to vector<16xi32>
      %add3A_671 = arith.addi %iota3A, %add3A_670 : vector<16xi32>
      tpu.vector_store_idx %arg7[%add3A_671, %broadcast_in_dim3A_659], %gather3A_668 : memref<64x256xf32, #tpu.memory_space<vmem>>[vector<16xi32>, vector<16xi32>], vector<16xf32>,
      %add3A_672 = arith.constant 16 : i32
      %add3A_673 = vector.broadcast %add3A_672 : i32 to vector<16xi32>
      %add3A_674 = arith.addi %iota3A, %add3A_673 : vector<16xi32>
      %gather3A_675 = arith.constant 1 : i32
      %gather3A_676 = arith.constant 0 : i32
      %gather3A_677 = arith.constant 0 : i32
      %gather3A_678 = tpu.memref_slice %arg6[%gather3A_675, %gather3A_676, %gather3A_677] : memref<4x64x128xf32, #tpu.memory_space<vmem>> -> memref<1x64x128xf32, #tpu.memory_space<vmem>>
      %gather3A_679 = tpu.memref_squeeze %gather3A_678 : memref<1x64x128xf32, #tpu.memory_space<vmem>> -> memref<64x128xf32, #tpu.memory_space<vmem>>
      %gather3A_680 = tpu.vector_load_idx %gather3A_679[%add3A_674, %broadcast_in_dim3A_656] : memref<64x128xf32, #tpu.memory_space<vmem>>[vector<16xi32>, vector<16xi32>], vector<16xf32>,
      %add3A_681 = arith.constant 16 : i32
      %add3A_682 = vector.broadcast %add3A_681 : i32 to vector<16xi32>
      %add3A_683 = arith.addi %iota3A, %add3A_682 : vector<16xi32>
      tpu.vector_store_idx %arg7[%add3A_683, %broadcast_in_dim3A_659], %gather3A_680 : memref<64x256xf32, #tpu.memory_space<vmem>>[vector<16xi32>, vector<16xi32>], vector<16xf32>,
      %add3A_684 = arith.constant 32 : i32
      %add3A_685 = vector.broadcast %add3A_684 : i32 to vector<16xi32>
      %add3A_686 = arith.addi %iota3A, %add3A_685 : vector<16xi32>
      %gather3A_687 = arith.constant 1 : i32
      %gather3A_688 = arith.constant 0 : i32
      %gather3A_689 = arith.constant 0 : i32
      %gather3A_690 = tpu.memref_slice %arg6[%gather3A_687, %gather3A_688, %gather3A_689] : memref<4x64x128xf32, #tpu.memory_space<vmem>> -> memref<1x64x128xf32, #tpu.memory_space<vmem>>
      %gather3A_691 = tpu.memref_squeeze %gather3A_690 : memref<1x64x128xf32, #tpu.memory_space<vmem>> -> memref<64x128xf32, #tpu.memory_space<vmem>>
      %gather3A_692 = tpu.vector_load_idx %gather3A_691[%add3A_686, %broadcast_in_dim3A_656] : memref<64x128xf32, #tpu.memory_space<vmem>>[vector<16xi32>, vector<16xi32>], vector<16xf32>,
      %add3A_693 = arith.constant 32 : i32
      %add3A_694 = vector.broadcast %add3A_693 : i32 to vector<16xi32>
      %add3A_695 = arith.addi %iota3A, %add3A_694 : vector<16xi32>
      tpu.vector_store_idx %arg7[%add3A_695, %broadcast_in_dim3A_659], %gather3A_692 : memref<64x256xf32, #tpu.memory_space<vmem>>[vector<16xi32>, vector<16xi32>], vector<16xf32>,
      %add3A_696 = arith.constant 48 : i32
      %add3A_697 = vector.broadcast %add3A_696 : i32 to vector<16xi32>
      %add3A_698 = arith.addi %iota3A, %add3A_697 : vector<16xi32>
      %gather3A_699 = arith.constant 1 : i32
      %gather3A_700 = arith.constant 0 : i32
      %gather3A_701 = arith.constant 0 : i32
      %gather3A_702 = tpu.memref_slice %arg6[%gather3A_699, %gather3A_700, %gather3A_701] : memref<4x64x128xf32, #tpu.memory_space<vmem>> -> memref<1x64x128xf32, #tpu.memory_space<vmem>>
      %gather3A_703 = tpu.memref_squeeze %gather3A_702 : memref<1x64x128xf32, #tpu.memory_space<vmem>> -> memref<64x128xf32, #tpu.memory_space<vmem>>
      %gather3A_704 = tpu.vector_load_idx %gather3A_703[%add3A_698, %broadcast_in_dim3A_656] : memref<64x128xf32, #tpu.memory_space<vmem>>[vector<16xi32>, vector<16xi32>], vector<16xf32>,
      %add3A_705 = arith.constant 48 : i32
      %add3A_706 = vector.broadcast %add3A_705 : i32 to vector<16xi32>
      %add3A_707 = arith.addi %iota3A, %add3A_706 : vector<16xi32>
      tpu.vector_store_idx %arg7[%add3A_707, %broadcast_in_dim3A_659], %gather3A_704 : memref<64x256xf32, #tpu.memory_space<vmem>>[vector<16xi32>, vector<16xi32>], vector<16xf32>,
      %slice3A_708 = vector.extract_strided_slice %get3A_208 {offsets = [9], sizes = [1], strides = [1]} : vector<16xi32> to vector<1xi32>
      %squeeze3A_709 = vector.extract %slice3A_708[0] : i32 from vector<1xi32>
      %add3A_710 = arith.constant 5 : i32
      %add3A_711 = arith.addi %add3A_204, %add3A_710 : i32
      %add3A_712 = arith.constant 4 : i32
      %add3A_713 = arith.addi %add3A_711, %add3A_712 : i32
      %lt3A_714 = arith.constant 256 : i32
      %lt3A_715 = arith.cmpi slt, %add3A_713, %lt3A_714 : i32
      %convert_element_type3A_716 = arith.extui %lt3A_715 : i1 to i32
      %cond3A_717 = arith.constant 0 : i32
      %cond3A_718 = arith.cmpi ne, %convert_element_type3A_716, %cond3A_717 : i32
      scf.if %cond3A_718 {
        %shift_right_arithmetic3A_1569 = arith.constant 7 : i32
        %shift_right_arithmetic3A_1570 = arith.shrsi %squeeze3A_709, %shift_right_arithmetic3A_1569 : i32
        %mul3A_1571 = arith.constant 128 : i32
        %mul3A_1572 = arith.muli %shift_right_arithmetic3A_1570, %mul3A_1571 : i32
        %multiple_of3A_1573 = tpu.assume_multiple %mul3A_1572, 128 : i32
        %dma_start3A_1574 = arith.constant 1 : i32
        %dma_start3A_1575 = arith.constant 1 : i32
        %dma_start3A_1576 = arith.constant 0 : i32
        %dma_start3A_1577 = arith.constant 0 : i32
        %dma_start3A_1578 = tpu.memref_slice %arg6[%dma_start3A_1574, %dma_start3A_1576, %dma_start3A_1577] : memref<4x64x128xf32, #tpu.memory_space<vmem>> -> memref<1x64x128xf32, #tpu.memory_space<vmem>>
        %dma_start3A_1579 = tpu.memref_squeeze %dma_start3A_1578 : memref<1x64x128xf32, #tpu.memory_space<vmem>> -> memref<64x128xf32, #tpu.memory_space<vmem>>
        %dma_start3A_1580 = arith.constant 0 : i32
        %dma_start3A_1581 = tpu.memref_slice %arg2[%dma_start3A_1580, %multiple_of3A_1573] : memref<64x1000000xf32, #tpu.memory_space<hbm>> -> memref<64x128xf32, #tpu.memory_space<hbm>>
        %dma_start3A_1582 = tpu.memref_slice %arg8[%dma_start3A_1575] : memref<4x!tpu.dma_semaphore, #tpu.memory_space<semaphore_mem>> -> memref<1x!tpu.dma_semaphore, #tpu.memory_space<semaphore_mem>>
        %dma_start3A_1583 = tpu.memref_squeeze %dma_start3A_1582 : memref<1x!tpu.dma_semaphore, #tpu.memory_space<semaphore_mem>> -> memref<!tpu.dma_semaphore, #tpu.memory_space<semaphore_mem>>
        %dma_start3A_1584 = arith.constant 0 : i32
        %dma_start3A_1585 = arith.constant 0 : i32
        %dma_start3A_1586 = tpu.memref_slice %arg6[%dma_start3A_1574, %dma_start3A_1584, %dma_start3A_1585] : memref<4x64x128xf32, #tpu.memory_space<vmem>> -> memref<1x64x128xf32, #tpu.memory_space<vmem>>
        %dma_start3A_1587 = tpu.memref_squeeze %dma_start3A_1586 : memref<1x64x128xf32, #tpu.memory_space<vmem>> -> memref<64x128xf32, #tpu.memory_space<vmem>>
        %dma_start3A_1588 = arith.constant 0 : i32
        %dma_start3A_1589 = tpu.memref_slice %arg2[%dma_start3A_1588, %multiple_of3A_1573] : memref<64x1000000xf32, #tpu.memory_space<hbm>> -> memref<64x128xf32, #tpu.memory_space<hbm>>
        tpu.enqueue_dma source(%dma_start3A_1589 : memref<64x128xf32, #tpu.memory_space<hbm>>) target(%dma_start3A_1587 : memref<64x128xf32, #tpu.memory_space<vmem>>) target_semaphore(%dma_start3A_1583 : memref<!tpu.dma_semaphore, #tpu.memory_space<semaphore_mem>>)
      } else {
      }
      %dma_wait3A_719 = arith.constant 2 : i32
      %dma_wait3A_720 = arith.constant 2 : i32
      %dma_wait3A_721 = arith.constant 0 : i32
      %dma_wait3A_722 = arith.constant 0 : i32
      %dma_wait3A_723 = tpu.memref_slice %arg6[%dma_wait3A_719, %dma_wait3A_721, %dma_wait3A_722] : memref<4x64x128xf32, #tpu.memory_space<vmem>> -> memref<1x64x128xf32, #tpu.memory_space<vmem>>
      %dma_wait3A_724 = tpu.memref_squeeze %dma_wait3A_723 : memref<1x64x128xf32, #tpu.memory_space<vmem>> -> memref<64x128xf32, #tpu.memory_space<vmem>>
      %dma_wait3A_725 = arith.constant 0 : i32
      %dma_wait3A_726 = arith.constant 0 : i32
      %dma_wait3A_727 = tpu.memref_slice %arg2[%dma_wait3A_725, %dma_wait3A_726] : memref<64x1000000xf32, #tpu.memory_space<hbm>> -> memref<64x128xf32, #tpu.memory_space<hbm>>
      %dma_wait3A_728 = tpu.memref_slice %arg8[%dma_wait3A_720] : memref<4x!tpu.dma_semaphore, #tpu.memory_space<semaphore_mem>> -> memref<1x!tpu.dma_semaphore, #tpu.memory_space<semaphore_mem>>
      %dma_wait3A_729 = tpu.memref_squeeze %dma_wait3A_728 : memref<1x!tpu.dma_semaphore, #tpu.memory_space<semaphore_mem>> -> memref<!tpu.dma_semaphore, #tpu.memory_space<semaphore_mem>>
      %dma_wait3A_730 = arith.constant 0 : i32
      %dma_wait3A_731 = arith.constant 0 : i32
      %dma_wait3A_732 = tpu.memref_slice %arg6[%dma_wait3A_719, %dma_wait3A_730, %dma_wait3A_731] : memref<4x64x128xf32, #tpu.memory_space<vmem>> -> memref<1x64x128xf32, #tpu.memory_space<vmem>>
      %dma_wait3A_733 = tpu.memref_squeeze %dma_wait3A_732 : memref<1x64x128xf32, #tpu.memory_space<vmem>> -> memref<64x128xf32, #tpu.memory_space<vmem>>
      %dma_wait3A_734 = arith.constant 0 : i32
      %dma_wait3A_735 = arith.constant 0 : i32
      %dma_wait3A_736 = tpu.memref_slice %arg2[%dma_wait3A_734, %dma_wait3A_735] : memref<64x1000000xf32, #tpu.memory_space<hbm>> -> memref<64x128xf32, #tpu.memory_space<hbm>>
      tpu.wait_dma2 semaphore(%dma_wait3A_729 : memref<!tpu.dma_semaphore, #tpu.memory_space<semaphore_mem>>) src(%dma_wait3A_736 : memref<64x128xf32, #tpu.memory_space<hbm>>) dst(%dma_wait3A_733 : memref<64x128xf32, #tpu.memory_space<vmem>>)
      %slice3A_737 = vector.extract_strided_slice %get3A_208 {offsets = [6], sizes = [1], strides = [1]} : vector<16xi32> to vector<1xi32>
      %squeeze3A_738 = vector.extract %slice3A_737[0] : i32 from vector<1xi32>
      %and3A_739 = arith.constant 127 : i32
      %and3A_740 = arith.andi %squeeze3A_738, %and3A_739 : i32
      %broadcast_in_dim3A_741 = vector.broadcast %and3A_740 : i32 to vector<16xi32>
      %add3A_742 = arith.constant 6 : i32
      %add3A_743 = arith.addi %add3A_204, %add3A_742 : i32
      %broadcast_in_dim3A_744 = vector.broadcast %add3A_743 : i32 to vector<16xi32>
      %add3A_745 = arith.constant 0 : i32
      %add3A_746 = vector.broadcast %add3A_745 : i32 to vector<16xi32>
      %add3A_747 = arith.addi %iota3A, %add3A_746 : vector<16xi32>
      %gather3A_748 = arith.constant 2 : i32
      %gather3A_749 = arith.constant 0 : i32
      %gather3A_750 = arith.constant 0 : i32
      %gather3A_751 = tpu.memref_slice %arg6[%gather3A_748, %gather3A_749, %gather3A_750] : memref<4x64x128xf32, #tpu.memory_space<vmem>> -> memref<1x64x128xf32, #tpu.memory_space<vmem>>
      %gather3A_752 = tpu.memref_squeeze %gather3A_751 : memref<1x64x128xf32, #tpu.memory_space<vmem>> -> memref<64x128xf32, #tpu.memory_space<vmem>>
      %gather3A_753 = tpu.vector_load_idx %gather3A_752[%add3A_747, %broadcast_in_dim3A_741] : memref<64x128xf32, #tpu.memory_space<vmem>>[vector<16xi32>, vector<16xi32>], vector<16xf32>,
      %add3A_754 = arith.constant 0 : i32
      %add3A_755 = vector.broadcast %add3A_754 : i32 to vector<16xi32>
      %add3A_756 = arith.addi %iota3A, %add3A_755 : vector<16xi32>
      tpu.vector_store_idx %arg7[%add3A_756, %broadcast_in_dim3A_744], %gather3A_753 : memref<64x256xf32, #tpu.memory_space<vmem>>[vector<16xi32>, vector<16xi32>], vector<16xf32>,
      %add3A_757 = arith.constant 16 : i32
      %add3A_758 = vector.broadcast %add3A_757 : i32 to vector<16xi32>
      %add3A_759 = arith.addi %iota3A, %add3A_758 : vector<16xi32>
      %gather3A_760 = arith.constant 2 : i32
      %gather3A_761 = arith.constant 0 : i32
      %gather3A_762 = arith.constant 0 : i32
      %gather3A_763 = tpu.memref_slice %arg6[%gather3A_760, %gather3A_761, %gather3A_762] : memref<4x64x128xf32, #tpu.memory_space<vmem>> -> memref<1x64x128xf32, #tpu.memory_space<vmem>>
      %gather3A_764 = tpu.memref_squeeze %gather3A_763 : memref<1x64x128xf32, #tpu.memory_space<vmem>> -> memref<64x128xf32, #tpu.memory_space<vmem>>
      %gather3A_765 = tpu.vector_load_idx %gather3A_764[%add3A_759, %broadcast_in_dim3A_741] : memref<64x128xf32, #tpu.memory_space<vmem>>[vector<16xi32>, vector<16xi32>], vector<16xf32>,
      %add3A_766 = arith.constant 16 : i32
      %add3A_767 = vector.broadcast %add3A_766 : i32 to vector<16xi32>
      %add3A_768 = arith.addi %iota3A, %add3A_767 : vector<16xi32>
      tpu.vector_store_idx %arg7[%add3A_768, %broadcast_in_dim3A_744], %gather3A_765 : memref<64x256xf32, #tpu.memory_space<vmem>>[vector<16xi32>, vector<16xi32>], vector<16xf32>,
      %add3A_769 = arith.constant 32 : i32
      %add3A_770 = vector.broadcast %add3A_769 : i32 to vector<16xi32>
      %add3A_771 = arith.addi %iota3A, %add3A_770 : vector<16xi32>
      %gather3A_772 = arith.constant 2 : i32
      %gather3A_773 = arith.constant 0 : i32
      %gather3A_774 = arith.constant 0 : i32
      %gather3A_775 = tpu.memref_slice %arg6[%gather3A_772, %gather3A_773, %gather3A_774] : memref<4x64x128xf32, #tpu.memory_space<vmem>> -> memref<1x64x128xf32, #tpu.memory_space<vmem>>
      %gather3A_776 = tpu.memref_squeeze %gather3A_775 : memref<1x64x128xf32, #tpu.memory_space<vmem>> -> memref<64x128xf32, #tpu.memory_space<vmem>>
      %gather3A_777 = tpu.vector_load_idx %gather3A_776[%add3A_771, %broadcast_in_dim3A_741] : memref<64x128xf32, #tpu.memory_space<vmem>>[vector<16xi32>, vector<16xi32>], vector<16xf32>,
      %add3A_778 = arith.constant 32 : i32
      %add3A_779 = vector.broadcast %add3A_778 : i32 to vector<16xi32>
      %add3A_780 = arith.addi %iota3A, %add3A_779 : vector<16xi32>
      tpu.vector_store_idx %arg7[%add3A_780, %broadcast_in_dim3A_744], %gather3A_777 : memref<64x256xf32, #tpu.memory_space<vmem>>[vector<16xi32>, vector<16xi32>], vector<16xf32>,
      %add3A_781 = arith.constant 48 : i32
      %add3A_782 = vector.broadcast %add3A_781 : i32 to vector<16xi32>
      %add3A_783 = arith.addi %iota3A, %add3A_782 : vector<16xi32>
      %gather3A_784 = arith.constant 2 : i32
      %gather3A_785 = arith.constant 0 : i32
      %gather3A_786 = arith.constant 0 : i32
      %gather3A_787 = tpu.memref_slice %arg6[%gather3A_784, %gather3A_785, %gather3A_786] : memref<4x64x128xf32, #tpu.memory_space<vmem>> -> memref<1x64x128xf32, #tpu.memory_space<vmem>>
      %gather3A_788 = tpu.memref_squeeze %gather3A_787 : memref<1x64x128xf32, #tpu.memory_space<vmem>> -> memref<64x128xf32, #tpu.memory_space<vmem>>
      %gather3A_789 = tpu.vector_load_idx %gather3A_788[%add3A_783, %broadcast_in_dim3A_741] : memref<64x128xf32, #tpu.memory_space<vmem>>[vector<16xi32>, vector<16xi32>], vector<16xf32>,
      %add3A_790 = arith.constant 48 : i32
      %add3A_791 = vector.broadcast %add3A_790 : i32 to vector<16xi32>
      %add3A_792 = arith.addi %iota3A, %add3A_791 : vector<16xi32>
      tpu.vector_store_idx %arg7[%add3A_792, %broadcast_in_dim3A_744], %gather3A_789 : memref<64x256xf32, #tpu.memory_space<vmem>>[vector<16xi32>, vector<16xi32>], vector<16xf32>,
      %slice3A_793 = vector.extract_strided_slice %get3A_208 {offsets = [10], sizes = [1], strides = [1]} : vector<16xi32> to vector<1xi32>
      %squeeze3A_794 = vector.extract %slice3A_793[0] : i32 from vector<1xi32>
      %add3A_795 = arith.constant 6 : i32
      %add3A_796 = arith.addi %add3A_204, %add3A_795 : i32
      %add3A_797 = arith.constant 4 : i32
      %add3A_798 = arith.addi %add3A_796, %add3A_797 : i32
      %lt3A_799 = arith.constant 256 : i32
      %lt3A_800 = arith.cmpi slt, %add3A_798, %lt3A_799 : i32
      %convert_element_type3A_801 = arith.extui %lt3A_800 : i1 to i32
      %cond3A_802 = arith.constant 0 : i32
      %cond3A_803 = arith.cmpi ne, %convert_element_type3A_801, %cond3A_802 : i32
      scf.if %cond3A_803 {
        %shift_right_arithmetic3A_1569 = arith.constant 7 : i32
        %shift_right_arithmetic3A_1570 = arith.shrsi %squeeze3A_794, %shift_right_arithmetic3A_1569 : i32
        %mul3A_1571 = arith.constant 128 : i32
        %mul3A_1572 = arith.muli %shift_right_arithmetic3A_1570, %mul3A_1571 : i32
        %multiple_of3A_1573 = tpu.assume_multiple %mul3A_1572, 128 : i32
        %dma_start3A_1574 = arith.constant 2 : i32
        %dma_start3A_1575 = arith.constant 2 : i32
        %dma_start3A_1576 = arith.constant 0 : i32
        %dma_start3A_1577 = arith.constant 0 : i32
        %dma_start3A_1578 = tpu.memref_slice %arg6[%dma_start3A_1574, %dma_start3A_1576, %dma_start3A_1577] : memref<4x64x128xf32, #tpu.memory_space<vmem>> -> memref<1x64x128xf32, #tpu.memory_space<vmem>>
        %dma_start3A_1579 = tpu.memref_squeeze %dma_start3A_1578 : memref<1x64x128xf32, #tpu.memory_space<vmem>> -> memref<64x128xf32, #tpu.memory_space<vmem>>
        %dma_start3A_1580 = arith.constant 0 : i32
        %dma_start3A_1581 = tpu.memref_slice %arg2[%dma_start3A_1580, %multiple_of3A_1573] : memref<64x1000000xf32, #tpu.memory_space<hbm>> -> memref<64x128xf32, #tpu.memory_space<hbm>>
        %dma_start3A_1582 = tpu.memref_slice %arg8[%dma_start3A_1575] : memref<4x!tpu.dma_semaphore, #tpu.memory_space<semaphore_mem>> -> memref<1x!tpu.dma_semaphore, #tpu.memory_space<semaphore_mem>>
        %dma_start3A_1583 = tpu.memref_squeeze %dma_start3A_1582 : memref<1x!tpu.dma_semaphore, #tpu.memory_space<semaphore_mem>> -> memref<!tpu.dma_semaphore, #tpu.memory_space<semaphore_mem>>
        %dma_start3A_1584 = arith.constant 0 : i32
        %dma_start3A_1585 = arith.constant 0 : i32
        %dma_start3A_1586 = tpu.memref_slice %arg6[%dma_start3A_1574, %dma_start3A_1584, %dma_start3A_1585] : memref<4x64x128xf32, #tpu.memory_space<vmem>> -> memref<1x64x128xf32, #tpu.memory_space<vmem>>
        %dma_start3A_1587 = tpu.memref_squeeze %dma_start3A_1586 : memref<1x64x128xf32, #tpu.memory_space<vmem>> -> memref<64x128xf32, #tpu.memory_space<vmem>>
        %dma_start3A_1588 = arith.constant 0 : i32
        %dma_start3A_1589 = tpu.memref_slice %arg2[%dma_start3A_1588, %multiple_of3A_1573] : memref<64x1000000xf32, #tpu.memory_space<hbm>> -> memref<64x128xf32, #tpu.memory_space<hbm>>
        tpu.enqueue_dma source(%dma_start3A_1589 : memref<64x128xf32, #tpu.memory_space<hbm>>) target(%dma_start3A_1587 : memref<64x128xf32, #tpu.memory_space<vmem>>) target_semaphore(%dma_start3A_1583 : memref<!tpu.dma_semaphore, #tpu.memory_space<semaphore_mem>>)
      } else {
      }
      %dma_wait3A_804 = arith.constant 3 : i32
      %dma_wait3A_805 = arith.constant 3 : i32
      %dma_wait3A_806 = arith.constant 0 : i32
      %dma_wait3A_807 = arith.constant 0 : i32
      %dma_wait3A_808 = tpu.memref_slice %arg6[%dma_wait3A_804, %dma_wait3A_806, %dma_wait3A_807] : memref<4x64x128xf32, #tpu.memory_space<vmem>> -> memref<1x64x128xf32, #tpu.memory_space<vmem>>
      %dma_wait3A_809 = tpu.memref_squeeze %dma_wait3A_808 : memref<1x64x128xf32, #tpu.memory_space<vmem>> -> memref<64x128xf32, #tpu.memory_space<vmem>>
      %dma_wait3A_810 = arith.constant 0 : i32
      %dma_wait3A_811 = arith.constant 0 : i32
      %dma_wait3A_812 = tpu.memref_slice %arg2[%dma_wait3A_810, %dma_wait3A_811] : memref<64x1000000xf32, #tpu.memory_space<hbm>> -> memref<64x128xf32, #tpu.memory_space<hbm>>
      %dma_wait3A_813 = tpu.memref_slice %arg8[%dma_wait3A_805] : memref<4x!tpu.dma_semaphore, #tpu.memory_space<semaphore_mem>> -> memref<1x!tpu.dma_semaphore, #tpu.memory_space<semaphore_mem>>
      %dma_wait3A_814 = tpu.memref_squeeze %dma_wait3A_813 : memref<1x!tpu.dma_semaphore, #tpu.memory_space<semaphore_mem>> -> memref<!tpu.dma_semaphore, #tpu.memory_space<semaphore_mem>>
      %dma_wait3A_815 = arith.constant 0 : i32
      %dma_wait3A_816 = arith.constant 0 : i32
      %dma_wait3A_817 = tpu.memref_slice %arg6[%dma_wait3A_804, %dma_wait3A_815, %dma_wait3A_816] : memref<4x64x128xf32, #tpu.memory_space<vmem>> -> memref<1x64x128xf32, #tpu.memory_space<vmem>>
      %dma_wait3A_818 = tpu.memref_squeeze %dma_wait3A_817 : memref<1x64x128xf32, #tpu.memory_space<vmem>> -> memref<64x128xf32, #tpu.memory_space<vmem>>
      %dma_wait3A_819 = arith.constant 0 : i32
      %dma_wait3A_820 = arith.constant 0 : i32
      %dma_wait3A_821 = tpu.memref_slice %arg2[%dma_wait3A_819, %dma_wait3A_820] : memref<64x1000000xf32, #tpu.memory_space<hbm>> -> memref<64x128xf32, #tpu.memory_space<hbm>>
      tpu.wait_dma2 semaphore(%dma_wait3A_814 : memref<!tpu.dma_semaphore, #tpu.memory_space<semaphore_mem>>) src(%dma_wait3A_821 : memref<64x128xf32, #tpu.memory_space<hbm>>) dst(%dma_wait3A_818 : memref<64x128xf32, #tpu.memory_space<vmem>>)
      %slice3A_822 = vector.extract_strided_slice %get3A_208 {offsets = [7], sizes = [1], strides = [1]} : vector<16xi32> to vector<1xi32>
      %squeeze3A_823 = vector.extract %slice3A_822[0] : i32 from vector<1xi32>
      %and3A_824 = arith.constant 127 : i32
      %and3A_825 = arith.andi %squeeze3A_823, %and3A_824 : i32
      %broadcast_in_dim3A_826 = vector.broadcast %and3A_825 : i32 to vector<16xi32>
      %add3A_827 = arith.constant 7 : i32
      %add3A_828 = arith.addi %add3A_204, %add3A_827 : i32
      %broadcast_in_dim3A_829 = vector.broadcast %add3A_828 : i32 to vector<16xi32>
      %add3A_830 = arith.constant 0 : i32
      %add3A_831 = vector.broadcast %add3A_830 : i32 to vector<16xi32>
      %add3A_832 = arith.addi %iota3A, %add3A_831 : vector<16xi32>
      %gather3A_833 = arith.constant 3 : i32
      %gather3A_834 = arith.constant 0 : i32
      %gather3A_835 = arith.constant 0 : i32
      %gather3A_836 = tpu.memref_slice %arg6[%gather3A_833, %gather3A_834, %gather3A_835] : memref<4x64x128xf32, #tpu.memory_space<vmem>> -> memref<1x64x128xf32, #tpu.memory_space<vmem>>
      %gather3A_837 = tpu.memref_squeeze %gather3A_836 : memref<1x64x128xf32, #tpu.memory_space<vmem>> -> memref<64x128xf32, #tpu.memory_space<vmem>>
      %gather3A_838 = tpu.vector_load_idx %gather3A_837[%add3A_832, %broadcast_in_dim3A_826] : memref<64x128xf32, #tpu.memory_space<vmem>>[vector<16xi32>, vector<16xi32>], vector<16xf32>,
      %add3A_839 = arith.constant 0 : i32
      %add3A_840 = vector.broadcast %add3A_839 : i32 to vector<16xi32>
      %add3A_841 = arith.addi %iota3A, %add3A_840 : vector<16xi32>
      tpu.vector_store_idx %arg7[%add3A_841, %broadcast_in_dim3A_829], %gather3A_838 : memref<64x256xf32, #tpu.memory_space<vmem>>[vector<16xi32>, vector<16xi32>], vector<16xf32>,
      %add3A_842 = arith.constant 16 : i32
      %add3A_843 = vector.broadcast %add3A_842 : i32 to vector<16xi32>
      %add3A_844 = arith.addi %iota3A, %add3A_843 : vector<16xi32>
      %gather3A_845 = arith.constant 3 : i32
      %gather3A_846 = arith.constant 0 : i32
      %gather3A_847 = arith.constant 0 : i32
      %gather3A_848 = tpu.memref_slice %arg6[%gather3A_845, %gather3A_846, %gather3A_847] : memref<4x64x128xf32, #tpu.memory_space<vmem>> -> memref<1x64x128xf32, #tpu.memory_space<vmem>>
      %gather3A_849 = tpu.memref_squeeze %gather3A_848 : memref<1x64x128xf32, #tpu.memory_space<vmem>> -> memref<64x128xf32, #tpu.memory_space<vmem>>
      %gather3A_850 = tpu.vector_load_idx %gather3A_849[%add3A_844, %broadcast_in_dim3A_826] : memref<64x128xf32, #tpu.memory_space<vmem>>[vector<16xi32>, vector<16xi32>], vector<16xf32>,
      %add3A_851 = arith.constant 16 : i32
      %add3A_852 = vector.broadcast %add3A_851 : i32 to vector<16xi32>
      %add3A_853 = arith.addi %iota3A, %add3A_852 : vector<16xi32>
      tpu.vector_store_idx %arg7[%add3A_853, %broadcast_in_dim3A_829], %gather3A_850 : memref<64x256xf32, #tpu.memory_space<vmem>>[vector<16xi32>, vector<16xi32>], vector<16xf32>,
      %add3A_854 = arith.constant 32 : i32
      %add3A_855 = vector.broadcast %add3A_854 : i32 to vector<16xi32>
      %add3A_856 = arith.addi %iota3A, %add3A_855 : vector<16xi32>
      %gather3A_857 = arith.constant 3 : i32
      %gather3A_858 = arith.constant 0 : i32
      %gather3A_859 = arith.constant 0 : i32
      %gather3A_860 = tpu.memref_slice %arg6[%gather3A_857, %gather3A_858, %gather3A_859] : memref<4x64x128xf32, #tpu.memory_space<vmem>> -> memref<1x64x128xf32, #tpu.memory_space<vmem>>
      %gather3A_861 = tpu.memref_squeeze %gather3A_860 : memref<1x64x128xf32, #tpu.memory_space<vmem>> -> memref<64x128xf32, #tpu.memory_space<vmem>>
      %gather3A_862 = tpu.vector_load_idx %gather3A_861[%add3A_856, %broadcast_in_dim3A_826] : memref<64x128xf32, #tpu.memory_space<vmem>>[vector<16xi32>, vector<16xi32>], vector<16xf32>,
      %add3A_863 = arith.constant 32 : i32
      %add3A_864 = vector.broadcast %add3A_863 : i32 to vector<16xi32>
      %add3A_865 = arith.addi %iota3A, %add3A_864 : vector<16xi32>
      tpu.vector_store_idx %arg7[%add3A_865, %broadcast_in_dim3A_829], %gather3A_862 : memref<64x256xf32, #tpu.memory_space<vmem>>[vector<16xi32>, vector<16xi32>], vector<16xf32>,
      %add3A_866 = arith.constant 48 : i32
      %add3A_867 = vector.broadcast %add3A_866 : i32 to vector<16xi32>
      %add3A_868 = arith.addi %iota3A, %add3A_867 : vector<16xi32>
      %gather3A_869 = arith.constant 3 : i32
      %gather3A_870 = arith.constant 0 : i32
      %gather3A_871 = arith.constant 0 : i32
      %gather3A_872 = tpu.memref_slice %arg6[%gather3A_869, %gather3A_870, %gather3A_871] : memref<4x64x128xf32, #tpu.memory_space<vmem>> -> memref<1x64x128xf32, #tpu.memory_space<vmem>>
      %gather3A_873 = tpu.memref_squeeze %gather3A_872 : memref<1x64x128xf32, #tpu.memory_space<vmem>> -> memref<64x128xf32, #tpu.memory_space<vmem>>
      %gather3A_874 = tpu.vector_load_idx %gather3A_873[%add3A_868, %broadcast_in_dim3A_826] : memref<64x128xf32, #tpu.memory_space<vmem>>[vector<16xi32>, vector<16xi32>], vector<16xf32>,
      %add3A_875 = arith.constant 48 : i32
      %add3A_876 = vector.broadcast %add3A_875 : i32 to vector<16xi32>
      %add3A_877 = arith.addi %iota3A, %add3A_876 : vector<16xi32>
      tpu.vector_store_idx %arg7[%add3A_877, %broadcast_in_dim3A_829], %gather3A_874 : memref<64x256xf32, #tpu.memory_space<vmem>>[vector<16xi32>, vector<16xi32>], vector<16xf32>,
      %slice3A_878 = vector.extract_strided_slice %get3A_208 {offsets = [11], sizes = [1], strides = [1]} : vector<16xi32> to vector<1xi32>
      %squeeze3A_879 = vector.extract %slice3A_878[0] : i32 from vector<1xi32>
      %add3A_880 = arith.constant 7 : i32
      %add3A_881 = arith.addi %add3A_204, %add3A_880 : i32
      %add3A_882 = arith.constant 4 : i32
      %add3A_883 = arith.addi %add3A_881, %add3A_882 : i32
      %lt3A_884 = arith.constant 256 : i32
      %lt3A_885 = arith.cmpi slt, %add3A_883, %lt3A_884 : i32
      %convert_element_type3A_886 = arith.extui %lt3A_885 : i1 to i32
      %cond3A_887 = arith.constant 0 : i32
      %cond3A_888 = arith.cmpi ne, %convert_element_type3A_886, %cond3A_887 : i32
      scf.if %cond3A_888 {
        %shift_right_arithmetic3A_1569 = arith.constant 7 : i32
        %shift_right_arithmetic3A_1570 = arith.shrsi %squeeze3A_879, %shift_right_arithmetic3A_1569 : i32
        %mul3A_1571 = arith.constant 128 : i32
        %mul3A_1572 = arith.muli %shift_right_arithmetic3A_1570, %mul3A_1571 : i32
        %multiple_of3A_1573 = tpu.assume_multiple %mul3A_1572, 128 : i32
        %dma_start3A_1574 = arith.constant 3 : i32
        %dma_start3A_1575 = arith.constant 3 : i32
        %dma_start3A_1576 = arith.constant 0 : i32
        %dma_start3A_1577 = arith.constant 0 : i32
        %dma_start3A_1578 = tpu.memref_slice %arg6[%dma_start3A_1574, %dma_start3A_1576, %dma_start3A_1577] : memref<4x64x128xf32, #tpu.memory_space<vmem>> -> memref<1x64x128xf32, #tpu.memory_space<vmem>>
        %dma_start3A_1579 = tpu.memref_squeeze %dma_start3A_1578 : memref<1x64x128xf32, #tpu.memory_space<vmem>> -> memref<64x128xf32, #tpu.memory_space<vmem>>
        %dma_start3A_1580 = arith.constant 0 : i32
        %dma_start3A_1581 = tpu.memref_slice %arg2[%dma_start3A_1580, %multiple_of3A_1573] : memref<64x1000000xf32, #tpu.memory_space<hbm>> -> memref<64x128xf32, #tpu.memory_space<hbm>>
        %dma_start3A_1582 = tpu.memref_slice %arg8[%dma_start3A_1575] : memref<4x!tpu.dma_semaphore, #tpu.memory_space<semaphore_mem>> -> memref<1x!tpu.dma_semaphore, #tpu.memory_space<semaphore_mem>>
        %dma_start3A_1583 = tpu.memref_squeeze %dma_start3A_1582 : memref<1x!tpu.dma_semaphore, #tpu.memory_space<semaphore_mem>> -> memref<!tpu.dma_semaphore, #tpu.memory_space<semaphore_mem>>
        %dma_start3A_1584 = arith.constant 0 : i32
        %dma_start3A_1585 = arith.constant 0 : i32
        %dma_start3A_1586 = tpu.memref_slice %arg6[%dma_start3A_1574, %dma_start3A_1584, %dma_start3A_1585] : memref<4x64x128xf32, #tpu.memory_space<vmem>> -> memref<1x64x128xf32, #tpu.memory_space<vmem>>
        %dma_start3A_1587 = tpu.memref_squeeze %dma_start3A_1586 : memref<1x64x128xf32, #tpu.memory_space<vmem>> -> memref<64x128xf32, #tpu.memory_space<vmem>>
        %dma_start3A_1588 = arith.constant 0 : i32
        %dma_start3A_1589 = tpu.memref_slice %arg2[%dma_start3A_1588, %multiple_of3A_1573] : memref<64x1000000xf32, #tpu.memory_space<hbm>> -> memref<64x128xf32, #tpu.memory_space<hbm>>
        tpu.enqueue_dma source(%dma_start3A_1589 : memref<64x128xf32, #tpu.memory_space<hbm>>) target(%dma_start3A_1587 : memref<64x128xf32, #tpu.memory_space<vmem>>) target_semaphore(%dma_start3A_1583 : memref<!tpu.dma_semaphore, #tpu.memory_space<semaphore_mem>>)
      } else {
      }
      %dma_wait3A_889 = arith.constant 0 : i32
      %dma_wait3A_890 = arith.constant 0 : i32
      %dma_wait3A_891 = arith.constant 0 : i32
      %dma_wait3A_892 = arith.constant 0 : i32
      %dma_wait3A_893 = tpu.memref_slice %arg6[%dma_wait3A_889, %dma_wait3A_891, %dma_wait3A_892] : memref<4x64x128xf32, #tpu.memory_space<vmem>> -> memref<1x64x128xf32, #tpu.memory_space<vmem>>
      %dma_wait3A_894 = tpu.memref_squeeze %dma_wait3A_893 : memref<1x64x128xf32, #tpu.memory_space<vmem>> -> memref<64x128xf32, #tpu.memory_space<vmem>>
      %dma_wait3A_895 = arith.constant 0 : i32
      %dma_wait3A_896 = arith.constant 0 : i32
      %dma_wait3A_897 = tpu.memref_slice %arg2[%dma_wait3A_895, %dma_wait3A_896] : memref<64x1000000xf32, #tpu.memory_space<hbm>> -> memref<64x128xf32, #tpu.memory_space<hbm>>
      %dma_wait3A_898 = tpu.memref_slice %arg8[%dma_wait3A_890] : memref<4x!tpu.dma_semaphore, #tpu.memory_space<semaphore_mem>> -> memref<1x!tpu.dma_semaphore, #tpu.memory_space<semaphore_mem>>
      %dma_wait3A_899 = tpu.memref_squeeze %dma_wait3A_898 : memref<1x!tpu.dma_semaphore, #tpu.memory_space<semaphore_mem>> -> memref<!tpu.dma_semaphore, #tpu.memory_space<semaphore_mem>>
      %dma_wait3A_900 = arith.constant 0 : i32
      %dma_wait3A_901 = arith.constant 0 : i32
      %dma_wait3A_902 = tpu.memref_slice %arg6[%dma_wait3A_889, %dma_wait3A_900, %dma_wait3A_901] : memref<4x64x128xf32, #tpu.memory_space<vmem>> -> memref<1x64x128xf32, #tpu.memory_space<vmem>>
      %dma_wait3A_903 = tpu.memref_squeeze %dma_wait3A_902 : memref<1x64x128xf32, #tpu.memory_space<vmem>> -> memref<64x128xf32, #tpu.memory_space<vmem>>
      %dma_wait3A_904 = arith.constant 0 : i32
      %dma_wait3A_905 = arith.constant 0 : i32
      %dma_wait3A_906 = tpu.memref_slice %arg2[%dma_wait3A_904, %dma_wait3A_905] : memref<64x1000000xf32, #tpu.memory_space<hbm>> -> memref<64x128xf32, #tpu.memory_space<hbm>>
      tpu.wait_dma2 semaphore(%dma_wait3A_899 : memref<!tpu.dma_semaphore, #tpu.memory_space<semaphore_mem>>) src(%dma_wait3A_906 : memref<64x128xf32, #tpu.memory_space<hbm>>) dst(%dma_wait3A_903 : memref<64x128xf32, #tpu.memory_space<vmem>>)
      %slice3A_907 = vector.extract_strided_slice %get3A_208 {offsets = [8], sizes = [1], strides = [1]} : vector<16xi32> to vector<1xi32>
      %squeeze3A_908 = vector.extract %slice3A_907[0] : i32 from vector<1xi32>
      %and3A_909 = arith.constant 127 : i32
      %and3A_910 = arith.andi %squeeze3A_908, %and3A_909 : i32
      %broadcast_in_dim3A_911 = vector.broadcast %and3A_910 : i32 to vector<16xi32>
      %add3A_912 = arith.constant 8 : i32
      %add3A_913 = arith.addi %add3A_204, %add3A_912 : i32
      %broadcast_in_dim3A_914 = vector.broadcast %add3A_913 : i32 to vector<16xi32>
      %add3A_915 = arith.constant 0 : i32
      %add3A_916 = vector.broadcast %add3A_915 : i32 to vector<16xi32>
      %add3A_917 = arith.addi %iota3A, %add3A_916 : vector<16xi32>
      %gather3A_918 = arith.constant 0 : i32
      %gather3A_919 = arith.constant 0 : i32
      %gather3A_920 = arith.constant 0 : i32
      %gather3A_921 = tpu.memref_slice %arg6[%gather3A_918, %gather3A_919, %gather3A_920] : memref<4x64x128xf32, #tpu.memory_space<vmem>> -> memref<1x64x128xf32, #tpu.memory_space<vmem>>
      %gather3A_922 = tpu.memref_squeeze %gather3A_921 : memref<1x64x128xf32, #tpu.memory_space<vmem>> -> memref<64x128xf32, #tpu.memory_space<vmem>>
      %gather3A_923 = tpu.vector_load_idx %gather3A_922[%add3A_917, %broadcast_in_dim3A_911] : memref<64x128xf32, #tpu.memory_space<vmem>>[vector<16xi32>, vector<16xi32>], vector<16xf32>,
      %add3A_924 = arith.constant 0 : i32
      %add3A_925 = vector.broadcast %add3A_924 : i32 to vector<16xi32>
      %add3A_926 = arith.addi %iota3A, %add3A_925 : vector<16xi32>
      tpu.vector_store_idx %arg7[%add3A_926, %broadcast_in_dim3A_914], %gather3A_923 : memref<64x256xf32, #tpu.memory_space<vmem>>[vector<16xi32>, vector<16xi32>], vector<16xf32>,
      %add3A_927 = arith.constant 16 : i32
      %add3A_928 = vector.broadcast %add3A_927 : i32 to vector<16xi32>
      %add3A_929 = arith.addi %iota3A, %add3A_928 : vector<16xi32>
      %gather3A_930 = arith.constant 0 : i32
      %gather3A_931 = arith.constant 0 : i32
      %gather3A_932 = arith.constant 0 : i32
      %gather3A_933 = tpu.memref_slice %arg6[%gather3A_930, %gather3A_931, %gather3A_932] : memref<4x64x128xf32, #tpu.memory_space<vmem>> -> memref<1x64x128xf32, #tpu.memory_space<vmem>>
      %gather3A_934 = tpu.memref_squeeze %gather3A_933 : memref<1x64x128xf32, #tpu.memory_space<vmem>> -> memref<64x128xf32, #tpu.memory_space<vmem>>
      %gather3A_935 = tpu.vector_load_idx %gather3A_934[%add3A_929, %broadcast_in_dim3A_911] : memref<64x128xf32, #tpu.memory_space<vmem>>[vector<16xi32>, vector<16xi32>], vector<16xf32>,
      %add3A_936 = arith.constant 16 : i32
      %add3A_937 = vector.broadcast %add3A_936 : i32 to vector<16xi32>
      %add3A_938 = arith.addi %iota3A, %add3A_937 : vector<16xi32>
      tpu.vector_store_idx %arg7[%add3A_938, %broadcast_in_dim3A_914], %gather3A_935 : memref<64x256xf32, #tpu.memory_space<vmem>>[vector<16xi32>, vector<16xi32>], vector<16xf32>,
      %add3A_939 = arith.constant 32 : i32
      %add3A_940 = vector.broadcast %add3A_939 : i32 to vector<16xi32>
      %add3A_941 = arith.addi %iota3A, %add3A_940 : vector<16xi32>
      %gather3A_942 = arith.constant 0 : i32
      %gather3A_943 = arith.constant 0 : i32
      %gather3A_944 = arith.constant 0 : i32
      %gather3A_945 = tpu.memref_slice %arg6[%gather3A_942, %gather3A_943, %gather3A_944] : memref<4x64x128xf32, #tpu.memory_space<vmem>> -> memref<1x64x128xf32, #tpu.memory_space<vmem>>
      %gather3A_946 = tpu.memref_squeeze %gather3A_945 : memref<1x64x128xf32, #tpu.memory_space<vmem>> -> memref<64x128xf32, #tpu.memory_space<vmem>>
      %gather3A_947 = tpu.vector_load_idx %gather3A_946[%add3A_941, %broadcast_in_dim3A_911] : memref<64x128xf32, #tpu.memory_space<vmem>>[vector<16xi32>, vector<16xi32>], vector<16xf32>,
      %add3A_948 = arith.constant 32 : i32
      %add3A_949 = vector.broadcast %add3A_948 : i32 to vector<16xi32>
      %add3A_950 = arith.addi %iota3A, %add3A_949 : vector<16xi32>
      tpu.vector_store_idx %arg7[%add3A_950, %broadcast_in_dim3A_914], %gather3A_947 : memref<64x256xf32, #tpu.memory_space<vmem>>[vector<16xi32>, vector<16xi32>], vector<16xf32>,
      %add3A_951 = arith.constant 48 : i32
      %add3A_952 = vector.broadcast %add3A_951 : i32 to vector<16xi32>
      %add3A_953 = arith.addi %iota3A, %add3A_952 : vector<16xi32>
      %gather3A_954 = arith.constant 0 : i32
      %gather3A_955 = arith.constant 0 : i32
      %gather3A_956 = arith.constant 0 : i32
      %gather3A_957 = tpu.memref_slice %arg6[%gather3A_954, %gather3A_955, %gather3A_956] : memref<4x64x128xf32, #tpu.memory_space<vmem>> -> memref<1x64x128xf32, #tpu.memory_space<vmem>>
      %gather3A_958 = tpu.memref_squeeze %gather3A_957 : memref<1x64x128xf32, #tpu.memory_space<vmem>> -> memref<64x128xf32, #tpu.memory_space<vmem>>
      %gather3A_959 = tpu.vector_load_idx %gather3A_958[%add3A_953, %broadcast_in_dim3A_911] : memref<64x128xf32, #tpu.memory_space<vmem>>[vector<16xi32>, vector<16xi32>], vector<16xf32>,
      %add3A_960 = arith.constant 48 : i32
      %add3A_961 = vector.broadcast %add3A_960 : i32 to vector<16xi32>
      %add3A_962 = arith.addi %iota3A, %add3A_961 : vector<16xi32>
      tpu.vector_store_idx %arg7[%add3A_962, %broadcast_in_dim3A_914], %gather3A_959 : memref<64x256xf32, #tpu.memory_space<vmem>>[vector<16xi32>, vector<16xi32>], vector<16xf32>,
      %slice3A_963 = vector.extract_strided_slice %get3A_208 {offsets = [12], sizes = [1], strides = [1]} : vector<16xi32> to vector<1xi32>
      %squeeze3A_964 = vector.extract %slice3A_963[0] : i32 from vector<1xi32>
      %add3A_965 = arith.constant 8 : i32
      %add3A_966 = arith.addi %add3A_204, %add3A_965 : i32
      %add3A_967 = arith.constant 4 : i32
      %add3A_968 = arith.addi %add3A_966, %add3A_967 : i32
      %lt3A_969 = arith.constant 256 : i32
      %lt3A_970 = arith.cmpi slt, %add3A_968, %lt3A_969 : i32
      %convert_element_type3A_971 = arith.extui %lt3A_970 : i1 to i32
      %cond3A_972 = arith.constant 0 : i32
      %cond3A_973 = arith.cmpi ne, %convert_element_type3A_971, %cond3A_972 : i32
      scf.if %cond3A_973 {
        %shift_right_arithmetic3A_1569 = arith.constant 7 : i32
        %shift_right_arithmetic3A_1570 = arith.shrsi %squeeze3A_964, %shift_right_arithmetic3A_1569 : i32
        %mul3A_1571 = arith.constant 128 : i32
        %mul3A_1572 = arith.muli %shift_right_arithmetic3A_1570, %mul3A_1571 : i32
        %multiple_of3A_1573 = tpu.assume_multiple %mul3A_1572, 128 : i32
        %dma_start3A_1574 = arith.constant 0 : i32
        %dma_start3A_1575 = arith.constant 0 : i32
        %dma_start3A_1576 = arith.constant 0 : i32
        %dma_start3A_1577 = arith.constant 0 : i32
        %dma_start3A_1578 = tpu.memref_slice %arg6[%dma_start3A_1574, %dma_start3A_1576, %dma_start3A_1577] : memref<4x64x128xf32, #tpu.memory_space<vmem>> -> memref<1x64x128xf32, #tpu.memory_space<vmem>>
        %dma_start3A_1579 = tpu.memref_squeeze %dma_start3A_1578 : memref<1x64x128xf32, #tpu.memory_space<vmem>> -> memref<64x128xf32, #tpu.memory_space<vmem>>
        %dma_start3A_1580 = arith.constant 0 : i32
        %dma_start3A_1581 = tpu.memref_slice %arg2[%dma_start3A_1580, %multiple_of3A_1573] : memref<64x1000000xf32, #tpu.memory_space<hbm>> -> memref<64x128xf32, #tpu.memory_space<hbm>>
        %dma_start3A_1582 = tpu.memref_slice %arg8[%dma_start3A_1575] : memref<4x!tpu.dma_semaphore, #tpu.memory_space<semaphore_mem>> -> memref<1x!tpu.dma_semaphore, #tpu.memory_space<semaphore_mem>>
        %dma_start3A_1583 = tpu.memref_squeeze %dma_start3A_1582 : memref<1x!tpu.dma_semaphore, #tpu.memory_space<semaphore_mem>> -> memref<!tpu.dma_semaphore, #tpu.memory_space<semaphore_mem>>
        %dma_start3A_1584 = arith.constant 0 : i32
        %dma_start3A_1585 = arith.constant 0 : i32
        %dma_start3A_1586 = tpu.memref_slice %arg6[%dma_start3A_1574, %dma_start3A_1584, %dma_start3A_1585] : memref<4x64x128xf32, #tpu.memory_space<vmem>> -> memref<1x64x128xf32, #tpu.memory_space<vmem>>
        %dma_start3A_1587 = tpu.memref_squeeze %dma_start3A_1586 : memref<1x64x128xf32, #tpu.memory_space<vmem>> -> memref<64x128xf32, #tpu.memory_space<vmem>>
        %dma_start3A_1588 = arith.constant 0 : i32
        %dma_start3A_1589 = tpu.memref_slice %arg2[%dma_start3A_1588, %multiple_of3A_1573] : memref<64x1000000xf32, #tpu.memory_space<hbm>> -> memref<64x128xf32, #tpu.memory_space<hbm>>
        tpu.enqueue_dma source(%dma_start3A_1589 : memref<64x128xf32, #tpu.memory_space<hbm>>) target(%dma_start3A_1587 : memref<64x128xf32, #tpu.memory_space<vmem>>) target_semaphore(%dma_start3A_1583 : memref<!tpu.dma_semaphore, #tpu.memory_space<semaphore_mem>>)
      } else {
      }
      %dma_wait3A_974 = arith.constant 1 : i32
      %dma_wait3A_975 = arith.constant 1 : i32
      %dma_wait3A_976 = arith.constant 0 : i32
      %dma_wait3A_977 = arith.constant 0 : i32
      %dma_wait3A_978 = tpu.memref_slice %arg6[%dma_wait3A_974, %dma_wait3A_976, %dma_wait3A_977] : memref<4x64x128xf32, #tpu.memory_space<vmem>> -> memref<1x64x128xf32, #tpu.memory_space<vmem>>
      %dma_wait3A_979 = tpu.memref_squeeze %dma_wait3A_978 : memref<1x64x128xf32, #tpu.memory_space<vmem>> -> memref<64x128xf32, #tpu.memory_space<vmem>>
      %dma_wait3A_980 = arith.constant 0 : i32
      %dma_wait3A_981 = arith.constant 0 : i32
      %dma_wait3A_982 = tpu.memref_slice %arg2[%dma_wait3A_980, %dma_wait3A_981] : memref<64x1000000xf32, #tpu.memory_space<hbm>> -> memref<64x128xf32, #tpu.memory_space<hbm>>
      %dma_wait3A_983 = tpu.memref_slice %arg8[%dma_wait3A_975] : memref<4x!tpu.dma_semaphore, #tpu.memory_space<semaphore_mem>> -> memref<1x!tpu.dma_semaphore, #tpu.memory_space<semaphore_mem>>
      %dma_wait3A_984 = tpu.memref_squeeze %dma_wait3A_983 : memref<1x!tpu.dma_semaphore, #tpu.memory_space<semaphore_mem>> -> memref<!tpu.dma_semaphore, #tpu.memory_space<semaphore_mem>>
      %dma_wait3A_985 = arith.constant 0 : i32
      %dma_wait3A_986 = arith.constant 0 : i32
      %dma_wait3A_987 = tpu.memref_slice %arg6[%dma_wait3A_974, %dma_wait3A_985, %dma_wait3A_986] : memref<4x64x128xf32, #tpu.memory_space<vmem>> -> memref<1x64x128xf32, #tpu.memory_space<vmem>>
      %dma_wait3A_988 = tpu.memref_squeeze %dma_wait3A_987 : memref<1x64x128xf32, #tpu.memory_space<vmem>> -> memref<64x128xf32, #tpu.memory_space<vmem>>
      %dma_wait3A_989 = arith.constant 0 : i32
      %dma_wait3A_990 = arith.constant 0 : i32
      %dma_wait3A_991 = tpu.memref_slice %arg2[%dma_wait3A_989, %dma_wait3A_990] : memref<64x1000000xf32, #tpu.memory_space<hbm>> -> memref<64x128xf32, #tpu.memory_space<hbm>>
      tpu.wait_dma2 semaphore(%dma_wait3A_984 : memref<!tpu.dma_semaphore, #tpu.memory_space<semaphore_mem>>) src(%dma_wait3A_991 : memref<64x128xf32, #tpu.memory_space<hbm>>) dst(%dma_wait3A_988 : memref<64x128xf32, #tpu.memory_space<vmem>>)
      %slice3A_992 = vector.extract_strided_slice %get3A_208 {offsets = [9], sizes = [1], strides = [1]} : vector<16xi32> to vector<1xi32>
      %squeeze3A_993 = vector.extract %slice3A_992[0] : i32 from vector<1xi32>
      %and3A_994 = arith.constant 127 : i32
      %and3A_995 = arith.andi %squeeze3A_993, %and3A_994 : i32
      %broadcast_in_dim3A_996 = vector.broadcast %and3A_995 : i32 to vector<16xi32>
      %add3A_997 = arith.constant 9 : i32
      %add3A_998 = arith.addi %add3A_204, %add3A_997 : i32
      %broadcast_in_dim3A_999 = vector.broadcast %add3A_998 : i32 to vector<16xi32>
      %add3A_1000 = arith.constant 0 : i32
      %add3A_1001 = vector.broadcast %add3A_1000 : i32 to vector<16xi32>
      %add3A_1002 = arith.addi %iota3A, %add3A_1001 : vector<16xi32>
      %gather3A_1003 = arith.constant 1 : i32
      %gather3A_1004 = arith.constant 0 : i32
      %gather3A_1005 = arith.constant 0 : i32
      %gather3A_1006 = tpu.memref_slice %arg6[%gather3A_1003, %gather3A_1004, %gather3A_1005] : memref<4x64x128xf32, #tpu.memory_space<vmem>> -> memref<1x64x128xf32, #tpu.memory_space<vmem>>
      %gather3A_1007 = tpu.memref_squeeze %gather3A_1006 : memref<1x64x128xf32, #tpu.memory_space<vmem>> -> memref<64x128xf32, #tpu.memory_space<vmem>>
      %gather3A_1008 = tpu.vector_load_idx %gather3A_1007[%add3A_1002, %broadcast_in_dim3A_996] : memref<64x128xf32, #tpu.memory_space<vmem>>[vector<16xi32>, vector<16xi32>], vector<16xf32>,
      %add3A_1009 = arith.constant 0 : i32
      %add3A_1010 = vector.broadcast %add3A_1009 : i32 to vector<16xi32>
      %add3A_1011 = arith.addi %iota3A, %add3A_1010 : vector<16xi32>
      tpu.vector_store_idx %arg7[%add3A_1011, %broadcast_in_dim3A_999], %gather3A_1008 : memref<64x256xf32, #tpu.memory_space<vmem>>[vector<16xi32>, vector<16xi32>], vector<16xf32>,
      %add3A_1012 = arith.constant 16 : i32
      %add3A_1013 = vector.broadcast %add3A_1012 : i32 to vector<16xi32>
      %add3A_1014 = arith.addi %iota3A, %add3A_1013 : vector<16xi32>
      %gather3A_1015 = arith.constant 1 : i32
      %gather3A_1016 = arith.constant 0 : i32
      %gather3A_1017 = arith.constant 0 : i32
      %gather3A_1018 = tpu.memref_slice %arg6[%gather3A_1015, %gather3A_1016, %gather3A_1017] : memref<4x64x128xf32, #tpu.memory_space<vmem>> -> memref<1x64x128xf32, #tpu.memory_space<vmem>>
      %gather3A_1019 = tpu.memref_squeeze %gather3A_1018 : memref<1x64x128xf32, #tpu.memory_space<vmem>> -> memref<64x128xf32, #tpu.memory_space<vmem>>
      %gather3A_1020 = tpu.vector_load_idx %gather3A_1019[%add3A_1014, %broadcast_in_dim3A_996] : memref<64x128xf32, #tpu.memory_space<vmem>>[vector<16xi32>, vector<16xi32>], vector<16xf32>,
      %add3A_1021 = arith.constant 16 : i32
      %add3A_1022 = vector.broadcast %add3A_1021 : i32 to vector<16xi32>
      %add3A_1023 = arith.addi %iota3A, %add3A_1022 : vector<16xi32>
      tpu.vector_store_idx %arg7[%add3A_1023, %broadcast_in_dim3A_999], %gather3A_1020 : memref<64x256xf32, #tpu.memory_space<vmem>>[vector<16xi32>, vector<16xi32>], vector<16xf32>,
      %add3A_1024 = arith.constant 32 : i32
      %add3A_1025 = vector.broadcast %add3A_1024 : i32 to vector<16xi32>
      %add3A_1026 = arith.addi %iota3A, %add3A_1025 : vector<16xi32>
      %gather3A_1027 = arith.constant 1 : i32
      %gather3A_1028 = arith.constant 0 : i32
      %gather3A_1029 = arith.constant 0 : i32
      %gather3A_1030 = tpu.memref_slice %arg6[%gather3A_1027, %gather3A_1028, %gather3A_1029] : memref<4x64x128xf32, #tpu.memory_space<vmem>> -> memref<1x64x128xf32, #tpu.memory_space<vmem>>
      %gather3A_1031 = tpu.memref_squeeze %gather3A_1030 : memref<1x64x128xf32, #tpu.memory_space<vmem>> -> memref<64x128xf32, #tpu.memory_space<vmem>>
      %gather3A_1032 = tpu.vector_load_idx %gather3A_1031[%add3A_1026, %broadcast_in_dim3A_996] : memref<64x128xf32, #tpu.memory_space<vmem>>[vector<16xi32>, vector<16xi32>], vector<16xf32>,
      %add3A_1033 = arith.constant 32 : i32
      %add3A_1034 = vector.broadcast %add3A_1033 : i32 to vector<16xi32>
      %add3A_1035 = arith.addi %iota3A, %add3A_1034 : vector<16xi32>
      tpu.vector_store_idx %arg7[%add3A_1035, %broadcast_in_dim3A_999], %gather3A_1032 : memref<64x256xf32, #tpu.memory_space<vmem>>[vector<16xi32>, vector<16xi32>], vector<16xf32>,
      %add3A_1036 = arith.constant 48 : i32
      %add3A_1037 = vector.broadcast %add3A_1036 : i32 to vector<16xi32>
      %add3A_1038 = arith.addi %iota3A, %add3A_1037 : vector<16xi32>
      %gather3A_1039 = arith.constant 1 : i32
      %gather3A_1040 = arith.constant 0 : i32
      %gather3A_1041 = arith.constant 0 : i32
      %gather3A_1042 = tpu.memref_slice %arg6[%gather3A_1039, %gather3A_1040, %gather3A_1041] : memref<4x64x128xf32, #tpu.memory_space<vmem>> -> memref<1x64x128xf32, #tpu.memory_space<vmem>>
      %gather3A_1043 = tpu.memref_squeeze %gather3A_1042 : memref<1x64x128xf32, #tpu.memory_space<vmem>> -> memref<64x128xf32, #tpu.memory_space<vmem>>
      %gather3A_1044 = tpu.vector_load_idx %gather3A_1043[%add3A_1038, %broadcast_in_dim3A_996] : memref<64x128xf32, #tpu.memory_space<vmem>>[vector<16xi32>, vector<16xi32>], vector<16xf32>,
      %add3A_1045 = arith.constant 48 : i32
      %add3A_1046 = vector.broadcast %add3A_1045 : i32 to vector<16xi32>
      %add3A_1047 = arith.addi %iota3A, %add3A_1046 : vector<16xi32>
      tpu.vector_store_idx %arg7[%add3A_1047, %broadcast_in_dim3A_999], %gather3A_1044 : memref<64x256xf32, #tpu.memory_space<vmem>>[vector<16xi32>, vector<16xi32>], vector<16xf32>,
      %slice3A_1048 = vector.extract_strided_slice %get3A_208 {offsets = [13], sizes = [1], strides = [1]} : vector<16xi32> to vector<1xi32>
      %squeeze3A_1049 = vector.extract %slice3A_1048[0] : i32 from vector<1xi32>
      %add3A_1050 = arith.constant 9 : i32
      %add3A_1051 = arith.addi %add3A_204, %add3A_1050 : i32
      %add3A_1052 = arith.constant 4 : i32
      %add3A_1053 = arith.addi %add3A_1051, %add3A_1052 : i32
      %lt3A_1054 = arith.constant 256 : i32
      %lt3A_1055 = arith.cmpi slt, %add3A_1053, %lt3A_1054 : i32
      %convert_element_type3A_1056 = arith.extui %lt3A_1055 : i1 to i32
      %cond3A_1057 = arith.constant 0 : i32
      %cond3A_1058 = arith.cmpi ne, %convert_element_type3A_1056, %cond3A_1057 : i32
      scf.if %cond3A_1058 {
        %shift_right_arithmetic3A_1569 = arith.constant 7 : i32
        %shift_right_arithmetic3A_1570 = arith.shrsi %squeeze3A_1049, %shift_right_arithmetic3A_1569 : i32
        %mul3A_1571 = arith.constant 128 : i32
        %mul3A_1572 = arith.muli %shift_right_arithmetic3A_1570, %mul3A_1571 : i32
        %multiple_of3A_1573 = tpu.assume_multiple %mul3A_1572, 128 : i32
        %dma_start3A_1574 = arith.constant 1 : i32
        %dma_start3A_1575 = arith.constant 1 : i32
        %dma_start3A_1576 = arith.constant 0 : i32
        %dma_start3A_1577 = arith.constant 0 : i32
        %dma_start3A_1578 = tpu.memref_slice %arg6[%dma_start3A_1574, %dma_start3A_1576, %dma_start3A_1577] : memref<4x64x128xf32, #tpu.memory_space<vmem>> -> memref<1x64x128xf32, #tpu.memory_space<vmem>>
        %dma_start3A_1579 = tpu.memref_squeeze %dma_start3A_1578 : memref<1x64x128xf32, #tpu.memory_space<vmem>> -> memref<64x128xf32, #tpu.memory_space<vmem>>
        %dma_start3A_1580 = arith.constant 0 : i32
        %dma_start3A_1581 = tpu.memref_slice %arg2[%dma_start3A_1580, %multiple_of3A_1573] : memref<64x1000000xf32, #tpu.memory_space<hbm>> -> memref<64x128xf32, #tpu.memory_space<hbm>>
        %dma_start3A_1582 = tpu.memref_slice %arg8[%dma_start3A_1575] : memref<4x!tpu.dma_semaphore, #tpu.memory_space<semaphore_mem>> -> memref<1x!tpu.dma_semaphore, #tpu.memory_space<semaphore_mem>>
        %dma_start3A_1583 = tpu.memref_squeeze %dma_start3A_1582 : memref<1x!tpu.dma_semaphore, #tpu.memory_space<semaphore_mem>> -> memref<!tpu.dma_semaphore, #tpu.memory_space<semaphore_mem>>
        %dma_start3A_1584 = arith.constant 0 : i32
        %dma_start3A_1585 = arith.constant 0 : i32
        %dma_start3A_1586 = tpu.memref_slice %arg6[%dma_start3A_1574, %dma_start3A_1584, %dma_start3A_1585] : memref<4x64x128xf32, #tpu.memory_space<vmem>> -> memref<1x64x128xf32, #tpu.memory_space<vmem>>
        %dma_start3A_1587 = tpu.memref_squeeze %dma_start3A_1586 : memref<1x64x128xf32, #tpu.memory_space<vmem>> -> memref<64x128xf32, #tpu.memory_space<vmem>>
        %dma_start3A_1588 = arith.constant 0 : i32
        %dma_start3A_1589 = tpu.memref_slice %arg2[%dma_start3A_1588, %multiple_of3A_1573] : memref<64x1000000xf32, #tpu.memory_space<hbm>> -> memref<64x128xf32, #tpu.memory_space<hbm>>
        tpu.enqueue_dma source(%dma_start3A_1589 : memref<64x128xf32, #tpu.memory_space<hbm>>) target(%dma_start3A_1587 : memref<64x128xf32, #tpu.memory_space<vmem>>) target_semaphore(%dma_start3A_1583 : memref<!tpu.dma_semaphore, #tpu.memory_space<semaphore_mem>>)
      } else {
      }
      %dma_wait3A_1059 = arith.constant 2 : i32
      %dma_wait3A_1060 = arith.constant 2 : i32
      %dma_wait3A_1061 = arith.constant 0 : i32
      %dma_wait3A_1062 = arith.constant 0 : i32
      %dma_wait3A_1063 = tpu.memref_slice %arg6[%dma_wait3A_1059, %dma_wait3A_1061, %dma_wait3A_1062] : memref<4x64x128xf32, #tpu.memory_space<vmem>> -> memref<1x64x128xf32, #tpu.memory_space<vmem>>
      %dma_wait3A_1064 = tpu.memref_squeeze %dma_wait3A_1063 : memref<1x64x128xf32, #tpu.memory_space<vmem>> -> memref<64x128xf32, #tpu.memory_space<vmem>>
      %dma_wait3A_1065 = arith.constant 0 : i32
      %dma_wait3A_1066 = arith.constant 0 : i32
      %dma_wait3A_1067 = tpu.memref_slice %arg2[%dma_wait3A_1065, %dma_wait3A_1066] : memref<64x1000000xf32, #tpu.memory_space<hbm>> -> memref<64x128xf32, #tpu.memory_space<hbm>>
      %dma_wait3A_1068 = tpu.memref_slice %arg8[%dma_wait3A_1060] : memref<4x!tpu.dma_semaphore, #tpu.memory_space<semaphore_mem>> -> memref<1x!tpu.dma_semaphore, #tpu.memory_space<semaphore_mem>>
      %dma_wait3A_1069 = tpu.memref_squeeze %dma_wait3A_1068 : memref<1x!tpu.dma_semaphore, #tpu.memory_space<semaphore_mem>> -> memref<!tpu.dma_semaphore, #tpu.memory_space<semaphore_mem>>
      %dma_wait3A_1070 = arith.constant 0 : i32
      %dma_wait3A_1071 = arith.constant 0 : i32
      %dma_wait3A_1072 = tpu.memref_slice %arg6[%dma_wait3A_1059, %dma_wait3A_1070, %dma_wait3A_1071] : memref<4x64x128xf32, #tpu.memory_space<vmem>> -> memref<1x64x128xf32, #tpu.memory_space<vmem>>
      %dma_wait3A_1073 = tpu.memref_squeeze %dma_wait3A_1072 : memref<1x64x128xf32, #tpu.memory_space<vmem>> -> memref<64x128xf32, #tpu.memory_space<vmem>>
      %dma_wait3A_1074 = arith.constant 0 : i32
      %dma_wait3A_1075 = arith.constant 0 : i32
      %dma_wait3A_1076 = tpu.memref_slice %arg2[%dma_wait3A_1074, %dma_wait3A_1075] : memref<64x1000000xf32, #tpu.memory_space<hbm>> -> memref<64x128xf32, #tpu.memory_space<hbm>>
      tpu.wait_dma2 semaphore(%dma_wait3A_1069 : memref<!tpu.dma_semaphore, #tpu.memory_space<semaphore_mem>>) src(%dma_wait3A_1076 : memref<64x128xf32, #tpu.memory_space<hbm>>) dst(%dma_wait3A_1073 : memref<64x128xf32, #tpu.memory_space<vmem>>)
      %slice3A_1077 = vector.extract_strided_slice %get3A_208 {offsets = [10], sizes = [1], strides = [1]} : vector<16xi32> to vector<1xi32>
      %squeeze3A_1078 = vector.extract %slice3A_1077[0] : i32 from vector<1xi32>
      %and3A_1079 = arith.constant 127 : i32
      %and3A_1080 = arith.andi %squeeze3A_1078, %and3A_1079 : i32
      %broadcast_in_dim3A_1081 = vector.broadcast %and3A_1080 : i32 to vector<16xi32>
      %add3A_1082 = arith.constant 10 : i32
      %add3A_1083 = arith.addi %add3A_204, %add3A_1082 : i32
      %broadcast_in_dim3A_1084 = vector.broadcast %add3A_1083 : i32 to vector<16xi32>
      %add3A_1085 = arith.constant 0 : i32
      %add3A_1086 = vector.broadcast %add3A_1085 : i32 to vector<16xi32>
      %add3A_1087 = arith.addi %iota3A, %add3A_1086 : vector<16xi32>
      %gather3A_1088 = arith.constant 2 : i32
      %gather3A_1089 = arith.constant 0 : i32
      %gather3A_1090 = arith.constant 0 : i32
      %gather3A_1091 = tpu.memref_slice %arg6[%gather3A_1088, %gather3A_1089, %gather3A_1090] : memref<4x64x128xf32, #tpu.memory_space<vmem>> -> memref<1x64x128xf32, #tpu.memory_space<vmem>>
      %gather3A_1092 = tpu.memref_squeeze %gather3A_1091 : memref<1x64x128xf32, #tpu.memory_space<vmem>> -> memref<64x128xf32, #tpu.memory_space<vmem>>
      %gather3A_1093 = tpu.vector_load_idx %gather3A_1092[%add3A_1087, %broadcast_in_dim3A_1081] : memref<64x128xf32, #tpu.memory_space<vmem>>[vector<16xi32>, vector<16xi32>], vector<16xf32>,
      %add3A_1094 = arith.constant 0 : i32
      %add3A_1095 = vector.broadcast %add3A_1094 : i32 to vector<16xi32>
      %add3A_1096 = arith.addi %iota3A, %add3A_1095 : vector<16xi32>
      tpu.vector_store_idx %arg7[%add3A_1096, %broadcast_in_dim3A_1084], %gather3A_1093 : memref<64x256xf32, #tpu.memory_space<vmem>>[vector<16xi32>, vector<16xi32>], vector<16xf32>,
      %add3A_1097 = arith.constant 16 : i32
      %add3A_1098 = vector.broadcast %add3A_1097 : i32 to vector<16xi32>
      %add3A_1099 = arith.addi %iota3A, %add3A_1098 : vector<16xi32>
      %gather3A_1100 = arith.constant 2 : i32
      %gather3A_1101 = arith.constant 0 : i32
      %gather3A_1102 = arith.constant 0 : i32
      %gather3A_1103 = tpu.memref_slice %arg6[%gather3A_1100, %gather3A_1101, %gather3A_1102] : memref<4x64x128xf32, #tpu.memory_space<vmem>> -> memref<1x64x128xf32, #tpu.memory_space<vmem>>
      %gather3A_1104 = tpu.memref_squeeze %gather3A_1103 : memref<1x64x128xf32, #tpu.memory_space<vmem>> -> memref<64x128xf32, #tpu.memory_space<vmem>>
      %gather3A_1105 = tpu.vector_load_idx %gather3A_1104[%add3A_1099, %broadcast_in_dim3A_1081] : memref<64x128xf32, #tpu.memory_space<vmem>>[vector<16xi32>, vector<16xi32>], vector<16xf32>,
      %add3A_1106 = arith.constant 16 : i32
      %add3A_1107 = vector.broadcast %add3A_1106 : i32 to vector<16xi32>
      %add3A_1108 = arith.addi %iota3A, %add3A_1107 : vector<16xi32>
      tpu.vector_store_idx %arg7[%add3A_1108, %broadcast_in_dim3A_1084], %gather3A_1105 : memref<64x256xf32, #tpu.memory_space<vmem>>[vector<16xi32>, vector<16xi32>], vector<16xf32>,
      %add3A_1109 = arith.constant 32 : i32
      %add3A_1110 = vector.broadcast %add3A_1109 : i32 to vector<16xi32>
      %add3A_1111 = arith.addi %iota3A, %add3A_1110 : vector<16xi32>
      %gather3A_1112 = arith.constant 2 : i32
      %gather3A_1113 = arith.constant 0 : i32
      %gather3A_1114 = arith.constant 0 : i32
      %gather3A_1115 = tpu.memref_slice %arg6[%gather3A_1112, %gather3A_1113, %gather3A_1114] : memref<4x64x128xf32, #tpu.memory_space<vmem>> -> memref<1x64x128xf32, #tpu.memory_space<vmem>>
      %gather3A_1116 = tpu.memref_squeeze %gather3A_1115 : memref<1x64x128xf32, #tpu.memory_space<vmem>> -> memref<64x128xf32, #tpu.memory_space<vmem>>
      %gather3A_1117 = tpu.vector_load_idx %gather3A_1116[%add3A_1111, %broadcast_in_dim3A_1081] : memref<64x128xf32, #tpu.memory_space<vmem>>[vector<16xi32>, vector<16xi32>], vector<16xf32>,
      %add3A_1118 = arith.constant 32 : i32
      %add3A_1119 = vector.broadcast %add3A_1118 : i32 to vector<16xi32>
      %add3A_1120 = arith.addi %iota3A, %add3A_1119 : vector<16xi32>
      tpu.vector_store_idx %arg7[%add3A_1120, %broadcast_in_dim3A_1084], %gather3A_1117 : memref<64x256xf32, #tpu.memory_space<vmem>>[vector<16xi32>, vector<16xi32>], vector<16xf32>,
      %add3A_1121 = arith.constant 48 : i32
      %add3A_1122 = vector.broadcast %add3A_1121 : i32 to vector<16xi32>
      %add3A_1123 = arith.addi %iota3A, %add3A_1122 : vector<16xi32>
      %gather3A_1124 = arith.constant 2 : i32
      %gather3A_1125 = arith.constant 0 : i32
      %gather3A_1126 = arith.constant 0 : i32
      %gather3A_1127 = tpu.memref_slice %arg6[%gather3A_1124, %gather3A_1125, %gather3A_1126] : memref<4x64x128xf32, #tpu.memory_space<vmem>> -> memref<1x64x128xf32, #tpu.memory_space<vmem>>
      %gather3A_1128 = tpu.memref_squeeze %gather3A_1127 : memref<1x64x128xf32, #tpu.memory_space<vmem>> -> memref<64x128xf32, #tpu.memory_space<vmem>>
      %gather3A_1129 = tpu.vector_load_idx %gather3A_1128[%add3A_1123, %broadcast_in_dim3A_1081] : memref<64x128xf32, #tpu.memory_space<vmem>>[vector<16xi32>, vector<16xi32>], vector<16xf32>,
      %add3A_1130 = arith.constant 48 : i32
      %add3A_1131 = vector.broadcast %add3A_1130 : i32 to vector<16xi32>
      %add3A_1132 = arith.addi %iota3A, %add3A_1131 : vector<16xi32>
      tpu.vector_store_idx %arg7[%add3A_1132, %broadcast_in_dim3A_1084], %gather3A_1129 : memref<64x256xf32, #tpu.memory_space<vmem>>[vector<16xi32>, vector<16xi32>], vector<16xf32>,
      %slice3A_1133 = vector.extract_strided_slice %get3A_208 {offsets = [14], sizes = [1], strides = [1]} : vector<16xi32> to vector<1xi32>
      %squeeze3A_1134 = vector.extract %slice3A_1133[0] : i32 from vector<1xi32>
      %add3A_1135 = arith.constant 10 : i32
      %add3A_1136 = arith.addi %add3A_204, %add3A_1135 : i32
      %add3A_1137 = arith.constant 4 : i32
      %add3A_1138 = arith.addi %add3A_1136, %add3A_1137 : i32
      %lt3A_1139 = arith.constant 256 : i32
      %lt3A_1140 = arith.cmpi slt, %add3A_1138, %lt3A_1139 : i32
      %convert_element_type3A_1141 = arith.extui %lt3A_1140 : i1 to i32
      %cond3A_1142 = arith.constant 0 : i32
      %cond3A_1143 = arith.cmpi ne, %convert_element_type3A_1141, %cond3A_1142 : i32
      scf.if %cond3A_1143 {
        %shift_right_arithmetic3A_1569 = arith.constant 7 : i32
        %shift_right_arithmetic3A_1570 = arith.shrsi %squeeze3A_1134, %shift_right_arithmetic3A_1569 : i32
        %mul3A_1571 = arith.constant 128 : i32
        %mul3A_1572 = arith.muli %shift_right_arithmetic3A_1570, %mul3A_1571 : i32
        %multiple_of3A_1573 = tpu.assume_multiple %mul3A_1572, 128 : i32
        %dma_start3A_1574 = arith.constant 2 : i32
        %dma_start3A_1575 = arith.constant 2 : i32
        %dma_start3A_1576 = arith.constant 0 : i32
        %dma_start3A_1577 = arith.constant 0 : i32
        %dma_start3A_1578 = tpu.memref_slice %arg6[%dma_start3A_1574, %dma_start3A_1576, %dma_start3A_1577] : memref<4x64x128xf32, #tpu.memory_space<vmem>> -> memref<1x64x128xf32, #tpu.memory_space<vmem>>
        %dma_start3A_1579 = tpu.memref_squeeze %dma_start3A_1578 : memref<1x64x128xf32, #tpu.memory_space<vmem>> -> memref<64x128xf32, #tpu.memory_space<vmem>>
        %dma_start3A_1580 = arith.constant 0 : i32
        %dma_start3A_1581 = tpu.memref_slice %arg2[%dma_start3A_1580, %multiple_of3A_1573] : memref<64x1000000xf32, #tpu.memory_space<hbm>> -> memref<64x128xf32, #tpu.memory_space<hbm>>
        %dma_start3A_1582 = tpu.memref_slice %arg8[%dma_start3A_1575] : memref<4x!tpu.dma_semaphore, #tpu.memory_space<semaphore_mem>> -> memref<1x!tpu.dma_semaphore, #tpu.memory_space<semaphore_mem>>
        %dma_start3A_1583 = tpu.memref_squeeze %dma_start3A_1582 : memref<1x!tpu.dma_semaphore, #tpu.memory_space<semaphore_mem>> -> memref<!tpu.dma_semaphore, #tpu.memory_space<semaphore_mem>>
        %dma_start3A_1584 = arith.constant 0 : i32
        %dma_start3A_1585 = arith.constant 0 : i32
        %dma_start3A_1586 = tpu.memref_slice %arg6[%dma_start3A_1574, %dma_start3A_1584, %dma_start3A_1585] : memref<4x64x128xf32, #tpu.memory_space<vmem>> -> memref<1x64x128xf32, #tpu.memory_space<vmem>>
        %dma_start3A_1587 = tpu.memref_squeeze %dma_start3A_1586 : memref<1x64x128xf32, #tpu.memory_space<vmem>> -> memref<64x128xf32, #tpu.memory_space<vmem>>
        %dma_start3A_1588 = arith.constant 0 : i32
        %dma_start3A_1589 = tpu.memref_slice %arg2[%dma_start3A_1588, %multiple_of3A_1573] : memref<64x1000000xf32, #tpu.memory_space<hbm>> -> memref<64x128xf32, #tpu.memory_space<hbm>>
        tpu.enqueue_dma source(%dma_start3A_1589 : memref<64x128xf32, #tpu.memory_space<hbm>>) target(%dma_start3A_1587 : memref<64x128xf32, #tpu.memory_space<vmem>>) target_semaphore(%dma_start3A_1583 : memref<!tpu.dma_semaphore, #tpu.memory_space<semaphore_mem>>)
      } else {
      }
      %dma_wait3A_1144 = arith.constant 3 : i32
      %dma_wait3A_1145 = arith.constant 3 : i32
      %dma_wait3A_1146 = arith.constant 0 : i32
      %dma_wait3A_1147 = arith.constant 0 : i32
      %dma_wait3A_1148 = tpu.memref_slice %arg6[%dma_wait3A_1144, %dma_wait3A_1146, %dma_wait3A_1147] : memref<4x64x128xf32, #tpu.memory_space<vmem>> -> memref<1x64x128xf32, #tpu.memory_space<vmem>>
      %dma_wait3A_1149 = tpu.memref_squeeze %dma_wait3A_1148 : memref<1x64x128xf32, #tpu.memory_space<vmem>> -> memref<64x128xf32, #tpu.memory_space<vmem>>
      %dma_wait3A_1150 = arith.constant 0 : i32
      %dma_wait3A_1151 = arith.constant 0 : i32
      %dma_wait3A_1152 = tpu.memref_slice %arg2[%dma_wait3A_1150, %dma_wait3A_1151] : memref<64x1000000xf32, #tpu.memory_space<hbm>> -> memref<64x128xf32, #tpu.memory_space<hbm>>
      %dma_wait3A_1153 = tpu.memref_slice %arg8[%dma_wait3A_1145] : memref<4x!tpu.dma_semaphore, #tpu.memory_space<semaphore_mem>> -> memref<1x!tpu.dma_semaphore, #tpu.memory_space<semaphore_mem>>
      %dma_wait3A_1154 = tpu.memref_squeeze %dma_wait3A_1153 : memref<1x!tpu.dma_semaphore, #tpu.memory_space<semaphore_mem>> -> memref<!tpu.dma_semaphore, #tpu.memory_space<semaphore_mem>>
      %dma_wait3A_1155 = arith.constant 0 : i32
      %dma_wait3A_1156 = arith.constant 0 : i32
      %dma_wait3A_1157 = tpu.memref_slice %arg6[%dma_wait3A_1144, %dma_wait3A_1155, %dma_wait3A_1156] : memref<4x64x128xf32, #tpu.memory_space<vmem>> -> memref<1x64x128xf32, #tpu.memory_space<vmem>>
      %dma_wait3A_1158 = tpu.memref_squeeze %dma_wait3A_1157 : memref<1x64x128xf32, #tpu.memory_space<vmem>> -> memref<64x128xf32, #tpu.memory_space<vmem>>
      %dma_wait3A_1159 = arith.constant 0 : i32
      %dma_wait3A_1160 = arith.constant 0 : i32
      %dma_wait3A_1161 = tpu.memref_slice %arg2[%dma_wait3A_1159, %dma_wait3A_1160] : memref<64x1000000xf32, #tpu.memory_space<hbm>> -> memref<64x128xf32, #tpu.memory_space<hbm>>
      tpu.wait_dma2 semaphore(%dma_wait3A_1154 : memref<!tpu.dma_semaphore, #tpu.memory_space<semaphore_mem>>) src(%dma_wait3A_1161 : memref<64x128xf32, #tpu.memory_space<hbm>>) dst(%dma_wait3A_1158 : memref<64x128xf32, #tpu.memory_space<vmem>>)
      %slice3A_1162 = vector.extract_strided_slice %get3A_208 {offsets = [11], sizes = [1], strides = [1]} : vector<16xi32> to vector<1xi32>
      %squeeze3A_1163 = vector.extract %slice3A_1162[0] : i32 from vector<1xi32>
      %and3A_1164 = arith.constant 127 : i32
      %and3A_1165 = arith.andi %squeeze3A_1163, %and3A_1164 : i32
      %broadcast_in_dim3A_1166 = vector.broadcast %and3A_1165 : i32 to vector<16xi32>
      %add3A_1167 = arith.constant 11 : i32
      %add3A_1168 = arith.addi %add3A_204, %add3A_1167 : i32
      %broadcast_in_dim3A_1169 = vector.broadcast %add3A_1168 : i32 to vector<16xi32>
      %add3A_1170 = arith.constant 0 : i32
      %add3A_1171 = vector.broadcast %add3A_1170 : i32 to vector<16xi32>
      %add3A_1172 = arith.addi %iota3A, %add3A_1171 : vector<16xi32>
      %gather3A_1173 = arith.constant 3 : i32
      %gather3A_1174 = arith.constant 0 : i32
      %gather3A_1175 = arith.constant 0 : i32
      %gather3A_1176 = tpu.memref_slice %arg6[%gather3A_1173, %gather3A_1174, %gather3A_1175] : memref<4x64x128xf32, #tpu.memory_space<vmem>> -> memref<1x64x128xf32, #tpu.memory_space<vmem>>
      %gather3A_1177 = tpu.memref_squeeze %gather3A_1176 : memref<1x64x128xf32, #tpu.memory_space<vmem>> -> memref<64x128xf32, #tpu.memory_space<vmem>>
      %gather3A_1178 = tpu.vector_load_idx %gather3A_1177[%add3A_1172, %broadcast_in_dim3A_1166] : memref<64x128xf32, #tpu.memory_space<vmem>>[vector<16xi32>, vector<16xi32>], vector<16xf32>,
      %add3A_1179 = arith.constant 0 : i32
      %add3A_1180 = vector.broadcast %add3A_1179 : i32 to vector<16xi32>
      %add3A_1181 = arith.addi %iota3A, %add3A_1180 : vector<16xi32>
      tpu.vector_store_idx %arg7[%add3A_1181, %broadcast_in_dim3A_1169], %gather3A_1178 : memref<64x256xf32, #tpu.memory_space<vmem>>[vector<16xi32>, vector<16xi32>], vector<16xf32>,
      %add3A_1182 = arith.constant 16 : i32
      %add3A_1183 = vector.broadcast %add3A_1182 : i32 to vector<16xi32>
      %add3A_1184 = arith.addi %iota3A, %add3A_1183 : vector<16xi32>
      %gather3A_1185 = arith.constant 3 : i32
      %gather3A_1186 = arith.constant 0 : i32
      %gather3A_1187 = arith.constant 0 : i32
      %gather3A_1188 = tpu.memref_slice %arg6[%gather3A_1185, %gather3A_1186, %gather3A_1187] : memref<4x64x128xf32, #tpu.memory_space<vmem>> -> memref<1x64x128xf32, #tpu.memory_space<vmem>>
      %gather3A_1189 = tpu.memref_squeeze %gather3A_1188 : memref<1x64x128xf32, #tpu.memory_space<vmem>> -> memref<64x128xf32, #tpu.memory_space<vmem>>
      %gather3A_1190 = tpu.vector_load_idx %gather3A_1189[%add3A_1184, %broadcast_in_dim3A_1166] : memref<64x128xf32, #tpu.memory_space<vmem>>[vector<16xi32>, vector<16xi32>], vector<16xf32>,
      %add3A_1191 = arith.constant 16 : i32
      %add3A_1192 = vector.broadcast %add3A_1191 : i32 to vector<16xi32>
      %add3A_1193 = arith.addi %iota3A, %add3A_1192 : vector<16xi32>
      tpu.vector_store_idx %arg7[%add3A_1193, %broadcast_in_dim3A_1169], %gather3A_1190 : memref<64x256xf32, #tpu.memory_space<vmem>>[vector<16xi32>, vector<16xi32>], vector<16xf32>,
      %add3A_1194 = arith.constant 32 : i32
      %add3A_1195 = vector.broadcast %add3A_1194 : i32 to vector<16xi32>
      %add3A_1196 = arith.addi %iota3A, %add3A_1195 : vector<16xi32>
      %gather3A_1197 = arith.constant 3 : i32
      %gather3A_1198 = arith.constant 0 : i32
      %gather3A_1199 = arith.constant 0 : i32
      %gather3A_1200 = tpu.memref_slice %arg6[%gather3A_1197, %gather3A_1198, %gather3A_1199] : memref<4x64x128xf32, #tpu.memory_space<vmem>> -> memref<1x64x128xf32, #tpu.memory_space<vmem>>
      %gather3A_1201 = tpu.memref_squeeze %gather3A_1200 : memref<1x64x128xf32, #tpu.memory_space<vmem>> -> memref<64x128xf32, #tpu.memory_space<vmem>>
      %gather3A_1202 = tpu.vector_load_idx %gather3A_1201[%add3A_1196, %broadcast_in_dim3A_1166] : memref<64x128xf32, #tpu.memory_space<vmem>>[vector<16xi32>, vector<16xi32>], vector<16xf32>,
      %add3A_1203 = arith.constant 32 : i32
      %add3A_1204 = vector.broadcast %add3A_1203 : i32 to vector<16xi32>
      %add3A_1205 = arith.addi %iota3A, %add3A_1204 : vector<16xi32>
      tpu.vector_store_idx %arg7[%add3A_1205, %broadcast_in_dim3A_1169], %gather3A_1202 : memref<64x256xf32, #tpu.memory_space<vmem>>[vector<16xi32>, vector<16xi32>], vector<16xf32>,
      %add3A_1206 = arith.constant 48 : i32
      %add3A_1207 = vector.broadcast %add3A_1206 : i32 to vector<16xi32>
      %add3A_1208 = arith.addi %iota3A, %add3A_1207 : vector<16xi32>
      %gather3A_1209 = arith.constant 3 : i32
      %gather3A_1210 = arith.constant 0 : i32
      %gather3A_1211 = arith.constant 0 : i32
      %gather3A_1212 = tpu.memref_slice %arg6[%gather3A_1209, %gather3A_1210, %gather3A_1211] : memref<4x64x128xf32, #tpu.memory_space<vmem>> -> memref<1x64x128xf32, #tpu.memory_space<vmem>>
      %gather3A_1213 = tpu.memref_squeeze %gather3A_1212 : memref<1x64x128xf32, #tpu.memory_space<vmem>> -> memref<64x128xf32, #tpu.memory_space<vmem>>
      %gather3A_1214 = tpu.vector_load_idx %gather3A_1213[%add3A_1208, %broadcast_in_dim3A_1166] : memref<64x128xf32, #tpu.memory_space<vmem>>[vector<16xi32>, vector<16xi32>], vector<16xf32>,
      %add3A_1215 = arith.constant 48 : i32
      %add3A_1216 = vector.broadcast %add3A_1215 : i32 to vector<16xi32>
      %add3A_1217 = arith.addi %iota3A, %add3A_1216 : vector<16xi32>
      tpu.vector_store_idx %arg7[%add3A_1217, %broadcast_in_dim3A_1169], %gather3A_1214 : memref<64x256xf32, #tpu.memory_space<vmem>>[vector<16xi32>, vector<16xi32>], vector<16xf32>,
      %slice3A_1218 = vector.extract_strided_slice %get3A_208 {offsets = [15], sizes = [1], strides = [1]} : vector<16xi32> to vector<1xi32>
      %squeeze3A_1219 = vector.extract %slice3A_1218[0] : i32 from vector<1xi32>
      %add3A_1220 = arith.constant 11 : i32
      %add3A_1221 = arith.addi %add3A_204, %add3A_1220 : i32
      %add3A_1222 = arith.constant 4 : i32
      %add3A_1223 = arith.addi %add3A_1221, %add3A_1222 : i32
      %lt3A_1224 = arith.constant 256 : i32
      %lt3A_1225 = arith.cmpi slt, %add3A_1223, %lt3A_1224 : i32
      %convert_element_type3A_1226 = arith.extui %lt3A_1225 : i1 to i32
      %cond3A_1227 = arith.constant 0 : i32
      %cond3A_1228 = arith.cmpi ne, %convert_element_type3A_1226, %cond3A_1227 : i32
      scf.if %cond3A_1228 {
        %shift_right_arithmetic3A_1569 = arith.constant 7 : i32
        %shift_right_arithmetic3A_1570 = arith.shrsi %squeeze3A_1219, %shift_right_arithmetic3A_1569 : i32
        %mul3A_1571 = arith.constant 128 : i32
        %mul3A_1572 = arith.muli %shift_right_arithmetic3A_1570, %mul3A_1571 : i32
        %multiple_of3A_1573 = tpu.assume_multiple %mul3A_1572, 128 : i32
        %dma_start3A_1574 = arith.constant 3 : i32
        %dma_start3A_1575 = arith.constant 3 : i32
        %dma_start3A_1576 = arith.constant 0 : i32
        %dma_start3A_1577 = arith.constant 0 : i32
        %dma_start3A_1578 = tpu.memref_slice %arg6[%dma_start3A_1574, %dma_start3A_1576, %dma_start3A_1577] : memref<4x64x128xf32, #tpu.memory_space<vmem>> -> memref<1x64x128xf32, #tpu.memory_space<vmem>>
        %dma_start3A_1579 = tpu.memref_squeeze %dma_start3A_1578 : memref<1x64x128xf32, #tpu.memory_space<vmem>> -> memref<64x128xf32, #tpu.memory_space<vmem>>
        %dma_start3A_1580 = arith.constant 0 : i32
        %dma_start3A_1581 = tpu.memref_slice %arg2[%dma_start3A_1580, %multiple_of3A_1573] : memref<64x1000000xf32, #tpu.memory_space<hbm>> -> memref<64x128xf32, #tpu.memory_space<hbm>>
        %dma_start3A_1582 = tpu.memref_slice %arg8[%dma_start3A_1575] : memref<4x!tpu.dma_semaphore, #tpu.memory_space<semaphore_mem>> -> memref<1x!tpu.dma_semaphore, #tpu.memory_space<semaphore_mem>>
        %dma_start3A_1583 = tpu.memref_squeeze %dma_start3A_1582 : memref<1x!tpu.dma_semaphore, #tpu.memory_space<semaphore_mem>> -> memref<!tpu.dma_semaphore, #tpu.memory_space<semaphore_mem>>
        %dma_start3A_1584 = arith.constant 0 : i32
        %dma_start3A_1585 = arith.constant 0 : i32
        %dma_start3A_1586 = tpu.memref_slice %arg6[%dma_start3A_1574, %dma_start3A_1584, %dma_start3A_1585] : memref<4x64x128xf32, #tpu.memory_space<vmem>> -> memref<1x64x128xf32, #tpu.memory_space<vmem>>
        %dma_start3A_1587 = tpu.memref_squeeze %dma_start3A_1586 : memref<1x64x128xf32, #tpu.memory_space<vmem>> -> memref<64x128xf32, #tpu.memory_space<vmem>>
        %dma_start3A_1588 = arith.constant 0 : i32
        %dma_start3A_1589 = tpu.memref_slice %arg2[%dma_start3A_1588, %multiple_of3A_1573] : memref<64x1000000xf32, #tpu.memory_space<hbm>> -> memref<64x128xf32, #tpu.memory_space<hbm>>
        tpu.enqueue_dma source(%dma_start3A_1589 : memref<64x128xf32, #tpu.memory_space<hbm>>) target(%dma_start3A_1587 : memref<64x128xf32, #tpu.memory_space<vmem>>) target_semaphore(%dma_start3A_1583 : memref<!tpu.dma_semaphore, #tpu.memory_space<semaphore_mem>>)
      } else {
      }
      %dma_wait3A_1229 = arith.constant 0 : i32
      %dma_wait3A_1230 = arith.constant 0 : i32
      %dma_wait3A_1231 = arith.constant 0 : i32
      %dma_wait3A_1232 = arith.constant 0 : i32
      %dma_wait3A_1233 = tpu.memref_slice %arg6[%dma_wait3A_1229, %dma_wait3A_1231, %dma_wait3A_1232] : memref<4x64x128xf32, #tpu.memory_space<vmem>> -> memref<1x64x128xf32, #tpu.memory_space<vmem>>
      %dma_wait3A_1234 = tpu.memref_squeeze %dma_wait3A_1233 : memref<1x64x128xf32, #tpu.memory_space<vmem>> -> memref<64x128xf32, #tpu.memory_space<vmem>>
      %dma_wait3A_1235 = arith.constant 0 : i32
      %dma_wait3A_1236 = arith.constant 0 : i32
      %dma_wait3A_1237 = tpu.memref_slice %arg2[%dma_wait3A_1235, %dma_wait3A_1236] : memref<64x1000000xf32, #tpu.memory_space<hbm>> -> memref<64x128xf32, #tpu.memory_space<hbm>>
      %dma_wait3A_1238 = tpu.memref_slice %arg8[%dma_wait3A_1230] : memref<4x!tpu.dma_semaphore, #tpu.memory_space<semaphore_mem>> -> memref<1x!tpu.dma_semaphore, #tpu.memory_space<semaphore_mem>>
      %dma_wait3A_1239 = tpu.memref_squeeze %dma_wait3A_1238 : memref<1x!tpu.dma_semaphore, #tpu.memory_space<semaphore_mem>> -> memref<!tpu.dma_semaphore, #tpu.memory_space<semaphore_mem>>
      %dma_wait3A_1240 = arith.constant 0 : i32
      %dma_wait3A_1241 = arith.constant 0 : i32
      %dma_wait3A_1242 = tpu.memref_slice %arg6[%dma_wait3A_1229, %dma_wait3A_1240, %dma_wait3A_1241] : memref<4x64x128xf32, #tpu.memory_space<vmem>> -> memref<1x64x128xf32, #tpu.memory_space<vmem>>
      %dma_wait3A_1243 = tpu.memref_squeeze %dma_wait3A_1242 : memref<1x64x128xf32, #tpu.memory_space<vmem>> -> memref<64x128xf32, #tpu.memory_space<vmem>>
      %dma_wait3A_1244 = arith.constant 0 : i32
      %dma_wait3A_1245 = arith.constant 0 : i32
      %dma_wait3A_1246 = tpu.memref_slice %arg2[%dma_wait3A_1244, %dma_wait3A_1245] : memref<64x1000000xf32, #tpu.memory_space<hbm>> -> memref<64x128xf32, #tpu.memory_space<hbm>>
      tpu.wait_dma2 semaphore(%dma_wait3A_1239 : memref<!tpu.dma_semaphore, #tpu.memory_space<semaphore_mem>>) src(%dma_wait3A_1246 : memref<64x128xf32, #tpu.memory_space<hbm>>) dst(%dma_wait3A_1243 : memref<64x128xf32, #tpu.memory_space<vmem>>)
      %slice3A_1247 = vector.extract_strided_slice %get3A_208 {offsets = [12], sizes = [1], strides = [1]} : vector<16xi32> to vector<1xi32>
      %squeeze3A_1248 = vector.extract %slice3A_1247[0] : i32 from vector<1xi32>
      %and3A_1249 = arith.constant 127 : i32
      %and3A_1250 = arith.andi %squeeze3A_1248, %and3A_1249 : i32
      %broadcast_in_dim3A_1251 = vector.broadcast %and3A_1250 : i32 to vector<16xi32>
      %add3A_1252 = arith.constant 12 : i32
      %add3A_1253 = arith.addi %add3A_204, %add3A_1252 : i32
      %broadcast_in_dim3A_1254 = vector.broadcast %add3A_1253 : i32 to vector<16xi32>
      %add3A_1255 = arith.constant 0 : i32
      %add3A_1256 = vector.broadcast %add3A_1255 : i32 to vector<16xi32>
      %add3A_1257 = arith.addi %iota3A, %add3A_1256 : vector<16xi32>
      %gather3A_1258 = arith.constant 0 : i32
      %gather3A_1259 = arith.constant 0 : i32
      %gather3A_1260 = arith.constant 0 : i32
      %gather3A_1261 = tpu.memref_slice %arg6[%gather3A_1258, %gather3A_1259, %gather3A_1260] : memref<4x64x128xf32, #tpu.memory_space<vmem>> -> memref<1x64x128xf32, #tpu.memory_space<vmem>>
      %gather3A_1262 = tpu.memref_squeeze %gather3A_1261 : memref<1x64x128xf32, #tpu.memory_space<vmem>> -> memref<64x128xf32, #tpu.memory_space<vmem>>
      %gather3A_1263 = tpu.vector_load_idx %gather3A_1262[%add3A_1257, %broadcast_in_dim3A_1251] : memref<64x128xf32, #tpu.memory_space<vmem>>[vector<16xi32>, vector<16xi32>], vector<16xf32>,
      %add3A_1264 = arith.constant 0 : i32
      %add3A_1265 = vector.broadcast %add3A_1264 : i32 to vector<16xi32>
      %add3A_1266 = arith.addi %iota3A, %add3A_1265 : vector<16xi32>
      tpu.vector_store_idx %arg7[%add3A_1266, %broadcast_in_dim3A_1254], %gather3A_1263 : memref<64x256xf32, #tpu.memory_space<vmem>>[vector<16xi32>, vector<16xi32>], vector<16xf32>,
      %add3A_1267 = arith.constant 16 : i32
      %add3A_1268 = vector.broadcast %add3A_1267 : i32 to vector<16xi32>
      %add3A_1269 = arith.addi %iota3A, %add3A_1268 : vector<16xi32>
      %gather3A_1270 = arith.constant 0 : i32
      %gather3A_1271 = arith.constant 0 : i32
      %gather3A_1272 = arith.constant 0 : i32
      %gather3A_1273 = tpu.memref_slice %arg6[%gather3A_1270, %gather3A_1271, %gather3A_1272] : memref<4x64x128xf32, #tpu.memory_space<vmem>> -> memref<1x64x128xf32, #tpu.memory_space<vmem>>
      %gather3A_1274 = tpu.memref_squeeze %gather3A_1273 : memref<1x64x128xf32, #tpu.memory_space<vmem>> -> memref<64x128xf32, #tpu.memory_space<vmem>>
      %gather3A_1275 = tpu.vector_load_idx %gather3A_1274[%add3A_1269, %broadcast_in_dim3A_1251] : memref<64x128xf32, #tpu.memory_space<vmem>>[vector<16xi32>, vector<16xi32>], vector<16xf32>,
      %add3A_1276 = arith.constant 16 : i32
      %add3A_1277 = vector.broadcast %add3A_1276 : i32 to vector<16xi32>
      %add3A_1278 = arith.addi %iota3A, %add3A_1277 : vector<16xi32>
      tpu.vector_store_idx %arg7[%add3A_1278, %broadcast_in_dim3A_1254], %gather3A_1275 : memref<64x256xf32, #tpu.memory_space<vmem>>[vector<16xi32>, vector<16xi32>], vector<16xf32>,
      %add3A_1279 = arith.constant 32 : i32
      %add3A_1280 = vector.broadcast %add3A_1279 : i32 to vector<16xi32>
      %add3A_1281 = arith.addi %iota3A, %add3A_1280 : vector<16xi32>
      %gather3A_1282 = arith.constant 0 : i32
      %gather3A_1283 = arith.constant 0 : i32
      %gather3A_1284 = arith.constant 0 : i32
      %gather3A_1285 = tpu.memref_slice %arg6[%gather3A_1282, %gather3A_1283, %gather3A_1284] : memref<4x64x128xf32, #tpu.memory_space<vmem>> -> memref<1x64x128xf32, #tpu.memory_space<vmem>>
      %gather3A_1286 = tpu.memref_squeeze %gather3A_1285 : memref<1x64x128xf32, #tpu.memory_space<vmem>> -> memref<64x128xf32, #tpu.memory_space<vmem>>
      %gather3A_1287 = tpu.vector_load_idx %gather3A_1286[%add3A_1281, %broadcast_in_dim3A_1251] : memref<64x128xf32, #tpu.memory_space<vmem>>[vector<16xi32>, vector<16xi32>], vector<16xf32>,
      %add3A_1288 = arith.constant 32 : i32
      %add3A_1289 = vector.broadcast %add3A_1288 : i32 to vector<16xi32>
      %add3A_1290 = arith.addi %iota3A, %add3A_1289 : vector<16xi32>
      tpu.vector_store_idx %arg7[%add3A_1290, %broadcast_in_dim3A_1254], %gather3A_1287 : memref<64x256xf32, #tpu.memory_space<vmem>>[vector<16xi32>, vector<16xi32>], vector<16xf32>,
      %add3A_1291 = arith.constant 48 : i32
      %add3A_1292 = vector.broadcast %add3A_1291 : i32 to vector<16xi32>
      %add3A_1293 = arith.addi %iota3A, %add3A_1292 : vector<16xi32>
      %gather3A_1294 = arith.constant 0 : i32
      %gather3A_1295 = arith.constant 0 : i32
      %gather3A_1296 = arith.constant 0 : i32
      %gather3A_1297 = tpu.memref_slice %arg6[%gather3A_1294, %gather3A_1295, %gather3A_1296] : memref<4x64x128xf32, #tpu.memory_space<vmem>> -> memref<1x64x128xf32, #tpu.memory_space<vmem>>
      %gather3A_1298 = tpu.memref_squeeze %gather3A_1297 : memref<1x64x128xf32, #tpu.memory_space<vmem>> -> memref<64x128xf32, #tpu.memory_space<vmem>>
      %gather3A_1299 = tpu.vector_load_idx %gather3A_1298[%add3A_1293, %broadcast_in_dim3A_1251] : memref<64x128xf32, #tpu.memory_space<vmem>>[vector<16xi32>, vector<16xi32>], vector<16xf32>,
      %add3A_1300 = arith.constant 48 : i32
      %add3A_1301 = vector.broadcast %add3A_1300 : i32 to vector<16xi32>
      %add3A_1302 = arith.addi %iota3A, %add3A_1301 : vector<16xi32>
      tpu.vector_store_idx %arg7[%add3A_1302, %broadcast_in_dim3A_1254], %gather3A_1299 : memref<64x256xf32, #tpu.memory_space<vmem>>[vector<16xi32>, vector<16xi32>], vector<16xf32>,
      %slice3A_1303 = vector.extract_strided_slice %get3A_215 {offsets = [0], sizes = [1], strides = [1]} : vector<16xi32> to vector<1xi32>
      %squeeze3A_1304 = vector.extract %slice3A_1303[0] : i32 from vector<1xi32>
      %add3A_1305 = arith.constant 12 : i32
      %add3A_1306 = arith.addi %add3A_204, %add3A_1305 : i32
      %add3A_1307 = arith.constant 4 : i32
      %add3A_1308 = arith.addi %add3A_1306, %add3A_1307 : i32
      %lt3A_1309 = arith.constant 256 : i32
      %lt3A_1310 = arith.cmpi slt, %add3A_1308, %lt3A_1309 : i32
      %convert_element_type3A_1311 = arith.extui %lt3A_1310 : i1 to i32
      %cond3A_1312 = arith.constant 0 : i32
      %cond3A_1313 = arith.cmpi ne, %convert_element_type3A_1311, %cond3A_1312 : i32
      scf.if %cond3A_1313 {
        %shift_right_arithmetic3A_1569 = arith.constant 7 : i32
        %shift_right_arithmetic3A_1570 = arith.shrsi %squeeze3A_1304, %shift_right_arithmetic3A_1569 : i32
        %mul3A_1571 = arith.constant 128 : i32
        %mul3A_1572 = arith.muli %shift_right_arithmetic3A_1570, %mul3A_1571 : i32
        %multiple_of3A_1573 = tpu.assume_multiple %mul3A_1572, 128 : i32
        %dma_start3A_1574 = arith.constant 0 : i32
        %dma_start3A_1575 = arith.constant 0 : i32
        %dma_start3A_1576 = arith.constant 0 : i32
        %dma_start3A_1577 = arith.constant 0 : i32
        %dma_start3A_1578 = tpu.memref_slice %arg6[%dma_start3A_1574, %dma_start3A_1576, %dma_start3A_1577] : memref<4x64x128xf32, #tpu.memory_space<vmem>> -> memref<1x64x128xf32, #tpu.memory_space<vmem>>
        %dma_start3A_1579 = tpu.memref_squeeze %dma_start3A_1578 : memref<1x64x128xf32, #tpu.memory_space<vmem>> -> memref<64x128xf32, #tpu.memory_space<vmem>>
        %dma_start3A_1580 = arith.constant 0 : i32
        %dma_start3A_1581 = tpu.memref_slice %arg2[%dma_start3A_1580, %multiple_of3A_1573] : memref<64x1000000xf32, #tpu.memory_space<hbm>> -> memref<64x128xf32, #tpu.memory_space<hbm>>
        %dma_start3A_1582 = tpu.memref_slice %arg8[%dma_start3A_1575] : memref<4x!tpu.dma_semaphore, #tpu.memory_space<semaphore_mem>> -> memref<1x!tpu.dma_semaphore, #tpu.memory_space<semaphore_mem>>
        %dma_start3A_1583 = tpu.memref_squeeze %dma_start3A_1582 : memref<1x!tpu.dma_semaphore, #tpu.memory_space<semaphore_mem>> -> memref<!tpu.dma_semaphore, #tpu.memory_space<semaphore_mem>>
        %dma_start3A_1584 = arith.constant 0 : i32
        %dma_start3A_1585 = arith.constant 0 : i32
        %dma_start3A_1586 = tpu.memref_slice %arg6[%dma_start3A_1574, %dma_start3A_1584, %dma_start3A_1585] : memref<4x64x128xf32, #tpu.memory_space<vmem>> -> memref<1x64x128xf32, #tpu.memory_space<vmem>>
        %dma_start3A_1587 = tpu.memref_squeeze %dma_start3A_1586 : memref<1x64x128xf32, #tpu.memory_space<vmem>> -> memref<64x128xf32, #tpu.memory_space<vmem>>
        %dma_start3A_1588 = arith.constant 0 : i32
        %dma_start3A_1589 = tpu.memref_slice %arg2[%dma_start3A_1588, %multiple_of3A_1573] : memref<64x1000000xf32, #tpu.memory_space<hbm>> -> memref<64x128xf32, #tpu.memory_space<hbm>>
        tpu.enqueue_dma source(%dma_start3A_1589 : memref<64x128xf32, #tpu.memory_space<hbm>>) target(%dma_start3A_1587 : memref<64x128xf32, #tpu.memory_space<vmem>>) target_semaphore(%dma_start3A_1583 : memref<!tpu.dma_semaphore, #tpu.memory_space<semaphore_mem>>)
      } else {
      }
      %dma_wait3A_1314 = arith.constant 1 : i32
      %dma_wait3A_1315 = arith.constant 1 : i32
      %dma_wait3A_1316 = arith.constant 0 : i32
      %dma_wait3A_1317 = arith.constant 0 : i32
      %dma_wait3A_1318 = tpu.memref_slice %arg6[%dma_wait3A_1314, %dma_wait3A_1316, %dma_wait3A_1317] : memref<4x64x128xf32, #tpu.memory_space<vmem>> -> memref<1x64x128xf32, #tpu.memory_space<vmem>>
      %dma_wait3A_1319 = tpu.memref_squeeze %dma_wait3A_1318 : memref<1x64x128xf32, #tpu.memory_space<vmem>> -> memref<64x128xf32, #tpu.memory_space<vmem>>
      %dma_wait3A_1320 = arith.constant 0 : i32
      %dma_wait3A_1321 = arith.constant 0 : i32
      %dma_wait3A_1322 = tpu.memref_slice %arg2[%dma_wait3A_1320, %dma_wait3A_1321] : memref<64x1000000xf32, #tpu.memory_space<hbm>> -> memref<64x128xf32, #tpu.memory_space<hbm>>
      %dma_wait3A_1323 = tpu.memref_slice %arg8[%dma_wait3A_1315] : memref<4x!tpu.dma_semaphore, #tpu.memory_space<semaphore_mem>> -> memref<1x!tpu.dma_semaphore, #tpu.memory_space<semaphore_mem>>
      %dma_wait3A_1324 = tpu.memref_squeeze %dma_wait3A_1323 : memref<1x!tpu.dma_semaphore, #tpu.memory_space<semaphore_mem>> -> memref<!tpu.dma_semaphore, #tpu.memory_space<semaphore_mem>>
      %dma_wait3A_1325 = arith.constant 0 : i32
      %dma_wait3A_1326 = arith.constant 0 : i32
      %dma_wait3A_1327 = tpu.memref_slice %arg6[%dma_wait3A_1314, %dma_wait3A_1325, %dma_wait3A_1326] : memref<4x64x128xf32, #tpu.memory_space<vmem>> -> memref<1x64x128xf32, #tpu.memory_space<vmem>>
      %dma_wait3A_1328 = tpu.memref_squeeze %dma_wait3A_1327 : memref<1x64x128xf32, #tpu.memory_space<vmem>> -> memref<64x128xf32, #tpu.memory_space<vmem>>
      %dma_wait3A_1329 = arith.constant 0 : i32
      %dma_wait3A_1330 = arith.constant 0 : i32
      %dma_wait3A_1331 = tpu.memref_slice %arg2[%dma_wait3A_1329, %dma_wait3A_1330] : memref<64x1000000xf32, #tpu.memory_space<hbm>> -> memref<64x128xf32, #tpu.memory_space<hbm>>
      tpu.wait_dma2 semaphore(%dma_wait3A_1324 : memref<!tpu.dma_semaphore, #tpu.memory_space<semaphore_mem>>) src(%dma_wait3A_1331 : memref<64x128xf32, #tpu.memory_space<hbm>>) dst(%dma_wait3A_1328 : memref<64x128xf32, #tpu.memory_space<vmem>>)
      %slice3A_1332 = vector.extract_strided_slice %get3A_208 {offsets = [13], sizes = [1], strides = [1]} : vector<16xi32> to vector<1xi32>
      %squeeze3A_1333 = vector.extract %slice3A_1332[0] : i32 from vector<1xi32>
      %and3A_1334 = arith.constant 127 : i32
      %and3A_1335 = arith.andi %squeeze3A_1333, %and3A_1334 : i32
      %broadcast_in_dim3A_1336 = vector.broadcast %and3A_1335 : i32 to vector<16xi32>
      %add3A_1337 = arith.constant 13 : i32
      %add3A_1338 = arith.addi %add3A_204, %add3A_1337 : i32
      %broadcast_in_dim3A_1339 = vector.broadcast %add3A_1338 : i32 to vector<16xi32>
      %add3A_1340 = arith.constant 0 : i32
      %add3A_1341 = vector.broadcast %add3A_1340 : i32 to vector<16xi32>
      %add3A_1342 = arith.addi %iota3A, %add3A_1341 : vector<16xi32>
      %gather3A_1343 = arith.constant 1 : i32
      %gather3A_1344 = arith.constant 0 : i32
      %gather3A_1345 = arith.constant 0 : i32
      %gather3A_1346 = tpu.memref_slice %arg6[%gather3A_1343, %gather3A_1344, %gather3A_1345] : memref<4x64x128xf32, #tpu.memory_space<vmem>> -> memref<1x64x128xf32, #tpu.memory_space<vmem>>
      %gather3A_1347 = tpu.memref_squeeze %gather3A_1346 : memref<1x64x128xf32, #tpu.memory_space<vmem>> -> memref<64x128xf32, #tpu.memory_space<vmem>>
      %gather3A_1348 = tpu.vector_load_idx %gather3A_1347[%add3A_1342, %broadcast_in_dim3A_1336] : memref<64x128xf32, #tpu.memory_space<vmem>>[vector<16xi32>, vector<16xi32>], vector<16xf32>,
      %add3A_1349 = arith.constant 0 : i32
      %add3A_1350 = vector.broadcast %add3A_1349 : i32 to vector<16xi32>
      %add3A_1351 = arith.addi %iota3A, %add3A_1350 : vector<16xi32>
      tpu.vector_store_idx %arg7[%add3A_1351, %broadcast_in_dim3A_1339], %gather3A_1348 : memref<64x256xf32, #tpu.memory_space<vmem>>[vector<16xi32>, vector<16xi32>], vector<16xf32>,
      %add3A_1352 = arith.constant 16 : i32
      %add3A_1353 = vector.broadcast %add3A_1352 : i32 to vector<16xi32>
      %add3A_1354 = arith.addi %iota3A, %add3A_1353 : vector<16xi32>
      %gather3A_1355 = arith.constant 1 : i32
      %gather3A_1356 = arith.constant 0 : i32
      %gather3A_1357 = arith.constant 0 : i32
      %gather3A_1358 = tpu.memref_slice %arg6[%gather3A_1355, %gather3A_1356, %gather3A_1357] : memref<4x64x128xf32, #tpu.memory_space<vmem>> -> memref<1x64x128xf32, #tpu.memory_space<vmem>>
      %gather3A_1359 = tpu.memref_squeeze %gather3A_1358 : memref<1x64x128xf32, #tpu.memory_space<vmem>> -> memref<64x128xf32, #tpu.memory_space<vmem>>
      %gather3A_1360 = tpu.vector_load_idx %gather3A_1359[%add3A_1354, %broadcast_in_dim3A_1336] : memref<64x128xf32, #tpu.memory_space<vmem>>[vector<16xi32>, vector<16xi32>], vector<16xf32>,
      %add3A_1361 = arith.constant 16 : i32
      %add3A_1362 = vector.broadcast %add3A_1361 : i32 to vector<16xi32>
      %add3A_1363 = arith.addi %iota3A, %add3A_1362 : vector<16xi32>
      tpu.vector_store_idx %arg7[%add3A_1363, %broadcast_in_dim3A_1339], %gather3A_1360 : memref<64x256xf32, #tpu.memory_space<vmem>>[vector<16xi32>, vector<16xi32>], vector<16xf32>,
      %add3A_1364 = arith.constant 32 : i32
      %add3A_1365 = vector.broadcast %add3A_1364 : i32 to vector<16xi32>
      %add3A_1366 = arith.addi %iota3A, %add3A_1365 : vector<16xi32>
      %gather3A_1367 = arith.constant 1 : i32
      %gather3A_1368 = arith.constant 0 : i32
      %gather3A_1369 = arith.constant 0 : i32
      %gather3A_1370 = tpu.memref_slice %arg6[%gather3A_1367, %gather3A_1368, %gather3A_1369] : memref<4x64x128xf32, #tpu.memory_space<vmem>> -> memref<1x64x128xf32, #tpu.memory_space<vmem>>
      %gather3A_1371 = tpu.memref_squeeze %gather3A_1370 : memref<1x64x128xf32, #tpu.memory_space<vmem>> -> memref<64x128xf32, #tpu.memory_space<vmem>>
      %gather3A_1372 = tpu.vector_load_idx %gather3A_1371[%add3A_1366, %broadcast_in_dim3A_1336] : memref<64x128xf32, #tpu.memory_space<vmem>>[vector<16xi32>, vector<16xi32>], vector<16xf32>,
      %add3A_1373 = arith.constant 32 : i32
      %add3A_1374 = vector.broadcast %add3A_1373 : i32 to vector<16xi32>
      %add3A_1375 = arith.addi %iota3A, %add3A_1374 : vector<16xi32>
      tpu.vector_store_idx %arg7[%add3A_1375, %broadcast_in_dim3A_1339], %gather3A_1372 : memref<64x256xf32, #tpu.memory_space<vmem>>[vector<16xi32>, vector<16xi32>], vector<16xf32>,
      %add3A_1376 = arith.constant 48 : i32
      %add3A_1377 = vector.broadcast %add3A_1376 : i32 to vector<16xi32>
      %add3A_1378 = arith.addi %iota3A, %add3A_1377 : vector<16xi32>
      %gather3A_1379 = arith.constant 1 : i32
      %gather3A_1380 = arith.constant 0 : i32
      %gather3A_1381 = arith.constant 0 : i32
      %gather3A_1382 = tpu.memref_slice %arg6[%gather3A_1379, %gather3A_1380, %gather3A_1381] : memref<4x64x128xf32, #tpu.memory_space<vmem>> -> memref<1x64x128xf32, #tpu.memory_space<vmem>>
      %gather3A_1383 = tpu.memref_squeeze %gather3A_1382 : memref<1x64x128xf32, #tpu.memory_space<vmem>> -> memref<64x128xf32, #tpu.memory_space<vmem>>
      %gather3A_1384 = tpu.vector_load_idx %gather3A_1383[%add3A_1378, %broadcast_in_dim3A_1336] : memref<64x128xf32, #tpu.memory_space<vmem>>[vector<16xi32>, vector<16xi32>], vector<16xf32>,
      %add3A_1385 = arith.constant 48 : i32
      %add3A_1386 = vector.broadcast %add3A_1385 : i32 to vector<16xi32>
      %add3A_1387 = arith.addi %iota3A, %add3A_1386 : vector<16xi32>
      tpu.vector_store_idx %arg7[%add3A_1387, %broadcast_in_dim3A_1339], %gather3A_1384 : memref<64x256xf32, #tpu.memory_space<vmem>>[vector<16xi32>, vector<16xi32>], vector<16xf32>,
      %slice3A_1388 = vector.extract_strided_slice %get3A_215 {offsets = [1], sizes = [1], strides = [1]} : vector<16xi32> to vector<1xi32>
      %squeeze3A_1389 = vector.extract %slice3A_1388[0] : i32 from vector<1xi32>
      %add3A_1390 = arith.constant 13 : i32
      %add3A_1391 = arith.addi %add3A_204, %add3A_1390 : i32
      %add3A_1392 = arith.constant 4 : i32
      %add3A_1393 = arith.addi %add3A_1391, %add3A_1392 : i32
      %lt3A_1394 = arith.constant 256 : i32
      %lt3A_1395 = arith.cmpi slt, %add3A_1393, %lt3A_1394 : i32
      %convert_element_type3A_1396 = arith.extui %lt3A_1395 : i1 to i32
      %cond3A_1397 = arith.constant 0 : i32
      %cond3A_1398 = arith.cmpi ne, %convert_element_type3A_1396, %cond3A_1397 : i32
      scf.if %cond3A_1398 {
        %shift_right_arithmetic3A_1569 = arith.constant 7 : i32
        %shift_right_arithmetic3A_1570 = arith.shrsi %squeeze3A_1389, %shift_right_arithmetic3A_1569 : i32
        %mul3A_1571 = arith.constant 128 : i32
        %mul3A_1572 = arith.muli %shift_right_arithmetic3A_1570, %mul3A_1571 : i32
        %multiple_of3A_1573 = tpu.assume_multiple %mul3A_1572, 128 : i32
        %dma_start3A_1574 = arith.constant 1 : i32
        %dma_start3A_1575 = arith.constant 1 : i32
        %dma_start3A_1576 = arith.constant 0 : i32
        %dma_start3A_1577 = arith.constant 0 : i32
        %dma_start3A_1578 = tpu.memref_slice %arg6[%dma_start3A_1574, %dma_start3A_1576, %dma_start3A_1577] : memref<4x64x128xf32, #tpu.memory_space<vmem>> -> memref<1x64x128xf32, #tpu.memory_space<vmem>>
        %dma_start3A_1579 = tpu.memref_squeeze %dma_start3A_1578 : memref<1x64x128xf32, #tpu.memory_space<vmem>> -> memref<64x128xf32, #tpu.memory_space<vmem>>
        %dma_start3A_1580 = arith.constant 0 : i32
        %dma_start3A_1581 = tpu.memref_slice %arg2[%dma_start3A_1580, %multiple_of3A_1573] : memref<64x1000000xf32, #tpu.memory_space<hbm>> -> memref<64x128xf32, #tpu.memory_space<hbm>>
        %dma_start3A_1582 = tpu.memref_slice %arg8[%dma_start3A_1575] : memref<4x!tpu.dma_semaphore, #tpu.memory_space<semaphore_mem>> -> memref<1x!tpu.dma_semaphore, #tpu.memory_space<semaphore_mem>>
        %dma_start3A_1583 = tpu.memref_squeeze %dma_start3A_1582 : memref<1x!tpu.dma_semaphore, #tpu.memory_space<semaphore_mem>> -> memref<!tpu.dma_semaphore, #tpu.memory_space<semaphore_mem>>
        %dma_start3A_1584 = arith.constant 0 : i32
        %dma_start3A_1585 = arith.constant 0 : i32
        %dma_start3A_1586 = tpu.memref_slice %arg6[%dma_start3A_1574, %dma_start3A_1584, %dma_start3A_1585] : memref<4x64x128xf32, #tpu.memory_space<vmem>> -> memref<1x64x128xf32, #tpu.memory_space<vmem>>
        %dma_start3A_1587 = tpu.memref_squeeze %dma_start3A_1586 : memref<1x64x128xf32, #tpu.memory_space<vmem>> -> memref<64x128xf32, #tpu.memory_space<vmem>>
        %dma_start3A_1588 = arith.constant 0 : i32
        %dma_start3A_1589 = tpu.memref_slice %arg2[%dma_start3A_1588, %multiple_of3A_1573] : memref<64x1000000xf32, #tpu.memory_space<hbm>> -> memref<64x128xf32, #tpu.memory_space<hbm>>
        tpu.enqueue_dma source(%dma_start3A_1589 : memref<64x128xf32, #tpu.memory_space<hbm>>) target(%dma_start3A_1587 : memref<64x128xf32, #tpu.memory_space<vmem>>) target_semaphore(%dma_start3A_1583 : memref<!tpu.dma_semaphore, #tpu.memory_space<semaphore_mem>>)
      } else {
      }
      %dma_wait3A_1399 = arith.constant 2 : i32
      %dma_wait3A_1400 = arith.constant 2 : i32
      %dma_wait3A_1401 = arith.constant 0 : i32
      %dma_wait3A_1402 = arith.constant 0 : i32
      %dma_wait3A_1403 = tpu.memref_slice %arg6[%dma_wait3A_1399, %dma_wait3A_1401, %dma_wait3A_1402] : memref<4x64x128xf32, #tpu.memory_space<vmem>> -> memref<1x64x128xf32, #tpu.memory_space<vmem>>
      %dma_wait3A_1404 = tpu.memref_squeeze %dma_wait3A_1403 : memref<1x64x128xf32, #tpu.memory_space<vmem>> -> memref<64x128xf32, #tpu.memory_space<vmem>>
      %dma_wait3A_1405 = arith.constant 0 : i32
      %dma_wait3A_1406 = arith.constant 0 : i32
      %dma_wait3A_1407 = tpu.memref_slice %arg2[%dma_wait3A_1405, %dma_wait3A_1406] : memref<64x1000000xf32, #tpu.memory_space<hbm>> -> memref<64x128xf32, #tpu.memory_space<hbm>>
      %dma_wait3A_1408 = tpu.memref_slice %arg8[%dma_wait3A_1400] : memref<4x!tpu.dma_semaphore, #tpu.memory_space<semaphore_mem>> -> memref<1x!tpu.dma_semaphore, #tpu.memory_space<semaphore_mem>>
      %dma_wait3A_1409 = tpu.memref_squeeze %dma_wait3A_1408 : memref<1x!tpu.dma_semaphore, #tpu.memory_space<semaphore_mem>> -> memref<!tpu.dma_semaphore, #tpu.memory_space<semaphore_mem>>
      %dma_wait3A_1410 = arith.constant 0 : i32
      %dma_wait3A_1411 = arith.constant 0 : i32
      %dma_wait3A_1412 = tpu.memref_slice %arg6[%dma_wait3A_1399, %dma_wait3A_1410, %dma_wait3A_1411] : memref<4x64x128xf32, #tpu.memory_space<vmem>> -> memref<1x64x128xf32, #tpu.memory_space<vmem>>
      %dma_wait3A_1413 = tpu.memref_squeeze %dma_wait3A_1412 : memref<1x64x128xf32, #tpu.memory_space<vmem>> -> memref<64x128xf32, #tpu.memory_space<vmem>>
      %dma_wait3A_1414 = arith.constant 0 : i32
      %dma_wait3A_1415 = arith.constant 0 : i32
      %dma_wait3A_1416 = tpu.memref_slice %arg2[%dma_wait3A_1414, %dma_wait3A_1415] : memref<64x1000000xf32, #tpu.memory_space<hbm>> -> memref<64x128xf32, #tpu.memory_space<hbm>>
      tpu.wait_dma2 semaphore(%dma_wait3A_1409 : memref<!tpu.dma_semaphore, #tpu.memory_space<semaphore_mem>>) src(%dma_wait3A_1416 : memref<64x128xf32, #tpu.memory_space<hbm>>) dst(%dma_wait3A_1413 : memref<64x128xf32, #tpu.memory_space<vmem>>)
      %slice3A_1417 = vector.extract_strided_slice %get3A_208 {offsets = [14], sizes = [1], strides = [1]} : vector<16xi32> to vector<1xi32>
      %squeeze3A_1418 = vector.extract %slice3A_1417[0] : i32 from vector<1xi32>
      %and3A_1419 = arith.constant 127 : i32
      %and3A_1420 = arith.andi %squeeze3A_1418, %and3A_1419 : i32
      %broadcast_in_dim3A_1421 = vector.broadcast %and3A_1420 : i32 to vector<16xi32>
      %add3A_1422 = arith.constant 14 : i32
      %add3A_1423 = arith.addi %add3A_204, %add3A_1422 : i32
      %broadcast_in_dim3A_1424 = vector.broadcast %add3A_1423 : i32 to vector<16xi32>
      %add3A_1425 = arith.constant 0 : i32
      %add3A_1426 = vector.broadcast %add3A_1425 : i32 to vector<16xi32>
      %add3A_1427 = arith.addi %iota3A, %add3A_1426 : vector<16xi32>
      %gather3A_1428 = arith.constant 2 : i32
      %gather3A_1429 = arith.constant 0 : i32
      %gather3A_1430 = arith.constant 0 : i32
      %gather3A_1431 = tpu.memref_slice %arg6[%gather3A_1428, %gather3A_1429, %gather3A_1430] : memref<4x64x128xf32, #tpu.memory_space<vmem>> -> memref<1x64x128xf32, #tpu.memory_space<vmem>>
      %gather3A_1432 = tpu.memref_squeeze %gather3A_1431 : memref<1x64x128xf32, #tpu.memory_space<vmem>> -> memref<64x128xf32, #tpu.memory_space<vmem>>
      %gather3A_1433 = tpu.vector_load_idx %gather3A_1432[%add3A_1427, %broadcast_in_dim3A_1421] : memref<64x128xf32, #tpu.memory_space<vmem>>[vector<16xi32>, vector<16xi32>], vector<16xf32>,
      %add3A_1434 = arith.constant 0 : i32
      %add3A_1435 = vector.broadcast %add3A_1434 : i32 to vector<16xi32>
      %add3A_1436 = arith.addi %iota3A, %add3A_1435 : vector<16xi32>
      tpu.vector_store_idx %arg7[%add3A_1436, %broadcast_in_dim3A_1424], %gather3A_1433 : memref<64x256xf32, #tpu.memory_space<vmem>>[vector<16xi32>, vector<16xi32>], vector<16xf32>,
      %add3A_1437 = arith.constant 16 : i32
      %add3A_1438 = vector.broadcast %add3A_1437 : i32 to vector<16xi32>
      %add3A_1439 = arith.addi %iota3A, %add3A_1438 : vector<16xi32>
      %gather3A_1440 = arith.constant 2 : i32
      %gather3A_1441 = arith.constant 0 : i32
      %gather3A_1442 = arith.constant 0 : i32
      %gather3A_1443 = tpu.memref_slice %arg6[%gather3A_1440, %gather3A_1441, %gather3A_1442] : memref<4x64x128xf32, #tpu.memory_space<vmem>> -> memref<1x64x128xf32, #tpu.memory_space<vmem>>
      %gather3A_1444 = tpu.memref_squeeze %gather3A_1443 : memref<1x64x128xf32, #tpu.memory_space<vmem>> -> memref<64x128xf32, #tpu.memory_space<vmem>>
      %gather3A_1445 = tpu.vector_load_idx %gather3A_1444[%add3A_1439, %broadcast_in_dim3A_1421] : memref<64x128xf32, #tpu.memory_space<vmem>>[vector<16xi32>, vector<16xi32>], vector<16xf32>,
      %add3A_1446 = arith.constant 16 : i32
      %add3A_1447 = vector.broadcast %add3A_1446 : i32 to vector<16xi32>
      %add3A_1448 = arith.addi %iota3A, %add3A_1447 : vector<16xi32>
      tpu.vector_store_idx %arg7[%add3A_1448, %broadcast_in_dim3A_1424], %gather3A_1445 : memref<64x256xf32, #tpu.memory_space<vmem>>[vector<16xi32>, vector<16xi32>], vector<16xf32>,
      %add3A_1449 = arith.constant 32 : i32
      %add3A_1450 = vector.broadcast %add3A_1449 : i32 to vector<16xi32>
      %add3A_1451 = arith.addi %iota3A, %add3A_1450 : vector<16xi32>
      %gather3A_1452 = arith.constant 2 : i32
      %gather3A_1453 = arith.constant 0 : i32
      %gather3A_1454 = arith.constant 0 : i32
      %gather3A_1455 = tpu.memref_slice %arg6[%gather3A_1452, %gather3A_1453, %gather3A_1454] : memref<4x64x128xf32, #tpu.memory_space<vmem>> -> memref<1x64x128xf32, #tpu.memory_space<vmem>>
      %gather3A_1456 = tpu.memref_squeeze %gather3A_1455 : memref<1x64x128xf32, #tpu.memory_space<vmem>> -> memref<64x128xf32, #tpu.memory_space<vmem>>
      %gather3A_1457 = tpu.vector_load_idx %gather3A_1456[%add3A_1451, %broadcast_in_dim3A_1421] : memref<64x128xf32, #tpu.memory_space<vmem>>[vector<16xi32>, vector<16xi32>], vector<16xf32>,
      %add3A_1458 = arith.constant 32 : i32
      %add3A_1459 = vector.broadcast %add3A_1458 : i32 to vector<16xi32>
      %add3A_1460 = arith.addi %iota3A, %add3A_1459 : vector<16xi32>
      tpu.vector_store_idx %arg7[%add3A_1460, %broadcast_in_dim3A_1424], %gather3A_1457 : memref<64x256xf32, #tpu.memory_space<vmem>>[vector<16xi32>, vector<16xi32>], vector<16xf32>,
      %add3A_1461 = arith.constant 48 : i32
      %add3A_1462 = vector.broadcast %add3A_1461 : i32 to vector<16xi32>
      %add3A_1463 = arith.addi %iota3A, %add3A_1462 : vector<16xi32>
      %gather3A_1464 = arith.constant 2 : i32
      %gather3A_1465 = arith.constant 0 : i32
      %gather3A_1466 = arith.constant 0 : i32
      %gather3A_1467 = tpu.memref_slice %arg6[%gather3A_1464, %gather3A_1465, %gather3A_1466] : memref<4x64x128xf32, #tpu.memory_space<vmem>> -> memref<1x64x128xf32, #tpu.memory_space<vmem>>
      %gather3A_1468 = tpu.memref_squeeze %gather3A_1467 : memref<1x64x128xf32, #tpu.memory_space<vmem>> -> memref<64x128xf32, #tpu.memory_space<vmem>>
      %gather3A_1469 = tpu.vector_load_idx %gather3A_1468[%add3A_1463, %broadcast_in_dim3A_1421] : memref<64x128xf32, #tpu.memory_space<vmem>>[vector<16xi32>, vector<16xi32>], vector<16xf32>,
      %add3A_1470 = arith.constant 48 : i32
      %add3A_1471 = vector.broadcast %add3A_1470 : i32 to vector<16xi32>
      %add3A_1472 = arith.addi %iota3A, %add3A_1471 : vector<16xi32>
      tpu.vector_store_idx %arg7[%add3A_1472, %broadcast_in_dim3A_1424], %gather3A_1469 : memref<64x256xf32, #tpu.memory_space<vmem>>[vector<16xi32>, vector<16xi32>], vector<16xf32>,
      %slice3A_1473 = vector.extract_strided_slice %get3A_215 {offsets = [2], sizes = [1], strides = [1]} : vector<16xi32> to vector<1xi32>
      %squeeze3A_1474 = vector.extract %slice3A_1473[0] : i32 from vector<1xi32>
      %add3A_1475 = arith.constant 14 : i32
      %add3A_1476 = arith.addi %add3A_204, %add3A_1475 : i32
      %add3A_1477 = arith.constant 4 : i32
      %add3A_1478 = arith.addi %add3A_1476, %add3A_1477 : i32
      %lt3A_1479 = arith.constant 256 : i32
      %lt3A_1480 = arith.cmpi slt, %add3A_1478, %lt3A_1479 : i32
      %convert_element_type3A_1481 = arith.extui %lt3A_1480 : i1 to i32
      %cond3A_1482 = arith.constant 0 : i32
      %cond3A_1483 = arith.cmpi ne, %convert_element_type3A_1481, %cond3A_1482 : i32
      scf.if %cond3A_1483 {
        %shift_right_arithmetic3A_1569 = arith.constant 7 : i32
        %shift_right_arithmetic3A_1570 = arith.shrsi %squeeze3A_1474, %shift_right_arithmetic3A_1569 : i32
        %mul3A_1571 = arith.constant 128 : i32
        %mul3A_1572 = arith.muli %shift_right_arithmetic3A_1570, %mul3A_1571 : i32
        %multiple_of3A_1573 = tpu.assume_multiple %mul3A_1572, 128 : i32
        %dma_start3A_1574 = arith.constant 2 : i32
        %dma_start3A_1575 = arith.constant 2 : i32
        %dma_start3A_1576 = arith.constant 0 : i32
        %dma_start3A_1577 = arith.constant 0 : i32
        %dma_start3A_1578 = tpu.memref_slice %arg6[%dma_start3A_1574, %dma_start3A_1576, %dma_start3A_1577] : memref<4x64x128xf32, #tpu.memory_space<vmem>> -> memref<1x64x128xf32, #tpu.memory_space<vmem>>
        %dma_start3A_1579 = tpu.memref_squeeze %dma_start3A_1578 : memref<1x64x128xf32, #tpu.memory_space<vmem>> -> memref<64x128xf32, #tpu.memory_space<vmem>>
        %dma_start3A_1580 = arith.constant 0 : i32
        %dma_start3A_1581 = tpu.memref_slice %arg2[%dma_start3A_1580, %multiple_of3A_1573] : memref<64x1000000xf32, #tpu.memory_space<hbm>> -> memref<64x128xf32, #tpu.memory_space<hbm>>
        %dma_start3A_1582 = tpu.memref_slice %arg8[%dma_start3A_1575] : memref<4x!tpu.dma_semaphore, #tpu.memory_space<semaphore_mem>> -> memref<1x!tpu.dma_semaphore, #tpu.memory_space<semaphore_mem>>
        %dma_start3A_1583 = tpu.memref_squeeze %dma_start3A_1582 : memref<1x!tpu.dma_semaphore, #tpu.memory_space<semaphore_mem>> -> memref<!tpu.dma_semaphore, #tpu.memory_space<semaphore_mem>>
        %dma_start3A_1584 = arith.constant 0 : i32
        %dma_start3A_1585 = arith.constant 0 : i32
        %dma_start3A_1586 = tpu.memref_slice %arg6[%dma_start3A_1574, %dma_start3A_1584, %dma_start3A_1585] : memref<4x64x128xf32, #tpu.memory_space<vmem>> -> memref<1x64x128xf32, #tpu.memory_space<vmem>>
        %dma_start3A_1587 = tpu.memref_squeeze %dma_start3A_1586 : memref<1x64x128xf32, #tpu.memory_space<vmem>> -> memref<64x128xf32, #tpu.memory_space<vmem>>
        %dma_start3A_1588 = arith.constant 0 : i32
        %dma_start3A_1589 = tpu.memref_slice %arg2[%dma_start3A_1588, %multiple_of3A_1573] : memref<64x1000000xf32, #tpu.memory_space<hbm>> -> memref<64x128xf32, #tpu.memory_space<hbm>>
        tpu.enqueue_dma source(%dma_start3A_1589 : memref<64x128xf32, #tpu.memory_space<hbm>>) target(%dma_start3A_1587 : memref<64x128xf32, #tpu.memory_space<vmem>>) target_semaphore(%dma_start3A_1583 : memref<!tpu.dma_semaphore, #tpu.memory_space<semaphore_mem>>)
      } else {
      }
      %dma_wait3A_1484 = arith.constant 3 : i32
      %dma_wait3A_1485 = arith.constant 3 : i32
      %dma_wait3A_1486 = arith.constant 0 : i32
      %dma_wait3A_1487 = arith.constant 0 : i32
      %dma_wait3A_1488 = tpu.memref_slice %arg6[%dma_wait3A_1484, %dma_wait3A_1486, %dma_wait3A_1487] : memref<4x64x128xf32, #tpu.memory_space<vmem>> -> memref<1x64x128xf32, #tpu.memory_space<vmem>>
      %dma_wait3A_1489 = tpu.memref_squeeze %dma_wait3A_1488 : memref<1x64x128xf32, #tpu.memory_space<vmem>> -> memref<64x128xf32, #tpu.memory_space<vmem>>
      %dma_wait3A_1490 = arith.constant 0 : i32
      %dma_wait3A_1491 = arith.constant 0 : i32
      %dma_wait3A_1492 = tpu.memref_slice %arg2[%dma_wait3A_1490, %dma_wait3A_1491] : memref<64x1000000xf32, #tpu.memory_space<hbm>> -> memref<64x128xf32, #tpu.memory_space<hbm>>
      %dma_wait3A_1493 = tpu.memref_slice %arg8[%dma_wait3A_1485] : memref<4x!tpu.dma_semaphore, #tpu.memory_space<semaphore_mem>> -> memref<1x!tpu.dma_semaphore, #tpu.memory_space<semaphore_mem>>
      %dma_wait3A_1494 = tpu.memref_squeeze %dma_wait3A_1493 : memref<1x!tpu.dma_semaphore, #tpu.memory_space<semaphore_mem>> -> memref<!tpu.dma_semaphore, #tpu.memory_space<semaphore_mem>>
      %dma_wait3A_1495 = arith.constant 0 : i32
      %dma_wait3A_1496 = arith.constant 0 : i32
      %dma_wait3A_1497 = tpu.memref_slice %arg6[%dma_wait3A_1484, %dma_wait3A_1495, %dma_wait3A_1496] : memref<4x64x128xf32, #tpu.memory_space<vmem>> -> memref<1x64x128xf32, #tpu.memory_space<vmem>>
      %dma_wait3A_1498 = tpu.memref_squeeze %dma_wait3A_1497 : memref<1x64x128xf32, #tpu.memory_space<vmem>> -> memref<64x128xf32, #tpu.memory_space<vmem>>
      %dma_wait3A_1499 = arith.constant 0 : i32
      %dma_wait3A_1500 = arith.constant 0 : i32
      %dma_wait3A_1501 = tpu.memref_slice %arg2[%dma_wait3A_1499, %dma_wait3A_1500] : memref<64x1000000xf32, #tpu.memory_space<hbm>> -> memref<64x128xf32, #tpu.memory_space<hbm>>
      tpu.wait_dma2 semaphore(%dma_wait3A_1494 : memref<!tpu.dma_semaphore, #tpu.memory_space<semaphore_mem>>) src(%dma_wait3A_1501 : memref<64x128xf32, #tpu.memory_space<hbm>>) dst(%dma_wait3A_1498 : memref<64x128xf32, #tpu.memory_space<vmem>>)
      %slice3A_1502 = vector.extract_strided_slice %get3A_208 {offsets = [15], sizes = [1], strides = [1]} : vector<16xi32> to vector<1xi32>
      %squeeze3A_1503 = vector.extract %slice3A_1502[0] : i32 from vector<1xi32>
      %and3A_1504 = arith.constant 127 : i32
      %and3A_1505 = arith.andi %squeeze3A_1503, %and3A_1504 : i32
      %broadcast_in_dim3A_1506 = vector.broadcast %and3A_1505 : i32 to vector<16xi32>
      %add3A_1507 = arith.constant 15 : i32
      %add3A_1508 = arith.addi %add3A_204, %add3A_1507 : i32
      %broadcast_in_dim3A_1509 = vector.broadcast %add3A_1508 : i32 to vector<16xi32>
      %add3A_1510 = arith.constant 0 : i32
      %add3A_1511 = vector.broadcast %add3A_1510 : i32 to vector<16xi32>
      %add3A_1512 = arith.addi %iota3A, %add3A_1511 : vector<16xi32>
      %gather3A_1513 = arith.constant 3 : i32
      %gather3A_1514 = arith.constant 0 : i32
      %gather3A_1515 = arith.constant 0 : i32
      %gather3A_1516 = tpu.memref_slice %arg6[%gather3A_1513, %gather3A_1514, %gather3A_1515] : memref<4x64x128xf32, #tpu.memory_space<vmem>> -> memref<1x64x128xf32, #tpu.memory_space<vmem>>
      %gather3A_1517 = tpu.memref_squeeze %gather3A_1516 : memref<1x64x128xf32, #tpu.memory_space<vmem>> -> memref<64x128xf32, #tpu.memory_space<vmem>>
      %gather3A_1518 = tpu.vector_load_idx %gather3A_1517[%add3A_1512, %broadcast_in_dim3A_1506] : memref<64x128xf32, #tpu.memory_space<vmem>>[vector<16xi32>, vector<16xi32>], vector<16xf32>,
      %add3A_1519 = arith.constant 0 : i32
      %add3A_1520 = vector.broadcast %add3A_1519 : i32 to vector<16xi32>
      %add3A_1521 = arith.addi %iota3A, %add3A_1520 : vector<16xi32>
      tpu.vector_store_idx %arg7[%add3A_1521, %broadcast_in_dim3A_1509], %gather3A_1518 : memref<64x256xf32, #tpu.memory_space<vmem>>[vector<16xi32>, vector<16xi32>], vector<16xf32>,
      %add3A_1522 = arith.constant 16 : i32
      %add3A_1523 = vector.broadcast %add3A_1522 : i32 to vector<16xi32>
      %add3A_1524 = arith.addi %iota3A, %add3A_1523 : vector<16xi32>
      %gather3A_1525 = arith.constant 3 : i32
      %gather3A_1526 = arith.constant 0 : i32
      %gather3A_1527 = arith.constant 0 : i32
      %gather3A_1528 = tpu.memref_slice %arg6[%gather3A_1525, %gather3A_1526, %gather3A_1527] : memref<4x64x128xf32, #tpu.memory_space<vmem>> -> memref<1x64x128xf32, #tpu.memory_space<vmem>>
      %gather3A_1529 = tpu.memref_squeeze %gather3A_1528 : memref<1x64x128xf32, #tpu.memory_space<vmem>> -> memref<64x128xf32, #tpu.memory_space<vmem>>
      %gather3A_1530 = tpu.vector_load_idx %gather3A_1529[%add3A_1524, %broadcast_in_dim3A_1506] : memref<64x128xf32, #tpu.memory_space<vmem>>[vector<16xi32>, vector<16xi32>], vector<16xf32>,
      %add3A_1531 = arith.constant 16 : i32
      %add3A_1532 = vector.broadcast %add3A_1531 : i32 to vector<16xi32>
      %add3A_1533 = arith.addi %iota3A, %add3A_1532 : vector<16xi32>
      tpu.vector_store_idx %arg7[%add3A_1533, %broadcast_in_dim3A_1509], %gather3A_1530 : memref<64x256xf32, #tpu.memory_space<vmem>>[vector<16xi32>, vector<16xi32>], vector<16xf32>,
      %add3A_1534 = arith.constant 32 : i32
      %add3A_1535 = vector.broadcast %add3A_1534 : i32 to vector<16xi32>
      %add3A_1536 = arith.addi %iota3A, %add3A_1535 : vector<16xi32>
      %gather3A_1537 = arith.constant 3 : i32
      %gather3A_1538 = arith.constant 0 : i32
      %gather3A_1539 = arith.constant 0 : i32
      %gather3A_1540 = tpu.memref_slice %arg6[%gather3A_1537, %gather3A_1538, %gather3A_1539] : memref<4x64x128xf32, #tpu.memory_space<vmem>> -> memref<1x64x128xf32, #tpu.memory_space<vmem>>
      %gather3A_1541 = tpu.memref_squeeze %gather3A_1540 : memref<1x64x128xf32, #tpu.memory_space<vmem>> -> memref<64x128xf32, #tpu.memory_space<vmem>>
      %gather3A_1542 = tpu.vector_load_idx %gather3A_1541[%add3A_1536, %broadcast_in_dim3A_1506] : memref<64x128xf32, #tpu.memory_space<vmem>>[vector<16xi32>, vector<16xi32>], vector<16xf32>,
      %add3A_1543 = arith.constant 32 : i32
      %add3A_1544 = vector.broadcast %add3A_1543 : i32 to vector<16xi32>
      %add3A_1545 = arith.addi %iota3A, %add3A_1544 : vector<16xi32>
      tpu.vector_store_idx %arg7[%add3A_1545, %broadcast_in_dim3A_1509], %gather3A_1542 : memref<64x256xf32, #tpu.memory_space<vmem>>[vector<16xi32>, vector<16xi32>], vector<16xf32>,
      %add3A_1546 = arith.constant 48 : i32
      %add3A_1547 = vector.broadcast %add3A_1546 : i32 to vector<16xi32>
      %add3A_1548 = arith.addi %iota3A, %add3A_1547 : vector<16xi32>
      %gather3A_1549 = arith.constant 3 : i32
      %gather3A_1550 = arith.constant 0 : i32
      %gather3A_1551 = arith.constant 0 : i32
      %gather3A_1552 = tpu.memref_slice %arg6[%gather3A_1549, %gather3A_1550, %gather3A_1551] : memref<4x64x128xf32, #tpu.memory_space<vmem>> -> memref<1x64x128xf32, #tpu.memory_space<vmem>>
      %gather3A_1553 = tpu.memref_squeeze %gather3A_1552 : memref<1x64x128xf32, #tpu.memory_space<vmem>> -> memref<64x128xf32, #tpu.memory_space<vmem>>
      %gather3A_1554 = tpu.vector_load_idx %gather3A_1553[%add3A_1548, %broadcast_in_dim3A_1506] : memref<64x128xf32, #tpu.memory_space<vmem>>[vector<16xi32>, vector<16xi32>], vector<16xf32>,
      %add3A_1555 = arith.constant 48 : i32
      %add3A_1556 = vector.broadcast %add3A_1555 : i32 to vector<16xi32>
      %add3A_1557 = arith.addi %iota3A, %add3A_1556 : vector<16xi32>
      tpu.vector_store_idx %arg7[%add3A_1557, %broadcast_in_dim3A_1509], %gather3A_1554 : memref<64x256xf32, #tpu.memory_space<vmem>>[vector<16xi32>, vector<16xi32>], vector<16xf32>,
      %slice3A_1558 = vector.extract_strided_slice %get3A_215 {offsets = [3], sizes = [1], strides = [1]} : vector<16xi32> to vector<1xi32>
      %squeeze3A_1559 = vector.extract %slice3A_1558[0] : i32 from vector<1xi32>
      %add3A_1560 = arith.constant 15 : i32
      %add3A_1561 = arith.addi %add3A_204, %add3A_1560 : i32
      %add3A_1562 = arith.constant 4 : i32
      %add3A_1563 = arith.addi %add3A_1561, %add3A_1562 : i32
      %lt3A_1564 = arith.constant 256 : i32
      %lt3A_1565 = arith.cmpi slt, %add3A_1563, %lt3A_1564 : i32
      %convert_element_type3A_1566 = arith.extui %lt3A_1565 : i1 to i32
      %cond3A_1567 = arith.constant 0 : i32
      %cond3A_1568 = arith.cmpi ne, %convert_element_type3A_1566, %cond3A_1567 : i32
      scf.if %cond3A_1568 {
        %shift_right_arithmetic3A_1569 = arith.constant 7 : i32
        %shift_right_arithmetic3A_1570 = arith.shrsi %squeeze3A_1559, %shift_right_arithmetic3A_1569 : i32
        %mul3A_1571 = arith.constant 128 : i32
        %mul3A_1572 = arith.muli %shift_right_arithmetic3A_1570, %mul3A_1571 : i32
        %multiple_of3A_1573 = tpu.assume_multiple %mul3A_1572, 128 : i32
        %dma_start3A_1574 = arith.constant 3 : i32
        %dma_start3A_1575 = arith.constant 3 : i32
        %dma_start3A_1576 = arith.constant 0 : i32
        %dma_start3A_1577 = arith.constant 0 : i32
        %dma_start3A_1578 = tpu.memref_slice %arg6[%dma_start3A_1574, %dma_start3A_1576, %dma_start3A_1577] : memref<4x64x128xf32, #tpu.memory_space<vmem>> -> memref<1x64x128xf32, #tpu.memory_space<vmem>>
        %dma_start3A_1579 = tpu.memref_squeeze %dma_start3A_1578 : memref<1x64x128xf32, #tpu.memory_space<vmem>> -> memref<64x128xf32, #tpu.memory_space<vmem>>
        %dma_start3A_1580 = arith.constant 0 : i32
        %dma_start3A_1581 = tpu.memref_slice %arg2[%dma_start3A_1580, %multiple_of3A_1573] : memref<64x1000000xf32, #tpu.memory_space<hbm>> -> memref<64x128xf32, #tpu.memory_space<hbm>>
        %dma_start3A_1582 = tpu.memref_slice %arg8[%dma_start3A_1575] : memref<4x!tpu.dma_semaphore, #tpu.memory_space<semaphore_mem>> -> memref<1x!tpu.dma_semaphore, #tpu.memory_space<semaphore_mem>>
        %dma_start3A_1583 = tpu.memref_squeeze %dma_start3A_1582 : memref<1x!tpu.dma_semaphore, #tpu.memory_space<semaphore_mem>> -> memref<!tpu.dma_semaphore, #tpu.memory_space<semaphore_mem>>
        %dma_start3A_1584 = arith.constant 0 : i32
        %dma_start3A_1585 = arith.constant 0 : i32
        %dma_start3A_1586 = tpu.memref_slice %arg6[%dma_start3A_1574, %dma_start3A_1584, %dma_start3A_1585] : memref<4x64x128xf32, #tpu.memory_space<vmem>> -> memref<1x64x128xf32, #tpu.memory_space<vmem>>
        %dma_start3A_1587 = tpu.memref_squeeze %dma_start3A_1586 : memref<1x64x128xf32, #tpu.memory_space<vmem>> -> memref<64x128xf32, #tpu.memory_space<vmem>>
        %dma_start3A_1588 = arith.constant 0 : i32
        %dma_start3A_1589 = tpu.memref_slice %arg2[%dma_start3A_1588, %multiple_of3A_1573] : memref<64x1000000xf32, #tpu.memory_space<hbm>> -> memref<64x128xf32, #tpu.memory_space<hbm>>
        tpu.enqueue_dma source(%dma_start3A_1589 : memref<64x128xf32, #tpu.memory_space<hbm>>) target(%dma_start3A_1587 : memref<64x128xf32, #tpu.memory_space<vmem>>) target_semaphore(%dma_start3A_1583 : memref<!tpu.dma_semaphore, #tpu.memory_space<semaphore_mem>>)
      } else {
      }
    }
    %scan3A_92 = arith.constant 16 : i32
    %mul3A_93 = arith.constant 512 : i32
    %mul3A_94 = arith.muli %add3A, %mul3A_93 : i32
    %add3A_95 = arith.constant 0 : i32
    %add3A_96 = arith.addi %mul3A_94, %add3A_95 : i32
    "tpu.region"() ({
      %run_scoped3A = tpu.sem_alloc : memref<!tpu.dma_semaphore, #tpu.memory_space<semaphore_mem>>
      %dma_start3A_200 = arith.constant 0 : i32
      %dma_start3A_201 = tpu.memref_slice %arg4[%dma_start3A_200, %add3A_96] : memref<64x16384xf32, #tpu.memory_space<hbm>> -> memref<64x256xf32, #tpu.memory_space<hbm>>
      %dma_start3A_202 = arith.constant 0 : i32
      %dma_start3A_203 = tpu.memref_slice %arg4[%dma_start3A_202, %add3A_96] : memref<64x16384xf32, #tpu.memory_space<hbm>> -> memref<64x256xf32, #tpu.memory_space<hbm>>
      tpu.enqueue_dma source(%arg7 : memref<64x256xf32, #tpu.memory_space<vmem>>) target(%dma_start3A_203 : memref<64x256xf32, #tpu.memory_space<hbm>>) target_semaphore(%run_scoped3A : memref<!tpu.dma_semaphore, #tpu.memory_space<semaphore_mem>>)
      %dma_wait3A = arith.constant 0 : i32
      %dma_wait3A_204 = tpu.memref_slice %arg4[%dma_wait3A, %add3A_96] : memref<64x16384xf32, #tpu.memory_space<hbm>> -> memref<64x256xf32, #tpu.memory_space<hbm>>
      %dma_wait3A_205 = arith.constant 0 : i32
      %dma_wait3A_206 = tpu.memref_slice %arg4[%dma_wait3A_205, %add3A_96] : memref<64x16384xf32, #tpu.memory_space<hbm>> -> memref<64x256xf32, #tpu.memory_space<hbm>>
      tpu.wait_dma2 semaphore(%run_scoped3A : memref<!tpu.dma_semaphore, #tpu.memory_space<semaphore_mem>>) src(%arg7 : memref<64x256xf32, #tpu.memory_space<vmem>>) dst(%dma_wait3A_206 : memref<64x256xf32, #tpu.memory_space<hbm>>)
      tpu.yield
    }) : () -> ()
    %get3A_97 = arith.constant 256 : index
    %get3A_98 = tpu.vector_load %arg5[%get3A_97] {strides = array<i32>} : memref<512xi32, #tpu.memory_space<vmem>>, vector<16xi32>,
    %slice3A_99 = vector.extract_strided_slice %get3A_98 {offsets = [0], sizes = [1], strides = [1]} : vector<16xi32> to vector<1xi32>
    %squeeze3A_100 = vector.extract %slice3A_99[0] : i32 from vector<1xi32>
    %shift_right_arithmetic3A_101 = arith.constant 7 : i32
    %shift_right_arithmetic3A_102 = arith.shrsi %squeeze3A_100, %shift_right_arithmetic3A_101 : i32
    %mul3A_103 = arith.constant 128 : i32
    %mul3A_104 = arith.muli %shift_right_arithmetic3A_102, %mul3A_103 : i32
    %multiple_of3A_105 = tpu.assume_multiple %mul3A_104, 128 : i32
    %dma_start3A_106 = arith.constant 0 : i32
    %dma_start3A_107 = arith.constant 0 : i32
    %dma_start3A_108 = arith.constant 0 : i32
    %dma_start3A_109 = arith.constant 0 : i32
    %dma_start3A_110 = tpu.memref_slice %arg6[%dma_start3A_106, %dma_start3A_108, %dma_start3A_109] : memref<4x64x128xf32, #tpu.memory_space<vmem>> -> memref<1x64x128xf32, #tpu.memory_space<vmem>>
    %dma_start3A_111 = tpu.memref_squeeze %dma_start3A_110 : memref<1x64x128xf32, #tpu.memory_space<vmem>> -> memref<64x128xf32, #tpu.memory_space<vmem>>
    %dma_start3A_112 = arith.constant 0 : i32
    %dma_start3A_113 = tpu.memref_slice %arg2[%dma_start3A_112, %multiple_of3A_105] : memref<64x1000000xf32, #tpu.memory_space<hbm>> -> memref<64x128xf32, #tpu.memory_space<hbm>>
    %dma_start3A_114 = tpu.memref_slice %arg8[%dma_start3A_107] : memref<4x!tpu.dma_semaphore, #tpu.memory_space<semaphore_mem>> -> memref<1x!tpu.dma_semaphore, #tpu.memory_space<semaphore_mem>>
    %dma_start3A_115 = tpu.memref_squeeze %dma_start3A_114 : memref<1x!tpu.dma_semaphore, #tpu.memory_space<semaphore_mem>> -> memref<!tpu.dma_semaphore, #tpu.memory_space<semaphore_mem>>
    %dma_start3A_116 = arith.constant 0 : i32
    %dma_start3A_117 = arith.constant 0 : i32
    %dma_start3A_118 = tpu.memref_slice %arg6[%dma_start3A_106, %dma_start3A_116, %dma_start3A_117] : memref<4x64x128xf32, #tpu.memory_space<vmem>> -> memref<1x64x128xf32, #tpu.memory_space<vmem>>
    %dma_start3A_119 = tpu.memref_squeeze %dma_start3A_118 : memref<1x64x128xf32, #tpu.memory_space<vmem>> -> memref<64x128xf32, #tpu.memory_space<vmem>>
    %dma_start3A_120 = arith.constant 0 : i32
    %dma_start3A_121 = tpu.memref_slice %arg2[%dma_start3A_120, %multiple_of3A_105] : memref<64x1000000xf32, #tpu.memory_space<hbm>> -> memref<64x128xf32, #tpu.memory_space<hbm>>
    tpu.enqueue_dma source(%dma_start3A_121 : memref<64x128xf32, #tpu.memory_space<hbm>>) target(%dma_start3A_119 : memref<64x128xf32, #tpu.memory_space<vmem>>) target_semaphore(%dma_start3A_115 : memref<!tpu.dma_semaphore, #tpu.memory_space<semaphore_mem>>)
    %slice3A_122 = vector.extract_strided_slice %get3A_98 {offsets = [1], sizes = [1], strides = [1]} : vector<16xi32> to vector<1xi32>
    %squeeze3A_123 = vector.extract %slice3A_122[0] : i32 from vector<1xi32>
    %shift_right_arithmetic3A_124 = arith.constant 7 : i32
    %shift_right_arithmetic3A_125 = arith.shrsi %squeeze3A_123, %shift_right_arithmetic3A_124 : i32
    %mul3A_126 = arith.constant 128 : i32
    %mul3A_127 = arith.muli %shift_right_arithmetic3A_125, %mul3A_126 : i32
    %multiple_of3A_128 = tpu.assume_multiple %mul3A_127, 128 : i32
    %dma_start3A_129 = arith.constant 1 : i32
    %dma_start3A_130 = arith.constant 1 : i32
    %dma_start3A_131 = arith.constant 0 : i32
    %dma_start3A_132 = arith.constant 0 : i32
    %dma_start3A_133 = tpu.memref_slice %arg6[%dma_start3A_129, %dma_start3A_131, %dma_start3A_132] : memref<4x64x128xf32, #tpu.memory_space<vmem>> -> memref<1x64x128xf32, #tpu.memory_space<vmem>>
    %dma_start3A_134 = tpu.memref_squeeze %dma_start3A_133 : memref<1x64x128xf32, #tpu.memory_space<vmem>> -> memref<64x128xf32, #tpu.memory_space<vmem>>
    %dma_start3A_135 = arith.constant 0 : i32
    %dma_start3A_136 = tpu.memref_slice %arg2[%dma_start3A_135, %multiple_of3A_128] : memref<64x1000000xf32, #tpu.memory_space<hbm>> -> memref<64x128xf32, #tpu.memory_space<hbm>>
    %dma_start3A_137 = tpu.memref_slice %arg8[%dma_start3A_130] : memref<4x!tpu.dma_semaphore, #tpu.memory_space<semaphore_mem>> -> memref<1x!tpu.dma_semaphore, #tpu.memory_space<semaphore_mem>>
    %dma_start3A_138 = tpu.memref_squeeze %dma_start3A_137 : memref<1x!tpu.dma_semaphore, #tpu.memory_space<semaphore_mem>> -> memref<!tpu.dma_semaphore, #tpu.memory_space<semaphore_mem>>
    %dma_start3A_139 = arith.constant 0 : i32
    %dma_start3A_140 = arith.constant 0 : i32
    %dma_start3A_141 = tpu.memref_slice %arg6[%dma_start3A_129, %dma_start3A_139, %dma_start3A_140] : memref<4x64x128xf32, #tpu.memory_space<vmem>> -> memref<1x64x128xf32, #tpu.memory_space<vmem>>
    %dma_start3A_142 = tpu.memref_squeeze %dma_start3A_141 : memref<1x64x128xf32, #tpu.memory_space<vmem>> -> memref<64x128xf32, #tpu.memory_space<vmem>>
    %dma_start3A_143 = arith.constant 0 : i32
    %dma_start3A_144 = tpu.memref_slice %arg2[%dma_start3A_143, %multiple_of3A_128] : memref<64x1000000xf32, #tpu.memory_space<hbm>> -> memref<64x128xf32, #tpu.memory_space<hbm>>
    tpu.enqueue_dma source(%dma_start3A_144 : memref<64x128xf32, #tpu.memory_space<hbm>>) target(%dma_start3A_142 : memref<64x128xf32, #tpu.memory_space<vmem>>) target_semaphore(%dma_start3A_138 : memref<!tpu.dma_semaphore, #tpu.memory_space<semaphore_mem>>)
    %slice3A_145 = vector.extract_strided_slice %get3A_98 {offsets = [2], sizes = [1], strides = [1]} : vector<16xi32> to vector<1xi32>
    %squeeze3A_146 = vector.extract %slice3A_145[0] : i32 from vector<1xi32>
    %shift_right_arithmetic3A_147 = arith.constant 7 : i32
    %shift_right_arithmetic3A_148 = arith.shrsi %squeeze3A_146, %shift_right_arithmetic3A_147 : i32
    %mul3A_149 = arith.constant 128 : i32
    %mul3A_150 = arith.muli %shift_right_arithmetic3A_148, %mul3A_149 : i32
    %multiple_of3A_151 = tpu.assume_multiple %mul3A_150, 128 : i32
    %dma_start3A_152 = arith.constant 2 : i32
    %dma_start3A_153 = arith.constant 2 : i32
    %dma_start3A_154 = arith.constant 0 : i32
    %dma_start3A_155 = arith.constant 0 : i32
    %dma_start3A_156 = tpu.memref_slice %arg6[%dma_start3A_152, %dma_start3A_154, %dma_start3A_155] : memref<4x64x128xf32, #tpu.memory_space<vmem>> -> memref<1x64x128xf32, #tpu.memory_space<vmem>>
    %dma_start3A_157 = tpu.memref_squeeze %dma_start3A_156 : memref<1x64x128xf32, #tpu.memory_space<vmem>> -> memref<64x128xf32, #tpu.memory_space<vmem>>
    %dma_start3A_158 = arith.constant 0 : i32
    %dma_start3A_159 = tpu.memref_slice %arg2[%dma_start3A_158, %multiple_of3A_151] : memref<64x1000000xf32, #tpu.memory_space<hbm>> -> memref<64x128xf32, #tpu.memory_space<hbm>>
    %dma_start3A_160 = tpu.memref_slice %arg8[%dma_start3A_153] : memref<4x!tpu.dma_semaphore, #tpu.memory_space<semaphore_mem>> -> memref<1x!tpu.dma_semaphore, #tpu.memory_space<semaphore_mem>>
    %dma_start3A_161 = tpu.memref_squeeze %dma_start3A_160 : memref<1x!tpu.dma_semaphore, #tpu.memory_space<semaphore_mem>> -> memref<!tpu.dma_semaphore, #tpu.memory_space<semaphore_mem>>
    %dma_start3A_162 = arith.constant 0 : i32
    %dma_start3A_163 = arith.constant 0 : i32
    %dma_start3A_164 = tpu.memref_slice %arg6[%dma_start3A_152, %dma_start3A_162, %dma_start3A_163] : memref<4x64x128xf32, #tpu.memory_space<vmem>> -> memref<1x64x128xf32, #tpu.memory_space<vmem>>
    %dma_start3A_165 = tpu.memref_squeeze %dma_start3A_164 : memref<1x64x128xf32, #tpu.memory_space<vmem>> -> memref<64x128xf32, #tpu.memory_space<vmem>>
    %dma_start3A_166 = arith.constant 0 : i32
    %dma_start3A_167 = tpu.memref_slice %arg2[%dma_start3A_166, %multiple_of3A_151] : memref<64x1000000xf32, #tpu.memory_space<hbm>> -> memref<64x128xf32, #tpu.memory_space<hbm>>
    tpu.enqueue_dma source(%dma_start3A_167 : memref<64x128xf32, #tpu.memory_space<hbm>>) target(%dma_start3A_165 : memref<64x128xf32, #tpu.memory_space<vmem>>) target_semaphore(%dma_start3A_161 : memref<!tpu.dma_semaphore, #tpu.memory_space<semaphore_mem>>)
    %slice3A_168 = vector.extract_strided_slice %get3A_98 {offsets = [3], sizes = [1], strides = [1]} : vector<16xi32> to vector<1xi32>
    %squeeze3A_169 = vector.extract %slice3A_168[0] : i32 from vector<1xi32>
    %shift_right_arithmetic3A_170 = arith.constant 7 : i32
    %shift_right_arithmetic3A_171 = arith.shrsi %squeeze3A_169, %shift_right_arithmetic3A_170 : i32
    %mul3A_172 = arith.constant 128 : i32
    %mul3A_173 = arith.muli %shift_right_arithmetic3A_171, %mul3A_172 : i32
    %multiple_of3A_174 = tpu.assume_multiple %mul3A_173, 128 : i32
    %dma_start3A_175 = arith.constant 3 : i32
    %dma_start3A_176 = arith.constant 3 : i32
    %dma_start3A_177 = arith.constant 0 : i32
    %dma_start3A_178 = arith.constant 0 : i32
    %dma_start3A_179 = tpu.memref_slice %arg6[%dma_start3A_175, %dma_start3A_177, %dma_start3A_178] : memref<4x64x128xf32, #tpu.memory_space<vmem>> -> memref<1x64x128xf32, #tpu.memory_space<vmem>>
    %dma_start3A_180 = tpu.memref_squeeze %dma_start3A_179 : memref<1x64x128xf32, #tpu.memory_space<vmem>> -> memref<64x128xf32, #tpu.memory_space<vmem>>
    %dma_start3A_181 = arith.constant 0 : i32
    %dma_start3A_182 = tpu.memref_slice %arg2[%dma_start3A_181, %multiple_of3A_174] : memref<64x1000000xf32, #tpu.memory_space<hbm>> -> memref<64x128xf32, #tpu.memory_space<hbm>>
    %dma_start3A_183 = tpu.memref_slice %arg8[%dma_start3A_176] : memref<4x!tpu.dma_semaphore, #tpu.memory_space<semaphore_mem>> -> memref<1x!tpu.dma_semaphore, #tpu.memory_space<semaphore_mem>>
    %dma_start3A_184 = tpu.memref_squeeze %dma_start3A_183 : memref<1x!tpu.dma_semaphore, #tpu.memory_space<semaphore_mem>> -> memref<!tpu.dma_semaphore, #tpu.memory_space<semaphore_mem>>
    %dma_start3A_185 = arith.constant 0 : i32
    %dma_start3A_186 = arith.constant 0 : i32
    %dma_start3A_187 = tpu.memref_slice %arg6[%dma_start3A_175, %dma_start3A_185, %dma_start3A_186] : memref<4x64x128xf32, #tpu.memory_space<vmem>> -> memref<1x64x128xf32, #tpu.memory_space<vmem>>
    %dma_start3A_188 = tpu.memref_squeeze %dma_start3A_187 : memref<1x64x128xf32, #tpu.memory_space<vmem>> -> memref<64x128xf32, #tpu.memory_space<vmem>>
    %dma_start3A_189 = arith.constant 0 : i32
    %dma_start3A_190 = tpu.memref_slice %arg2[%dma_start3A_189, %multiple_of3A_174] : memref<64x1000000xf32, #tpu.memory_space<hbm>> -> memref<64x128xf32, #tpu.memory_space<hbm>>
    tpu.enqueue_dma source(%dma_start3A_190 : memref<64x128xf32, #tpu.memory_space<hbm>>) target(%dma_start3A_188 : memref<64x128xf32, #tpu.memory_space<vmem>>) target_semaphore(%dma_start3A_184 : memref<!tpu.dma_semaphore, #tpu.memory_space<semaphore_mem>>)
    %scan3A_191 = arith.constant 0 : i32
    %scan3A_192 = arith.constant 16 : i32
    %scan3A_193 = arith.addi %scan3A_191, %scan3A_192 : i32
    %scan3A_194 = arith.constant 1 : i32
    scf.for %scan3A_200 = %scan3A_191 to %scan3A_193 step %scan3A_194  : i32 {
      %mul3A_201 = arith.constant 16 : i32
      %mul3A_202 = arith.muli %scan3A_200, %mul3A_201 : i32
      %add3A_203 = arith.constant 0 : i32
      %add3A_204 = arith.addi %add3A_203, %mul3A_202 : i32
      %add3A_205 = arith.constant 256 : i32
      %add3A_206 = arith.addi %add3A_205, %add3A_204 : i32
      %get3A_207 = arith.index_cast %add3A_206 : i32 to index
      %get3A_208 = tpu.vector_load %arg5[%get3A_207] {strides = array<i32>} : memref<512xi32, #tpu.memory_space<vmem>>, vector<16xi32>,
      %add3A_209 = arith.constant 256 : i32
      %add3A_210 = arith.addi %add3A_209, %add3A_204 : i32
      %add3A_211 = arith.constant 16 : i32
      %add3A_212 = arith.addi %add3A_210, %add3A_211 : i32
      %min3A = arith.constant 496 : i32
      %min3A_213 = arith.minsi %add3A_212, %min3A : i32
      %get3A_214 = arith.index_cast %min3A_213 : i32 to index
      %get3A_215 = tpu.vector_load %arg5[%get3A_214] {strides = array<i32>} : memref<512xi32, #tpu.memory_space<vmem>>, vector<16xi32>,
      %dma_wait3A = arith.constant 0 : i32
      %dma_wait3A_216 = arith.constant 0 : i32
      %dma_wait3A_217 = arith.constant 0 : i32
      %dma_wait3A_218 = arith.constant 0 : i32
      %dma_wait3A_219 = tpu.memref_slice %arg6[%dma_wait3A, %dma_wait3A_217, %dma_wait3A_218] : memref<4x64x128xf32, #tpu.memory_space<vmem>> -> memref<1x64x128xf32, #tpu.memory_space<vmem>>
      %dma_wait3A_220 = tpu.memref_squeeze %dma_wait3A_219 : memref<1x64x128xf32, #tpu.memory_space<vmem>> -> memref<64x128xf32, #tpu.memory_space<vmem>>
      %dma_wait3A_221 = arith.constant 0 : i32
      %dma_wait3A_222 = arith.constant 0 : i32
      %dma_wait3A_223 = tpu.memref_slice %arg2[%dma_wait3A_221, %dma_wait3A_222] : memref<64x1000000xf32, #tpu.memory_space<hbm>> -> memref<64x128xf32, #tpu.memory_space<hbm>>
      %dma_wait3A_224 = tpu.memref_slice %arg8[%dma_wait3A_216] : memref<4x!tpu.dma_semaphore, #tpu.memory_space<semaphore_mem>> -> memref<1x!tpu.dma_semaphore, #tpu.memory_space<semaphore_mem>>
      %dma_wait3A_225 = tpu.memref_squeeze %dma_wait3A_224 : memref<1x!tpu.dma_semaphore, #tpu.memory_space<semaphore_mem>> -> memref<!tpu.dma_semaphore, #tpu.memory_space<semaphore_mem>>
      %dma_wait3A_226 = arith.constant 0 : i32
      %dma_wait3A_227 = arith.constant 0 : i32
      %dma_wait3A_228 = tpu.memref_slice %arg6[%dma_wait3A, %dma_wait3A_226, %dma_wait3A_227] : memref<4x64x128xf32, #tpu.memory_space<vmem>> -> memref<1x64x128xf32, #tpu.memory_space<vmem>>
      %dma_wait3A_229 = tpu.memref_squeeze %dma_wait3A_228 : memref<1x64x128xf32, #tpu.memory_space<vmem>> -> memref<64x128xf32, #tpu.memory_space<vmem>>
      %dma_wait3A_230 = arith.constant 0 : i32
      %dma_wait3A_231 = arith.constant 0 : i32
      %dma_wait3A_232 = tpu.memref_slice %arg2[%dma_wait3A_230, %dma_wait3A_231] : memref<64x1000000xf32, #tpu.memory_space<hbm>> -> memref<64x128xf32, #tpu.memory_space<hbm>>
      tpu.wait_dma2 semaphore(%dma_wait3A_225 : memref<!tpu.dma_semaphore, #tpu.memory_space<semaphore_mem>>) src(%dma_wait3A_232 : memref<64x128xf32, #tpu.memory_space<hbm>>) dst(%dma_wait3A_229 : memref<64x128xf32, #tpu.memory_space<vmem>>)
      %slice3A_233 = vector.extract_strided_slice %get3A_208 {offsets = [0], sizes = [1], strides = [1]} : vector<16xi32> to vector<1xi32>
      %squeeze3A_234 = vector.extract %slice3A_233[0] : i32 from vector<1xi32>
      %and3A = arith.constant 127 : i32
      %and3A_235 = arith.andi %squeeze3A_234, %and3A : i32
      %broadcast_in_dim3A = vector.broadcast %and3A_235 : i32 to vector<16xi32>
      %add3A_236 = arith.constant 0 : i32
      %add3A_237 = arith.addi %add3A_204, %add3A_236 : i32
      %broadcast_in_dim3A_238 = vector.broadcast %add3A_237 : i32 to vector<16xi32>
      %add3A_239 = arith.constant 0 : i32
      %add3A_240 = vector.broadcast %add3A_239 : i32 to vector<16xi32>
      %add3A_241 = arith.addi %iota3A, %add3A_240 : vector<16xi32>
      %gather3A = arith.constant 0 : i32
      %gather3A_242 = arith.constant 0 : i32
      %gather3A_243 = arith.constant 0 : i32
      %gather3A_244 = tpu.memref_slice %arg6[%gather3A, %gather3A_242, %gather3A_243] : memref<4x64x128xf32, #tpu.memory_space<vmem>> -> memref<1x64x128xf32, #tpu.memory_space<vmem>>
      %gather3A_245 = tpu.memref_squeeze %gather3A_244 : memref<1x64x128xf32, #tpu.memory_space<vmem>> -> memref<64x128xf32, #tpu.memory_space<vmem>>
      %gather3A_246 = tpu.vector_load_idx %gather3A_245[%add3A_241, %broadcast_in_dim3A] : memref<64x128xf32, #tpu.memory_space<vmem>>[vector<16xi32>, vector<16xi32>], vector<16xf32>,
      %add3A_247 = arith.constant 0 : i32
      %add3A_248 = vector.broadcast %add3A_247 : i32 to vector<16xi32>
      %add3A_249 = arith.addi %iota3A, %add3A_248 : vector<16xi32>
      tpu.vector_store_idx %arg7[%add3A_249, %broadcast_in_dim3A_238], %gather3A_246 : memref<64x256xf32, #tpu.memory_space<vmem>>[vector<16xi32>, vector<16xi32>], vector<16xf32>,
      %add3A_250 = arith.constant 16 : i32
      %add3A_251 = vector.broadcast %add3A_250 : i32 to vector<16xi32>
      %add3A_252 = arith.addi %iota3A, %add3A_251 : vector<16xi32>
      %gather3A_253 = arith.constant 0 : i32
      %gather3A_254 = arith.constant 0 : i32
      %gather3A_255 = arith.constant 0 : i32
      %gather3A_256 = tpu.memref_slice %arg6[%gather3A_253, %gather3A_254, %gather3A_255] : memref<4x64x128xf32, #tpu.memory_space<vmem>> -> memref<1x64x128xf32, #tpu.memory_space<vmem>>
      %gather3A_257 = tpu.memref_squeeze %gather3A_256 : memref<1x64x128xf32, #tpu.memory_space<vmem>> -> memref<64x128xf32, #tpu.memory_space<vmem>>
      %gather3A_258 = tpu.vector_load_idx %gather3A_257[%add3A_252, %broadcast_in_dim3A] : memref<64x128xf32, #tpu.memory_space<vmem>>[vector<16xi32>, vector<16xi32>], vector<16xf32>,
      %add3A_259 = arith.constant 16 : i32
      %add3A_260 = vector.broadcast %add3A_259 : i32 to vector<16xi32>
      %add3A_261 = arith.addi %iota3A, %add3A_260 : vector<16xi32>
      tpu.vector_store_idx %arg7[%add3A_261, %broadcast_in_dim3A_238], %gather3A_258 : memref<64x256xf32, #tpu.memory_space<vmem>>[vector<16xi32>, vector<16xi32>], vector<16xf32>,
      %add3A_262 = arith.constant 32 : i32
      %add3A_263 = vector.broadcast %add3A_262 : i32 to vector<16xi32>
      %add3A_264 = arith.addi %iota3A, %add3A_263 : vector<16xi32>
      %gather3A_265 = arith.constant 0 : i32
      %gather3A_266 = arith.constant 0 : i32
      %gather3A_267 = arith.constant 0 : i32
      %gather3A_268 = tpu.memref_slice %arg6[%gather3A_265, %gather3A_266, %gather3A_267] : memref<4x64x128xf32, #tpu.memory_space<vmem>> -> memref<1x64x128xf32, #tpu.memory_space<vmem>>
      %gather3A_269 = tpu.memref_squeeze %gather3A_268 : memref<1x64x128xf32, #tpu.memory_space<vmem>> -> memref<64x128xf32, #tpu.memory_space<vmem>>
      %gather3A_270 = tpu.vector_load_idx %gather3A_269[%add3A_264, %broadcast_in_dim3A] : memref<64x128xf32, #tpu.memory_space<vmem>>[vector<16xi32>, vector<16xi32>], vector<16xf32>,
      %add3A_271 = arith.constant 32 : i32
      %add3A_272 = vector.broadcast %add3A_271 : i32 to vector<16xi32>
      %add3A_273 = arith.addi %iota3A, %add3A_272 : vector<16xi32>
      tpu.vector_store_idx %arg7[%add3A_273, %broadcast_in_dim3A_238], %gather3A_270 : memref<64x256xf32, #tpu.memory_space<vmem>>[vector<16xi32>, vector<16xi32>], vector<16xf32>,
      %add3A_274 = arith.constant 48 : i32
      %add3A_275 = vector.broadcast %add3A_274 : i32 to vector<16xi32>
      %add3A_276 = arith.addi %iota3A, %add3A_275 : vector<16xi32>
      %gather3A_277 = arith.constant 0 : i32
      %gather3A_278 = arith.constant 0 : i32
      %gather3A_279 = arith.constant 0 : i32
      %gather3A_280 = tpu.memref_slice %arg6[%gather3A_277, %gather3A_278, %gather3A_279] : memref<4x64x128xf32, #tpu.memory_space<vmem>> -> memref<1x64x128xf32, #tpu.memory_space<vmem>>
      %gather3A_281 = tpu.memref_squeeze %gather3A_280 : memref<1x64x128xf32, #tpu.memory_space<vmem>> -> memref<64x128xf32, #tpu.memory_space<vmem>>
      %gather3A_282 = tpu.vector_load_idx %gather3A_281[%add3A_276, %broadcast_in_dim3A] : memref<64x128xf32, #tpu.memory_space<vmem>>[vector<16xi32>, vector<16xi32>], vector<16xf32>,
      %add3A_283 = arith.constant 48 : i32
      %add3A_284 = vector.broadcast %add3A_283 : i32 to vector<16xi32>
      %add3A_285 = arith.addi %iota3A, %add3A_284 : vector<16xi32>
      tpu.vector_store_idx %arg7[%add3A_285, %broadcast_in_dim3A_238], %gather3A_282 : memref<64x256xf32, #tpu.memory_space<vmem>>[vector<16xi32>, vector<16xi32>], vector<16xf32>,
      %slice3A_286 = vector.extract_strided_slice %get3A_208 {offsets = [4], sizes = [1], strides = [1]} : vector<16xi32> to vector<1xi32>
      %squeeze3A_287 = vector.extract %slice3A_286[0] : i32 from vector<1xi32>
      %add3A_288 = arith.constant 0 : i32
      %add3A_289 = arith.addi %add3A_204, %add3A_288 : i32
      %add3A_290 = arith.constant 4 : i32
      %add3A_291 = arith.addi %add3A_289, %add3A_290 : i32
      %lt3A = arith.constant 256 : i32
      %lt3A_292 = arith.cmpi slt, %add3A_291, %lt3A : i32
      %convert_element_type3A = arith.extui %lt3A_292 : i1 to i32
      %cond3A = arith.constant 0 : i32
      %cond3A_293 = arith.cmpi ne, %convert_element_type3A, %cond3A : i32
      scf.if %cond3A_293 {
        %shift_right_arithmetic3A_1569 = arith.constant 7 : i32
        %shift_right_arithmetic3A_1570 = arith.shrsi %squeeze3A_287, %shift_right_arithmetic3A_1569 : i32
        %mul3A_1571 = arith.constant 128 : i32
        %mul3A_1572 = arith.muli %shift_right_arithmetic3A_1570, %mul3A_1571 : i32
        %multiple_of3A_1573 = tpu.assume_multiple %mul3A_1572, 128 : i32
        %dma_start3A_1574 = arith.constant 0 : i32
        %dma_start3A_1575 = arith.constant 0 : i32
        %dma_start3A_1576 = arith.constant 0 : i32
        %dma_start3A_1577 = arith.constant 0 : i32
        %dma_start3A_1578 = tpu.memref_slice %arg6[%dma_start3A_1574, %dma_start3A_1576, %dma_start3A_1577] : memref<4x64x128xf32, #tpu.memory_space<vmem>> -> memref<1x64x128xf32, #tpu.memory_space<vmem>>
        %dma_start3A_1579 = tpu.memref_squeeze %dma_start3A_1578 : memref<1x64x128xf32, #tpu.memory_space<vmem>> -> memref<64x128xf32, #tpu.memory_space<vmem>>
        %dma_start3A_1580 = arith.constant 0 : i32
        %dma_start3A_1581 = tpu.memref_slice %arg2[%dma_start3A_1580, %multiple_of3A_1573] : memref<64x1000000xf32, #tpu.memory_space<hbm>> -> memref<64x128xf32, #tpu.memory_space<hbm>>
        %dma_start3A_1582 = tpu.memref_slice %arg8[%dma_start3A_1575] : memref<4x!tpu.dma_semaphore, #tpu.memory_space<semaphore_mem>> -> memref<1x!tpu.dma_semaphore, #tpu.memory_space<semaphore_mem>>
        %dma_start3A_1583 = tpu.memref_squeeze %dma_start3A_1582 : memref<1x!tpu.dma_semaphore, #tpu.memory_space<semaphore_mem>> -> memref<!tpu.dma_semaphore, #tpu.memory_space<semaphore_mem>>
        %dma_start3A_1584 = arith.constant 0 : i32
        %dma_start3A_1585 = arith.constant 0 : i32
        %dma_start3A_1586 = tpu.memref_slice %arg6[%dma_start3A_1574, %dma_start3A_1584, %dma_start3A_1585] : memref<4x64x128xf32, #tpu.memory_space<vmem>> -> memref<1x64x128xf32, #tpu.memory_space<vmem>>
        %dma_start3A_1587 = tpu.memref_squeeze %dma_start3A_1586 : memref<1x64x128xf32, #tpu.memory_space<vmem>> -> memref<64x128xf32, #tpu.memory_space<vmem>>
        %dma_start3A_1588 = arith.constant 0 : i32
        %dma_start3A_1589 = tpu.memref_slice %arg2[%dma_start3A_1588, %multiple_of3A_1573] : memref<64x1000000xf32, #tpu.memory_space<hbm>> -> memref<64x128xf32, #tpu.memory_space<hbm>>
        tpu.enqueue_dma source(%dma_start3A_1589 : memref<64x128xf32, #tpu.memory_space<hbm>>) target(%dma_start3A_1587 : memref<64x128xf32, #tpu.memory_space<vmem>>) target_semaphore(%dma_start3A_1583 : memref<!tpu.dma_semaphore, #tpu.memory_space<semaphore_mem>>)
      } else {
      }
      %dma_wait3A_294 = arith.constant 1 : i32
      %dma_wait3A_295 = arith.constant 1 : i32
      %dma_wait3A_296 = arith.constant 0 : i32
      %dma_wait3A_297 = arith.constant 0 : i32
      %dma_wait3A_298 = tpu.memref_slice %arg6[%dma_wait3A_294, %dma_wait3A_296, %dma_wait3A_297] : memref<4x64x128xf32, #tpu.memory_space<vmem>> -> memref<1x64x128xf32, #tpu.memory_space<vmem>>
      %dma_wait3A_299 = tpu.memref_squeeze %dma_wait3A_298 : memref<1x64x128xf32, #tpu.memory_space<vmem>> -> memref<64x128xf32, #tpu.memory_space<vmem>>
      %dma_wait3A_300 = arith.constant 0 : i32
      %dma_wait3A_301 = arith.constant 0 : i32
      %dma_wait3A_302 = tpu.memref_slice %arg2[%dma_wait3A_300, %dma_wait3A_301] : memref<64x1000000xf32, #tpu.memory_space<hbm>> -> memref<64x128xf32, #tpu.memory_space<hbm>>
      %dma_wait3A_303 = tpu.memref_slice %arg8[%dma_wait3A_295] : memref<4x!tpu.dma_semaphore, #tpu.memory_space<semaphore_mem>> -> memref<1x!tpu.dma_semaphore, #tpu.memory_space<semaphore_mem>>
      %dma_wait3A_304 = tpu.memref_squeeze %dma_wait3A_303 : memref<1x!tpu.dma_semaphore, #tpu.memory_space<semaphore_mem>> -> memref<!tpu.dma_semaphore, #tpu.memory_space<semaphore_mem>>
      %dma_wait3A_305 = arith.constant 0 : i32
      %dma_wait3A_306 = arith.constant 0 : i32
      %dma_wait3A_307 = tpu.memref_slice %arg6[%dma_wait3A_294, %dma_wait3A_305, %dma_wait3A_306] : memref<4x64x128xf32, #tpu.memory_space<vmem>> -> memref<1x64x128xf32, #tpu.memory_space<vmem>>
      %dma_wait3A_308 = tpu.memref_squeeze %dma_wait3A_307 : memref<1x64x128xf32, #tpu.memory_space<vmem>> -> memref<64x128xf32, #tpu.memory_space<vmem>>
      %dma_wait3A_309 = arith.constant 0 : i32
      %dma_wait3A_310 = arith.constant 0 : i32
      %dma_wait3A_311 = tpu.memref_slice %arg2[%dma_wait3A_309, %dma_wait3A_310] : memref<64x1000000xf32, #tpu.memory_space<hbm>> -> memref<64x128xf32, #tpu.memory_space<hbm>>
      tpu.wait_dma2 semaphore(%dma_wait3A_304 : memref<!tpu.dma_semaphore, #tpu.memory_space<semaphore_mem>>) src(%dma_wait3A_311 : memref<64x128xf32, #tpu.memory_space<hbm>>) dst(%dma_wait3A_308 : memref<64x128xf32, #tpu.memory_space<vmem>>)
      %slice3A_312 = vector.extract_strided_slice %get3A_208 {offsets = [1], sizes = [1], strides = [1]} : vector<16xi32> to vector<1xi32>
      %squeeze3A_313 = vector.extract %slice3A_312[0] : i32 from vector<1xi32>
      %and3A_314 = arith.constant 127 : i32
      %and3A_315 = arith.andi %squeeze3A_313, %and3A_314 : i32
      %broadcast_in_dim3A_316 = vector.broadcast %and3A_315 : i32 to vector<16xi32>
      %add3A_317 = arith.constant 1 : i32
      %add3A_318 = arith.addi %add3A_204, %add3A_317 : i32
      %broadcast_in_dim3A_319 = vector.broadcast %add3A_318 : i32 to vector<16xi32>
      %add3A_320 = arith.constant 0 : i32
      %add3A_321 = vector.broadcast %add3A_320 : i32 to vector<16xi32>
      %add3A_322 = arith.addi %iota3A, %add3A_321 : vector<16xi32>
      %gather3A_323 = arith.constant 1 : i32
      %gather3A_324 = arith.constant 0 : i32
      %gather3A_325 = arith.constant 0 : i32
      %gather3A_326 = tpu.memref_slice %arg6[%gather3A_323, %gather3A_324, %gather3A_325] : memref<4x64x128xf32, #tpu.memory_space<vmem>> -> memref<1x64x128xf32, #tpu.memory_space<vmem>>
      %gather3A_327 = tpu.memref_squeeze %gather3A_326 : memref<1x64x128xf32, #tpu.memory_space<vmem>> -> memref<64x128xf32, #tpu.memory_space<vmem>>
      %gather3A_328 = tpu.vector_load_idx %gather3A_327[%add3A_322, %broadcast_in_dim3A_316] : memref<64x128xf32, #tpu.memory_space<vmem>>[vector<16xi32>, vector<16xi32>], vector<16xf32>,
      %add3A_329 = arith.constant 0 : i32
      %add3A_330 = vector.broadcast %add3A_329 : i32 to vector<16xi32>
      %add3A_331 = arith.addi %iota3A, %add3A_330 : vector<16xi32>
      tpu.vector_store_idx %arg7[%add3A_331, %broadcast_in_dim3A_319], %gather3A_328 : memref<64x256xf32, #tpu.memory_space<vmem>>[vector<16xi32>, vector<16xi32>], vector<16xf32>,
      %add3A_332 = arith.constant 16 : i32
      %add3A_333 = vector.broadcast %add3A_332 : i32 to vector<16xi32>
      %add3A_334 = arith.addi %iota3A, %add3A_333 : vector<16xi32>
      %gather3A_335 = arith.constant 1 : i32
      %gather3A_336 = arith.constant 0 : i32
      %gather3A_337 = arith.constant 0 : i32
      %gather3A_338 = tpu.memref_slice %arg6[%gather3A_335, %gather3A_336, %gather3A_337] : memref<4x64x128xf32, #tpu.memory_space<vmem>> -> memref<1x64x128xf32, #tpu.memory_space<vmem>>
      %gather3A_339 = tpu.memref_squeeze %gather3A_338 : memref<1x64x128xf32, #tpu.memory_space<vmem>> -> memref<64x128xf32, #tpu.memory_space<vmem>>
      %gather3A_340 = tpu.vector_load_idx %gather3A_339[%add3A_334, %broadcast_in_dim3A_316] : memref<64x128xf32, #tpu.memory_space<vmem>>[vector<16xi32>, vector<16xi32>], vector<16xf32>,
      %add3A_341 = arith.constant 16 : i32
      %add3A_342 = vector.broadcast %add3A_341 : i32 to vector<16xi32>
      %add3A_343 = arith.addi %iota3A, %add3A_342 : vector<16xi32>
      tpu.vector_store_idx %arg7[%add3A_343, %broadcast_in_dim3A_319], %gather3A_340 : memref<64x256xf32, #tpu.memory_space<vmem>>[vector<16xi32>, vector<16xi32>], vector<16xf32>,
      %add3A_344 = arith.constant 32 : i32
      %add3A_345 = vector.broadcast %add3A_344 : i32 to vector<16xi32>
      %add3A_346 = arith.addi %iota3A, %add3A_345 : vector<16xi32>
      %gather3A_347 = arith.constant 1 : i32
      %gather3A_348 = arith.constant 0 : i32
      %gather3A_349 = arith.constant 0 : i32
      %gather3A_350 = tpu.memref_slice %arg6[%gather3A_347, %gather3A_348, %gather3A_349] : memref<4x64x128xf32, #tpu.memory_space<vmem>> -> memref<1x64x128xf32, #tpu.memory_space<vmem>>
      %gather3A_351 = tpu.memref_squeeze %gather3A_350 : memref<1x64x128xf32, #tpu.memory_space<vmem>> -> memref<64x128xf32, #tpu.memory_space<vmem>>
      %gather3A_352 = tpu.vector_load_idx %gather3A_351[%add3A_346, %broadcast_in_dim3A_316] : memref<64x128xf32, #tpu.memory_space<vmem>>[vector<16xi32>, vector<16xi32>], vector<16xf32>,
      %add3A_353 = arith.constant 32 : i32
      %add3A_354 = vector.broadcast %add3A_353 : i32 to vector<16xi32>
      %add3A_355 = arith.addi %iota3A, %add3A_354 : vector<16xi32>
      tpu.vector_store_idx %arg7[%add3A_355, %broadcast_in_dim3A_319], %gather3A_352 : memref<64x256xf32, #tpu.memory_space<vmem>>[vector<16xi32>, vector<16xi32>], vector<16xf32>,
      %add3A_356 = arith.constant 48 : i32
      %add3A_357 = vector.broadcast %add3A_356 : i32 to vector<16xi32>
      %add3A_358 = arith.addi %iota3A, %add3A_357 : vector<16xi32>
      %gather3A_359 = arith.constant 1 : i32
      %gather3A_360 = arith.constant 0 : i32
      %gather3A_361 = arith.constant 0 : i32
      %gather3A_362 = tpu.memref_slice %arg6[%gather3A_359, %gather3A_360, %gather3A_361] : memref<4x64x128xf32, #tpu.memory_space<vmem>> -> memref<1x64x128xf32, #tpu.memory_space<vmem>>
      %gather3A_363 = tpu.memref_squeeze %gather3A_362 : memref<1x64x128xf32, #tpu.memory_space<vmem>> -> memref<64x128xf32, #tpu.memory_space<vmem>>
      %gather3A_364 = tpu.vector_load_idx %gather3A_363[%add3A_358, %broadcast_in_dim3A_316] : memref<64x128xf32, #tpu.memory_space<vmem>>[vector<16xi32>, vector<16xi32>], vector<16xf32>,
      %add3A_365 = arith.constant 48 : i32
      %add3A_366 = vector.broadcast %add3A_365 : i32 to vector<16xi32>
      %add3A_367 = arith.addi %iota3A, %add3A_366 : vector<16xi32>
      tpu.vector_store_idx %arg7[%add3A_367, %broadcast_in_dim3A_319], %gather3A_364 : memref<64x256xf32, #tpu.memory_space<vmem>>[vector<16xi32>, vector<16xi32>], vector<16xf32>,
      %slice3A_368 = vector.extract_strided_slice %get3A_208 {offsets = [5], sizes = [1], strides = [1]} : vector<16xi32> to vector<1xi32>
      %squeeze3A_369 = vector.extract %slice3A_368[0] : i32 from vector<1xi32>
      %add3A_370 = arith.constant 1 : i32
      %add3A_371 = arith.addi %add3A_204, %add3A_370 : i32
      %add3A_372 = arith.constant 4 : i32
      %add3A_373 = arith.addi %add3A_371, %add3A_372 : i32
      %lt3A_374 = arith.constant 256 : i32
      %lt3A_375 = arith.cmpi slt, %add3A_373, %lt3A_374 : i32
      %convert_element_type3A_376 = arith.extui %lt3A_375 : i1 to i32
      %cond3A_377 = arith.constant 0 : i32
      %cond3A_378 = arith.cmpi ne, %convert_element_type3A_376, %cond3A_377 : i32
      scf.if %cond3A_378 {
        %shift_right_arithmetic3A_1569 = arith.constant 7 : i32
        %shift_right_arithmetic3A_1570 = arith.shrsi %squeeze3A_369, %shift_right_arithmetic3A_1569 : i32
        %mul3A_1571 = arith.constant 128 : i32
        %mul3A_1572 = arith.muli %shift_right_arithmetic3A_1570, %mul3A_1571 : i32
        %multiple_of3A_1573 = tpu.assume_multiple %mul3A_1572, 128 : i32
        %dma_start3A_1574 = arith.constant 1 : i32
        %dma_start3A_1575 = arith.constant 1 : i32
        %dma_start3A_1576 = arith.constant 0 : i32
        %dma_start3A_1577 = arith.constant 0 : i32
        %dma_start3A_1578 = tpu.memref_slice %arg6[%dma_start3A_1574, %dma_start3A_1576, %dma_start3A_1577] : memref<4x64x128xf32, #tpu.memory_space<vmem>> -> memref<1x64x128xf32, #tpu.memory_space<vmem>>
        %dma_start3A_1579 = tpu.memref_squeeze %dma_start3A_1578 : memref<1x64x128xf32, #tpu.memory_space<vmem>> -> memref<64x128xf32, #tpu.memory_space<vmem>>
        %dma_start3A_1580 = arith.constant 0 : i32
        %dma_start3A_1581 = tpu.memref_slice %arg2[%dma_start3A_1580, %multiple_of3A_1573] : memref<64x1000000xf32, #tpu.memory_space<hbm>> -> memref<64x128xf32, #tpu.memory_space<hbm>>
        %dma_start3A_1582 = tpu.memref_slice %arg8[%dma_start3A_1575] : memref<4x!tpu.dma_semaphore, #tpu.memory_space<semaphore_mem>> -> memref<1x!tpu.dma_semaphore, #tpu.memory_space<semaphore_mem>>
        %dma_start3A_1583 = tpu.memref_squeeze %dma_start3A_1582 : memref<1x!tpu.dma_semaphore, #tpu.memory_space<semaphore_mem>> -> memref<!tpu.dma_semaphore, #tpu.memory_space<semaphore_mem>>
        %dma_start3A_1584 = arith.constant 0 : i32
        %dma_start3A_1585 = arith.constant 0 : i32
        %dma_start3A_1586 = tpu.memref_slice %arg6[%dma_start3A_1574, %dma_start3A_1584, %dma_start3A_1585] : memref<4x64x128xf32, #tpu.memory_space<vmem>> -> memref<1x64x128xf32, #tpu.memory_space<vmem>>
        %dma_start3A_1587 = tpu.memref_squeeze %dma_start3A_1586 : memref<1x64x128xf32, #tpu.memory_space<vmem>> -> memref<64x128xf32, #tpu.memory_space<vmem>>
        %dma_start3A_1588 = arith.constant 0 : i32
        %dma_start3A_1589 = tpu.memref_slice %arg2[%dma_start3A_1588, %multiple_of3A_1573] : memref<64x1000000xf32, #tpu.memory_space<hbm>> -> memref<64x128xf32, #tpu.memory_space<hbm>>
        tpu.enqueue_dma source(%dma_start3A_1589 : memref<64x128xf32, #tpu.memory_space<hbm>>) target(%dma_start3A_1587 : memref<64x128xf32, #tpu.memory_space<vmem>>) target_semaphore(%dma_start3A_1583 : memref<!tpu.dma_semaphore, #tpu.memory_space<semaphore_mem>>)
      } else {
      }
      %dma_wait3A_379 = arith.constant 2 : i32
      %dma_wait3A_380 = arith.constant 2 : i32
      %dma_wait3A_381 = arith.constant 0 : i32
      %dma_wait3A_382 = arith.constant 0 : i32
      %dma_wait3A_383 = tpu.memref_slice %arg6[%dma_wait3A_379, %dma_wait3A_381, %dma_wait3A_382] : memref<4x64x128xf32, #tpu.memory_space<vmem>> -> memref<1x64x128xf32, #tpu.memory_space<vmem>>
      %dma_wait3A_384 = tpu.memref_squeeze %dma_wait3A_383 : memref<1x64x128xf32, #tpu.memory_space<vmem>> -> memref<64x128xf32, #tpu.memory_space<vmem>>
      %dma_wait3A_385 = arith.constant 0 : i32
      %dma_wait3A_386 = arith.constant 0 : i32
      %dma_wait3A_387 = tpu.memref_slice %arg2[%dma_wait3A_385, %dma_wait3A_386] : memref<64x1000000xf32, #tpu.memory_space<hbm>> -> memref<64x128xf32, #tpu.memory_space<hbm>>
      %dma_wait3A_388 = tpu.memref_slice %arg8[%dma_wait3A_380] : memref<4x!tpu.dma_semaphore, #tpu.memory_space<semaphore_mem>> -> memref<1x!tpu.dma_semaphore, #tpu.memory_space<semaphore_mem>>
      %dma_wait3A_389 = tpu.memref_squeeze %dma_wait3A_388 : memref<1x!tpu.dma_semaphore, #tpu.memory_space<semaphore_mem>> -> memref<!tpu.dma_semaphore, #tpu.memory_space<semaphore_mem>>
      %dma_wait3A_390 = arith.constant 0 : i32
      %dma_wait3A_391 = arith.constant 0 : i32
      %dma_wait3A_392 = tpu.memref_slice %arg6[%dma_wait3A_379, %dma_wait3A_390, %dma_wait3A_391] : memref<4x64x128xf32, #tpu.memory_space<vmem>> -> memref<1x64x128xf32, #tpu.memory_space<vmem>>
      %dma_wait3A_393 = tpu.memref_squeeze %dma_wait3A_392 : memref<1x64x128xf32, #tpu.memory_space<vmem>> -> memref<64x128xf32, #tpu.memory_space<vmem>>
      %dma_wait3A_394 = arith.constant 0 : i32
      %dma_wait3A_395 = arith.constant 0 : i32
      %dma_wait3A_396 = tpu.memref_slice %arg2[%dma_wait3A_394, %dma_wait3A_395] : memref<64x1000000xf32, #tpu.memory_space<hbm>> -> memref<64x128xf32, #tpu.memory_space<hbm>>
      tpu.wait_dma2 semaphore(%dma_wait3A_389 : memref<!tpu.dma_semaphore, #tpu.memory_space<semaphore_mem>>) src(%dma_wait3A_396 : memref<64x128xf32, #tpu.memory_space<hbm>>) dst(%dma_wait3A_393 : memref<64x128xf32, #tpu.memory_space<vmem>>)
      %slice3A_397 = vector.extract_strided_slice %get3A_208 {offsets = [2], sizes = [1], strides = [1]} : vector<16xi32> to vector<1xi32>
      %squeeze3A_398 = vector.extract %slice3A_397[0] : i32 from vector<1xi32>
      %and3A_399 = arith.constant 127 : i32
      %and3A_400 = arith.andi %squeeze3A_398, %and3A_399 : i32
      %broadcast_in_dim3A_401 = vector.broadcast %and3A_400 : i32 to vector<16xi32>
      %add3A_402 = arith.constant 2 : i32
      %add3A_403 = arith.addi %add3A_204, %add3A_402 : i32
      %broadcast_in_dim3A_404 = vector.broadcast %add3A_403 : i32 to vector<16xi32>
      %add3A_405 = arith.constant 0 : i32
      %add3A_406 = vector.broadcast %add3A_405 : i32 to vector<16xi32>
      %add3A_407 = arith.addi %iota3A, %add3A_406 : vector<16xi32>
      %gather3A_408 = arith.constant 2 : i32
      %gather3A_409 = arith.constant 0 : i32
      %gather3A_410 = arith.constant 0 : i32
      %gather3A_411 = tpu.memref_slice %arg6[%gather3A_408, %gather3A_409, %gather3A_410] : memref<4x64x128xf32, #tpu.memory_space<vmem>> -> memref<1x64x128xf32, #tpu.memory_space<vmem>>
      %gather3A_412 = tpu.memref_squeeze %gather3A_411 : memref<1x64x128xf32, #tpu.memory_space<vmem>> -> memref<64x128xf32, #tpu.memory_space<vmem>>
      %gather3A_413 = tpu.vector_load_idx %gather3A_412[%add3A_407, %broadcast_in_dim3A_401] : memref<64x128xf32, #tpu.memory_space<vmem>>[vector<16xi32>, vector<16xi32>], vector<16xf32>,
      %add3A_414 = arith.constant 0 : i32
      %add3A_415 = vector.broadcast %add3A_414 : i32 to vector<16xi32>
      %add3A_416 = arith.addi %iota3A, %add3A_415 : vector<16xi32>
      tpu.vector_store_idx %arg7[%add3A_416, %broadcast_in_dim3A_404], %gather3A_413 : memref<64x256xf32, #tpu.memory_space<vmem>>[vector<16xi32>, vector<16xi32>], vector<16xf32>,
      %add3A_417 = arith.constant 16 : i32
      %add3A_418 = vector.broadcast %add3A_417 : i32 to vector<16xi32>
      %add3A_419 = arith.addi %iota3A, %add3A_418 : vector<16xi32>
      %gather3A_420 = arith.constant 2 : i32
      %gather3A_421 = arith.constant 0 : i32
      %gather3A_422 = arith.constant 0 : i32
      %gather3A_423 = tpu.memref_slice %arg6[%gather3A_420, %gather3A_421, %gather3A_422] : memref<4x64x128xf32, #tpu.memory_space<vmem>> -> memref<1x64x128xf32, #tpu.memory_space<vmem>>
      %gather3A_424 = tpu.memref_squeeze %gather3A_423 : memref<1x64x128xf32, #tpu.memory_space<vmem>> -> memref<64x128xf32, #tpu.memory_space<vmem>>
      %gather3A_425 = tpu.vector_load_idx %gather3A_424[%add3A_419, %broadcast_in_dim3A_401] : memref<64x128xf32, #tpu.memory_space<vmem>>[vector<16xi32>, vector<16xi32>], vector<16xf32>,
      %add3A_426 = arith.constant 16 : i32
      %add3A_427 = vector.broadcast %add3A_426 : i32 to vector<16xi32>
      %add3A_428 = arith.addi %iota3A, %add3A_427 : vector<16xi32>
      tpu.vector_store_idx %arg7[%add3A_428, %broadcast_in_dim3A_404], %gather3A_425 : memref<64x256xf32, #tpu.memory_space<vmem>>[vector<16xi32>, vector<16xi32>], vector<16xf32>,
      %add3A_429 = arith.constant 32 : i32
      %add3A_430 = vector.broadcast %add3A_429 : i32 to vector<16xi32>
      %add3A_431 = arith.addi %iota3A, %add3A_430 : vector<16xi32>
      %gather3A_432 = arith.constant 2 : i32
      %gather3A_433 = arith.constant 0 : i32
      %gather3A_434 = arith.constant 0 : i32
      %gather3A_435 = tpu.memref_slice %arg6[%gather3A_432, %gather3A_433, %gather3A_434] : memref<4x64x128xf32, #tpu.memory_space<vmem>> -> memref<1x64x128xf32, #tpu.memory_space<vmem>>
      %gather3A_436 = tpu.memref_squeeze %gather3A_435 : memref<1x64x128xf32, #tpu.memory_space<vmem>> -> memref<64x128xf32, #tpu.memory_space<vmem>>
      %gather3A_437 = tpu.vector_load_idx %gather3A_436[%add3A_431, %broadcast_in_dim3A_401] : memref<64x128xf32, #tpu.memory_space<vmem>>[vector<16xi32>, vector<16xi32>], vector<16xf32>,
      %add3A_438 = arith.constant 32 : i32
      %add3A_439 = vector.broadcast %add3A_438 : i32 to vector<16xi32>
      %add3A_440 = arith.addi %iota3A, %add3A_439 : vector<16xi32>
      tpu.vector_store_idx %arg7[%add3A_440, %broadcast_in_dim3A_404], %gather3A_437 : memref<64x256xf32, #tpu.memory_space<vmem>>[vector<16xi32>, vector<16xi32>], vector<16xf32>,
      %add3A_441 = arith.constant 48 : i32
      %add3A_442 = vector.broadcast %add3A_441 : i32 to vector<16xi32>
      %add3A_443 = arith.addi %iota3A, %add3A_442 : vector<16xi32>
      %gather3A_444 = arith.constant 2 : i32
      %gather3A_445 = arith.constant 0 : i32
      %gather3A_446 = arith.constant 0 : i32
      %gather3A_447 = tpu.memref_slice %arg6[%gather3A_444, %gather3A_445, %gather3A_446] : memref<4x64x128xf32, #tpu.memory_space<vmem>> -> memref<1x64x128xf32, #tpu.memory_space<vmem>>
      %gather3A_448 = tpu.memref_squeeze %gather3A_447 : memref<1x64x128xf32, #tpu.memory_space<vmem>> -> memref<64x128xf32, #tpu.memory_space<vmem>>
      %gather3A_449 = tpu.vector_load_idx %gather3A_448[%add3A_443, %broadcast_in_dim3A_401] : memref<64x128xf32, #tpu.memory_space<vmem>>[vector<16xi32>, vector<16xi32>], vector<16xf32>,
      %add3A_450 = arith.constant 48 : i32
      %add3A_451 = vector.broadcast %add3A_450 : i32 to vector<16xi32>
      %add3A_452 = arith.addi %iota3A, %add3A_451 : vector<16xi32>
      tpu.vector_store_idx %arg7[%add3A_452, %broadcast_in_dim3A_404], %gather3A_449 : memref<64x256xf32, #tpu.memory_space<vmem>>[vector<16xi32>, vector<16xi32>], vector<16xf32>,
      %slice3A_453 = vector.extract_strided_slice %get3A_208 {offsets = [6], sizes = [1], strides = [1]} : vector<16xi32> to vector<1xi32>
      %squeeze3A_454 = vector.extract %slice3A_453[0] : i32 from vector<1xi32>
      %add3A_455 = arith.constant 2 : i32
      %add3A_456 = arith.addi %add3A_204, %add3A_455 : i32
      %add3A_457 = arith.constant 4 : i32
      %add3A_458 = arith.addi %add3A_456, %add3A_457 : i32
      %lt3A_459 = arith.constant 256 : i32
      %lt3A_460 = arith.cmpi slt, %add3A_458, %lt3A_459 : i32
      %convert_element_type3A_461 = arith.extui %lt3A_460 : i1 to i32
      %cond3A_462 = arith.constant 0 : i32
      %cond3A_463 = arith.cmpi ne, %convert_element_type3A_461, %cond3A_462 : i32
      scf.if %cond3A_463 {
        %shift_right_arithmetic3A_1569 = arith.constant 7 : i32
        %shift_right_arithmetic3A_1570 = arith.shrsi %squeeze3A_454, %shift_right_arithmetic3A_1569 : i32
        %mul3A_1571 = arith.constant 128 : i32
        %mul3A_1572 = arith.muli %shift_right_arithmetic3A_1570, %mul3A_1571 : i32
        %multiple_of3A_1573 = tpu.assume_multiple %mul3A_1572, 128 : i32
        %dma_start3A_1574 = arith.constant 2 : i32
        %dma_start3A_1575 = arith.constant 2 : i32
        %dma_start3A_1576 = arith.constant 0 : i32
        %dma_start3A_1577 = arith.constant 0 : i32
        %dma_start3A_1578 = tpu.memref_slice %arg6[%dma_start3A_1574, %dma_start3A_1576, %dma_start3A_1577] : memref<4x64x128xf32, #tpu.memory_space<vmem>> -> memref<1x64x128xf32, #tpu.memory_space<vmem>>
        %dma_start3A_1579 = tpu.memref_squeeze %dma_start3A_1578 : memref<1x64x128xf32, #tpu.memory_space<vmem>> -> memref<64x128xf32, #tpu.memory_space<vmem>>
        %dma_start3A_1580 = arith.constant 0 : i32
        %dma_start3A_1581 = tpu.memref_slice %arg2[%dma_start3A_1580, %multiple_of3A_1573] : memref<64x1000000xf32, #tpu.memory_space<hbm>> -> memref<64x128xf32, #tpu.memory_space<hbm>>
        %dma_start3A_1582 = tpu.memref_slice %arg8[%dma_start3A_1575] : memref<4x!tpu.dma_semaphore, #tpu.memory_space<semaphore_mem>> -> memref<1x!tpu.dma_semaphore, #tpu.memory_space<semaphore_mem>>
        %dma_start3A_1583 = tpu.memref_squeeze %dma_start3A_1582 : memref<1x!tpu.dma_semaphore, #tpu.memory_space<semaphore_mem>> -> memref<!tpu.dma_semaphore, #tpu.memory_space<semaphore_mem>>
        %dma_start3A_1584 = arith.constant 0 : i32
        %dma_start3A_1585 = arith.constant 0 : i32
        %dma_start3A_1586 = tpu.memref_slice %arg6[%dma_start3A_1574, %dma_start3A_1584, %dma_start3A_1585] : memref<4x64x128xf32, #tpu.memory_space<vmem>> -> memref<1x64x128xf32, #tpu.memory_space<vmem>>
        %dma_start3A_1587 = tpu.memref_squeeze %dma_start3A_1586 : memref<1x64x128xf32, #tpu.memory_space<vmem>> -> memref<64x128xf32, #tpu.memory_space<vmem>>
        %dma_start3A_1588 = arith.constant 0 : i32
        %dma_start3A_1589 = tpu.memref_slice %arg2[%dma_start3A_1588, %multiple_of3A_1573] : memref<64x1000000xf32, #tpu.memory_space<hbm>> -> memref<64x128xf32, #tpu.memory_space<hbm>>
        tpu.enqueue_dma source(%dma_start3A_1589 : memref<64x128xf32, #tpu.memory_space<hbm>>) target(%dma_start3A_1587 : memref<64x128xf32, #tpu.memory_space<vmem>>) target_semaphore(%dma_start3A_1583 : memref<!tpu.dma_semaphore, #tpu.memory_space<semaphore_mem>>)
      } else {
      }
      %dma_wait3A_464 = arith.constant 3 : i32
      %dma_wait3A_465 = arith.constant 3 : i32
      %dma_wait3A_466 = arith.constant 0 : i32
      %dma_wait3A_467 = arith.constant 0 : i32
      %dma_wait3A_468 = tpu.memref_slice %arg6[%dma_wait3A_464, %dma_wait3A_466, %dma_wait3A_467] : memref<4x64x128xf32, #tpu.memory_space<vmem>> -> memref<1x64x128xf32, #tpu.memory_space<vmem>>
      %dma_wait3A_469 = tpu.memref_squeeze %dma_wait3A_468 : memref<1x64x128xf32, #tpu.memory_space<vmem>> -> memref<64x128xf32, #tpu.memory_space<vmem>>
      %dma_wait3A_470 = arith.constant 0 : i32
      %dma_wait3A_471 = arith.constant 0 : i32
      %dma_wait3A_472 = tpu.memref_slice %arg2[%dma_wait3A_470, %dma_wait3A_471] : memref<64x1000000xf32, #tpu.memory_space<hbm>> -> memref<64x128xf32, #tpu.memory_space<hbm>>
      %dma_wait3A_473 = tpu.memref_slice %arg8[%dma_wait3A_465] : memref<4x!tpu.dma_semaphore, #tpu.memory_space<semaphore_mem>> -> memref<1x!tpu.dma_semaphore, #tpu.memory_space<semaphore_mem>>
      %dma_wait3A_474 = tpu.memref_squeeze %dma_wait3A_473 : memref<1x!tpu.dma_semaphore, #tpu.memory_space<semaphore_mem>> -> memref<!tpu.dma_semaphore, #tpu.memory_space<semaphore_mem>>
      %dma_wait3A_475 = arith.constant 0 : i32
      %dma_wait3A_476 = arith.constant 0 : i32
      %dma_wait3A_477 = tpu.memref_slice %arg6[%dma_wait3A_464, %dma_wait3A_475, %dma_wait3A_476] : memref<4x64x128xf32, #tpu.memory_space<vmem>> -> memref<1x64x128xf32, #tpu.memory_space<vmem>>
      %dma_wait3A_478 = tpu.memref_squeeze %dma_wait3A_477 : memref<1x64x128xf32, #tpu.memory_space<vmem>> -> memref<64x128xf32, #tpu.memory_space<vmem>>
      %dma_wait3A_479 = arith.constant 0 : i32
      %dma_wait3A_480 = arith.constant 0 : i32
      %dma_wait3A_481 = tpu.memref_slice %arg2[%dma_wait3A_479, %dma_wait3A_480] : memref<64x1000000xf32, #tpu.memory_space<hbm>> -> memref<64x128xf32, #tpu.memory_space<hbm>>
      tpu.wait_dma2 semaphore(%dma_wait3A_474 : memref<!tpu.dma_semaphore, #tpu.memory_space<semaphore_mem>>) src(%dma_wait3A_481 : memref<64x128xf32, #tpu.memory_space<hbm>>) dst(%dma_wait3A_478 : memref<64x128xf32, #tpu.memory_space<vmem>>)
      %slice3A_482 = vector.extract_strided_slice %get3A_208 {offsets = [3], sizes = [1], strides = [1]} : vector<16xi32> to vector<1xi32>
      %squeeze3A_483 = vector.extract %slice3A_482[0] : i32 from vector<1xi32>
      %and3A_484 = arith.constant 127 : i32
      %and3A_485 = arith.andi %squeeze3A_483, %and3A_484 : i32
      %broadcast_in_dim3A_486 = vector.broadcast %and3A_485 : i32 to vector<16xi32>
      %add3A_487 = arith.constant 3 : i32
      %add3A_488 = arith.addi %add3A_204, %add3A_487 : i32
      %broadcast_in_dim3A_489 = vector.broadcast %add3A_488 : i32 to vector<16xi32>
      %add3A_490 = arith.constant 0 : i32
      %add3A_491 = vector.broadcast %add3A_490 : i32 to vector<16xi32>
      %add3A_492 = arith.addi %iota3A, %add3A_491 : vector<16xi32>
      %gather3A_493 = arith.constant 3 : i32
      %gather3A_494 = arith.constant 0 : i32
      %gather3A_495 = arith.constant 0 : i32
      %gather3A_496 = tpu.memref_slice %arg6[%gather3A_493, %gather3A_494, %gather3A_495] : memref<4x64x128xf32, #tpu.memory_space<vmem>> -> memref<1x64x128xf32, #tpu.memory_space<vmem>>
      %gather3A_497 = tpu.memref_squeeze %gather3A_496 : memref<1x64x128xf32, #tpu.memory_space<vmem>> -> memref<64x128xf32, #tpu.memory_space<vmem>>
      %gather3A_498 = tpu.vector_load_idx %gather3A_497[%add3A_492, %broadcast_in_dim3A_486] : memref<64x128xf32, #tpu.memory_space<vmem>>[vector<16xi32>, vector<16xi32>], vector<16xf32>,
      %add3A_499 = arith.constant 0 : i32
      %add3A_500 = vector.broadcast %add3A_499 : i32 to vector<16xi32>
      %add3A_501 = arith.addi %iota3A, %add3A_500 : vector<16xi32>
      tpu.vector_store_idx %arg7[%add3A_501, %broadcast_in_dim3A_489], %gather3A_498 : memref<64x256xf32, #tpu.memory_space<vmem>>[vector<16xi32>, vector<16xi32>], vector<16xf32>,
      %add3A_502 = arith.constant 16 : i32
      %add3A_503 = vector.broadcast %add3A_502 : i32 to vector<16xi32>
      %add3A_504 = arith.addi %iota3A, %add3A_503 : vector<16xi32>
      %gather3A_505 = arith.constant 3 : i32
      %gather3A_506 = arith.constant 0 : i32
      %gather3A_507 = arith.constant 0 : i32
      %gather3A_508 = tpu.memref_slice %arg6[%gather3A_505, %gather3A_506, %gather3A_507] : memref<4x64x128xf32, #tpu.memory_space<vmem>> -> memref<1x64x128xf32, #tpu.memory_space<vmem>>
      %gather3A_509 = tpu.memref_squeeze %gather3A_508 : memref<1x64x128xf32, #tpu.memory_space<vmem>> -> memref<64x128xf32, #tpu.memory_space<vmem>>
      %gather3A_510 = tpu.vector_load_idx %gather3A_509[%add3A_504, %broadcast_in_dim3A_486] : memref<64x128xf32, #tpu.memory_space<vmem>>[vector<16xi32>, vector<16xi32>], vector<16xf32>,
      %add3A_511 = arith.constant 16 : i32
      %add3A_512 = vector.broadcast %add3A_511 : i32 to vector<16xi32>
      %add3A_513 = arith.addi %iota3A, %add3A_512 : vector<16xi32>
      tpu.vector_store_idx %arg7[%add3A_513, %broadcast_in_dim3A_489], %gather3A_510 : memref<64x256xf32, #tpu.memory_space<vmem>>[vector<16xi32>, vector<16xi32>], vector<16xf32>,
      %add3A_514 = arith.constant 32 : i32
      %add3A_515 = vector.broadcast %add3A_514 : i32 to vector<16xi32>
      %add3A_516 = arith.addi %iota3A, %add3A_515 : vector<16xi32>
      %gather3A_517 = arith.constant 3 : i32
      %gather3A_518 = arith.constant 0 : i32
      %gather3A_519 = arith.constant 0 : i32
      %gather3A_520 = tpu.memref_slice %arg6[%gather3A_517, %gather3A_518, %gather3A_519] : memref<4x64x128xf32, #tpu.memory_space<vmem>> -> memref<1x64x128xf32, #tpu.memory_space<vmem>>
      %gather3A_521 = tpu.memref_squeeze %gather3A_520 : memref<1x64x128xf32, #tpu.memory_space<vmem>> -> memref<64x128xf32, #tpu.memory_space<vmem>>
      %gather3A_522 = tpu.vector_load_idx %gather3A_521[%add3A_516, %broadcast_in_dim3A_486] : memref<64x128xf32, #tpu.memory_space<vmem>>[vector<16xi32>, vector<16xi32>], vector<16xf32>,
      %add3A_523 = arith.constant 32 : i32
      %add3A_524 = vector.broadcast %add3A_523 : i32 to vector<16xi32>
      %add3A_525 = arith.addi %iota3A, %add3A_524 : vector<16xi32>
      tpu.vector_store_idx %arg7[%add3A_525, %broadcast_in_dim3A_489], %gather3A_522 : memref<64x256xf32, #tpu.memory_space<vmem>>[vector<16xi32>, vector<16xi32>], vector<16xf32>,
      %add3A_526 = arith.constant 48 : i32
      %add3A_527 = vector.broadcast %add3A_526 : i32 to vector<16xi32>
      %add3A_528 = arith.addi %iota3A, %add3A_527 : vector<16xi32>
      %gather3A_529 = arith.constant 3 : i32
      %gather3A_530 = arith.constant 0 : i32
      %gather3A_531 = arith.constant 0 : i32
      %gather3A_532 = tpu.memref_slice %arg6[%gather3A_529, %gather3A_530, %gather3A_531] : memref<4x64x128xf32, #tpu.memory_space<vmem>> -> memref<1x64x128xf32, #tpu.memory_space<vmem>>
      %gather3A_533 = tpu.memref_squeeze %gather3A_532 : memref<1x64x128xf32, #tpu.memory_space<vmem>> -> memref<64x128xf32, #tpu.memory_space<vmem>>
      %gather3A_534 = tpu.vector_load_idx %gather3A_533[%add3A_528, %broadcast_in_dim3A_486] : memref<64x128xf32, #tpu.memory_space<vmem>>[vector<16xi32>, vector<16xi32>], vector<16xf32>,
      %add3A_535 = arith.constant 48 : i32
      %add3A_536 = vector.broadcast %add3A_535 : i32 to vector<16xi32>
      %add3A_537 = arith.addi %iota3A, %add3A_536 : vector<16xi32>
      tpu.vector_store_idx %arg7[%add3A_537, %broadcast_in_dim3A_489], %gather3A_534 : memref<64x256xf32, #tpu.memory_space<vmem>>[vector<16xi32>, vector<16xi32>], vector<16xf32>,
      %slice3A_538 = vector.extract_strided_slice %get3A_208 {offsets = [7], sizes = [1], strides = [1]} : vector<16xi32> to vector<1xi32>
      %squeeze3A_539 = vector.extract %slice3A_538[0] : i32 from vector<1xi32>
      %add3A_540 = arith.constant 3 : i32
      %add3A_541 = arith.addi %add3A_204, %add3A_540 : i32
      %add3A_542 = arith.constant 4 : i32
      %add3A_543 = arith.addi %add3A_541, %add3A_542 : i32
      %lt3A_544 = arith.constant 256 : i32
      %lt3A_545 = arith.cmpi slt, %add3A_543, %lt3A_544 : i32
      %convert_element_type3A_546 = arith.extui %lt3A_545 : i1 to i32
      %cond3A_547 = arith.constant 0 : i32
      %cond3A_548 = arith.cmpi ne, %convert_element_type3A_546, %cond3A_547 : i32
      scf.if %cond3A_548 {
        %shift_right_arithmetic3A_1569 = arith.constant 7 : i32
        %shift_right_arithmetic3A_1570 = arith.shrsi %squeeze3A_539, %shift_right_arithmetic3A_1569 : i32
        %mul3A_1571 = arith.constant 128 : i32
        %mul3A_1572 = arith.muli %shift_right_arithmetic3A_1570, %mul3A_1571 : i32
        %multiple_of3A_1573 = tpu.assume_multiple %mul3A_1572, 128 : i32
        %dma_start3A_1574 = arith.constant 3 : i32
        %dma_start3A_1575 = arith.constant 3 : i32
        %dma_start3A_1576 = arith.constant 0 : i32
        %dma_start3A_1577 = arith.constant 0 : i32
        %dma_start3A_1578 = tpu.memref_slice %arg6[%dma_start3A_1574, %dma_start3A_1576, %dma_start3A_1577] : memref<4x64x128xf32, #tpu.memory_space<vmem>> -> memref<1x64x128xf32, #tpu.memory_space<vmem>>
        %dma_start3A_1579 = tpu.memref_squeeze %dma_start3A_1578 : memref<1x64x128xf32, #tpu.memory_space<vmem>> -> memref<64x128xf32, #tpu.memory_space<vmem>>
        %dma_start3A_1580 = arith.constant 0 : i32
        %dma_start3A_1581 = tpu.memref_slice %arg2[%dma_start3A_1580, %multiple_of3A_1573] : memref<64x1000000xf32, #tpu.memory_space<hbm>> -> memref<64x128xf32, #tpu.memory_space<hbm>>
        %dma_start3A_1582 = tpu.memref_slice %arg8[%dma_start3A_1575] : memref<4x!tpu.dma_semaphore, #tpu.memory_space<semaphore_mem>> -> memref<1x!tpu.dma_semaphore, #tpu.memory_space<semaphore_mem>>
        %dma_start3A_1583 = tpu.memref_squeeze %dma_start3A_1582 : memref<1x!tpu.dma_semaphore, #tpu.memory_space<semaphore_mem>> -> memref<!tpu.dma_semaphore, #tpu.memory_space<semaphore_mem>>
        %dma_start3A_1584 = arith.constant 0 : i32
        %dma_start3A_1585 = arith.constant 0 : i32
        %dma_start3A_1586 = tpu.memref_slice %arg6[%dma_start3A_1574, %dma_start3A_1584, %dma_start3A_1585] : memref<4x64x128xf32, #tpu.memory_space<vmem>> -> memref<1x64x128xf32, #tpu.memory_space<vmem>>
        %dma_start3A_1587 = tpu.memref_squeeze %dma_start3A_1586 : memref<1x64x128xf32, #tpu.memory_space<vmem>> -> memref<64x128xf32, #tpu.memory_space<vmem>>
        %dma_start3A_1588 = arith.constant 0 : i32
        %dma_start3A_1589 = tpu.memref_slice %arg2[%dma_start3A_1588, %multiple_of3A_1573] : memref<64x1000000xf32, #tpu.memory_space<hbm>> -> memref<64x128xf32, #tpu.memory_space<hbm>>
        tpu.enqueue_dma source(%dma_start3A_1589 : memref<64x128xf32, #tpu.memory_space<hbm>>) target(%dma_start3A_1587 : memref<64x128xf32, #tpu.memory_space<vmem>>) target_semaphore(%dma_start3A_1583 : memref<!tpu.dma_semaphore, #tpu.memory_space<semaphore_mem>>)
      } else {
      }
      %dma_wait3A_549 = arith.constant 0 : i32
      %dma_wait3A_550 = arith.constant 0 : i32
      %dma_wait3A_551 = arith.constant 0 : i32
      %dma_wait3A_552 = arith.constant 0 : i32
      %dma_wait3A_553 = tpu.memref_slice %arg6[%dma_wait3A_549, %dma_wait3A_551, %dma_wait3A_552] : memref<4x64x128xf32, #tpu.memory_space<vmem>> -> memref<1x64x128xf32, #tpu.memory_space<vmem>>
      %dma_wait3A_554 = tpu.memref_squeeze %dma_wait3A_553 : memref<1x64x128xf32, #tpu.memory_space<vmem>> -> memref<64x128xf32, #tpu.memory_space<vmem>>
      %dma_wait3A_555 = arith.constant 0 : i32
      %dma_wait3A_556 = arith.constant 0 : i32
      %dma_wait3A_557 = tpu.memref_slice %arg2[%dma_wait3A_555, %dma_wait3A_556] : memref<64x1000000xf32, #tpu.memory_space<hbm>> -> memref<64x128xf32, #tpu.memory_space<hbm>>
      %dma_wait3A_558 = tpu.memref_slice %arg8[%dma_wait3A_550] : memref<4x!tpu.dma_semaphore, #tpu.memory_space<semaphore_mem>> -> memref<1x!tpu.dma_semaphore, #tpu.memory_space<semaphore_mem>>
      %dma_wait3A_559 = tpu.memref_squeeze %dma_wait3A_558 : memref<1x!tpu.dma_semaphore, #tpu.memory_space<semaphore_mem>> -> memref<!tpu.dma_semaphore, #tpu.memory_space<semaphore_mem>>
      %dma_wait3A_560 = arith.constant 0 : i32
      %dma_wait3A_561 = arith.constant 0 : i32
      %dma_wait3A_562 = tpu.memref_slice %arg6[%dma_wait3A_549, %dma_wait3A_560, %dma_wait3A_561] : memref<4x64x128xf32, #tpu.memory_space<vmem>> -> memref<1x64x128xf32, #tpu.memory_space<vmem>>
      %dma_wait3A_563 = tpu.memref_squeeze %dma_wait3A_562 : memref<1x64x128xf32, #tpu.memory_space<vmem>> -> memref<64x128xf32, #tpu.memory_space<vmem>>
      %dma_wait3A_564 = arith.constant 0 : i32
      %dma_wait3A_565 = arith.constant 0 : i32
      %dma_wait3A_566 = tpu.memref_slice %arg2[%dma_wait3A_564, %dma_wait3A_565] : memref<64x1000000xf32, #tpu.memory_space<hbm>> -> memref<64x128xf32, #tpu.memory_space<hbm>>
      tpu.wait_dma2 semaphore(%dma_wait3A_559 : memref<!tpu.dma_semaphore, #tpu.memory_space<semaphore_mem>>) src(%dma_wait3A_566 : memref<64x128xf32, #tpu.memory_space<hbm>>) dst(%dma_wait3A_563 : memref<64x128xf32, #tpu.memory_space<vmem>>)
      %slice3A_567 = vector.extract_strided_slice %get3A_208 {offsets = [4], sizes = [1], strides = [1]} : vector<16xi32> to vector<1xi32>
      %squeeze3A_568 = vector.extract %slice3A_567[0] : i32 from vector<1xi32>
      %and3A_569 = arith.constant 127 : i32
      %and3A_570 = arith.andi %squeeze3A_568, %and3A_569 : i32
      %broadcast_in_dim3A_571 = vector.broadcast %and3A_570 : i32 to vector<16xi32>
      %add3A_572 = arith.constant 4 : i32
      %add3A_573 = arith.addi %add3A_204, %add3A_572 : i32
      %broadcast_in_dim3A_574 = vector.broadcast %add3A_573 : i32 to vector<16xi32>
      %add3A_575 = arith.constant 0 : i32
      %add3A_576 = vector.broadcast %add3A_575 : i32 to vector<16xi32>
      %add3A_577 = arith.addi %iota3A, %add3A_576 : vector<16xi32>
      %gather3A_578 = arith.constant 0 : i32
      %gather3A_579 = arith.constant 0 : i32
      %gather3A_580 = arith.constant 0 : i32
      %gather3A_581 = tpu.memref_slice %arg6[%gather3A_578, %gather3A_579, %gather3A_580] : memref<4x64x128xf32, #tpu.memory_space<vmem>> -> memref<1x64x128xf32, #tpu.memory_space<vmem>>
      %gather3A_582 = tpu.memref_squeeze %gather3A_581 : memref<1x64x128xf32, #tpu.memory_space<vmem>> -> memref<64x128xf32, #tpu.memory_space<vmem>>
      %gather3A_583 = tpu.vector_load_idx %gather3A_582[%add3A_577, %broadcast_in_dim3A_571] : memref<64x128xf32, #tpu.memory_space<vmem>>[vector<16xi32>, vector<16xi32>], vector<16xf32>,
      %add3A_584 = arith.constant 0 : i32
      %add3A_585 = vector.broadcast %add3A_584 : i32 to vector<16xi32>
      %add3A_586 = arith.addi %iota3A, %add3A_585 : vector<16xi32>
      tpu.vector_store_idx %arg7[%add3A_586, %broadcast_in_dim3A_574], %gather3A_583 : memref<64x256xf32, #tpu.memory_space<vmem>>[vector<16xi32>, vector<16xi32>], vector<16xf32>,
      %add3A_587 = arith.constant 16 : i32
      %add3A_588 = vector.broadcast %add3A_587 : i32 to vector<16xi32>
      %add3A_589 = arith.addi %iota3A, %add3A_588 : vector<16xi32>
      %gather3A_590 = arith.constant 0 : i32
      %gather3A_591 = arith.constant 0 : i32
      %gather3A_592 = arith.constant 0 : i32
      %gather3A_593 = tpu.memref_slice %arg6[%gather3A_590, %gather3A_591, %gather3A_592] : memref<4x64x128xf32, #tpu.memory_space<vmem>> -> memref<1x64x128xf32, #tpu.memory_space<vmem>>
      %gather3A_594 = tpu.memref_squeeze %gather3A_593 : memref<1x64x128xf32, #tpu.memory_space<vmem>> -> memref<64x128xf32, #tpu.memory_space<vmem>>
      %gather3A_595 = tpu.vector_load_idx %gather3A_594[%add3A_589, %broadcast_in_dim3A_571] : memref<64x128xf32, #tpu.memory_space<vmem>>[vector<16xi32>, vector<16xi32>], vector<16xf32>,
      %add3A_596 = arith.constant 16 : i32
      %add3A_597 = vector.broadcast %add3A_596 : i32 to vector<16xi32>
      %add3A_598 = arith.addi %iota3A, %add3A_597 : vector<16xi32>
      tpu.vector_store_idx %arg7[%add3A_598, %broadcast_in_dim3A_574], %gather3A_595 : memref<64x256xf32, #tpu.memory_space<vmem>>[vector<16xi32>, vector<16xi32>], vector<16xf32>,
      %add3A_599 = arith.constant 32 : i32
      %add3A_600 = vector.broadcast %add3A_599 : i32 to vector<16xi32>
      %add3A_601 = arith.addi %iota3A, %add3A_600 : vector<16xi32>
      %gather3A_602 = arith.constant 0 : i32
      %gather3A_603 = arith.constant 0 : i32
      %gather3A_604 = arith.constant 0 : i32
      %gather3A_605 = tpu.memref_slice %arg6[%gather3A_602, %gather3A_603, %gather3A_604] : memref<4x64x128xf32, #tpu.memory_space<vmem>> -> memref<1x64x128xf32, #tpu.memory_space<vmem>>
      %gather3A_606 = tpu.memref_squeeze %gather3A_605 : memref<1x64x128xf32, #tpu.memory_space<vmem>> -> memref<64x128xf32, #tpu.memory_space<vmem>>
      %gather3A_607 = tpu.vector_load_idx %gather3A_606[%add3A_601, %broadcast_in_dim3A_571] : memref<64x128xf32, #tpu.memory_space<vmem>>[vector<16xi32>, vector<16xi32>], vector<16xf32>,
      %add3A_608 = arith.constant 32 : i32
      %add3A_609 = vector.broadcast %add3A_608 : i32 to vector<16xi32>
      %add3A_610 = arith.addi %iota3A, %add3A_609 : vector<16xi32>
      tpu.vector_store_idx %arg7[%add3A_610, %broadcast_in_dim3A_574], %gather3A_607 : memref<64x256xf32, #tpu.memory_space<vmem>>[vector<16xi32>, vector<16xi32>], vector<16xf32>,
      %add3A_611 = arith.constant 48 : i32
      %add3A_612 = vector.broadcast %add3A_611 : i32 to vector<16xi32>
      %add3A_613 = arith.addi %iota3A, %add3A_612 : vector<16xi32>
      %gather3A_614 = arith.constant 0 : i32
      %gather3A_615 = arith.constant 0 : i32
      %gather3A_616 = arith.constant 0 : i32
      %gather3A_617 = tpu.memref_slice %arg6[%gather3A_614, %gather3A_615, %gather3A_616] : memref<4x64x128xf32, #tpu.memory_space<vmem>> -> memref<1x64x128xf32, #tpu.memory_space<vmem>>
      %gather3A_618 = tpu.memref_squeeze %gather3A_617 : memref<1x64x128xf32, #tpu.memory_space<vmem>> -> memref<64x128xf32, #tpu.memory_space<vmem>>
      %gather3A_619 = tpu.vector_load_idx %gather3A_618[%add3A_613, %broadcast_in_dim3A_571] : memref<64x128xf32, #tpu.memory_space<vmem>>[vector<16xi32>, vector<16xi32>], vector<16xf32>,
      %add3A_620 = arith.constant 48 : i32
      %add3A_621 = vector.broadcast %add3A_620 : i32 to vector<16xi32>
      %add3A_622 = arith.addi %iota3A, %add3A_621 : vector<16xi32>
      tpu.vector_store_idx %arg7[%add3A_622, %broadcast_in_dim3A_574], %gather3A_619 : memref<64x256xf32, #tpu.memory_space<vmem>>[vector<16xi32>, vector<16xi32>], vector<16xf32>,
      %slice3A_623 = vector.extract_strided_slice %get3A_208 {offsets = [8], sizes = [1], strides = [1]} : vector<16xi32> to vector<1xi32>
      %squeeze3A_624 = vector.extract %slice3A_623[0] : i32 from vector<1xi32>
      %add3A_625 = arith.constant 4 : i32
      %add3A_626 = arith.addi %add3A_204, %add3A_625 : i32
      %add3A_627 = arith.constant 4 : i32
      %add3A_628 = arith.addi %add3A_626, %add3A_627 : i32
      %lt3A_629 = arith.constant 256 : i32
      %lt3A_630 = arith.cmpi slt, %add3A_628, %lt3A_629 : i32
      %convert_element_type3A_631 = arith.extui %lt3A_630 : i1 to i32
      %cond3A_632 = arith.constant 0 : i32
      %cond3A_633 = arith.cmpi ne, %convert_element_type3A_631, %cond3A_632 : i32
      scf.if %cond3A_633 {
        %shift_right_arithmetic3A_1569 = arith.constant 7 : i32
        %shift_right_arithmetic3A_1570 = arith.shrsi %squeeze3A_624, %shift_right_arithmetic3A_1569 : i32
        %mul3A_1571 = arith.constant 128 : i32
        %mul3A_1572 = arith.muli %shift_right_arithmetic3A_1570, %mul3A_1571 : i32
        %multiple_of3A_1573 = tpu.assume_multiple %mul3A_1572, 128 : i32
        %dma_start3A_1574 = arith.constant 0 : i32
        %dma_start3A_1575 = arith.constant 0 : i32
        %dma_start3A_1576 = arith.constant 0 : i32
        %dma_start3A_1577 = arith.constant 0 : i32
        %dma_start3A_1578 = tpu.memref_slice %arg6[%dma_start3A_1574, %dma_start3A_1576, %dma_start3A_1577] : memref<4x64x128xf32, #tpu.memory_space<vmem>> -> memref<1x64x128xf32, #tpu.memory_space<vmem>>
        %dma_start3A_1579 = tpu.memref_squeeze %dma_start3A_1578 : memref<1x64x128xf32, #tpu.memory_space<vmem>> -> memref<64x128xf32, #tpu.memory_space<vmem>>
        %dma_start3A_1580 = arith.constant 0 : i32
        %dma_start3A_1581 = tpu.memref_slice %arg2[%dma_start3A_1580, %multiple_of3A_1573] : memref<64x1000000xf32, #tpu.memory_space<hbm>> -> memref<64x128xf32, #tpu.memory_space<hbm>>
        %dma_start3A_1582 = tpu.memref_slice %arg8[%dma_start3A_1575] : memref<4x!tpu.dma_semaphore, #tpu.memory_space<semaphore_mem>> -> memref<1x!tpu.dma_semaphore, #tpu.memory_space<semaphore_mem>>
        %dma_start3A_1583 = tpu.memref_squeeze %dma_start3A_1582 : memref<1x!tpu.dma_semaphore, #tpu.memory_space<semaphore_mem>> -> memref<!tpu.dma_semaphore, #tpu.memory_space<semaphore_mem>>
        %dma_start3A_1584 = arith.constant 0 : i32
        %dma_start3A_1585 = arith.constant 0 : i32
        %dma_start3A_1586 = tpu.memref_slice %arg6[%dma_start3A_1574, %dma_start3A_1584, %dma_start3A_1585] : memref<4x64x128xf32, #tpu.memory_space<vmem>> -> memref<1x64x128xf32, #tpu.memory_space<vmem>>
        %dma_start3A_1587 = tpu.memref_squeeze %dma_start3A_1586 : memref<1x64x128xf32, #tpu.memory_space<vmem>> -> memref<64x128xf32, #tpu.memory_space<vmem>>
        %dma_start3A_1588 = arith.constant 0 : i32
        %dma_start3A_1589 = tpu.memref_slice %arg2[%dma_start3A_1588, %multiple_of3A_1573] : memref<64x1000000xf32, #tpu.memory_space<hbm>> -> memref<64x128xf32, #tpu.memory_space<hbm>>
        tpu.enqueue_dma source(%dma_start3A_1589 : memref<64x128xf32, #tpu.memory_space<hbm>>) target(%dma_start3A_1587 : memref<64x128xf32, #tpu.memory_space<vmem>>) target_semaphore(%dma_start3A_1583 : memref<!tpu.dma_semaphore, #tpu.memory_space<semaphore_mem>>)
      } else {
      }
      %dma_wait3A_634 = arith.constant 1 : i32
      %dma_wait3A_635 = arith.constant 1 : i32
      %dma_wait3A_636 = arith.constant 0 : i32
      %dma_wait3A_637 = arith.constant 0 : i32
      %dma_wait3A_638 = tpu.memref_slice %arg6[%dma_wait3A_634, %dma_wait3A_636, %dma_wait3A_637] : memref<4x64x128xf32, #tpu.memory_space<vmem>> -> memref<1x64x128xf32, #tpu.memory_space<vmem>>
      %dma_wait3A_639 = tpu.memref_squeeze %dma_wait3A_638 : memref<1x64x128xf32, #tpu.memory_space<vmem>> -> memref<64x128xf32, #tpu.memory_space<vmem>>
      %dma_wait3A_640 = arith.constant 0 : i32
      %dma_wait3A_641 = arith.constant 0 : i32
      %dma_wait3A_642 = tpu.memref_slice %arg2[%dma_wait3A_640, %dma_wait3A_641] : memref<64x1000000xf32, #tpu.memory_space<hbm>> -> memref<64x128xf32, #tpu.memory_space<hbm>>
      %dma_wait3A_643 = tpu.memref_slice %arg8[%dma_wait3A_635] : memref<4x!tpu.dma_semaphore, #tpu.memory_space<semaphore_mem>> -> memref<1x!tpu.dma_semaphore, #tpu.memory_space<semaphore_mem>>
      %dma_wait3A_644 = tpu.memref_squeeze %dma_wait3A_643 : memref<1x!tpu.dma_semaphore, #tpu.memory_space<semaphore_mem>> -> memref<!tpu.dma_semaphore, #tpu.memory_space<semaphore_mem>>
      %dma_wait3A_645 = arith.constant 0 : i32
      %dma_wait3A_646 = arith.constant 0 : i32
      %dma_wait3A_647 = tpu.memref_slice %arg6[%dma_wait3A_634, %dma_wait3A_645, %dma_wait3A_646] : memref<4x64x128xf32, #tpu.memory_space<vmem>> -> memref<1x64x128xf32, #tpu.memory_space<vmem>>
      %dma_wait3A_648 = tpu.memref_squeeze %dma_wait3A_647 : memref<1x64x128xf32, #tpu.memory_space<vmem>> -> memref<64x128xf32, #tpu.memory_space<vmem>>
      %dma_wait3A_649 = arith.constant 0 : i32
      %dma_wait3A_650 = arith.constant 0 : i32
      %dma_wait3A_651 = tpu.memref_slice %arg2[%dma_wait3A_649, %dma_wait3A_650] : memref<64x1000000xf32, #tpu.memory_space<hbm>> -> memref<64x128xf32, #tpu.memory_space<hbm>>
      tpu.wait_dma2 semaphore(%dma_wait3A_644 : memref<!tpu.dma_semaphore, #tpu.memory_space<semaphore_mem>>) src(%dma_wait3A_651 : memref<64x128xf32, #tpu.memory_space<hbm>>) dst(%dma_wait3A_648 : memref<64x128xf32, #tpu.memory_space<vmem>>)
      %slice3A_652 = vector.extract_strided_slice %get3A_208 {offsets = [5], sizes = [1], strides = [1]} : vector<16xi32> to vector<1xi32>
      %squeeze3A_653 = vector.extract %slice3A_652[0] : i32 from vector<1xi32>
      %and3A_654 = arith.constant 127 : i32
      %and3A_655 = arith.andi %squeeze3A_653, %and3A_654 : i32
      %broadcast_in_dim3A_656 = vector.broadcast %and3A_655 : i32 to vector<16xi32>
      %add3A_657 = arith.constant 5 : i32
      %add3A_658 = arith.addi %add3A_204, %add3A_657 : i32
      %broadcast_in_dim3A_659 = vector.broadcast %add3A_658 : i32 to vector<16xi32>
      %add3A_660 = arith.constant 0 : i32
      %add3A_661 = vector.broadcast %add3A_660 : i32 to vector<16xi32>
      %add3A_662 = arith.addi %iota3A, %add3A_661 : vector<16xi32>
      %gather3A_663 = arith.constant 1 : i32
      %gather3A_664 = arith.constant 0 : i32
      %gather3A_665 = arith.constant 0 : i32
      %gather3A_666 = tpu.memref_slice %arg6[%gather3A_663, %gather3A_664, %gather3A_665] : memref<4x64x128xf32, #tpu.memory_space<vmem>> -> memref<1x64x128xf32, #tpu.memory_space<vmem>>
      %gather3A_667 = tpu.memref_squeeze %gather3A_666 : memref<1x64x128xf32, #tpu.memory_space<vmem>> -> memref<64x128xf32, #tpu.memory_space<vmem>>
      %gather3A_668 = tpu.vector_load_idx %gather3A_667[%add3A_662, %broadcast_in_dim3A_656] : memref<64x128xf32, #tpu.memory_space<vmem>>[vector<16xi32>, vector<16xi32>], vector<16xf32>,
      %add3A_669 = arith.constant 0 : i32
      %add3A_670 = vector.broadcast %add3A_669 : i32 to vector<16xi32>
      %add3A_671 = arith.addi %iota3A, %add3A_670 : vector<16xi32>
      tpu.vector_store_idx %arg7[%add3A_671, %broadcast_in_dim3A_659], %gather3A_668 : memref<64x256xf32, #tpu.memory_space<vmem>>[vector<16xi32>, vector<16xi32>], vector<16xf32>,
      %add3A_672 = arith.constant 16 : i32
      %add3A_673 = vector.broadcast %add3A_672 : i32 to vector<16xi32>
      %add3A_674 = arith.addi %iota3A, %add3A_673 : vector<16xi32>
      %gather3A_675 = arith.constant 1 : i32
      %gather3A_676 = arith.constant 0 : i32
      %gather3A_677 = arith.constant 0 : i32
      %gather3A_678 = tpu.memref_slice %arg6[%gather3A_675, %gather3A_676, %gather3A_677] : memref<4x64x128xf32, #tpu.memory_space<vmem>> -> memref<1x64x128xf32, #tpu.memory_space<vmem>>
      %gather3A_679 = tpu.memref_squeeze %gather3A_678 : memref<1x64x128xf32, #tpu.memory_space<vmem>> -> memref<64x128xf32, #tpu.memory_space<vmem>>
      %gather3A_680 = tpu.vector_load_idx %gather3A_679[%add3A_674, %broadcast_in_dim3A_656] : memref<64x128xf32, #tpu.memory_space<vmem>>[vector<16xi32>, vector<16xi32>], vector<16xf32>,
      %add3A_681 = arith.constant 16 : i32
      %add3A_682 = vector.broadcast %add3A_681 : i32 to vector<16xi32>
      %add3A_683 = arith.addi %iota3A, %add3A_682 : vector<16xi32>
      tpu.vector_store_idx %arg7[%add3A_683, %broadcast_in_dim3A_659], %gather3A_680 : memref<64x256xf32, #tpu.memory_space<vmem>>[vector<16xi32>, vector<16xi32>], vector<16xf32>,
      %add3A_684 = arith.constant 32 : i32
      %add3A_685 = vector.broadcast %add3A_684 : i32 to vector<16xi32>
      %add3A_686 = arith.addi %iota3A, %add3A_685 : vector<16xi32>
      %gather3A_687 = arith.constant 1 : i32
      %gather3A_688 = arith.constant 0 : i32
      %gather3A_689 = arith.constant 0 : i32
      %gather3A_690 = tpu.memref_slice %arg6[%gather3A_687, %gather3A_688, %gather3A_689] : memref<4x64x128xf32, #tpu.memory_space<vmem>> -> memref<1x64x128xf32, #tpu.memory_space<vmem>>
      %gather3A_691 = tpu.memref_squeeze %gather3A_690 : memref<1x64x128xf32, #tpu.memory_space<vmem>> -> memref<64x128xf32, #tpu.memory_space<vmem>>
      %gather3A_692 = tpu.vector_load_idx %gather3A_691[%add3A_686, %broadcast_in_dim3A_656] : memref<64x128xf32, #tpu.memory_space<vmem>>[vector<16xi32>, vector<16xi32>], vector<16xf32>,
      %add3A_693 = arith.constant 32 : i32
      %add3A_694 = vector.broadcast %add3A_693 : i32 to vector<16xi32>
      %add3A_695 = arith.addi %iota3A, %add3A_694 : vector<16xi32>
      tpu.vector_store_idx %arg7[%add3A_695, %broadcast_in_dim3A_659], %gather3A_692 : memref<64x256xf32, #tpu.memory_space<vmem>>[vector<16xi32>, vector<16xi32>], vector<16xf32>,
      %add3A_696 = arith.constant 48 : i32
      %add3A_697 = vector.broadcast %add3A_696 : i32 to vector<16xi32>
      %add3A_698 = arith.addi %iota3A, %add3A_697 : vector<16xi32>
      %gather3A_699 = arith.constant 1 : i32
      %gather3A_700 = arith.constant 0 : i32
      %gather3A_701 = arith.constant 0 : i32
      %gather3A_702 = tpu.memref_slice %arg6[%gather3A_699, %gather3A_700, %gather3A_701] : memref<4x64x128xf32, #tpu.memory_space<vmem>> -> memref<1x64x128xf32, #tpu.memory_space<vmem>>
      %gather3A_703 = tpu.memref_squeeze %gather3A_702 : memref<1x64x128xf32, #tpu.memory_space<vmem>> -> memref<64x128xf32, #tpu.memory_space<vmem>>
      %gather3A_704 = tpu.vector_load_idx %gather3A_703[%add3A_698, %broadcast_in_dim3A_656] : memref<64x128xf32, #tpu.memory_space<vmem>>[vector<16xi32>, vector<16xi32>], vector<16xf32>,
      %add3A_705 = arith.constant 48 : i32
      %add3A_706 = vector.broadcast %add3A_705 : i32 to vector<16xi32>
      %add3A_707 = arith.addi %iota3A, %add3A_706 : vector<16xi32>
      tpu.vector_store_idx %arg7[%add3A_707, %broadcast_in_dim3A_659], %gather3A_704 : memref<64x256xf32, #tpu.memory_space<vmem>>[vector<16xi32>, vector<16xi32>], vector<16xf32>,
      %slice3A_708 = vector.extract_strided_slice %get3A_208 {offsets = [9], sizes = [1], strides = [1]} : vector<16xi32> to vector<1xi32>
      %squeeze3A_709 = vector.extract %slice3A_708[0] : i32 from vector<1xi32>
      %add3A_710 = arith.constant 5 : i32
      %add3A_711 = arith.addi %add3A_204, %add3A_710 : i32
      %add3A_712 = arith.constant 4 : i32
      %add3A_713 = arith.addi %add3A_711, %add3A_712 : i32
      %lt3A_714 = arith.constant 256 : i32
      %lt3A_715 = arith.cmpi slt, %add3A_713, %lt3A_714 : i32
      %convert_element_type3A_716 = arith.extui %lt3A_715 : i1 to i32
      %cond3A_717 = arith.constant 0 : i32
      %cond3A_718 = arith.cmpi ne, %convert_element_type3A_716, %cond3A_717 : i32
      scf.if %cond3A_718 {
        %shift_right_arithmetic3A_1569 = arith.constant 7 : i32
        %shift_right_arithmetic3A_1570 = arith.shrsi %squeeze3A_709, %shift_right_arithmetic3A_1569 : i32
        %mul3A_1571 = arith.constant 128 : i32
        %mul3A_1572 = arith.muli %shift_right_arithmetic3A_1570, %mul3A_1571 : i32
        %multiple_of3A_1573 = tpu.assume_multiple %mul3A_1572, 128 : i32
        %dma_start3A_1574 = arith.constant 1 : i32
        %dma_start3A_1575 = arith.constant 1 : i32
        %dma_start3A_1576 = arith.constant 0 : i32
        %dma_start3A_1577 = arith.constant 0 : i32
        %dma_start3A_1578 = tpu.memref_slice %arg6[%dma_start3A_1574, %dma_start3A_1576, %dma_start3A_1577] : memref<4x64x128xf32, #tpu.memory_space<vmem>> -> memref<1x64x128xf32, #tpu.memory_space<vmem>>
        %dma_start3A_1579 = tpu.memref_squeeze %dma_start3A_1578 : memref<1x64x128xf32, #tpu.memory_space<vmem>> -> memref<64x128xf32, #tpu.memory_space<vmem>>
        %dma_start3A_1580 = arith.constant 0 : i32
        %dma_start3A_1581 = tpu.memref_slice %arg2[%dma_start3A_1580, %multiple_of3A_1573] : memref<64x1000000xf32, #tpu.memory_space<hbm>> -> memref<64x128xf32, #tpu.memory_space<hbm>>
        %dma_start3A_1582 = tpu.memref_slice %arg8[%dma_start3A_1575] : memref<4x!tpu.dma_semaphore, #tpu.memory_space<semaphore_mem>> -> memref<1x!tpu.dma_semaphore, #tpu.memory_space<semaphore_mem>>
        %dma_start3A_1583 = tpu.memref_squeeze %dma_start3A_1582 : memref<1x!tpu.dma_semaphore, #tpu.memory_space<semaphore_mem>> -> memref<!tpu.dma_semaphore, #tpu.memory_space<semaphore_mem>>
        %dma_start3A_1584 = arith.constant 0 : i32
        %dma_start3A_1585 = arith.constant 0 : i32
        %dma_start3A_1586 = tpu.memref_slice %arg6[%dma_start3A_1574, %dma_start3A_1584, %dma_start3A_1585] : memref<4x64x128xf32, #tpu.memory_space<vmem>> -> memref<1x64x128xf32, #tpu.memory_space<vmem>>
        %dma_start3A_1587 = tpu.memref_squeeze %dma_start3A_1586 : memref<1x64x128xf32, #tpu.memory_space<vmem>> -> memref<64x128xf32, #tpu.memory_space<vmem>>
        %dma_start3A_1588 = arith.constant 0 : i32
        %dma_start3A_1589 = tpu.memref_slice %arg2[%dma_start3A_1588, %multiple_of3A_1573] : memref<64x1000000xf32, #tpu.memory_space<hbm>> -> memref<64x128xf32, #tpu.memory_space<hbm>>
        tpu.enqueue_dma source(%dma_start3A_1589 : memref<64x128xf32, #tpu.memory_space<hbm>>) target(%dma_start3A_1587 : memref<64x128xf32, #tpu.memory_space<vmem>>) target_semaphore(%dma_start3A_1583 : memref<!tpu.dma_semaphore, #tpu.memory_space<semaphore_mem>>)
      } else {
      }
      %dma_wait3A_719 = arith.constant 2 : i32
      %dma_wait3A_720 = arith.constant 2 : i32
      %dma_wait3A_721 = arith.constant 0 : i32
      %dma_wait3A_722 = arith.constant 0 : i32
      %dma_wait3A_723 = tpu.memref_slice %arg6[%dma_wait3A_719, %dma_wait3A_721, %dma_wait3A_722] : memref<4x64x128xf32, #tpu.memory_space<vmem>> -> memref<1x64x128xf32, #tpu.memory_space<vmem>>
      %dma_wait3A_724 = tpu.memref_squeeze %dma_wait3A_723 : memref<1x64x128xf32, #tpu.memory_space<vmem>> -> memref<64x128xf32, #tpu.memory_space<vmem>>
      %dma_wait3A_725 = arith.constant 0 : i32
      %dma_wait3A_726 = arith.constant 0 : i32
      %dma_wait3A_727 = tpu.memref_slice %arg2[%dma_wait3A_725, %dma_wait3A_726] : memref<64x1000000xf32, #tpu.memory_space<hbm>> -> memref<64x128xf32, #tpu.memory_space<hbm>>
      %dma_wait3A_728 = tpu.memref_slice %arg8[%dma_wait3A_720] : memref<4x!tpu.dma_semaphore, #tpu.memory_space<semaphore_mem>> -> memref<1x!tpu.dma_semaphore, #tpu.memory_space<semaphore_mem>>
      %dma_wait3A_729 = tpu.memref_squeeze %dma_wait3A_728 : memref<1x!tpu.dma_semaphore, #tpu.memory_space<semaphore_mem>> -> memref<!tpu.dma_semaphore, #tpu.memory_space<semaphore_mem>>
      %dma_wait3A_730 = arith.constant 0 : i32
      %dma_wait3A_731 = arith.constant 0 : i32
      %dma_wait3A_732 = tpu.memref_slice %arg6[%dma_wait3A_719, %dma_wait3A_730, %dma_wait3A_731] : memref<4x64x128xf32, #tpu.memory_space<vmem>> -> memref<1x64x128xf32, #tpu.memory_space<vmem>>
      %dma_wait3A_733 = tpu.memref_squeeze %dma_wait3A_732 : memref<1x64x128xf32, #tpu.memory_space<vmem>> -> memref<64x128xf32, #tpu.memory_space<vmem>>
      %dma_wait3A_734 = arith.constant 0 : i32
      %dma_wait3A_735 = arith.constant 0 : i32
      %dma_wait3A_736 = tpu.memref_slice %arg2[%dma_wait3A_734, %dma_wait3A_735] : memref<64x1000000xf32, #tpu.memory_space<hbm>> -> memref<64x128xf32, #tpu.memory_space<hbm>>
      tpu.wait_dma2 semaphore(%dma_wait3A_729 : memref<!tpu.dma_semaphore, #tpu.memory_space<semaphore_mem>>) src(%dma_wait3A_736 : memref<64x128xf32, #tpu.memory_space<hbm>>) dst(%dma_wait3A_733 : memref<64x128xf32, #tpu.memory_space<vmem>>)
      %slice3A_737 = vector.extract_strided_slice %get3A_208 {offsets = [6], sizes = [1], strides = [1]} : vector<16xi32> to vector<1xi32>
      %squeeze3A_738 = vector.extract %slice3A_737[0] : i32 from vector<1xi32>
      %and3A_739 = arith.constant 127 : i32
      %and3A_740 = arith.andi %squeeze3A_738, %and3A_739 : i32
      %broadcast_in_dim3A_741 = vector.broadcast %and3A_740 : i32 to vector<16xi32>
      %add3A_742 = arith.constant 6 : i32
      %add3A_743 = arith.addi %add3A_204, %add3A_742 : i32
      %broadcast_in_dim3A_744 = vector.broadcast %add3A_743 : i32 to vector<16xi32>
      %add3A_745 = arith.constant 0 : i32
      %add3A_746 = vector.broadcast %add3A_745 : i32 to vector<16xi32>
      %add3A_747 = arith.addi %iota3A, %add3A_746 : vector<16xi32>
      %gather3A_748 = arith.constant 2 : i32
      %gather3A_749 = arith.constant 0 : i32
      %gather3A_750 = arith.constant 0 : i32
      %gather3A_751 = tpu.memref_slice %arg6[%gather3A_748, %gather3A_749, %gather3A_750] : memref<4x64x128xf32, #tpu.memory_space<vmem>> -> memref<1x64x128xf32, #tpu.memory_space<vmem>>
      %gather3A_752 = tpu.memref_squeeze %gather3A_751 : memref<1x64x128xf32, #tpu.memory_space<vmem>> -> memref<64x128xf32, #tpu.memory_space<vmem>>
      %gather3A_753 = tpu.vector_load_idx %gather3A_752[%add3A_747, %broadcast_in_dim3A_741] : memref<64x128xf32, #tpu.memory_space<vmem>>[vector<16xi32>, vector<16xi32>], vector<16xf32>,
      %add3A_754 = arith.constant 0 : i32
      %add3A_755 = vector.broadcast %add3A_754 : i32 to vector<16xi32>
      %add3A_756 = arith.addi %iota3A, %add3A_755 : vector<16xi32>
      tpu.vector_store_idx %arg7[%add3A_756, %broadcast_in_dim3A_744], %gather3A_753 : memref<64x256xf32, #tpu.memory_space<vmem>>[vector<16xi32>, vector<16xi32>], vector<16xf32>,
      %add3A_757 = arith.constant 16 : i32
      %add3A_758 = vector.broadcast %add3A_757 : i32 to vector<16xi32>
      %add3A_759 = arith.addi %iota3A, %add3A_758 : vector<16xi32>
      %gather3A_760 = arith.constant 2 : i32
      %gather3A_761 = arith.constant 0 : i32
      %gather3A_762 = arith.constant 0 : i32
      %gather3A_763 = tpu.memref_slice %arg6[%gather3A_760, %gather3A_761, %gather3A_762] : memref<4x64x128xf32, #tpu.memory_space<vmem>> -> memref<1x64x128xf32, #tpu.memory_space<vmem>>
      %gather3A_764 = tpu.memref_squeeze %gather3A_763 : memref<1x64x128xf32, #tpu.memory_space<vmem>> -> memref<64x128xf32, #tpu.memory_space<vmem>>
      %gather3A_765 = tpu.vector_load_idx %gather3A_764[%add3A_759, %broadcast_in_dim3A_741] : memref<64x128xf32, #tpu.memory_space<vmem>>[vector<16xi32>, vector<16xi32>], vector<16xf32>,
      %add3A_766 = arith.constant 16 : i32
      %add3A_767 = vector.broadcast %add3A_766 : i32 to vector<16xi32>
      %add3A_768 = arith.addi %iota3A, %add3A_767 : vector<16xi32>
      tpu.vector_store_idx %arg7[%add3A_768, %broadcast_in_dim3A_744], %gather3A_765 : memref<64x256xf32, #tpu.memory_space<vmem>>[vector<16xi32>, vector<16xi32>], vector<16xf32>,
      %add3A_769 = arith.constant 32 : i32
      %add3A_770 = vector.broadcast %add3A_769 : i32 to vector<16xi32>
      %add3A_771 = arith.addi %iota3A, %add3A_770 : vector<16xi32>
      %gather3A_772 = arith.constant 2 : i32
      %gather3A_773 = arith.constant 0 : i32
      %gather3A_774 = arith.constant 0 : i32
      %gather3A_775 = tpu.memref_slice %arg6[%gather3A_772, %gather3A_773, %gather3A_774] : memref<4x64x128xf32, #tpu.memory_space<vmem>> -> memref<1x64x128xf32, #tpu.memory_space<vmem>>
      %gather3A_776 = tpu.memref_squeeze %gather3A_775 : memref<1x64x128xf32, #tpu.memory_space<vmem>> -> memref<64x128xf32, #tpu.memory_space<vmem>>
      %gather3A_777 = tpu.vector_load_idx %gather3A_776[%add3A_771, %broadcast_in_dim3A_741] : memref<64x128xf32, #tpu.memory_space<vmem>>[vector<16xi32>, vector<16xi32>], vector<16xf32>,
      %add3A_778 = arith.constant 32 : i32
      %add3A_779 = vector.broadcast %add3A_778 : i32 to vector<16xi32>
      %add3A_780 = arith.addi %iota3A, %add3A_779 : vector<16xi32>
      tpu.vector_store_idx %arg7[%add3A_780, %broadcast_in_dim3A_744], %gather3A_777 : memref<64x256xf32, #tpu.memory_space<vmem>>[vector<16xi32>, vector<16xi32>], vector<16xf32>,
      %add3A_781 = arith.constant 48 : i32
      %add3A_782 = vector.broadcast %add3A_781 : i32 to vector<16xi32>
      %add3A_783 = arith.addi %iota3A, %add3A_782 : vector<16xi32>
      %gather3A_784 = arith.constant 2 : i32
      %gather3A_785 = arith.constant 0 : i32
      %gather3A_786 = arith.constant 0 : i32
      %gather3A_787 = tpu.memref_slice %arg6[%gather3A_784, %gather3A_785, %gather3A_786] : memref<4x64x128xf32, #tpu.memory_space<vmem>> -> memref<1x64x128xf32, #tpu.memory_space<vmem>>
      %gather3A_788 = tpu.memref_squeeze %gather3A_787 : memref<1x64x128xf32, #tpu.memory_space<vmem>> -> memref<64x128xf32, #tpu.memory_space<vmem>>
      %gather3A_789 = tpu.vector_load_idx %gather3A_788[%add3A_783, %broadcast_in_dim3A_741] : memref<64x128xf32, #tpu.memory_space<vmem>>[vector<16xi32>, vector<16xi32>], vector<16xf32>,
      %add3A_790 = arith.constant 48 : i32
      %add3A_791 = vector.broadcast %add3A_790 : i32 to vector<16xi32>
      %add3A_792 = arith.addi %iota3A, %add3A_791 : vector<16xi32>
      tpu.vector_store_idx %arg7[%add3A_792, %broadcast_in_dim3A_744], %gather3A_789 : memref<64x256xf32, #tpu.memory_space<vmem>>[vector<16xi32>, vector<16xi32>], vector<16xf32>,
      %slice3A_793 = vector.extract_strided_slice %get3A_208 {offsets = [10], sizes = [1], strides = [1]} : vector<16xi32> to vector<1xi32>
      %squeeze3A_794 = vector.extract %slice3A_793[0] : i32 from vector<1xi32>
      %add3A_795 = arith.constant 6 : i32
      %add3A_796 = arith.addi %add3A_204, %add3A_795 : i32
      %add3A_797 = arith.constant 4 : i32
      %add3A_798 = arith.addi %add3A_796, %add3A_797 : i32
      %lt3A_799 = arith.constant 256 : i32
      %lt3A_800 = arith.cmpi slt, %add3A_798, %lt3A_799 : i32
      %convert_element_type3A_801 = arith.extui %lt3A_800 : i1 to i32
      %cond3A_802 = arith.constant 0 : i32
      %cond3A_803 = arith.cmpi ne, %convert_element_type3A_801, %cond3A_802 : i32
      scf.if %cond3A_803 {
        %shift_right_arithmetic3A_1569 = arith.constant 7 : i32
        %shift_right_arithmetic3A_1570 = arith.shrsi %squeeze3A_794, %shift_right_arithmetic3A_1569 : i32
        %mul3A_1571 = arith.constant 128 : i32
        %mul3A_1572 = arith.muli %shift_right_arithmetic3A_1570, %mul3A_1571 : i32
        %multiple_of3A_1573 = tpu.assume_multiple %mul3A_1572, 128 : i32
        %dma_start3A_1574 = arith.constant 2 : i32
        %dma_start3A_1575 = arith.constant 2 : i32
        %dma_start3A_1576 = arith.constant 0 : i32
        %dma_start3A_1577 = arith.constant 0 : i32
        %dma_start3A_1578 = tpu.memref_slice %arg6[%dma_start3A_1574, %dma_start3A_1576, %dma_start3A_1577] : memref<4x64x128xf32, #tpu.memory_space<vmem>> -> memref<1x64x128xf32, #tpu.memory_space<vmem>>
        %dma_start3A_1579 = tpu.memref_squeeze %dma_start3A_1578 : memref<1x64x128xf32, #tpu.memory_space<vmem>> -> memref<64x128xf32, #tpu.memory_space<vmem>>
        %dma_start3A_1580 = arith.constant 0 : i32
        %dma_start3A_1581 = tpu.memref_slice %arg2[%dma_start3A_1580, %multiple_of3A_1573] : memref<64x1000000xf32, #tpu.memory_space<hbm>> -> memref<64x128xf32, #tpu.memory_space<hbm>>
        %dma_start3A_1582 = tpu.memref_slice %arg8[%dma_start3A_1575] : memref<4x!tpu.dma_semaphore, #tpu.memory_space<semaphore_mem>> -> memref<1x!tpu.dma_semaphore, #tpu.memory_space<semaphore_mem>>
        %dma_start3A_1583 = tpu.memref_squeeze %dma_start3A_1582 : memref<1x!tpu.dma_semaphore, #tpu.memory_space<semaphore_mem>> -> memref<!tpu.dma_semaphore, #tpu.memory_space<semaphore_mem>>
        %dma_start3A_1584 = arith.constant 0 : i32
        %dma_start3A_1585 = arith.constant 0 : i32
        %dma_start3A_1586 = tpu.memref_slice %arg6[%dma_start3A_1574, %dma_start3A_1584, %dma_start3A_1585] : memref<4x64x128xf32, #tpu.memory_space<vmem>> -> memref<1x64x128xf32, #tpu.memory_space<vmem>>
        %dma_start3A_1587 = tpu.memref_squeeze %dma_start3A_1586 : memref<1x64x128xf32, #tpu.memory_space<vmem>> -> memref<64x128xf32, #tpu.memory_space<vmem>>
        %dma_start3A_1588 = arith.constant 0 : i32
        %dma_start3A_1589 = tpu.memref_slice %arg2[%dma_start3A_1588, %multiple_of3A_1573] : memref<64x1000000xf32, #tpu.memory_space<hbm>> -> memref<64x128xf32, #tpu.memory_space<hbm>>
        tpu.enqueue_dma source(%dma_start3A_1589 : memref<64x128xf32, #tpu.memory_space<hbm>>) target(%dma_start3A_1587 : memref<64x128xf32, #tpu.memory_space<vmem>>) target_semaphore(%dma_start3A_1583 : memref<!tpu.dma_semaphore, #tpu.memory_space<semaphore_mem>>)
      } else {
      }
      %dma_wait3A_804 = arith.constant 3 : i32
      %dma_wait3A_805 = arith.constant 3 : i32
      %dma_wait3A_806 = arith.constant 0 : i32
      %dma_wait3A_807 = arith.constant 0 : i32
      %dma_wait3A_808 = tpu.memref_slice %arg6[%dma_wait3A_804, %dma_wait3A_806, %dma_wait3A_807] : memref<4x64x128xf32, #tpu.memory_space<vmem>> -> memref<1x64x128xf32, #tpu.memory_space<vmem>>
      %dma_wait3A_809 = tpu.memref_squeeze %dma_wait3A_808 : memref<1x64x128xf32, #tpu.memory_space<vmem>> -> memref<64x128xf32, #tpu.memory_space<vmem>>
      %dma_wait3A_810 = arith.constant 0 : i32
      %dma_wait3A_811 = arith.constant 0 : i32
      %dma_wait3A_812 = tpu.memref_slice %arg2[%dma_wait3A_810, %dma_wait3A_811] : memref<64x1000000xf32, #tpu.memory_space<hbm>> -> memref<64x128xf32, #tpu.memory_space<hbm>>
      %dma_wait3A_813 = tpu.memref_slice %arg8[%dma_wait3A_805] : memref<4x!tpu.dma_semaphore, #tpu.memory_space<semaphore_mem>> -> memref<1x!tpu.dma_semaphore, #tpu.memory_space<semaphore_mem>>
      %dma_wait3A_814 = tpu.memref_squeeze %dma_wait3A_813 : memref<1x!tpu.dma_semaphore, #tpu.memory_space<semaphore_mem>> -> memref<!tpu.dma_semaphore, #tpu.memory_space<semaphore_mem>>
      %dma_wait3A_815 = arith.constant 0 : i32
      %dma_wait3A_816 = arith.constant 0 : i32
      %dma_wait3A_817 = tpu.memref_slice %arg6[%dma_wait3A_804, %dma_wait3A_815, %dma_wait3A_816] : memref<4x64x128xf32, #tpu.memory_space<vmem>> -> memref<1x64x128xf32, #tpu.memory_space<vmem>>
      %dma_wait3A_818 = tpu.memref_squeeze %dma_wait3A_817 : memref<1x64x128xf32, #tpu.memory_space<vmem>> -> memref<64x128xf32, #tpu.memory_space<vmem>>
      %dma_wait3A_819 = arith.constant 0 : i32
      %dma_wait3A_820 = arith.constant 0 : i32
      %dma_wait3A_821 = tpu.memref_slice %arg2[%dma_wait3A_819, %dma_wait3A_820] : memref<64x1000000xf32, #tpu.memory_space<hbm>> -> memref<64x128xf32, #tpu.memory_space<hbm>>
      tpu.wait_dma2 semaphore(%dma_wait3A_814 : memref<!tpu.dma_semaphore, #tpu.memory_space<semaphore_mem>>) src(%dma_wait3A_821 : memref<64x128xf32, #tpu.memory_space<hbm>>) dst(%dma_wait3A_818 : memref<64x128xf32, #tpu.memory_space<vmem>>)
      %slice3A_822 = vector.extract_strided_slice %get3A_208 {offsets = [7], sizes = [1], strides = [1]} : vector<16xi32> to vector<1xi32>
      %squeeze3A_823 = vector.extract %slice3A_822[0] : i32 from vector<1xi32>
      %and3A_824 = arith.constant 127 : i32
      %and3A_825 = arith.andi %squeeze3A_823, %and3A_824 : i32
      %broadcast_in_dim3A_826 = vector.broadcast %and3A_825 : i32 to vector<16xi32>
      %add3A_827 = arith.constant 7 : i32
      %add3A_828 = arith.addi %add3A_204, %add3A_827 : i32
      %broadcast_in_dim3A_829 = vector.broadcast %add3A_828 : i32 to vector<16xi32>
      %add3A_830 = arith.constant 0 : i32
      %add3A_831 = vector.broadcast %add3A_830 : i32 to vector<16xi32>
      %add3A_832 = arith.addi %iota3A, %add3A_831 : vector<16xi32>
      %gather3A_833 = arith.constant 3 : i32
      %gather3A_834 = arith.constant 0 : i32
      %gather3A_835 = arith.constant 0 : i32
      %gather3A_836 = tpu.memref_slice %arg6[%gather3A_833, %gather3A_834, %gather3A_835] : memref<4x64x128xf32, #tpu.memory_space<vmem>> -> memref<1x64x128xf32, #tpu.memory_space<vmem>>
      %gather3A_837 = tpu.memref_squeeze %gather3A_836 : memref<1x64x128xf32, #tpu.memory_space<vmem>> -> memref<64x128xf32, #tpu.memory_space<vmem>>
      %gather3A_838 = tpu.vector_load_idx %gather3A_837[%add3A_832, %broadcast_in_dim3A_826] : memref<64x128xf32, #tpu.memory_space<vmem>>[vector<16xi32>, vector<16xi32>], vector<16xf32>,
      %add3A_839 = arith.constant 0 : i32
      %add3A_840 = vector.broadcast %add3A_839 : i32 to vector<16xi32>
      %add3A_841 = arith.addi %iota3A, %add3A_840 : vector<16xi32>
      tpu.vector_store_idx %arg7[%add3A_841, %broadcast_in_dim3A_829], %gather3A_838 : memref<64x256xf32, #tpu.memory_space<vmem>>[vector<16xi32>, vector<16xi32>], vector<16xf32>,
      %add3A_842 = arith.constant 16 : i32
      %add3A_843 = vector.broadcast %add3A_842 : i32 to vector<16xi32>
      %add3A_844 = arith.addi %iota3A, %add3A_843 : vector<16xi32>
      %gather3A_845 = arith.constant 3 : i32
      %gather3A_846 = arith.constant 0 : i32
      %gather3A_847 = arith.constant 0 : i32
      %gather3A_848 = tpu.memref_slice %arg6[%gather3A_845, %gather3A_846, %gather3A_847] : memref<4x64x128xf32, #tpu.memory_space<vmem>> -> memref<1x64x128xf32, #tpu.memory_space<vmem>>
      %gather3A_849 = tpu.memref_squeeze %gather3A_848 : memref<1x64x128xf32, #tpu.memory_space<vmem>> -> memref<64x128xf32, #tpu.memory_space<vmem>>
      %gather3A_850 = tpu.vector_load_idx %gather3A_849[%add3A_844, %broadcast_in_dim3A_826] : memref<64x128xf32, #tpu.memory_space<vmem>>[vector<16xi32>, vector<16xi32>], vector<16xf32>,
      %add3A_851 = arith.constant 16 : i32
      %add3A_852 = vector.broadcast %add3A_851 : i32 to vector<16xi32>
      %add3A_853 = arith.addi %iota3A, %add3A_852 : vector<16xi32>
      tpu.vector_store_idx %arg7[%add3A_853, %broadcast_in_dim3A_829], %gather3A_850 : memref<64x256xf32, #tpu.memory_space<vmem>>[vector<16xi32>, vector<16xi32>], vector<16xf32>,
      %add3A_854 = arith.constant 32 : i32
      %add3A_855 = vector.broadcast %add3A_854 : i32 to vector<16xi32>
      %add3A_856 = arith.addi %iota3A, %add3A_855 : vector<16xi32>
      %gather3A_857 = arith.constant 3 : i32
      %gather3A_858 = arith.constant 0 : i32
      %gather3A_859 = arith.constant 0 : i32
      %gather3A_860 = tpu.memref_slice %arg6[%gather3A_857, %gather3A_858, %gather3A_859] : memref<4x64x128xf32, #tpu.memory_space<vmem>> -> memref<1x64x128xf32, #tpu.memory_space<vmem>>
      %gather3A_861 = tpu.memref_squeeze %gather3A_860 : memref<1x64x128xf32, #tpu.memory_space<vmem>> -> memref<64x128xf32, #tpu.memory_space<vmem>>
      %gather3A_862 = tpu.vector_load_idx %gather3A_861[%add3A_856, %broadcast_in_dim3A_826] : memref<64x128xf32, #tpu.memory_space<vmem>>[vector<16xi32>, vector<16xi32>], vector<16xf32>,
      %add3A_863 = arith.constant 32 : i32
      %add3A_864 = vector.broadcast %add3A_863 : i32 to vector<16xi32>
      %add3A_865 = arith.addi %iota3A, %add3A_864 : vector<16xi32>
      tpu.vector_store_idx %arg7[%add3A_865, %broadcast_in_dim3A_829], %gather3A_862 : memref<64x256xf32, #tpu.memory_space<vmem>>[vector<16xi32>, vector<16xi32>], vector<16xf32>,
      %add3A_866 = arith.constant 48 : i32
      %add3A_867 = vector.broadcast %add3A_866 : i32 to vector<16xi32>
      %add3A_868 = arith.addi %iota3A, %add3A_867 : vector<16xi32>
      %gather3A_869 = arith.constant 3 : i32
      %gather3A_870 = arith.constant 0 : i32
      %gather3A_871 = arith.constant 0 : i32
      %gather3A_872 = tpu.memref_slice %arg6[%gather3A_869, %gather3A_870, %gather3A_871] : memref<4x64x128xf32, #tpu.memory_space<vmem>> -> memref<1x64x128xf32, #tpu.memory_space<vmem>>
      %gather3A_873 = tpu.memref_squeeze %gather3A_872 : memref<1x64x128xf32, #tpu.memory_space<vmem>> -> memref<64x128xf32, #tpu.memory_space<vmem>>
      %gather3A_874 = tpu.vector_load_idx %gather3A_873[%add3A_868, %broadcast_in_dim3A_826] : memref<64x128xf32, #tpu.memory_space<vmem>>[vector<16xi32>, vector<16xi32>], vector<16xf32>,
      %add3A_875 = arith.constant 48 : i32
      %add3A_876 = vector.broadcast %add3A_875 : i32 to vector<16xi32>
      %add3A_877 = arith.addi %iota3A, %add3A_876 : vector<16xi32>
      tpu.vector_store_idx %arg7[%add3A_877, %broadcast_in_dim3A_829], %gather3A_874 : memref<64x256xf32, #tpu.memory_space<vmem>>[vector<16xi32>, vector<16xi32>], vector<16xf32>,
      %slice3A_878 = vector.extract_strided_slice %get3A_208 {offsets = [11], sizes = [1], strides = [1]} : vector<16xi32> to vector<1xi32>
      %squeeze3A_879 = vector.extract %slice3A_878[0] : i32 from vector<1xi32>
      %add3A_880 = arith.constant 7 : i32
      %add3A_881 = arith.addi %add3A_204, %add3A_880 : i32
      %add3A_882 = arith.constant 4 : i32
      %add3A_883 = arith.addi %add3A_881, %add3A_882 : i32
      %lt3A_884 = arith.constant 256 : i32
      %lt3A_885 = arith.cmpi slt, %add3A_883, %lt3A_884 : i32
      %convert_element_type3A_886 = arith.extui %lt3A_885 : i1 to i32
      %cond3A_887 = arith.constant 0 : i32
      %cond3A_888 = arith.cmpi ne, %convert_element_type3A_886, %cond3A_887 : i32
      scf.if %cond3A_888 {
        %shift_right_arithmetic3A_1569 = arith.constant 7 : i32
        %shift_right_arithmetic3A_1570 = arith.shrsi %squeeze3A_879, %shift_right_arithmetic3A_1569 : i32
        %mul3A_1571 = arith.constant 128 : i32
        %mul3A_1572 = arith.muli %shift_right_arithmetic3A_1570, %mul3A_1571 : i32
        %multiple_of3A_1573 = tpu.assume_multiple %mul3A_1572, 128 : i32
        %dma_start3A_1574 = arith.constant 3 : i32
        %dma_start3A_1575 = arith.constant 3 : i32
        %dma_start3A_1576 = arith.constant 0 : i32
        %dma_start3A_1577 = arith.constant 0 : i32
        %dma_start3A_1578 = tpu.memref_slice %arg6[%dma_start3A_1574, %dma_start3A_1576, %dma_start3A_1577] : memref<4x64x128xf32, #tpu.memory_space<vmem>> -> memref<1x64x128xf32, #tpu.memory_space<vmem>>
        %dma_start3A_1579 = tpu.memref_squeeze %dma_start3A_1578 : memref<1x64x128xf32, #tpu.memory_space<vmem>> -> memref<64x128xf32, #tpu.memory_space<vmem>>
        %dma_start3A_1580 = arith.constant 0 : i32
        %dma_start3A_1581 = tpu.memref_slice %arg2[%dma_start3A_1580, %multiple_of3A_1573] : memref<64x1000000xf32, #tpu.memory_space<hbm>> -> memref<64x128xf32, #tpu.memory_space<hbm>>
        %dma_start3A_1582 = tpu.memref_slice %arg8[%dma_start3A_1575] : memref<4x!tpu.dma_semaphore, #tpu.memory_space<semaphore_mem>> -> memref<1x!tpu.dma_semaphore, #tpu.memory_space<semaphore_mem>>
        %dma_start3A_1583 = tpu.memref_squeeze %dma_start3A_1582 : memref<1x!tpu.dma_semaphore, #tpu.memory_space<semaphore_mem>> -> memref<!tpu.dma_semaphore, #tpu.memory_space<semaphore_mem>>
        %dma_start3A_1584 = arith.constant 0 : i32
        %dma_start3A_1585 = arith.constant 0 : i32
        %dma_start3A_1586 = tpu.memref_slice %arg6[%dma_start3A_1574, %dma_start3A_1584, %dma_start3A_1585] : memref<4x64x128xf32, #tpu.memory_space<vmem>> -> memref<1x64x128xf32, #tpu.memory_space<vmem>>
        %dma_start3A_1587 = tpu.memref_squeeze %dma_start3A_1586 : memref<1x64x128xf32, #tpu.memory_space<vmem>> -> memref<64x128xf32, #tpu.memory_space<vmem>>
        %dma_start3A_1588 = arith.constant 0 : i32
        %dma_start3A_1589 = tpu.memref_slice %arg2[%dma_start3A_1588, %multiple_of3A_1573] : memref<64x1000000xf32, #tpu.memory_space<hbm>> -> memref<64x128xf32, #tpu.memory_space<hbm>>
        tpu.enqueue_dma source(%dma_start3A_1589 : memref<64x128xf32, #tpu.memory_space<hbm>>) target(%dma_start3A_1587 : memref<64x128xf32, #tpu.memory_space<vmem>>) target_semaphore(%dma_start3A_1583 : memref<!tpu.dma_semaphore, #tpu.memory_space<semaphore_mem>>)
      } else {
      }
      %dma_wait3A_889 = arith.constant 0 : i32
      %dma_wait3A_890 = arith.constant 0 : i32
      %dma_wait3A_891 = arith.constant 0 : i32
      %dma_wait3A_892 = arith.constant 0 : i32
      %dma_wait3A_893 = tpu.memref_slice %arg6[%dma_wait3A_889, %dma_wait3A_891, %dma_wait3A_892] : memref<4x64x128xf32, #tpu.memory_space<vmem>> -> memref<1x64x128xf32, #tpu.memory_space<vmem>>
      %dma_wait3A_894 = tpu.memref_squeeze %dma_wait3A_893 : memref<1x64x128xf32, #tpu.memory_space<vmem>> -> memref<64x128xf32, #tpu.memory_space<vmem>>
      %dma_wait3A_895 = arith.constant 0 : i32
      %dma_wait3A_896 = arith.constant 0 : i32
      %dma_wait3A_897 = tpu.memref_slice %arg2[%dma_wait3A_895, %dma_wait3A_896] : memref<64x1000000xf32, #tpu.memory_space<hbm>> -> memref<64x128xf32, #tpu.memory_space<hbm>>
      %dma_wait3A_898 = tpu.memref_slice %arg8[%dma_wait3A_890] : memref<4x!tpu.dma_semaphore, #tpu.memory_space<semaphore_mem>> -> memref<1x!tpu.dma_semaphore, #tpu.memory_space<semaphore_mem>>
      %dma_wait3A_899 = tpu.memref_squeeze %dma_wait3A_898 : memref<1x!tpu.dma_semaphore, #tpu.memory_space<semaphore_mem>> -> memref<!tpu.dma_semaphore, #tpu.memory_space<semaphore_mem>>
      %dma_wait3A_900 = arith.constant 0 : i32
      %dma_wait3A_901 = arith.constant 0 : i32
      %dma_wait3A_902 = tpu.memref_slice %arg6[%dma_wait3A_889, %dma_wait3A_900, %dma_wait3A_901] : memref<4x64x128xf32, #tpu.memory_space<vmem>> -> memref<1x64x128xf32, #tpu.memory_space<vmem>>
      %dma_wait3A_903 = tpu.memref_squeeze %dma_wait3A_902 : memref<1x64x128xf32, #tpu.memory_space<vmem>> -> memref<64x128xf32, #tpu.memory_space<vmem>>
      %dma_wait3A_904 = arith.constant 0 : i32
      %dma_wait3A_905 = arith.constant 0 : i32
      %dma_wait3A_906 = tpu.memref_slice %arg2[%dma_wait3A_904, %dma_wait3A_905] : memref<64x1000000xf32, #tpu.memory_space<hbm>> -> memref<64x128xf32, #tpu.memory_space<hbm>>
      tpu.wait_dma2 semaphore(%dma_wait3A_899 : memref<!tpu.dma_semaphore, #tpu.memory_space<semaphore_mem>>) src(%dma_wait3A_906 : memref<64x128xf32, #tpu.memory_space<hbm>>) dst(%dma_wait3A_903 : memref<64x128xf32, #tpu.memory_space<vmem>>)
      %slice3A_907 = vector.extract_strided_slice %get3A_208 {offsets = [8], sizes = [1], strides = [1]} : vector<16xi32> to vector<1xi32>
      %squeeze3A_908 = vector.extract %slice3A_907[0] : i32 from vector<1xi32>
      %and3A_909 = arith.constant 127 : i32
      %and3A_910 = arith.andi %squeeze3A_908, %and3A_909 : i32
      %broadcast_in_dim3A_911 = vector.broadcast %and3A_910 : i32 to vector<16xi32>
      %add3A_912 = arith.constant 8 : i32
      %add3A_913 = arith.addi %add3A_204, %add3A_912 : i32
      %broadcast_in_dim3A_914 = vector.broadcast %add3A_913 : i32 to vector<16xi32>
      %add3A_915 = arith.constant 0 : i32
      %add3A_916 = vector.broadcast %add3A_915 : i32 to vector<16xi32>
      %add3A_917 = arith.addi %iota3A, %add3A_916 : vector<16xi32>
      %gather3A_918 = arith.constant 0 : i32
      %gather3A_919 = arith.constant 0 : i32
      %gather3A_920 = arith.constant 0 : i32
      %gather3A_921 = tpu.memref_slice %arg6[%gather3A_918, %gather3A_919, %gather3A_920] : memref<4x64x128xf32, #tpu.memory_space<vmem>> -> memref<1x64x128xf32, #tpu.memory_space<vmem>>
      %gather3A_922 = tpu.memref_squeeze %gather3A_921 : memref<1x64x128xf32, #tpu.memory_space<vmem>> -> memref<64x128xf32, #tpu.memory_space<vmem>>
      %gather3A_923 = tpu.vector_load_idx %gather3A_922[%add3A_917, %broadcast_in_dim3A_911] : memref<64x128xf32, #tpu.memory_space<vmem>>[vector<16xi32>, vector<16xi32>], vector<16xf32>,
      %add3A_924 = arith.constant 0 : i32
      %add3A_925 = vector.broadcast %add3A_924 : i32 to vector<16xi32>
      %add3A_926 = arith.addi %iota3A, %add3A_925 : vector<16xi32>
      tpu.vector_store_idx %arg7[%add3A_926, %broadcast_in_dim3A_914], %gather3A_923 : memref<64x256xf32, #tpu.memory_space<vmem>>[vector<16xi32>, vector<16xi32>], vector<16xf32>,
      %add3A_927 = arith.constant 16 : i32
      %add3A_928 = vector.broadcast %add3A_927 : i32 to vector<16xi32>
      %add3A_929 = arith.addi %iota3A, %add3A_928 : vector<16xi32>
      %gather3A_930 = arith.constant 0 : i32
      %gather3A_931 = arith.constant 0 : i32
      %gather3A_932 = arith.constant 0 : i32
      %gather3A_933 = tpu.memref_slice %arg6[%gather3A_930, %gather3A_931, %gather3A_932] : memref<4x64x128xf32, #tpu.memory_space<vmem>> -> memref<1x64x128xf32, #tpu.memory_space<vmem>>
      %gather3A_934 = tpu.memref_squeeze %gather3A_933 : memref<1x64x128xf32, #tpu.memory_space<vmem>> -> memref<64x128xf32, #tpu.memory_space<vmem>>
      %gather3A_935 = tpu.vector_load_idx %gather3A_934[%add3A_929, %broadcast_in_dim3A_911] : memref<64x128xf32, #tpu.memory_space<vmem>>[vector<16xi32>, vector<16xi32>], vector<16xf32>,
      %add3A_936 = arith.constant 16 : i32
      %add3A_937 = vector.broadcast %add3A_936 : i32 to vector<16xi32>
      %add3A_938 = arith.addi %iota3A, %add3A_937 : vector<16xi32>
      tpu.vector_store_idx %arg7[%add3A_938, %broadcast_in_dim3A_914], %gather3A_935 : memref<64x256xf32, #tpu.memory_space<vmem>>[vector<16xi32>, vector<16xi32>], vector<16xf32>,
      %add3A_939 = arith.constant 32 : i32
      %add3A_940 = vector.broadcast %add3A_939 : i32 to vector<16xi32>
      %add3A_941 = arith.addi %iota3A, %add3A_940 : vector<16xi32>
      %gather3A_942 = arith.constant 0 : i32
      %gather3A_943 = arith.constant 0 : i32
      %gather3A_944 = arith.constant 0 : i32
      %gather3A_945 = tpu.memref_slice %arg6[%gather3A_942, %gather3A_943, %gather3A_944] : memref<4x64x128xf32, #tpu.memory_space<vmem>> -> memref<1x64x128xf32, #tpu.memory_space<vmem>>
      %gather3A_946 = tpu.memref_squeeze %gather3A_945 : memref<1x64x128xf32, #tpu.memory_space<vmem>> -> memref<64x128xf32, #tpu.memory_space<vmem>>
      %gather3A_947 = tpu.vector_load_idx %gather3A_946[%add3A_941, %broadcast_in_dim3A_911] : memref<64x128xf32, #tpu.memory_space<vmem>>[vector<16xi32>, vector<16xi32>], vector<16xf32>,
      %add3A_948 = arith.constant 32 : i32
      %add3A_949 = vector.broadcast %add3A_948 : i32 to vector<16xi32>
      %add3A_950 = arith.addi %iota3A, %add3A_949 : vector<16xi32>
      tpu.vector_store_idx %arg7[%add3A_950, %broadcast_in_dim3A_914], %gather3A_947 : memref<64x256xf32, #tpu.memory_space<vmem>>[vector<16xi32>, vector<16xi32>], vector<16xf32>,
      %add3A_951 = arith.constant 48 : i32
      %add3A_952 = vector.broadcast %add3A_951 : i32 to vector<16xi32>
      %add3A_953 = arith.addi %iota3A, %add3A_952 : vector<16xi32>
      %gather3A_954 = arith.constant 0 : i32
      %gather3A_955 = arith.constant 0 : i32
      %gather3A_956 = arith.constant 0 : i32
      %gather3A_957 = tpu.memref_slice %arg6[%gather3A_954, %gather3A_955, %gather3A_956] : memref<4x64x128xf32, #tpu.memory_space<vmem>> -> memref<1x64x128xf32, #tpu.memory_space<vmem>>
      %gather3A_958 = tpu.memref_squeeze %gather3A_957 : memref<1x64x128xf32, #tpu.memory_space<vmem>> -> memref<64x128xf32, #tpu.memory_space<vmem>>
      %gather3A_959 = tpu.vector_load_idx %gather3A_958[%add3A_953, %broadcast_in_dim3A_911] : memref<64x128xf32, #tpu.memory_space<vmem>>[vector<16xi32>, vector<16xi32>], vector<16xf32>,
      %add3A_960 = arith.constant 48 : i32
      %add3A_961 = vector.broadcast %add3A_960 : i32 to vector<16xi32>
      %add3A_962 = arith.addi %iota3A, %add3A_961 : vector<16xi32>
      tpu.vector_store_idx %arg7[%add3A_962, %broadcast_in_dim3A_914], %gather3A_959 : memref<64x256xf32, #tpu.memory_space<vmem>>[vector<16xi32>, vector<16xi32>], vector<16xf32>,
      %slice3A_963 = vector.extract_strided_slice %get3A_208 {offsets = [12], sizes = [1], strides = [1]} : vector<16xi32> to vector<1xi32>
      %squeeze3A_964 = vector.extract %slice3A_963[0] : i32 from vector<1xi32>
      %add3A_965 = arith.constant 8 : i32
      %add3A_966 = arith.addi %add3A_204, %add3A_965 : i32
      %add3A_967 = arith.constant 4 : i32
      %add3A_968 = arith.addi %add3A_966, %add3A_967 : i32
      %lt3A_969 = arith.constant 256 : i32
      %lt3A_970 = arith.cmpi slt, %add3A_968, %lt3A_969 : i32
      %convert_element_type3A_971 = arith.extui %lt3A_970 : i1 to i32
      %cond3A_972 = arith.constant 0 : i32
      %cond3A_973 = arith.cmpi ne, %convert_element_type3A_971, %cond3A_972 : i32
      scf.if %cond3A_973 {
        %shift_right_arithmetic3A_1569 = arith.constant 7 : i32
        %shift_right_arithmetic3A_1570 = arith.shrsi %squeeze3A_964, %shift_right_arithmetic3A_1569 : i32
        %mul3A_1571 = arith.constant 128 : i32
        %mul3A_1572 = arith.muli %shift_right_arithmetic3A_1570, %mul3A_1571 : i32
        %multiple_of3A_1573 = tpu.assume_multiple %mul3A_1572, 128 : i32
        %dma_start3A_1574 = arith.constant 0 : i32
        %dma_start3A_1575 = arith.constant 0 : i32
        %dma_start3A_1576 = arith.constant 0 : i32
        %dma_start3A_1577 = arith.constant 0 : i32
        %dma_start3A_1578 = tpu.memref_slice %arg6[%dma_start3A_1574, %dma_start3A_1576, %dma_start3A_1577] : memref<4x64x128xf32, #tpu.memory_space<vmem>> -> memref<1x64x128xf32, #tpu.memory_space<vmem>>
        %dma_start3A_1579 = tpu.memref_squeeze %dma_start3A_1578 : memref<1x64x128xf32, #tpu.memory_space<vmem>> -> memref<64x128xf32, #tpu.memory_space<vmem>>
        %dma_start3A_1580 = arith.constant 0 : i32
        %dma_start3A_1581 = tpu.memref_slice %arg2[%dma_start3A_1580, %multiple_of3A_1573] : memref<64x1000000xf32, #tpu.memory_space<hbm>> -> memref<64x128xf32, #tpu.memory_space<hbm>>
        %dma_start3A_1582 = tpu.memref_slice %arg8[%dma_start3A_1575] : memref<4x!tpu.dma_semaphore, #tpu.memory_space<semaphore_mem>> -> memref<1x!tpu.dma_semaphore, #tpu.memory_space<semaphore_mem>>
        %dma_start3A_1583 = tpu.memref_squeeze %dma_start3A_1582 : memref<1x!tpu.dma_semaphore, #tpu.memory_space<semaphore_mem>> -> memref<!tpu.dma_semaphore, #tpu.memory_space<semaphore_mem>>
        %dma_start3A_1584 = arith.constant 0 : i32
        %dma_start3A_1585 = arith.constant 0 : i32
        %dma_start3A_1586 = tpu.memref_slice %arg6[%dma_start3A_1574, %dma_start3A_1584, %dma_start3A_1585] : memref<4x64x128xf32, #tpu.memory_space<vmem>> -> memref<1x64x128xf32, #tpu.memory_space<vmem>>
        %dma_start3A_1587 = tpu.memref_squeeze %dma_start3A_1586 : memref<1x64x128xf32, #tpu.memory_space<vmem>> -> memref<64x128xf32, #tpu.memory_space<vmem>>
        %dma_start3A_1588 = arith.constant 0 : i32
        %dma_start3A_1589 = tpu.memref_slice %arg2[%dma_start3A_1588, %multiple_of3A_1573] : memref<64x1000000xf32, #tpu.memory_space<hbm>> -> memref<64x128xf32, #tpu.memory_space<hbm>>
        tpu.enqueue_dma source(%dma_start3A_1589 : memref<64x128xf32, #tpu.memory_space<hbm>>) target(%dma_start3A_1587 : memref<64x128xf32, #tpu.memory_space<vmem>>) target_semaphore(%dma_start3A_1583 : memref<!tpu.dma_semaphore, #tpu.memory_space<semaphore_mem>>)
      } else {
      }
      %dma_wait3A_974 = arith.constant 1 : i32
      %dma_wait3A_975 = arith.constant 1 : i32
      %dma_wait3A_976 = arith.constant 0 : i32
      %dma_wait3A_977 = arith.constant 0 : i32
      %dma_wait3A_978 = tpu.memref_slice %arg6[%dma_wait3A_974, %dma_wait3A_976, %dma_wait3A_977] : memref<4x64x128xf32, #tpu.memory_space<vmem>> -> memref<1x64x128xf32, #tpu.memory_space<vmem>>
      %dma_wait3A_979 = tpu.memref_squeeze %dma_wait3A_978 : memref<1x64x128xf32, #tpu.memory_space<vmem>> -> memref<64x128xf32, #tpu.memory_space<vmem>>
      %dma_wait3A_980 = arith.constant 0 : i32
      %dma_wait3A_981 = arith.constant 0 : i32
      %dma_wait3A_982 = tpu.memref_slice %arg2[%dma_wait3A_980, %dma_wait3A_981] : memref<64x1000000xf32, #tpu.memory_space<hbm>> -> memref<64x128xf32, #tpu.memory_space<hbm>>
      %dma_wait3A_983 = tpu.memref_slice %arg8[%dma_wait3A_975] : memref<4x!tpu.dma_semaphore, #tpu.memory_space<semaphore_mem>> -> memref<1x!tpu.dma_semaphore, #tpu.memory_space<semaphore_mem>>
      %dma_wait3A_984 = tpu.memref_squeeze %dma_wait3A_983 : memref<1x!tpu.dma_semaphore, #tpu.memory_space<semaphore_mem>> -> memref<!tpu.dma_semaphore, #tpu.memory_space<semaphore_mem>>
      %dma_wait3A_985 = arith.constant 0 : i32
      %dma_wait3A_986 = arith.constant 0 : i32
      %dma_wait3A_987 = tpu.memref_slice %arg6[%dma_wait3A_974, %dma_wait3A_985, %dma_wait3A_986] : memref<4x64x128xf32, #tpu.memory_space<vmem>> -> memref<1x64x128xf32, #tpu.memory_space<vmem>>
      %dma_wait3A_988 = tpu.memref_squeeze %dma_wait3A_987 : memref<1x64x128xf32, #tpu.memory_space<vmem>> -> memref<64x128xf32, #tpu.memory_space<vmem>>
      %dma_wait3A_989 = arith.constant 0 : i32
      %dma_wait3A_990 = arith.constant 0 : i32
      %dma_wait3A_991 = tpu.memref_slice %arg2[%dma_wait3A_989, %dma_wait3A_990] : memref<64x1000000xf32, #tpu.memory_space<hbm>> -> memref<64x128xf32, #tpu.memory_space<hbm>>
      tpu.wait_dma2 semaphore(%dma_wait3A_984 : memref<!tpu.dma_semaphore, #tpu.memory_space<semaphore_mem>>) src(%dma_wait3A_991 : memref<64x128xf32, #tpu.memory_space<hbm>>) dst(%dma_wait3A_988 : memref<64x128xf32, #tpu.memory_space<vmem>>)
      %slice3A_992 = vector.extract_strided_slice %get3A_208 {offsets = [9], sizes = [1], strides = [1]} : vector<16xi32> to vector<1xi32>
      %squeeze3A_993 = vector.extract %slice3A_992[0] : i32 from vector<1xi32>
      %and3A_994 = arith.constant 127 : i32
      %and3A_995 = arith.andi %squeeze3A_993, %and3A_994 : i32
      %broadcast_in_dim3A_996 = vector.broadcast %and3A_995 : i32 to vector<16xi32>
      %add3A_997 = arith.constant 9 : i32
      %add3A_998 = arith.addi %add3A_204, %add3A_997 : i32
      %broadcast_in_dim3A_999 = vector.broadcast %add3A_998 : i32 to vector<16xi32>
      %add3A_1000 = arith.constant 0 : i32
      %add3A_1001 = vector.broadcast %add3A_1000 : i32 to vector<16xi32>
      %add3A_1002 = arith.addi %iota3A, %add3A_1001 : vector<16xi32>
      %gather3A_1003 = arith.constant 1 : i32
      %gather3A_1004 = arith.constant 0 : i32
      %gather3A_1005 = arith.constant 0 : i32
      %gather3A_1006 = tpu.memref_slice %arg6[%gather3A_1003, %gather3A_1004, %gather3A_1005] : memref<4x64x128xf32, #tpu.memory_space<vmem>> -> memref<1x64x128xf32, #tpu.memory_space<vmem>>
      %gather3A_1007 = tpu.memref_squeeze %gather3A_1006 : memref<1x64x128xf32, #tpu.memory_space<vmem>> -> memref<64x128xf32, #tpu.memory_space<vmem>>
      %gather3A_1008 = tpu.vector_load_idx %gather3A_1007[%add3A_1002, %broadcast_in_dim3A_996] : memref<64x128xf32, #tpu.memory_space<vmem>>[vector<16xi32>, vector<16xi32>], vector<16xf32>,
      %add3A_1009 = arith.constant 0 : i32
      %add3A_1010 = vector.broadcast %add3A_1009 : i32 to vector<16xi32>
      %add3A_1011 = arith.addi %iota3A, %add3A_1010 : vector<16xi32>
      tpu.vector_store_idx %arg7[%add3A_1011, %broadcast_in_dim3A_999], %gather3A_1008 : memref<64x256xf32, #tpu.memory_space<vmem>>[vector<16xi32>, vector<16xi32>], vector<16xf32>,
      %add3A_1012 = arith.constant 16 : i32
      %add3A_1013 = vector.broadcast %add3A_1012 : i32 to vector<16xi32>
      %add3A_1014 = arith.addi %iota3A, %add3A_1013 : vector<16xi32>
      %gather3A_1015 = arith.constant 1 : i32
      %gather3A_1016 = arith.constant 0 : i32
      %gather3A_1017 = arith.constant 0 : i32
      %gather3A_1018 = tpu.memref_slice %arg6[%gather3A_1015, %gather3A_1016, %gather3A_1017] : memref<4x64x128xf32, #tpu.memory_space<vmem>> -> memref<1x64x128xf32, #tpu.memory_space<vmem>>
      %gather3A_1019 = tpu.memref_squeeze %gather3A_1018 : memref<1x64x128xf32, #tpu.memory_space<vmem>> -> memref<64x128xf32, #tpu.memory_space<vmem>>
      %gather3A_1020 = tpu.vector_load_idx %gather3A_1019[%add3A_1014, %broadcast_in_dim3A_996] : memref<64x128xf32, #tpu.memory_space<vmem>>[vector<16xi32>, vector<16xi32>], vector<16xf32>,
      %add3A_1021 = arith.constant 16 : i32
      %add3A_1022 = vector.broadcast %add3A_1021 : i32 to vector<16xi32>
      %add3A_1023 = arith.addi %iota3A, %add3A_1022 : vector<16xi32>
      tpu.vector_store_idx %arg7[%add3A_1023, %broadcast_in_dim3A_999], %gather3A_1020 : memref<64x256xf32, #tpu.memory_space<vmem>>[vector<16xi32>, vector<16xi32>], vector<16xf32>,
      %add3A_1024 = arith.constant 32 : i32
      %add3A_1025 = vector.broadcast %add3A_1024 : i32 to vector<16xi32>
      %add3A_1026 = arith.addi %iota3A, %add3A_1025 : vector<16xi32>
      %gather3A_1027 = arith.constant 1 : i32
      %gather3A_1028 = arith.constant 0 : i32
      %gather3A_1029 = arith.constant 0 : i32
      %gather3A_1030 = tpu.memref_slice %arg6[%gather3A_1027, %gather3A_1028, %gather3A_1029] : memref<4x64x128xf32, #tpu.memory_space<vmem>> -> memref<1x64x128xf32, #tpu.memory_space<vmem>>
      %gather3A_1031 = tpu.memref_squeeze %gather3A_1030 : memref<1x64x128xf32, #tpu.memory_space<vmem>> -> memref<64x128xf32, #tpu.memory_space<vmem>>
      %gather3A_1032 = tpu.vector_load_idx %gather3A_1031[%add3A_1026, %broadcast_in_dim3A_996] : memref<64x128xf32, #tpu.memory_space<vmem>>[vector<16xi32>, vector<16xi32>], vector<16xf32>,
      %add3A_1033 = arith.constant 32 : i32
      %add3A_1034 = vector.broadcast %add3A_1033 : i32 to vector<16xi32>
      %add3A_1035 = arith.addi %iota3A, %add3A_1034 : vector<16xi32>
      tpu.vector_store_idx %arg7[%add3A_1035, %broadcast_in_dim3A_999], %gather3A_1032 : memref<64x256xf32, #tpu.memory_space<vmem>>[vector<16xi32>, vector<16xi32>], vector<16xf32>,
      %add3A_1036 = arith.constant 48 : i32
      %add3A_1037 = vector.broadcast %add3A_1036 : i32 to vector<16xi32>
      %add3A_1038 = arith.addi %iota3A, %add3A_1037 : vector<16xi32>
      %gather3A_1039 = arith.constant 1 : i32
      %gather3A_1040 = arith.constant 0 : i32
      %gather3A_1041 = arith.constant 0 : i32
      %gather3A_1042 = tpu.memref_slice %arg6[%gather3A_1039, %gather3A_1040, %gather3A_1041] : memref<4x64x128xf32, #tpu.memory_space<vmem>> -> memref<1x64x128xf32, #tpu.memory_space<vmem>>
      %gather3A_1043 = tpu.memref_squeeze %gather3A_1042 : memref<1x64x128xf32, #tpu.memory_space<vmem>> -> memref<64x128xf32, #tpu.memory_space<vmem>>
      %gather3A_1044 = tpu.vector_load_idx %gather3A_1043[%add3A_1038, %broadcast_in_dim3A_996] : memref<64x128xf32, #tpu.memory_space<vmem>>[vector<16xi32>, vector<16xi32>], vector<16xf32>,
      %add3A_1045 = arith.constant 48 : i32
      %add3A_1046 = vector.broadcast %add3A_1045 : i32 to vector<16xi32>
      %add3A_1047 = arith.addi %iota3A, %add3A_1046 : vector<16xi32>
      tpu.vector_store_idx %arg7[%add3A_1047, %broadcast_in_dim3A_999], %gather3A_1044 : memref<64x256xf32, #tpu.memory_space<vmem>>[vector<16xi32>, vector<16xi32>], vector<16xf32>,
      %slice3A_1048 = vector.extract_strided_slice %get3A_208 {offsets = [13], sizes = [1], strides = [1]} : vector<16xi32> to vector<1xi32>
      %squeeze3A_1049 = vector.extract %slice3A_1048[0] : i32 from vector<1xi32>
      %add3A_1050 = arith.constant 9 : i32
      %add3A_1051 = arith.addi %add3A_204, %add3A_1050 : i32
      %add3A_1052 = arith.constant 4 : i32
      %add3A_1053 = arith.addi %add3A_1051, %add3A_1052 : i32
      %lt3A_1054 = arith.constant 256 : i32
      %lt3A_1055 = arith.cmpi slt, %add3A_1053, %lt3A_1054 : i32
      %convert_element_type3A_1056 = arith.extui %lt3A_1055 : i1 to i32
      %cond3A_1057 = arith.constant 0 : i32
      %cond3A_1058 = arith.cmpi ne, %convert_element_type3A_1056, %cond3A_1057 : i32
      scf.if %cond3A_1058 {
        %shift_right_arithmetic3A_1569 = arith.constant 7 : i32
        %shift_right_arithmetic3A_1570 = arith.shrsi %squeeze3A_1049, %shift_right_arithmetic3A_1569 : i32
        %mul3A_1571 = arith.constant 128 : i32
        %mul3A_1572 = arith.muli %shift_right_arithmetic3A_1570, %mul3A_1571 : i32
        %multiple_of3A_1573 = tpu.assume_multiple %mul3A_1572, 128 : i32
        %dma_start3A_1574 = arith.constant 1 : i32
        %dma_start3A_1575 = arith.constant 1 : i32
        %dma_start3A_1576 = arith.constant 0 : i32
        %dma_start3A_1577 = arith.constant 0 : i32
        %dma_start3A_1578 = tpu.memref_slice %arg6[%dma_start3A_1574, %dma_start3A_1576, %dma_start3A_1577] : memref<4x64x128xf32, #tpu.memory_space<vmem>> -> memref<1x64x128xf32, #tpu.memory_space<vmem>>
        %dma_start3A_1579 = tpu.memref_squeeze %dma_start3A_1578 : memref<1x64x128xf32, #tpu.memory_space<vmem>> -> memref<64x128xf32, #tpu.memory_space<vmem>>
        %dma_start3A_1580 = arith.constant 0 : i32
        %dma_start3A_1581 = tpu.memref_slice %arg2[%dma_start3A_1580, %multiple_of3A_1573] : memref<64x1000000xf32, #tpu.memory_space<hbm>> -> memref<64x128xf32, #tpu.memory_space<hbm>>
        %dma_start3A_1582 = tpu.memref_slice %arg8[%dma_start3A_1575] : memref<4x!tpu.dma_semaphore, #tpu.memory_space<semaphore_mem>> -> memref<1x!tpu.dma_semaphore, #tpu.memory_space<semaphore_mem>>
        %dma_start3A_1583 = tpu.memref_squeeze %dma_start3A_1582 : memref<1x!tpu.dma_semaphore, #tpu.memory_space<semaphore_mem>> -> memref<!tpu.dma_semaphore, #tpu.memory_space<semaphore_mem>>
        %dma_start3A_1584 = arith.constant 0 : i32
        %dma_start3A_1585 = arith.constant 0 : i32
        %dma_start3A_1586 = tpu.memref_slice %arg6[%dma_start3A_1574, %dma_start3A_1584, %dma_start3A_1585] : memref<4x64x128xf32, #tpu.memory_space<vmem>> -> memref<1x64x128xf32, #tpu.memory_space<vmem>>
        %dma_start3A_1587 = tpu.memref_squeeze %dma_start3A_1586 : memref<1x64x128xf32, #tpu.memory_space<vmem>> -> memref<64x128xf32, #tpu.memory_space<vmem>>
        %dma_start3A_1588 = arith.constant 0 : i32
        %dma_start3A_1589 = tpu.memref_slice %arg2[%dma_start3A_1588, %multiple_of3A_1573] : memref<64x1000000xf32, #tpu.memory_space<hbm>> -> memref<64x128xf32, #tpu.memory_space<hbm>>
        tpu.enqueue_dma source(%dma_start3A_1589 : memref<64x128xf32, #tpu.memory_space<hbm>>) target(%dma_start3A_1587 : memref<64x128xf32, #tpu.memory_space<vmem>>) target_semaphore(%dma_start3A_1583 : memref<!tpu.dma_semaphore, #tpu.memory_space<semaphore_mem>>)
      } else {
      }
      %dma_wait3A_1059 = arith.constant 2 : i32
      %dma_wait3A_1060 = arith.constant 2 : i32
      %dma_wait3A_1061 = arith.constant 0 : i32
      %dma_wait3A_1062 = arith.constant 0 : i32
      %dma_wait3A_1063 = tpu.memref_slice %arg6[%dma_wait3A_1059, %dma_wait3A_1061, %dma_wait3A_1062] : memref<4x64x128xf32, #tpu.memory_space<vmem>> -> memref<1x64x128xf32, #tpu.memory_space<vmem>>
      %dma_wait3A_1064 = tpu.memref_squeeze %dma_wait3A_1063 : memref<1x64x128xf32, #tpu.memory_space<vmem>> -> memref<64x128xf32, #tpu.memory_space<vmem>>
      %dma_wait3A_1065 = arith.constant 0 : i32
      %dma_wait3A_1066 = arith.constant 0 : i32
      %dma_wait3A_1067 = tpu.memref_slice %arg2[%dma_wait3A_1065, %dma_wait3A_1066] : memref<64x1000000xf32, #tpu.memory_space<hbm>> -> memref<64x128xf32, #tpu.memory_space<hbm>>
      %dma_wait3A_1068 = tpu.memref_slice %arg8[%dma_wait3A_1060] : memref<4x!tpu.dma_semaphore, #tpu.memory_space<semaphore_mem>> -> memref<1x!tpu.dma_semaphore, #tpu.memory_space<semaphore_mem>>
      %dma_wait3A_1069 = tpu.memref_squeeze %dma_wait3A_1068 : memref<1x!tpu.dma_semaphore, #tpu.memory_space<semaphore_mem>> -> memref<!tpu.dma_semaphore, #tpu.memory_space<semaphore_mem>>
      %dma_wait3A_1070 = arith.constant 0 : i32
      %dma_wait3A_1071 = arith.constant 0 : i32
      %dma_wait3A_1072 = tpu.memref_slice %arg6[%dma_wait3A_1059, %dma_wait3A_1070, %dma_wait3A_1071] : memref<4x64x128xf32, #tpu.memory_space<vmem>> -> memref<1x64x128xf32, #tpu.memory_space<vmem>>
      %dma_wait3A_1073 = tpu.memref_squeeze %dma_wait3A_1072 : memref<1x64x128xf32, #tpu.memory_space<vmem>> -> memref<64x128xf32, #tpu.memory_space<vmem>>
      %dma_wait3A_1074 = arith.constant 0 : i32
      %dma_wait3A_1075 = arith.constant 0 : i32
      %dma_wait3A_1076 = tpu.memref_slice %arg2[%dma_wait3A_1074, %dma_wait3A_1075] : memref<64x1000000xf32, #tpu.memory_space<hbm>> -> memref<64x128xf32, #tpu.memory_space<hbm>>
      tpu.wait_dma2 semaphore(%dma_wait3A_1069 : memref<!tpu.dma_semaphore, #tpu.memory_space<semaphore_mem>>) src(%dma_wait3A_1076 : memref<64x128xf32, #tpu.memory_space<hbm>>) dst(%dma_wait3A_1073 : memref<64x128xf32, #tpu.memory_space<vmem>>)
      %slice3A_1077 = vector.extract_strided_slice %get3A_208 {offsets = [10], sizes = [1], strides = [1]} : vector<16xi32> to vector<1xi32>
      %squeeze3A_1078 = vector.extract %slice3A_1077[0] : i32 from vector<1xi32>
      %and3A_1079 = arith.constant 127 : i32
      %and3A_1080 = arith.andi %squeeze3A_1078, %and3A_1079 : i32
      %broadcast_in_dim3A_1081 = vector.broadcast %and3A_1080 : i32 to vector<16xi32>
      %add3A_1082 = arith.constant 10 : i32
      %add3A_1083 = arith.addi %add3A_204, %add3A_1082 : i32
      %broadcast_in_dim3A_1084 = vector.broadcast %add3A_1083 : i32 to vector<16xi32>
      %add3A_1085 = arith.constant 0 : i32
      %add3A_1086 = vector.broadcast %add3A_1085 : i32 to vector<16xi32>
      %add3A_1087 = arith.addi %iota3A, %add3A_1086 : vector<16xi32>
      %gather3A_1088 = arith.constant 2 : i32
      %gather3A_1089 = arith.constant 0 : i32
      %gather3A_1090 = arith.constant 0 : i32
      %gather3A_1091 = tpu.memref_slice %arg6[%gather3A_1088, %gather3A_1089, %gather3A_1090] : memref<4x64x128xf32, #tpu.memory_space<vmem>> -> memref<1x64x128xf32, #tpu.memory_space<vmem>>
      %gather3A_1092 = tpu.memref_squeeze %gather3A_1091 : memref<1x64x128xf32, #tpu.memory_space<vmem>> -> memref<64x128xf32, #tpu.memory_space<vmem>>
      %gather3A_1093 = tpu.vector_load_idx %gather3A_1092[%add3A_1087, %broadcast_in_dim3A_1081] : memref<64x128xf32, #tpu.memory_space<vmem>>[vector<16xi32>, vector<16xi32>], vector<16xf32>,
      %add3A_1094 = arith.constant 0 : i32
      %add3A_1095 = vector.broadcast %add3A_1094 : i32 to vector<16xi32>
      %add3A_1096 = arith.addi %iota3A, %add3A_1095 : vector<16xi32>
      tpu.vector_store_idx %arg7[%add3A_1096, %broadcast_in_dim3A_1084], %gather3A_1093 : memref<64x256xf32, #tpu.memory_space<vmem>>[vector<16xi32>, vector<16xi32>], vector<16xf32>,
      %add3A_1097 = arith.constant 16 : i32
      %add3A_1098 = vector.broadcast %add3A_1097 : i32 to vector<16xi32>
      %add3A_1099 = arith.addi %iota3A, %add3A_1098 : vector<16xi32>
      %gather3A_1100 = arith.constant 2 : i32
      %gather3A_1101 = arith.constant 0 : i32
      %gather3A_1102 = arith.constant 0 : i32
      %gather3A_1103 = tpu.memref_slice %arg6[%gather3A_1100, %gather3A_1101, %gather3A_1102] : memref<4x64x128xf32, #tpu.memory_space<vmem>> -> memref<1x64x128xf32, #tpu.memory_space<vmem>>
      %gather3A_1104 = tpu.memref_squeeze %gather3A_1103 : memref<1x64x128xf32, #tpu.memory_space<vmem>> -> memref<64x128xf32, #tpu.memory_space<vmem>>
      %gather3A_1105 = tpu.vector_load_idx %gather3A_1104[%add3A_1099, %broadcast_in_dim3A_1081] : memref<64x128xf32, #tpu.memory_space<vmem>>[vector<16xi32>, vector<16xi32>], vector<16xf32>,
      %add3A_1106 = arith.constant 16 : i32
      %add3A_1107 = vector.broadcast %add3A_1106 : i32 to vector<16xi32>
      %add3A_1108 = arith.addi %iota3A, %add3A_1107 : vector<16xi32>
      tpu.vector_store_idx %arg7[%add3A_1108, %broadcast_in_dim3A_1084], %gather3A_1105 : memref<64x256xf32, #tpu.memory_space<vmem>>[vector<16xi32>, vector<16xi32>], vector<16xf32>,
      %add3A_1109 = arith.constant 32 : i32
      %add3A_1110 = vector.broadcast %add3A_1109 : i32 to vector<16xi32>
      %add3A_1111 = arith.addi %iota3A, %add3A_1110 : vector<16xi32>
      %gather3A_1112 = arith.constant 2 : i32
      %gather3A_1113 = arith.constant 0 : i32
      %gather3A_1114 = arith.constant 0 : i32
      %gather3A_1115 = tpu.memref_slice %arg6[%gather3A_1112, %gather3A_1113, %gather3A_1114] : memref<4x64x128xf32, #tpu.memory_space<vmem>> -> memref<1x64x128xf32, #tpu.memory_space<vmem>>
      %gather3A_1116 = tpu.memref_squeeze %gather3A_1115 : memref<1x64x128xf32, #tpu.memory_space<vmem>> -> memref<64x128xf32, #tpu.memory_space<vmem>>
      %gather3A_1117 = tpu.vector_load_idx %gather3A_1116[%add3A_1111, %broadcast_in_dim3A_1081] : memref<64x128xf32, #tpu.memory_space<vmem>>[vector<16xi32>, vector<16xi32>], vector<16xf32>,
      %add3A_1118 = arith.constant 32 : i32
      %add3A_1119 = vector.broadcast %add3A_1118 : i32 to vector<16xi32>
      %add3A_1120 = arith.addi %iota3A, %add3A_1119 : vector<16xi32>
      tpu.vector_store_idx %arg7[%add3A_1120, %broadcast_in_dim3A_1084], %gather3A_1117 : memref<64x256xf32, #tpu.memory_space<vmem>>[vector<16xi32>, vector<16xi32>], vector<16xf32>,
      %add3A_1121 = arith.constant 48 : i32
      %add3A_1122 = vector.broadcast %add3A_1121 : i32 to vector<16xi32>
      %add3A_1123 = arith.addi %iota3A, %add3A_1122 : vector<16xi32>
      %gather3A_1124 = arith.constant 2 : i32
      %gather3A_1125 = arith.constant 0 : i32
      %gather3A_1126 = arith.constant 0 : i32
      %gather3A_1127 = tpu.memref_slice %arg6[%gather3A_1124, %gather3A_1125, %gather3A_1126] : memref<4x64x128xf32, #tpu.memory_space<vmem>> -> memref<1x64x128xf32, #tpu.memory_space<vmem>>
      %gather3A_1128 = tpu.memref_squeeze %gather3A_1127 : memref<1x64x128xf32, #tpu.memory_space<vmem>> -> memref<64x128xf32, #tpu.memory_space<vmem>>
      %gather3A_1129 = tpu.vector_load_idx %gather3A_1128[%add3A_1123, %broadcast_in_dim3A_1081] : memref<64x128xf32, #tpu.memory_space<vmem>>[vector<16xi32>, vector<16xi32>], vector<16xf32>,
      %add3A_1130 = arith.constant 48 : i32
      %add3A_1131 = vector.broadcast %add3A_1130 : i32 to vector<16xi32>
      %add3A_1132 = arith.addi %iota3A, %add3A_1131 : vector<16xi32>
      tpu.vector_store_idx %arg7[%add3A_1132, %broadcast_in_dim3A_1084], %gather3A_1129 : memref<64x256xf32, #tpu.memory_space<vmem>>[vector<16xi32>, vector<16xi32>], vector<16xf32>,
      %slice3A_1133 = vector.extract_strided_slice %get3A_208 {offsets = [14], sizes = [1], strides = [1]} : vector<16xi32> to vector<1xi32>
      %squeeze3A_1134 = vector.extract %slice3A_1133[0] : i32 from vector<1xi32>
      %add3A_1135 = arith.constant 10 : i32
      %add3A_1136 = arith.addi %add3A_204, %add3A_1135 : i32
      %add3A_1137 = arith.constant 4 : i32
      %add3A_1138 = arith.addi %add3A_1136, %add3A_1137 : i32
      %lt3A_1139 = arith.constant 256 : i32
      %lt3A_1140 = arith.cmpi slt, %add3A_1138, %lt3A_1139 : i32
      %convert_element_type3A_1141 = arith.extui %lt3A_1140 : i1 to i32
      %cond3A_1142 = arith.constant 0 : i32
      %cond3A_1143 = arith.cmpi ne, %convert_element_type3A_1141, %cond3A_1142 : i32
      scf.if %cond3A_1143 {
        %shift_right_arithmetic3A_1569 = arith.constant 7 : i32
        %shift_right_arithmetic3A_1570 = arith.shrsi %squeeze3A_1134, %shift_right_arithmetic3A_1569 : i32
        %mul3A_1571 = arith.constant 128 : i32
        %mul3A_1572 = arith.muli %shift_right_arithmetic3A_1570, %mul3A_1571 : i32
        %multiple_of3A_1573 = tpu.assume_multiple %mul3A_1572, 128 : i32
        %dma_start3A_1574 = arith.constant 2 : i32
        %dma_start3A_1575 = arith.constant 2 : i32
        %dma_start3A_1576 = arith.constant 0 : i32
        %dma_start3A_1577 = arith.constant 0 : i32
        %dma_start3A_1578 = tpu.memref_slice %arg6[%dma_start3A_1574, %dma_start3A_1576, %dma_start3A_1577] : memref<4x64x128xf32, #tpu.memory_space<vmem>> -> memref<1x64x128xf32, #tpu.memory_space<vmem>>
        %dma_start3A_1579 = tpu.memref_squeeze %dma_start3A_1578 : memref<1x64x128xf32, #tpu.memory_space<vmem>> -> memref<64x128xf32, #tpu.memory_space<vmem>>
        %dma_start3A_1580 = arith.constant 0 : i32
        %dma_start3A_1581 = tpu.memref_slice %arg2[%dma_start3A_1580, %multiple_of3A_1573] : memref<64x1000000xf32, #tpu.memory_space<hbm>> -> memref<64x128xf32, #tpu.memory_space<hbm>>
        %dma_start3A_1582 = tpu.memref_slice %arg8[%dma_start3A_1575] : memref<4x!tpu.dma_semaphore, #tpu.memory_space<semaphore_mem>> -> memref<1x!tpu.dma_semaphore, #tpu.memory_space<semaphore_mem>>
        %dma_start3A_1583 = tpu.memref_squeeze %dma_start3A_1582 : memref<1x!tpu.dma_semaphore, #tpu.memory_space<semaphore_mem>> -> memref<!tpu.dma_semaphore, #tpu.memory_space<semaphore_mem>>
        %dma_start3A_1584 = arith.constant 0 : i32
        %dma_start3A_1585 = arith.constant 0 : i32
        %dma_start3A_1586 = tpu.memref_slice %arg6[%dma_start3A_1574, %dma_start3A_1584, %dma_start3A_1585] : memref<4x64x128xf32, #tpu.memory_space<vmem>> -> memref<1x64x128xf32, #tpu.memory_space<vmem>>
        %dma_start3A_1587 = tpu.memref_squeeze %dma_start3A_1586 : memref<1x64x128xf32, #tpu.memory_space<vmem>> -> memref<64x128xf32, #tpu.memory_space<vmem>>
        %dma_start3A_1588 = arith.constant 0 : i32
        %dma_start3A_1589 = tpu.memref_slice %arg2[%dma_start3A_1588, %multiple_of3A_1573] : memref<64x1000000xf32, #tpu.memory_space<hbm>> -> memref<64x128xf32, #tpu.memory_space<hbm>>
        tpu.enqueue_dma source(%dma_start3A_1589 : memref<64x128xf32, #tpu.memory_space<hbm>>) target(%dma_start3A_1587 : memref<64x128xf32, #tpu.memory_space<vmem>>) target_semaphore(%dma_start3A_1583 : memref<!tpu.dma_semaphore, #tpu.memory_space<semaphore_mem>>)
      } else {
      }
      %dma_wait3A_1144 = arith.constant 3 : i32
      %dma_wait3A_1145 = arith.constant 3 : i32
      %dma_wait3A_1146 = arith.constant 0 : i32
      %dma_wait3A_1147 = arith.constant 0 : i32
      %dma_wait3A_1148 = tpu.memref_slice %arg6[%dma_wait3A_1144, %dma_wait3A_1146, %dma_wait3A_1147] : memref<4x64x128xf32, #tpu.memory_space<vmem>> -> memref<1x64x128xf32, #tpu.memory_space<vmem>>
      %dma_wait3A_1149 = tpu.memref_squeeze %dma_wait3A_1148 : memref<1x64x128xf32, #tpu.memory_space<vmem>> -> memref<64x128xf32, #tpu.memory_space<vmem>>
      %dma_wait3A_1150 = arith.constant 0 : i32
      %dma_wait3A_1151 = arith.constant 0 : i32
      %dma_wait3A_1152 = tpu.memref_slice %arg2[%dma_wait3A_1150, %dma_wait3A_1151] : memref<64x1000000xf32, #tpu.memory_space<hbm>> -> memref<64x128xf32, #tpu.memory_space<hbm>>
      %dma_wait3A_1153 = tpu.memref_slice %arg8[%dma_wait3A_1145] : memref<4x!tpu.dma_semaphore, #tpu.memory_space<semaphore_mem>> -> memref<1x!tpu.dma_semaphore, #tpu.memory_space<semaphore_mem>>
      %dma_wait3A_1154 = tpu.memref_squeeze %dma_wait3A_1153 : memref<1x!tpu.dma_semaphore, #tpu.memory_space<semaphore_mem>> -> memref<!tpu.dma_semaphore, #tpu.memory_space<semaphore_mem>>
      %dma_wait3A_1155 = arith.constant 0 : i32
      %dma_wait3A_1156 = arith.constant 0 : i32
      %dma_wait3A_1157 = tpu.memref_slice %arg6[%dma_wait3A_1144, %dma_wait3A_1155, %dma_wait3A_1156] : memref<4x64x128xf32, #tpu.memory_space<vmem>> -> memref<1x64x128xf32, #tpu.memory_space<vmem>>
      %dma_wait3A_1158 = tpu.memref_squeeze %dma_wait3A_1157 : memref<1x64x128xf32, #tpu.memory_space<vmem>> -> memref<64x128xf32, #tpu.memory_space<vmem>>
      %dma_wait3A_1159 = arith.constant 0 : i32
      %dma_wait3A_1160 = arith.constant 0 : i32
      %dma_wait3A_1161 = tpu.memref_slice %arg2[%dma_wait3A_1159, %dma_wait3A_1160] : memref<64x1000000xf32, #tpu.memory_space<hbm>> -> memref<64x128xf32, #tpu.memory_space<hbm>>
      tpu.wait_dma2 semaphore(%dma_wait3A_1154 : memref<!tpu.dma_semaphore, #tpu.memory_space<semaphore_mem>>) src(%dma_wait3A_1161 : memref<64x128xf32, #tpu.memory_space<hbm>>) dst(%dma_wait3A_1158 : memref<64x128xf32, #tpu.memory_space<vmem>>)
      %slice3A_1162 = vector.extract_strided_slice %get3A_208 {offsets = [11], sizes = [1], strides = [1]} : vector<16xi32> to vector<1xi32>
      %squeeze3A_1163 = vector.extract %slice3A_1162[0] : i32 from vector<1xi32>
      %and3A_1164 = arith.constant 127 : i32
      %and3A_1165 = arith.andi %squeeze3A_1163, %and3A_1164 : i32
      %broadcast_in_dim3A_1166 = vector.broadcast %and3A_1165 : i32 to vector<16xi32>
      %add3A_1167 = arith.constant 11 : i32
      %add3A_1168 = arith.addi %add3A_204, %add3A_1167 : i32
      %broadcast_in_dim3A_1169 = vector.broadcast %add3A_1168 : i32 to vector<16xi32>
      %add3A_1170 = arith.constant 0 : i32
      %add3A_1171 = vector.broadcast %add3A_1170 : i32 to vector<16xi32>
      %add3A_1172 = arith.addi %iota3A, %add3A_1171 : vector<16xi32>
      %gather3A_1173 = arith.constant 3 : i32
      %gather3A_1174 = arith.constant 0 : i32
      %gather3A_1175 = arith.constant 0 : i32
      %gather3A_1176 = tpu.memref_slice %arg6[%gather3A_1173, %gather3A_1174, %gather3A_1175] : memref<4x64x128xf32, #tpu.memory_space<vmem>> -> memref<1x64x128xf32, #tpu.memory_space<vmem>>
      %gather3A_1177 = tpu.memref_squeeze %gather3A_1176 : memref<1x64x128xf32, #tpu.memory_space<vmem>> -> memref<64x128xf32, #tpu.memory_space<vmem>>
      %gather3A_1178 = tpu.vector_load_idx %gather3A_1177[%add3A_1172, %broadcast_in_dim3A_1166] : memref<64x128xf32, #tpu.memory_space<vmem>>[vector<16xi32>, vector<16xi32>], vector<16xf32>,
      %add3A_1179 = arith.constant 0 : i32
      %add3A_1180 = vector.broadcast %add3A_1179 : i32 to vector<16xi32>
      %add3A_1181 = arith.addi %iota3A, %add3A_1180 : vector<16xi32>
      tpu.vector_store_idx %arg7[%add3A_1181, %broadcast_in_dim3A_1169], %gather3A_1178 : memref<64x256xf32, #tpu.memory_space<vmem>>[vector<16xi32>, vector<16xi32>], vector<16xf32>,
      %add3A_1182 = arith.constant 16 : i32
      %add3A_1183 = vector.broadcast %add3A_1182 : i32 to vector<16xi32>
      %add3A_1184 = arith.addi %iota3A, %add3A_1183 : vector<16xi32>
      %gather3A_1185 = arith.constant 3 : i32
      %gather3A_1186 = arith.constant 0 : i32
      %gather3A_1187 = arith.constant 0 : i32
      %gather3A_1188 = tpu.memref_slice %arg6[%gather3A_1185, %gather3A_1186, %gather3A_1187] : memref<4x64x128xf32, #tpu.memory_space<vmem>> -> memref<1x64x128xf32, #tpu.memory_space<vmem>>
      %gather3A_1189 = tpu.memref_squeeze %gather3A_1188 : memref<1x64x128xf32, #tpu.memory_space<vmem>> -> memref<64x128xf32, #tpu.memory_space<vmem>>
      %gather3A_1190 = tpu.vector_load_idx %gather3A_1189[%add3A_1184, %broadcast_in_dim3A_1166] : memref<64x128xf32, #tpu.memory_space<vmem>>[vector<16xi32>, vector<16xi32>], vector<16xf32>,
      %add3A_1191 = arith.constant 16 : i32
      %add3A_1192 = vector.broadcast %add3A_1191 : i32 to vector<16xi32>
      %add3A_1193 = arith.addi %iota3A, %add3A_1192 : vector<16xi32>
      tpu.vector_store_idx %arg7[%add3A_1193, %broadcast_in_dim3A_1169], %gather3A_1190 : memref<64x256xf32, #tpu.memory_space<vmem>>[vector<16xi32>, vector<16xi32>], vector<16xf32>,
      %add3A_1194 = arith.constant 32 : i32
      %add3A_1195 = vector.broadcast %add3A_1194 : i32 to vector<16xi32>
      %add3A_1196 = arith.addi %iota3A, %add3A_1195 : vector<16xi32>
      %gather3A_1197 = arith.constant 3 : i32
      %gather3A_1198 = arith.constant 0 : i32
      %gather3A_1199 = arith.constant 0 : i32
      %gather3A_1200 = tpu.memref_slice %arg6[%gather3A_1197, %gather3A_1198, %gather3A_1199] : memref<4x64x128xf32, #tpu.memory_space<vmem>> -> memref<1x64x128xf32, #tpu.memory_space<vmem>>
      %gather3A_1201 = tpu.memref_squeeze %gather3A_1200 : memref<1x64x128xf32, #tpu.memory_space<vmem>> -> memref<64x128xf32, #tpu.memory_space<vmem>>
      %gather3A_1202 = tpu.vector_load_idx %gather3A_1201[%add3A_1196, %broadcast_in_dim3A_1166] : memref<64x128xf32, #tpu.memory_space<vmem>>[vector<16xi32>, vector<16xi32>], vector<16xf32>,
      %add3A_1203 = arith.constant 32 : i32
      %add3A_1204 = vector.broadcast %add3A_1203 : i32 to vector<16xi32>
      %add3A_1205 = arith.addi %iota3A, %add3A_1204 : vector<16xi32>
      tpu.vector_store_idx %arg7[%add3A_1205, %broadcast_in_dim3A_1169], %gather3A_1202 : memref<64x256xf32, #tpu.memory_space<vmem>>[vector<16xi32>, vector<16xi32>], vector<16xf32>,
      %add3A_1206 = arith.constant 48 : i32
      %add3A_1207 = vector.broadcast %add3A_1206 : i32 to vector<16xi32>
      %add3A_1208 = arith.addi %iota3A, %add3A_1207 : vector<16xi32>
      %gather3A_1209 = arith.constant 3 : i32
      %gather3A_1210 = arith.constant 0 : i32
      %gather3A_1211 = arith.constant 0 : i32
      %gather3A_1212 = tpu.memref_slice %arg6[%gather3A_1209, %gather3A_1210, %gather3A_1211] : memref<4x64x128xf32, #tpu.memory_space<vmem>> -> memref<1x64x128xf32, #tpu.memory_space<vmem>>
      %gather3A_1213 = tpu.memref_squeeze %gather3A_1212 : memref<1x64x128xf32, #tpu.memory_space<vmem>> -> memref<64x128xf32, #tpu.memory_space<vmem>>
      %gather3A_1214 = tpu.vector_load_idx %gather3A_1213[%add3A_1208, %broadcast_in_dim3A_1166] : memref<64x128xf32, #tpu.memory_space<vmem>>[vector<16xi32>, vector<16xi32>], vector<16xf32>,
      %add3A_1215 = arith.constant 48 : i32
      %add3A_1216 = vector.broadcast %add3A_1215 : i32 to vector<16xi32>
      %add3A_1217 = arith.addi %iota3A, %add3A_1216 : vector<16xi32>
      tpu.vector_store_idx %arg7[%add3A_1217, %broadcast_in_dim3A_1169], %gather3A_1214 : memref<64x256xf32, #tpu.memory_space<vmem>>[vector<16xi32>, vector<16xi32>], vector<16xf32>,
      %slice3A_1218 = vector.extract_strided_slice %get3A_208 {offsets = [15], sizes = [1], strides = [1]} : vector<16xi32> to vector<1xi32>
      %squeeze3A_1219 = vector.extract %slice3A_1218[0] : i32 from vector<1xi32>
      %add3A_1220 = arith.constant 11 : i32
      %add3A_1221 = arith.addi %add3A_204, %add3A_1220 : i32
      %add3A_1222 = arith.constant 4 : i32
      %add3A_1223 = arith.addi %add3A_1221, %add3A_1222 : i32
      %lt3A_1224 = arith.constant 256 : i32
      %lt3A_1225 = arith.cmpi slt, %add3A_1223, %lt3A_1224 : i32
      %convert_element_type3A_1226 = arith.extui %lt3A_1225 : i1 to i32
      %cond3A_1227 = arith.constant 0 : i32
      %cond3A_1228 = arith.cmpi ne, %convert_element_type3A_1226, %cond3A_1227 : i32
      scf.if %cond3A_1228 {
        %shift_right_arithmetic3A_1569 = arith.constant 7 : i32
        %shift_right_arithmetic3A_1570 = arith.shrsi %squeeze3A_1219, %shift_right_arithmetic3A_1569 : i32
        %mul3A_1571 = arith.constant 128 : i32
        %mul3A_1572 = arith.muli %shift_right_arithmetic3A_1570, %mul3A_1571 : i32
        %multiple_of3A_1573 = tpu.assume_multiple %mul3A_1572, 128 : i32
        %dma_start3A_1574 = arith.constant 3 : i32
        %dma_start3A_1575 = arith.constant 3 : i32
        %dma_start3A_1576 = arith.constant 0 : i32
        %dma_start3A_1577 = arith.constant 0 : i32
        %dma_start3A_1578 = tpu.memref_slice %arg6[%dma_start3A_1574, %dma_start3A_1576, %dma_start3A_1577] : memref<4x64x128xf32, #tpu.memory_space<vmem>> -> memref<1x64x128xf32, #tpu.memory_space<vmem>>
        %dma_start3A_1579 = tpu.memref_squeeze %dma_start3A_1578 : memref<1x64x128xf32, #tpu.memory_space<vmem>> -> memref<64x128xf32, #tpu.memory_space<vmem>>
        %dma_start3A_1580 = arith.constant 0 : i32
        %dma_start3A_1581 = tpu.memref_slice %arg2[%dma_start3A_1580, %multiple_of3A_1573] : memref<64x1000000xf32, #tpu.memory_space<hbm>> -> memref<64x128xf32, #tpu.memory_space<hbm>>
        %dma_start3A_1582 = tpu.memref_slice %arg8[%dma_start3A_1575] : memref<4x!tpu.dma_semaphore, #tpu.memory_space<semaphore_mem>> -> memref<1x!tpu.dma_semaphore, #tpu.memory_space<semaphore_mem>>
        %dma_start3A_1583 = tpu.memref_squeeze %dma_start3A_1582 : memref<1x!tpu.dma_semaphore, #tpu.memory_space<semaphore_mem>> -> memref<!tpu.dma_semaphore, #tpu.memory_space<semaphore_mem>>
        %dma_start3A_1584 = arith.constant 0 : i32
        %dma_start3A_1585 = arith.constant 0 : i32
        %dma_start3A_1586 = tpu.memref_slice %arg6[%dma_start3A_1574, %dma_start3A_1584, %dma_start3A_1585] : memref<4x64x128xf32, #tpu.memory_space<vmem>> -> memref<1x64x128xf32, #tpu.memory_space<vmem>>
        %dma_start3A_1587 = tpu.memref_squeeze %dma_start3A_1586 : memref<1x64x128xf32, #tpu.memory_space<vmem>> -> memref<64x128xf32, #tpu.memory_space<vmem>>
        %dma_start3A_1588 = arith.constant 0 : i32
        %dma_start3A_1589 = tpu.memref_slice %arg2[%dma_start3A_1588, %multiple_of3A_1573] : memref<64x1000000xf32, #tpu.memory_space<hbm>> -> memref<64x128xf32, #tpu.memory_space<hbm>>
        tpu.enqueue_dma source(%dma_start3A_1589 : memref<64x128xf32, #tpu.memory_space<hbm>>) target(%dma_start3A_1587 : memref<64x128xf32, #tpu.memory_space<vmem>>) target_semaphore(%dma_start3A_1583 : memref<!tpu.dma_semaphore, #tpu.memory_space<semaphore_mem>>)
      } else {
      }
      %dma_wait3A_1229 = arith.constant 0 : i32
      %dma_wait3A_1230 = arith.constant 0 : i32
      %dma_wait3A_1231 = arith.constant 0 : i32
      %dma_wait3A_1232 = arith.constant 0 : i32
      %dma_wait3A_1233 = tpu.memref_slice %arg6[%dma_wait3A_1229, %dma_wait3A_1231, %dma_wait3A_1232] : memref<4x64x128xf32, #tpu.memory_space<vmem>> -> memref<1x64x128xf32, #tpu.memory_space<vmem>>
      %dma_wait3A_1234 = tpu.memref_squeeze %dma_wait3A_1233 : memref<1x64x128xf32, #tpu.memory_space<vmem>> -> memref<64x128xf32, #tpu.memory_space<vmem>>
      %dma_wait3A_1235 = arith.constant 0 : i32
      %dma_wait3A_1236 = arith.constant 0 : i32
      %dma_wait3A_1237 = tpu.memref_slice %arg2[%dma_wait3A_1235, %dma_wait3A_1236] : memref<64x1000000xf32, #tpu.memory_space<hbm>> -> memref<64x128xf32, #tpu.memory_space<hbm>>
      %dma_wait3A_1238 = tpu.memref_slice %arg8[%dma_wait3A_1230] : memref<4x!tpu.dma_semaphore, #tpu.memory_space<semaphore_mem>> -> memref<1x!tpu.dma_semaphore, #tpu.memory_space<semaphore_mem>>
      %dma_wait3A_1239 = tpu.memref_squeeze %dma_wait3A_1238 : memref<1x!tpu.dma_semaphore, #tpu.memory_space<semaphore_mem>> -> memref<!tpu.dma_semaphore, #tpu.memory_space<semaphore_mem>>
      %dma_wait3A_1240 = arith.constant 0 : i32
      %dma_wait3A_1241 = arith.constant 0 : i32
      %dma_wait3A_1242 = tpu.memref_slice %arg6[%dma_wait3A_1229, %dma_wait3A_1240, %dma_wait3A_1241] : memref<4x64x128xf32, #tpu.memory_space<vmem>> -> memref<1x64x128xf32, #tpu.memory_space<vmem>>
      %dma_wait3A_1243 = tpu.memref_squeeze %dma_wait3A_1242 : memref<1x64x128xf32, #tpu.memory_space<vmem>> -> memref<64x128xf32, #tpu.memory_space<vmem>>
      %dma_wait3A_1244 = arith.constant 0 : i32
      %dma_wait3A_1245 = arith.constant 0 : i32
      %dma_wait3A_1246 = tpu.memref_slice %arg2[%dma_wait3A_1244, %dma_wait3A_1245] : memref<64x1000000xf32, #tpu.memory_space<hbm>> -> memref<64x128xf32, #tpu.memory_space<hbm>>
      tpu.wait_dma2 semaphore(%dma_wait3A_1239 : memref<!tpu.dma_semaphore, #tpu.memory_space<semaphore_mem>>) src(%dma_wait3A_1246 : memref<64x128xf32, #tpu.memory_space<hbm>>) dst(%dma_wait3A_1243 : memref<64x128xf32, #tpu.memory_space<vmem>>)
      %slice3A_1247 = vector.extract_strided_slice %get3A_208 {offsets = [12], sizes = [1], strides = [1]} : vector<16xi32> to vector<1xi32>
      %squeeze3A_1248 = vector.extract %slice3A_1247[0] : i32 from vector<1xi32>
      %and3A_1249 = arith.constant 127 : i32
      %and3A_1250 = arith.andi %squeeze3A_1248, %and3A_1249 : i32
      %broadcast_in_dim3A_1251 = vector.broadcast %and3A_1250 : i32 to vector<16xi32>
      %add3A_1252 = arith.constant 12 : i32
      %add3A_1253 = arith.addi %add3A_204, %add3A_1252 : i32
      %broadcast_in_dim3A_1254 = vector.broadcast %add3A_1253 : i32 to vector<16xi32>
      %add3A_1255 = arith.constant 0 : i32
      %add3A_1256 = vector.broadcast %add3A_1255 : i32 to vector<16xi32>
      %add3A_1257 = arith.addi %iota3A, %add3A_1256 : vector<16xi32>
      %gather3A_1258 = arith.constant 0 : i32
      %gather3A_1259 = arith.constant 0 : i32
      %gather3A_1260 = arith.constant 0 : i32
      %gather3A_1261 = tpu.memref_slice %arg6[%gather3A_1258, %gather3A_1259, %gather3A_1260] : memref<4x64x128xf32, #tpu.memory_space<vmem>> -> memref<1x64x128xf32, #tpu.memory_space<vmem>>
      %gather3A_1262 = tpu.memref_squeeze %gather3A_1261 : memref<1x64x128xf32, #tpu.memory_space<vmem>> -> memref<64x128xf32, #tpu.memory_space<vmem>>
      %gather3A_1263 = tpu.vector_load_idx %gather3A_1262[%add3A_1257, %broadcast_in_dim3A_1251] : memref<64x128xf32, #tpu.memory_space<vmem>>[vector<16xi32>, vector<16xi32>], vector<16xf32>,
      %add3A_1264 = arith.constant 0 : i32
      %add3A_1265 = vector.broadcast %add3A_1264 : i32 to vector<16xi32>
      %add3A_1266 = arith.addi %iota3A, %add3A_1265 : vector<16xi32>
      tpu.vector_store_idx %arg7[%add3A_1266, %broadcast_in_dim3A_1254], %gather3A_1263 : memref<64x256xf32, #tpu.memory_space<vmem>>[vector<16xi32>, vector<16xi32>], vector<16xf32>,
      %add3A_1267 = arith.constant 16 : i32
      %add3A_1268 = vector.broadcast %add3A_1267 : i32 to vector<16xi32>
      %add3A_1269 = arith.addi %iota3A, %add3A_1268 : vector<16xi32>
      %gather3A_1270 = arith.constant 0 : i32
      %gather3A_1271 = arith.constant 0 : i32
      %gather3A_1272 = arith.constant 0 : i32
      %gather3A_1273 = tpu.memref_slice %arg6[%gather3A_1270, %gather3A_1271, %gather3A_1272] : memref<4x64x128xf32, #tpu.memory_space<vmem>> -> memref<1x64x128xf32, #tpu.memory_space<vmem>>
      %gather3A_1274 = tpu.memref_squeeze %gather3A_1273 : memref<1x64x128xf32, #tpu.memory_space<vmem>> -> memref<64x128xf32, #tpu.memory_space<vmem>>
      %gather3A_1275 = tpu.vector_load_idx %gather3A_1274[%add3A_1269, %broadcast_in_dim3A_1251] : memref<64x128xf32, #tpu.memory_space<vmem>>[vector<16xi32>, vector<16xi32>], vector<16xf32>,
      %add3A_1276 = arith.constant 16 : i32
      %add3A_1277 = vector.broadcast %add3A_1276 : i32 to vector<16xi32>
      %add3A_1278 = arith.addi %iota3A, %add3A_1277 : vector<16xi32>
      tpu.vector_store_idx %arg7[%add3A_1278, %broadcast_in_dim3A_1254], %gather3A_1275 : memref<64x256xf32, #tpu.memory_space<vmem>>[vector<16xi32>, vector<16xi32>], vector<16xf32>,
      %add3A_1279 = arith.constant 32 : i32
      %add3A_1280 = vector.broadcast %add3A_1279 : i32 to vector<16xi32>
      %add3A_1281 = arith.addi %iota3A, %add3A_1280 : vector<16xi32>
      %gather3A_1282 = arith.constant 0 : i32
      %gather3A_1283 = arith.constant 0 : i32
      %gather3A_1284 = arith.constant 0 : i32
      %gather3A_1285 = tpu.memref_slice %arg6[%gather3A_1282, %gather3A_1283, %gather3A_1284] : memref<4x64x128xf32, #tpu.memory_space<vmem>> -> memref<1x64x128xf32, #tpu.memory_space<vmem>>
      %gather3A_1286 = tpu.memref_squeeze %gather3A_1285 : memref<1x64x128xf32, #tpu.memory_space<vmem>> -> memref<64x128xf32, #tpu.memory_space<vmem>>
      %gather3A_1287 = tpu.vector_load_idx %gather3A_1286[%add3A_1281, %broadcast_in_dim3A_1251] : memref<64x128xf32, #tpu.memory_space<vmem>>[vector<16xi32>, vector<16xi32>], vector<16xf32>,
      %add3A_1288 = arith.constant 32 : i32
      %add3A_1289 = vector.broadcast %add3A_1288 : i32 to vector<16xi32>
      %add3A_1290 = arith.addi %iota3A, %add3A_1289 : vector<16xi32>
      tpu.vector_store_idx %arg7[%add3A_1290, %broadcast_in_dim3A_1254], %gather3A_1287 : memref<64x256xf32, #tpu.memory_space<vmem>>[vector<16xi32>, vector<16xi32>], vector<16xf32>,
      %add3A_1291 = arith.constant 48 : i32
      %add3A_1292 = vector.broadcast %add3A_1291 : i32 to vector<16xi32>
      %add3A_1293 = arith.addi %iota3A, %add3A_1292 : vector<16xi32>
      %gather3A_1294 = arith.constant 0 : i32
      %gather3A_1295 = arith.constant 0 : i32
      %gather3A_1296 = arith.constant 0 : i32
      %gather3A_1297 = tpu.memref_slice %arg6[%gather3A_1294, %gather3A_1295, %gather3A_1296] : memref<4x64x128xf32, #tpu.memory_space<vmem>> -> memref<1x64x128xf32, #tpu.memory_space<vmem>>
      %gather3A_1298 = tpu.memref_squeeze %gather3A_1297 : memref<1x64x128xf32, #tpu.memory_space<vmem>> -> memref<64x128xf32, #tpu.memory_space<vmem>>
      %gather3A_1299 = tpu.vector_load_idx %gather3A_1298[%add3A_1293, %broadcast_in_dim3A_1251] : memref<64x128xf32, #tpu.memory_space<vmem>>[vector<16xi32>, vector<16xi32>], vector<16xf32>,
      %add3A_1300 = arith.constant 48 : i32
      %add3A_1301 = vector.broadcast %add3A_1300 : i32 to vector<16xi32>
      %add3A_1302 = arith.addi %iota3A, %add3A_1301 : vector<16xi32>
      tpu.vector_store_idx %arg7[%add3A_1302, %broadcast_in_dim3A_1254], %gather3A_1299 : memref<64x256xf32, #tpu.memory_space<vmem>>[vector<16xi32>, vector<16xi32>], vector<16xf32>,
      %slice3A_1303 = vector.extract_strided_slice %get3A_215 {offsets = [0], sizes = [1], strides = [1]} : vector<16xi32> to vector<1xi32>
      %squeeze3A_1304 = vector.extract %slice3A_1303[0] : i32 from vector<1xi32>
      %add3A_1305 = arith.constant 12 : i32
      %add3A_1306 = arith.addi %add3A_204, %add3A_1305 : i32
      %add3A_1307 = arith.constant 4 : i32
      %add3A_1308 = arith.addi %add3A_1306, %add3A_1307 : i32
      %lt3A_1309 = arith.constant 256 : i32
      %lt3A_1310 = arith.cmpi slt, %add3A_1308, %lt3A_1309 : i32
      %convert_element_type3A_1311 = arith.extui %lt3A_1310 : i1 to i32
      %cond3A_1312 = arith.constant 0 : i32
      %cond3A_1313 = arith.cmpi ne, %convert_element_type3A_1311, %cond3A_1312 : i32
      scf.if %cond3A_1313 {
        %shift_right_arithmetic3A_1569 = arith.constant 7 : i32
        %shift_right_arithmetic3A_1570 = arith.shrsi %squeeze3A_1304, %shift_right_arithmetic3A_1569 : i32
        %mul3A_1571 = arith.constant 128 : i32
        %mul3A_1572 = arith.muli %shift_right_arithmetic3A_1570, %mul3A_1571 : i32
        %multiple_of3A_1573 = tpu.assume_multiple %mul3A_1572, 128 : i32
        %dma_start3A_1574 = arith.constant 0 : i32
        %dma_start3A_1575 = arith.constant 0 : i32
        %dma_start3A_1576 = arith.constant 0 : i32
        %dma_start3A_1577 = arith.constant 0 : i32
        %dma_start3A_1578 = tpu.memref_slice %arg6[%dma_start3A_1574, %dma_start3A_1576, %dma_start3A_1577] : memref<4x64x128xf32, #tpu.memory_space<vmem>> -> memref<1x64x128xf32, #tpu.memory_space<vmem>>
        %dma_start3A_1579 = tpu.memref_squeeze %dma_start3A_1578 : memref<1x64x128xf32, #tpu.memory_space<vmem>> -> memref<64x128xf32, #tpu.memory_space<vmem>>
        %dma_start3A_1580 = arith.constant 0 : i32
        %dma_start3A_1581 = tpu.memref_slice %arg2[%dma_start3A_1580, %multiple_of3A_1573] : memref<64x1000000xf32, #tpu.memory_space<hbm>> -> memref<64x128xf32, #tpu.memory_space<hbm>>
        %dma_start3A_1582 = tpu.memref_slice %arg8[%dma_start3A_1575] : memref<4x!tpu.dma_semaphore, #tpu.memory_space<semaphore_mem>> -> memref<1x!tpu.dma_semaphore, #tpu.memory_space<semaphore_mem>>
        %dma_start3A_1583 = tpu.memref_squeeze %dma_start3A_1582 : memref<1x!tpu.dma_semaphore, #tpu.memory_space<semaphore_mem>> -> memref<!tpu.dma_semaphore, #tpu.memory_space<semaphore_mem>>
        %dma_start3A_1584 = arith.constant 0 : i32
        %dma_start3A_1585 = arith.constant 0 : i32
        %dma_start3A_1586 = tpu.memref_slice %arg6[%dma_start3A_1574, %dma_start3A_1584, %dma_start3A_1585] : memref<4x64x128xf32, #tpu.memory_space<vmem>> -> memref<1x64x128xf32, #tpu.memory_space<vmem>>
        %dma_start3A_1587 = tpu.memref_squeeze %dma_start3A_1586 : memref<1x64x128xf32, #tpu.memory_space<vmem>> -> memref<64x128xf32, #tpu.memory_space<vmem>>
        %dma_start3A_1588 = arith.constant 0 : i32
        %dma_start3A_1589 = tpu.memref_slice %arg2[%dma_start3A_1588, %multiple_of3A_1573] : memref<64x1000000xf32, #tpu.memory_space<hbm>> -> memref<64x128xf32, #tpu.memory_space<hbm>>
        tpu.enqueue_dma source(%dma_start3A_1589 : memref<64x128xf32, #tpu.memory_space<hbm>>) target(%dma_start3A_1587 : memref<64x128xf32, #tpu.memory_space<vmem>>) target_semaphore(%dma_start3A_1583 : memref<!tpu.dma_semaphore, #tpu.memory_space<semaphore_mem>>)
      } else {
      }
      %dma_wait3A_1314 = arith.constant 1 : i32
      %dma_wait3A_1315 = arith.constant 1 : i32
      %dma_wait3A_1316 = arith.constant 0 : i32
      %dma_wait3A_1317 = arith.constant 0 : i32
      %dma_wait3A_1318 = tpu.memref_slice %arg6[%dma_wait3A_1314, %dma_wait3A_1316, %dma_wait3A_1317] : memref<4x64x128xf32, #tpu.memory_space<vmem>> -> memref<1x64x128xf32, #tpu.memory_space<vmem>>
      %dma_wait3A_1319 = tpu.memref_squeeze %dma_wait3A_1318 : memref<1x64x128xf32, #tpu.memory_space<vmem>> -> memref<64x128xf32, #tpu.memory_space<vmem>>
      %dma_wait3A_1320 = arith.constant 0 : i32
      %dma_wait3A_1321 = arith.constant 0 : i32
      %dma_wait3A_1322 = tpu.memref_slice %arg2[%dma_wait3A_1320, %dma_wait3A_1321] : memref<64x1000000xf32, #tpu.memory_space<hbm>> -> memref<64x128xf32, #tpu.memory_space<hbm>>
      %dma_wait3A_1323 = tpu.memref_slice %arg8[%dma_wait3A_1315] : memref<4x!tpu.dma_semaphore, #tpu.memory_space<semaphore_mem>> -> memref<1x!tpu.dma_semaphore, #tpu.memory_space<semaphore_mem>>
      %dma_wait3A_1324 = tpu.memref_squeeze %dma_wait3A_1323 : memref<1x!tpu.dma_semaphore, #tpu.memory_space<semaphore_mem>> -> memref<!tpu.dma_semaphore, #tpu.memory_space<semaphore_mem>>
      %dma_wait3A_1325 = arith.constant 0 : i32
      %dma_wait3A_1326 = arith.constant 0 : i32
      %dma_wait3A_1327 = tpu.memref_slice %arg6[%dma_wait3A_1314, %dma_wait3A_1325, %dma_wait3A_1326] : memref<4x64x128xf32, #tpu.memory_space<vmem>> -> memref<1x64x128xf32, #tpu.memory_space<vmem>>
      %dma_wait3A_1328 = tpu.memref_squeeze %dma_wait3A_1327 : memref<1x64x128xf32, #tpu.memory_space<vmem>> -> memref<64x128xf32, #tpu.memory_space<vmem>>
      %dma_wait3A_1329 = arith.constant 0 : i32
      %dma_wait3A_1330 = arith.constant 0 : i32
      %dma_wait3A_1331 = tpu.memref_slice %arg2[%dma_wait3A_1329, %dma_wait3A_1330] : memref<64x1000000xf32, #tpu.memory_space<hbm>> -> memref<64x128xf32, #tpu.memory_space<hbm>>
      tpu.wait_dma2 semaphore(%dma_wait3A_1324 : memref<!tpu.dma_semaphore, #tpu.memory_space<semaphore_mem>>) src(%dma_wait3A_1331 : memref<64x128xf32, #tpu.memory_space<hbm>>) dst(%dma_wait3A_1328 : memref<64x128xf32, #tpu.memory_space<vmem>>)
      %slice3A_1332 = vector.extract_strided_slice %get3A_208 {offsets = [13], sizes = [1], strides = [1]} : vector<16xi32> to vector<1xi32>
      %squeeze3A_1333 = vector.extract %slice3A_1332[0] : i32 from vector<1xi32>
      %and3A_1334 = arith.constant 127 : i32
      %and3A_1335 = arith.andi %squeeze3A_1333, %and3A_1334 : i32
      %broadcast_in_dim3A_1336 = vector.broadcast %and3A_1335 : i32 to vector<16xi32>
      %add3A_1337 = arith.constant 13 : i32
      %add3A_1338 = arith.addi %add3A_204, %add3A_1337 : i32
      %broadcast_in_dim3A_1339 = vector.broadcast %add3A_1338 : i32 to vector<16xi32>
      %add3A_1340 = arith.constant 0 : i32
      %add3A_1341 = vector.broadcast %add3A_1340 : i32 to vector<16xi32>
      %add3A_1342 = arith.addi %iota3A, %add3A_1341 : vector<16xi32>
      %gather3A_1343 = arith.constant 1 : i32
      %gather3A_1344 = arith.constant 0 : i32
      %gather3A_1345 = arith.constant 0 : i32
      %gather3A_1346 = tpu.memref_slice %arg6[%gather3A_1343, %gather3A_1344, %gather3A_1345] : memref<4x64x128xf32, #tpu.memory_space<vmem>> -> memref<1x64x128xf32, #tpu.memory_space<vmem>>
      %gather3A_1347 = tpu.memref_squeeze %gather3A_1346 : memref<1x64x128xf32, #tpu.memory_space<vmem>> -> memref<64x128xf32, #tpu.memory_space<vmem>>
      %gather3A_1348 = tpu.vector_load_idx %gather3A_1347[%add3A_1342, %broadcast_in_dim3A_1336] : memref<64x128xf32, #tpu.memory_space<vmem>>[vector<16xi32>, vector<16xi32>], vector<16xf32>,
      %add3A_1349 = arith.constant 0 : i32
      %add3A_1350 = vector.broadcast %add3A_1349 : i32 to vector<16xi32>
      %add3A_1351 = arith.addi %iota3A, %add3A_1350 : vector<16xi32>
      tpu.vector_store_idx %arg7[%add3A_1351, %broadcast_in_dim3A_1339], %gather3A_1348 : memref<64x256xf32, #tpu.memory_space<vmem>>[vector<16xi32>, vector<16xi32>], vector<16xf32>,
      %add3A_1352 = arith.constant 16 : i32
      %add3A_1353 = vector.broadcast %add3A_1352 : i32 to vector<16xi32>
      %add3A_1354 = arith.addi %iota3A, %add3A_1353 : vector<16xi32>
      %gather3A_1355 = arith.constant 1 : i32
      %gather3A_1356 = arith.constant 0 : i32
      %gather3A_1357 = arith.constant 0 : i32
      %gather3A_1358 = tpu.memref_slice %arg6[%gather3A_1355, %gather3A_1356, %gather3A_1357] : memref<4x64x128xf32, #tpu.memory_space<vmem>> -> memref<1x64x128xf32, #tpu.memory_space<vmem>>
      %gather3A_1359 = tpu.memref_squeeze %gather3A_1358 : memref<1x64x128xf32, #tpu.memory_space<vmem>> -> memref<64x128xf32, #tpu.memory_space<vmem>>
      %gather3A_1360 = tpu.vector_load_idx %gather3A_1359[%add3A_1354, %broadcast_in_dim3A_1336] : memref<64x128xf32, #tpu.memory_space<vmem>>[vector<16xi32>, vector<16xi32>], vector<16xf32>,
      %add3A_1361 = arith.constant 16 : i32
      %add3A_1362 = vector.broadcast %add3A_1361 : i32 to vector<16xi32>
      %add3A_1363 = arith.addi %iota3A, %add3A_1362 : vector<16xi32>
      tpu.vector_store_idx %arg7[%add3A_1363, %broadcast_in_dim3A_1339], %gather3A_1360 : memref<64x256xf32, #tpu.memory_space<vmem>>[vector<16xi32>, vector<16xi32>], vector<16xf32>,
      %add3A_1364 = arith.constant 32 : i32
      %add3A_1365 = vector.broadcast %add3A_1364 : i32 to vector<16xi32>
      %add3A_1366 = arith.addi %iota3A, %add3A_1365 : vector<16xi32>
      %gather3A_1367 = arith.constant 1 : i32
      %gather3A_1368 = arith.constant 0 : i32
      %gather3A_1369 = arith.constant 0 : i32
      %gather3A_1370 = tpu.memref_slice %arg6[%gather3A_1367, %gather3A_1368, %gather3A_1369] : memref<4x64x128xf32, #tpu.memory_space<vmem>> -> memref<1x64x128xf32, #tpu.memory_space<vmem>>
      %gather3A_1371 = tpu.memref_squeeze %gather3A_1370 : memref<1x64x128xf32, #tpu.memory_space<vmem>> -> memref<64x128xf32, #tpu.memory_space<vmem>>
      %gather3A_1372 = tpu.vector_load_idx %gather3A_1371[%add3A_1366, %broadcast_in_dim3A_1336] : memref<64x128xf32, #tpu.memory_space<vmem>>[vector<16xi32>, vector<16xi32>], vector<16xf32>,
      %add3A_1373 = arith.constant 32 : i32
      %add3A_1374 = vector.broadcast %add3A_1373 : i32 to vector<16xi32>
      %add3A_1375 = arith.addi %iota3A, %add3A_1374 : vector<16xi32>
      tpu.vector_store_idx %arg7[%add3A_1375, %broadcast_in_dim3A_1339], %gather3A_1372 : memref<64x256xf32, #tpu.memory_space<vmem>>[vector<16xi32>, vector<16xi32>], vector<16xf32>,
      %add3A_1376 = arith.constant 48 : i32
      %add3A_1377 = vector.broadcast %add3A_1376 : i32 to vector<16xi32>
      %add3A_1378 = arith.addi %iota3A, %add3A_1377 : vector<16xi32>
      %gather3A_1379 = arith.constant 1 : i32
      %gather3A_1380 = arith.constant 0 : i32
      %gather3A_1381 = arith.constant 0 : i32
      %gather3A_1382 = tpu.memref_slice %arg6[%gather3A_1379, %gather3A_1380, %gather3A_1381] : memref<4x64x128xf32, #tpu.memory_space<vmem>> -> memref<1x64x128xf32, #tpu.memory_space<vmem>>
      %gather3A_1383 = tpu.memref_squeeze %gather3A_1382 : memref<1x64x128xf32, #tpu.memory_space<vmem>> -> memref<64x128xf32, #tpu.memory_space<vmem>>
      %gather3A_1384 = tpu.vector_load_idx %gather3A_1383[%add3A_1378, %broadcast_in_dim3A_1336] : memref<64x128xf32, #tpu.memory_space<vmem>>[vector<16xi32>, vector<16xi32>], vector<16xf32>,
      %add3A_1385 = arith.constant 48 : i32
      %add3A_1386 = vector.broadcast %add3A_1385 : i32 to vector<16xi32>
      %add3A_1387 = arith.addi %iota3A, %add3A_1386 : vector<16xi32>
      tpu.vector_store_idx %arg7[%add3A_1387, %broadcast_in_dim3A_1339], %gather3A_1384 : memref<64x256xf32, #tpu.memory_space<vmem>>[vector<16xi32>, vector<16xi32>], vector<16xf32>,
      %slice3A_1388 = vector.extract_strided_slice %get3A_215 {offsets = [1], sizes = [1], strides = [1]} : vector<16xi32> to vector<1xi32>
      %squeeze3A_1389 = vector.extract %slice3A_1388[0] : i32 from vector<1xi32>
      %add3A_1390 = arith.constant 13 : i32
      %add3A_1391 = arith.addi %add3A_204, %add3A_1390 : i32
      %add3A_1392 = arith.constant 4 : i32
      %add3A_1393 = arith.addi %add3A_1391, %add3A_1392 : i32
      %lt3A_1394 = arith.constant 256 : i32
      %lt3A_1395 = arith.cmpi slt, %add3A_1393, %lt3A_1394 : i32
      %convert_element_type3A_1396 = arith.extui %lt3A_1395 : i1 to i32
      %cond3A_1397 = arith.constant 0 : i32
      %cond3A_1398 = arith.cmpi ne, %convert_element_type3A_1396, %cond3A_1397 : i32
      scf.if %cond3A_1398 {
        %shift_right_arithmetic3A_1569 = arith.constant 7 : i32
        %shift_right_arithmetic3A_1570 = arith.shrsi %squeeze3A_1389, %shift_right_arithmetic3A_1569 : i32
        %mul3A_1571 = arith.constant 128 : i32
        %mul3A_1572 = arith.muli %shift_right_arithmetic3A_1570, %mul3A_1571 : i32
        %multiple_of3A_1573 = tpu.assume_multiple %mul3A_1572, 128 : i32
        %dma_start3A_1574 = arith.constant 1 : i32
        %dma_start3A_1575 = arith.constant 1 : i32
        %dma_start3A_1576 = arith.constant 0 : i32
        %dma_start3A_1577 = arith.constant 0 : i32
        %dma_start3A_1578 = tpu.memref_slice %arg6[%dma_start3A_1574, %dma_start3A_1576, %dma_start3A_1577] : memref<4x64x128xf32, #tpu.memory_space<vmem>> -> memref<1x64x128xf32, #tpu.memory_space<vmem>>
        %dma_start3A_1579 = tpu.memref_squeeze %dma_start3A_1578 : memref<1x64x128xf32, #tpu.memory_space<vmem>> -> memref<64x128xf32, #tpu.memory_space<vmem>>
        %dma_start3A_1580 = arith.constant 0 : i32
        %dma_start3A_1581 = tpu.memref_slice %arg2[%dma_start3A_1580, %multiple_of3A_1573] : memref<64x1000000xf32, #tpu.memory_space<hbm>> -> memref<64x128xf32, #tpu.memory_space<hbm>>
        %dma_start3A_1582 = tpu.memref_slice %arg8[%dma_start3A_1575] : memref<4x!tpu.dma_semaphore, #tpu.memory_space<semaphore_mem>> -> memref<1x!tpu.dma_semaphore, #tpu.memory_space<semaphore_mem>>
        %dma_start3A_1583 = tpu.memref_squeeze %dma_start3A_1582 : memref<1x!tpu.dma_semaphore, #tpu.memory_space<semaphore_mem>> -> memref<!tpu.dma_semaphore, #tpu.memory_space<semaphore_mem>>
        %dma_start3A_1584 = arith.constant 0 : i32
        %dma_start3A_1585 = arith.constant 0 : i32
        %dma_start3A_1586 = tpu.memref_slice %arg6[%dma_start3A_1574, %dma_start3A_1584, %dma_start3A_1585] : memref<4x64x128xf32, #tpu.memory_space<vmem>> -> memref<1x64x128xf32, #tpu.memory_space<vmem>>
        %dma_start3A_1587 = tpu.memref_squeeze %dma_start3A_1586 : memref<1x64x128xf32, #tpu.memory_space<vmem>> -> memref<64x128xf32, #tpu.memory_space<vmem>>
        %dma_start3A_1588 = arith.constant 0 : i32
        %dma_start3A_1589 = tpu.memref_slice %arg2[%dma_start3A_1588, %multiple_of3A_1573] : memref<64x1000000xf32, #tpu.memory_space<hbm>> -> memref<64x128xf32, #tpu.memory_space<hbm>>
        tpu.enqueue_dma source(%dma_start3A_1589 : memref<64x128xf32, #tpu.memory_space<hbm>>) target(%dma_start3A_1587 : memref<64x128xf32, #tpu.memory_space<vmem>>) target_semaphore(%dma_start3A_1583 : memref<!tpu.dma_semaphore, #tpu.memory_space<semaphore_mem>>)
      } else {
      }
      %dma_wait3A_1399 = arith.constant 2 : i32
      %dma_wait3A_1400 = arith.constant 2 : i32
      %dma_wait3A_1401 = arith.constant 0 : i32
      %dma_wait3A_1402 = arith.constant 0 : i32
      %dma_wait3A_1403 = tpu.memref_slice %arg6[%dma_wait3A_1399, %dma_wait3A_1401, %dma_wait3A_1402] : memref<4x64x128xf32, #tpu.memory_space<vmem>> -> memref<1x64x128xf32, #tpu.memory_space<vmem>>
      %dma_wait3A_1404 = tpu.memref_squeeze %dma_wait3A_1403 : memref<1x64x128xf32, #tpu.memory_space<vmem>> -> memref<64x128xf32, #tpu.memory_space<vmem>>
      %dma_wait3A_1405 = arith.constant 0 : i32
      %dma_wait3A_1406 = arith.constant 0 : i32
      %dma_wait3A_1407 = tpu.memref_slice %arg2[%dma_wait3A_1405, %dma_wait3A_1406] : memref<64x1000000xf32, #tpu.memory_space<hbm>> -> memref<64x128xf32, #tpu.memory_space<hbm>>
      %dma_wait3A_1408 = tpu.memref_slice %arg8[%dma_wait3A_1400] : memref<4x!tpu.dma_semaphore, #tpu.memory_space<semaphore_mem>> -> memref<1x!tpu.dma_semaphore, #tpu.memory_space<semaphore_mem>>
      %dma_wait3A_1409 = tpu.memref_squeeze %dma_wait3A_1408 : memref<1x!tpu.dma_semaphore, #tpu.memory_space<semaphore_mem>> -> memref<!tpu.dma_semaphore, #tpu.memory_space<semaphore_mem>>
      %dma_wait3A_1410 = arith.constant 0 : i32
      %dma_wait3A_1411 = arith.constant 0 : i32
      %dma_wait3A_1412 = tpu.memref_slice %arg6[%dma_wait3A_1399, %dma_wait3A_1410, %dma_wait3A_1411] : memref<4x64x128xf32, #tpu.memory_space<vmem>> -> memref<1x64x128xf32, #tpu.memory_space<vmem>>
      %dma_wait3A_1413 = tpu.memref_squeeze %dma_wait3A_1412 : memref<1x64x128xf32, #tpu.memory_space<vmem>> -> memref<64x128xf32, #tpu.memory_space<vmem>>
      %dma_wait3A_1414 = arith.constant 0 : i32
      %dma_wait3A_1415 = arith.constant 0 : i32
      %dma_wait3A_1416 = tpu.memref_slice %arg2[%dma_wait3A_1414, %dma_wait3A_1415] : memref<64x1000000xf32, #tpu.memory_space<hbm>> -> memref<64x128xf32, #tpu.memory_space<hbm>>
      tpu.wait_dma2 semaphore(%dma_wait3A_1409 : memref<!tpu.dma_semaphore, #tpu.memory_space<semaphore_mem>>) src(%dma_wait3A_1416 : memref<64x128xf32, #tpu.memory_space<hbm>>) dst(%dma_wait3A_1413 : memref<64x128xf32, #tpu.memory_space<vmem>>)
      %slice3A_1417 = vector.extract_strided_slice %get3A_208 {offsets = [14], sizes = [1], strides = [1]} : vector<16xi32> to vector<1xi32>
      %squeeze3A_1418 = vector.extract %slice3A_1417[0] : i32 from vector<1xi32>
      %and3A_1419 = arith.constant 127 : i32
      %and3A_1420 = arith.andi %squeeze3A_1418, %and3A_1419 : i32
      %broadcast_in_dim3A_1421 = vector.broadcast %and3A_1420 : i32 to vector<16xi32>
      %add3A_1422 = arith.constant 14 : i32
      %add3A_1423 = arith.addi %add3A_204, %add3A_1422 : i32
      %broadcast_in_dim3A_1424 = vector.broadcast %add3A_1423 : i32 to vector<16xi32>
      %add3A_1425 = arith.constant 0 : i32
      %add3A_1426 = vector.broadcast %add3A_1425 : i32 to vector<16xi32>
      %add3A_1427 = arith.addi %iota3A, %add3A_1426 : vector<16xi32>
      %gather3A_1428 = arith.constant 2 : i32
      %gather3A_1429 = arith.constant 0 : i32
      %gather3A_1430 = arith.constant 0 : i32
      %gather3A_1431 = tpu.memref_slice %arg6[%gather3A_1428, %gather3A_1429, %gather3A_1430] : memref<4x64x128xf32, #tpu.memory_space<vmem>> -> memref<1x64x128xf32, #tpu.memory_space<vmem>>
      %gather3A_1432 = tpu.memref_squeeze %gather3A_1431 : memref<1x64x128xf32, #tpu.memory_space<vmem>> -> memref<64x128xf32, #tpu.memory_space<vmem>>
      %gather3A_1433 = tpu.vector_load_idx %gather3A_1432[%add3A_1427, %broadcast_in_dim3A_1421] : memref<64x128xf32, #tpu.memory_space<vmem>>[vector<16xi32>, vector<16xi32>], vector<16xf32>,
      %add3A_1434 = arith.constant 0 : i32
      %add3A_1435 = vector.broadcast %add3A_1434 : i32 to vector<16xi32>
      %add3A_1436 = arith.addi %iota3A, %add3A_1435 : vector<16xi32>
      tpu.vector_store_idx %arg7[%add3A_1436, %broadcast_in_dim3A_1424], %gather3A_1433 : memref<64x256xf32, #tpu.memory_space<vmem>>[vector<16xi32>, vector<16xi32>], vector<16xf32>,
      %add3A_1437 = arith.constant 16 : i32
      %add3A_1438 = vector.broadcast %add3A_1437 : i32 to vector<16xi32>
      %add3A_1439 = arith.addi %iota3A, %add3A_1438 : vector<16xi32>
      %gather3A_1440 = arith.constant 2 : i32
      %gather3A_1441 = arith.constant 0 : i32
      %gather3A_1442 = arith.constant 0 : i32
      %gather3A_1443 = tpu.memref_slice %arg6[%gather3A_1440, %gather3A_1441, %gather3A_1442] : memref<4x64x128xf32, #tpu.memory_space<vmem>> -> memref<1x64x128xf32, #tpu.memory_space<vmem>>
      %gather3A_1444 = tpu.memref_squeeze %gather3A_1443 : memref<1x64x128xf32, #tpu.memory_space<vmem>> -> memref<64x128xf32, #tpu.memory_space<vmem>>
      %gather3A_1445 = tpu.vector_load_idx %gather3A_1444[%add3A_1439, %broadcast_in_dim3A_1421] : memref<64x128xf32, #tpu.memory_space<vmem>>[vector<16xi32>, vector<16xi32>], vector<16xf32>,
      %add3A_1446 = arith.constant 16 : i32
      %add3A_1447 = vector.broadcast %add3A_1446 : i32 to vector<16xi32>
      %add3A_1448 = arith.addi %iota3A, %add3A_1447 : vector<16xi32>
      tpu.vector_store_idx %arg7[%add3A_1448, %broadcast_in_dim3A_1424], %gather3A_1445 : memref<64x256xf32, #tpu.memory_space<vmem>>[vector<16xi32>, vector<16xi32>], vector<16xf32>,
      %add3A_1449 = arith.constant 32 : i32
      %add3A_1450 = vector.broadcast %add3A_1449 : i32 to vector<16xi32>
      %add3A_1451 = arith.addi %iota3A, %add3A_1450 : vector<16xi32>
      %gather3A_1452 = arith.constant 2 : i32
      %gather3A_1453 = arith.constant 0 : i32
      %gather3A_1454 = arith.constant 0 : i32
      %gather3A_1455 = tpu.memref_slice %arg6[%gather3A_1452, %gather3A_1453, %gather3A_1454] : memref<4x64x128xf32, #tpu.memory_space<vmem>> -> memref<1x64x128xf32, #tpu.memory_space<vmem>>
      %gather3A_1456 = tpu.memref_squeeze %gather3A_1455 : memref<1x64x128xf32, #tpu.memory_space<vmem>> -> memref<64x128xf32, #tpu.memory_space<vmem>>
      %gather3A_1457 = tpu.vector_load_idx %gather3A_1456[%add3A_1451, %broadcast_in_dim3A_1421] : memref<64x128xf32, #tpu.memory_space<vmem>>[vector<16xi32>, vector<16xi32>], vector<16xf32>,
      %add3A_1458 = arith.constant 32 : i32
      %add3A_1459 = vector.broadcast %add3A_1458 : i32 to vector<16xi32>
      %add3A_1460 = arith.addi %iota3A, %add3A_1459 : vector<16xi32>
      tpu.vector_store_idx %arg7[%add3A_1460, %broadcast_in_dim3A_1424], %gather3A_1457 : memref<64x256xf32, #tpu.memory_space<vmem>>[vector<16xi32>, vector<16xi32>], vector<16xf32>,
      %add3A_1461 = arith.constant 48 : i32
      %add3A_1462 = vector.broadcast %add3A_1461 : i32 to vector<16xi32>
      %add3A_1463 = arith.addi %iota3A, %add3A_1462 : vector<16xi32>
      %gather3A_1464 = arith.constant 2 : i32
      %gather3A_1465 = arith.constant 0 : i32
      %gather3A_1466 = arith.constant 0 : i32
      %gather3A_1467 = tpu.memref_slice %arg6[%gather3A_1464, %gather3A_1465, %gather3A_1466] : memref<4x64x128xf32, #tpu.memory_space<vmem>> -> memref<1x64x128xf32, #tpu.memory_space<vmem>>
      %gather3A_1468 = tpu.memref_squeeze %gather3A_1467 : memref<1x64x128xf32, #tpu.memory_space<vmem>> -> memref<64x128xf32, #tpu.memory_space<vmem>>
      %gather3A_1469 = tpu.vector_load_idx %gather3A_1468[%add3A_1463, %broadcast_in_dim3A_1421] : memref<64x128xf32, #tpu.memory_space<vmem>>[vector<16xi32>, vector<16xi32>], vector<16xf32>,
      %add3A_1470 = arith.constant 48 : i32
      %add3A_1471 = vector.broadcast %add3A_1470 : i32 to vector<16xi32>
      %add3A_1472 = arith.addi %iota3A, %add3A_1471 : vector<16xi32>
      tpu.vector_store_idx %arg7[%add3A_1472, %broadcast_in_dim3A_1424], %gather3A_1469 : memref<64x256xf32, #tpu.memory_space<vmem>>[vector<16xi32>, vector<16xi32>], vector<16xf32>,
      %slice3A_1473 = vector.extract_strided_slice %get3A_215 {offsets = [2], sizes = [1], strides = [1]} : vector<16xi32> to vector<1xi32>
      %squeeze3A_1474 = vector.extract %slice3A_1473[0] : i32 from vector<1xi32>
      %add3A_1475 = arith.constant 14 : i32
      %add3A_1476 = arith.addi %add3A_204, %add3A_1475 : i32
      %add3A_1477 = arith.constant 4 : i32
      %add3A_1478 = arith.addi %add3A_1476, %add3A_1477 : i32
      %lt3A_1479 = arith.constant 256 : i32
      %lt3A_1480 = arith.cmpi slt, %add3A_1478, %lt3A_1479 : i32
      %convert_element_type3A_1481 = arith.extui %lt3A_1480 : i1 to i32
      %cond3A_1482 = arith.constant 0 : i32
      %cond3A_1483 = arith.cmpi ne, %convert_element_type3A_1481, %cond3A_1482 : i32
      scf.if %cond3A_1483 {
        %shift_right_arithmetic3A_1569 = arith.constant 7 : i32
        %shift_right_arithmetic3A_1570 = arith.shrsi %squeeze3A_1474, %shift_right_arithmetic3A_1569 : i32
        %mul3A_1571 = arith.constant 128 : i32
        %mul3A_1572 = arith.muli %shift_right_arithmetic3A_1570, %mul3A_1571 : i32
        %multiple_of3A_1573 = tpu.assume_multiple %mul3A_1572, 128 : i32
        %dma_start3A_1574 = arith.constant 2 : i32
        %dma_start3A_1575 = arith.constant 2 : i32
        %dma_start3A_1576 = arith.constant 0 : i32
        %dma_start3A_1577 = arith.constant 0 : i32
        %dma_start3A_1578 = tpu.memref_slice %arg6[%dma_start3A_1574, %dma_start3A_1576, %dma_start3A_1577] : memref<4x64x128xf32, #tpu.memory_space<vmem>> -> memref<1x64x128xf32, #tpu.memory_space<vmem>>
        %dma_start3A_1579 = tpu.memref_squeeze %dma_start3A_1578 : memref<1x64x128xf32, #tpu.memory_space<vmem>> -> memref<64x128xf32, #tpu.memory_space<vmem>>
        %dma_start3A_1580 = arith.constant 0 : i32
        %dma_start3A_1581 = tpu.memref_slice %arg2[%dma_start3A_1580, %multiple_of3A_1573] : memref<64x1000000xf32, #tpu.memory_space<hbm>> -> memref<64x128xf32, #tpu.memory_space<hbm>>
        %dma_start3A_1582 = tpu.memref_slice %arg8[%dma_start3A_1575] : memref<4x!tpu.dma_semaphore, #tpu.memory_space<semaphore_mem>> -> memref<1x!tpu.dma_semaphore, #tpu.memory_space<semaphore_mem>>
        %dma_start3A_1583 = tpu.memref_squeeze %dma_start3A_1582 : memref<1x!tpu.dma_semaphore, #tpu.memory_space<semaphore_mem>> -> memref<!tpu.dma_semaphore, #tpu.memory_space<semaphore_mem>>
        %dma_start3A_1584 = arith.constant 0 : i32
        %dma_start3A_1585 = arith.constant 0 : i32
        %dma_start3A_1586 = tpu.memref_slice %arg6[%dma_start3A_1574, %dma_start3A_1584, %dma_start3A_1585] : memref<4x64x128xf32, #tpu.memory_space<vmem>> -> memref<1x64x128xf32, #tpu.memory_space<vmem>>
        %dma_start3A_1587 = tpu.memref_squeeze %dma_start3A_1586 : memref<1x64x128xf32, #tpu.memory_space<vmem>> -> memref<64x128xf32, #tpu.memory_space<vmem>>
        %dma_start3A_1588 = arith.constant 0 : i32
        %dma_start3A_1589 = tpu.memref_slice %arg2[%dma_start3A_1588, %multiple_of3A_1573] : memref<64x1000000xf32, #tpu.memory_space<hbm>> -> memref<64x128xf32, #tpu.memory_space<hbm>>
        tpu.enqueue_dma source(%dma_start3A_1589 : memref<64x128xf32, #tpu.memory_space<hbm>>) target(%dma_start3A_1587 : memref<64x128xf32, #tpu.memory_space<vmem>>) target_semaphore(%dma_start3A_1583 : memref<!tpu.dma_semaphore, #tpu.memory_space<semaphore_mem>>)
      } else {
      }
      %dma_wait3A_1484 = arith.constant 3 : i32
      %dma_wait3A_1485 = arith.constant 3 : i32
      %dma_wait3A_1486 = arith.constant 0 : i32
      %dma_wait3A_1487 = arith.constant 0 : i32
      %dma_wait3A_1488 = tpu.memref_slice %arg6[%dma_wait3A_1484, %dma_wait3A_1486, %dma_wait3A_1487] : memref<4x64x128xf32, #tpu.memory_space<vmem>> -> memref<1x64x128xf32, #tpu.memory_space<vmem>>
      %dma_wait3A_1489 = tpu.memref_squeeze %dma_wait3A_1488 : memref<1x64x128xf32, #tpu.memory_space<vmem>> -> memref<64x128xf32, #tpu.memory_space<vmem>>
      %dma_wait3A_1490 = arith.constant 0 : i32
      %dma_wait3A_1491 = arith.constant 0 : i32
      %dma_wait3A_1492 = tpu.memref_slice %arg2[%dma_wait3A_1490, %dma_wait3A_1491] : memref<64x1000000xf32, #tpu.memory_space<hbm>> -> memref<64x128xf32, #tpu.memory_space<hbm>>
      %dma_wait3A_1493 = tpu.memref_slice %arg8[%dma_wait3A_1485] : memref<4x!tpu.dma_semaphore, #tpu.memory_space<semaphore_mem>> -> memref<1x!tpu.dma_semaphore, #tpu.memory_space<semaphore_mem>>
      %dma_wait3A_1494 = tpu.memref_squeeze %dma_wait3A_1493 : memref<1x!tpu.dma_semaphore, #tpu.memory_space<semaphore_mem>> -> memref<!tpu.dma_semaphore, #tpu.memory_space<semaphore_mem>>
      %dma_wait3A_1495 = arith.constant 0 : i32
      %dma_wait3A_1496 = arith.constant 0 : i32
      %dma_wait3A_1497 = tpu.memref_slice %arg6[%dma_wait3A_1484, %dma_wait3A_1495, %dma_wait3A_1496] : memref<4x64x128xf32, #tpu.memory_space<vmem>> -> memref<1x64x128xf32, #tpu.memory_space<vmem>>
      %dma_wait3A_1498 = tpu.memref_squeeze %dma_wait3A_1497 : memref<1x64x128xf32, #tpu.memory_space<vmem>> -> memref<64x128xf32, #tpu.memory_space<vmem>>
      %dma_wait3A_1499 = arith.constant 0 : i32
      %dma_wait3A_1500 = arith.constant 0 : i32
      %dma_wait3A_1501 = tpu.memref_slice %arg2[%dma_wait3A_1499, %dma_wait3A_1500] : memref<64x1000000xf32, #tpu.memory_space<hbm>> -> memref<64x128xf32, #tpu.memory_space<hbm>>
      tpu.wait_dma2 semaphore(%dma_wait3A_1494 : memref<!tpu.dma_semaphore, #tpu.memory_space<semaphore_mem>>) src(%dma_wait3A_1501 : memref<64x128xf32, #tpu.memory_space<hbm>>) dst(%dma_wait3A_1498 : memref<64x128xf32, #tpu.memory_space<vmem>>)
      %slice3A_1502 = vector.extract_strided_slice %get3A_208 {offsets = [15], sizes = [1], strides = [1]} : vector<16xi32> to vector<1xi32>
      %squeeze3A_1503 = vector.extract %slice3A_1502[0] : i32 from vector<1xi32>
      %and3A_1504 = arith.constant 127 : i32
      %and3A_1505 = arith.andi %squeeze3A_1503, %and3A_1504 : i32
      %broadcast_in_dim3A_1506 = vector.broadcast %and3A_1505 : i32 to vector<16xi32>
      %add3A_1507 = arith.constant 15 : i32
      %add3A_1508 = arith.addi %add3A_204, %add3A_1507 : i32
      %broadcast_in_dim3A_1509 = vector.broadcast %add3A_1508 : i32 to vector<16xi32>
      %add3A_1510 = arith.constant 0 : i32
      %add3A_1511 = vector.broadcast %add3A_1510 : i32 to vector<16xi32>
      %add3A_1512 = arith.addi %iota3A, %add3A_1511 : vector<16xi32>
      %gather3A_1513 = arith.constant 3 : i32
      %gather3A_1514 = arith.constant 0 : i32
      %gather3A_1515 = arith.constant 0 : i32
      %gather3A_1516 = tpu.memref_slice %arg6[%gather3A_1513, %gather3A_1514, %gather3A_1515] : memref<4x64x128xf32, #tpu.memory_space<vmem>> -> memref<1x64x128xf32, #tpu.memory_space<vmem>>
      %gather3A_1517 = tpu.memref_squeeze %gather3A_1516 : memref<1x64x128xf32, #tpu.memory_space<vmem>> -> memref<64x128xf32, #tpu.memory_space<vmem>>
      %gather3A_1518 = tpu.vector_load_idx %gather3A_1517[%add3A_1512, %broadcast_in_dim3A_1506] : memref<64x128xf32, #tpu.memory_space<vmem>>[vector<16xi32>, vector<16xi32>], vector<16xf32>,
      %add3A_1519 = arith.constant 0 : i32
      %add3A_1520 = vector.broadcast %add3A_1519 : i32 to vector<16xi32>
      %add3A_1521 = arith.addi %iota3A, %add3A_1520 : vector<16xi32>
      tpu.vector_store_idx %arg7[%add3A_1521, %broadcast_in_dim3A_1509], %gather3A_1518 : memref<64x256xf32, #tpu.memory_space<vmem>>[vector<16xi32>, vector<16xi32>], vector<16xf32>,
      %add3A_1522 = arith.constant 16 : i32
      %add3A_1523 = vector.broadcast %add3A_1522 : i32 to vector<16xi32>
      %add3A_1524 = arith.addi %iota3A, %add3A_1523 : vector<16xi32>
      %gather3A_1525 = arith.constant 3 : i32
      %gather3A_1526 = arith.constant 0 : i32
      %gather3A_1527 = arith.constant 0 : i32
      %gather3A_1528 = tpu.memref_slice %arg6[%gather3A_1525, %gather3A_1526, %gather3A_1527] : memref<4x64x128xf32, #tpu.memory_space<vmem>> -> memref<1x64x128xf32, #tpu.memory_space<vmem>>
      %gather3A_1529 = tpu.memref_squeeze %gather3A_1528 : memref<1x64x128xf32, #tpu.memory_space<vmem>> -> memref<64x128xf32, #tpu.memory_space<vmem>>
      %gather3A_1530 = tpu.vector_load_idx %gather3A_1529[%add3A_1524, %broadcast_in_dim3A_1506] : memref<64x128xf32, #tpu.memory_space<vmem>>[vector<16xi32>, vector<16xi32>], vector<16xf32>,
      %add3A_1531 = arith.constant 16 : i32
      %add3A_1532 = vector.broadcast %add3A_1531 : i32 to vector<16xi32>
      %add3A_1533 = arith.addi %iota3A, %add3A_1532 : vector<16xi32>
      tpu.vector_store_idx %arg7[%add3A_1533, %broadcast_in_dim3A_1509], %gather3A_1530 : memref<64x256xf32, #tpu.memory_space<vmem>>[vector<16xi32>, vector<16xi32>], vector<16xf32>,
      %add3A_1534 = arith.constant 32 : i32
      %add3A_1535 = vector.broadcast %add3A_1534 : i32 to vector<16xi32>
      %add3A_1536 = arith.addi %iota3A, %add3A_1535 : vector<16xi32>
      %gather3A_1537 = arith.constant 3 : i32
      %gather3A_1538 = arith.constant 0 : i32
      %gather3A_1539 = arith.constant 0 : i32
      %gather3A_1540 = tpu.memref_slice %arg6[%gather3A_1537, %gather3A_1538, %gather3A_1539] : memref<4x64x128xf32, #tpu.memory_space<vmem>> -> memref<1x64x128xf32, #tpu.memory_space<vmem>>
      %gather3A_1541 = tpu.memref_squeeze %gather3A_1540 : memref<1x64x128xf32, #tpu.memory_space<vmem>> -> memref<64x128xf32, #tpu.memory_space<vmem>>
      %gather3A_1542 = tpu.vector_load_idx %gather3A_1541[%add3A_1536, %broadcast_in_dim3A_1506] : memref<64x128xf32, #tpu.memory_space<vmem>>[vector<16xi32>, vector<16xi32>], vector<16xf32>,
      %add3A_1543 = arith.constant 32 : i32
      %add3A_1544 = vector.broadcast %add3A_1543 : i32 to vector<16xi32>
      %add3A_1545 = arith.addi %iota3A, %add3A_1544 : vector<16xi32>
      tpu.vector_store_idx %arg7[%add3A_1545, %broadcast_in_dim3A_1509], %gather3A_1542 : memref<64x256xf32, #tpu.memory_space<vmem>>[vector<16xi32>, vector<16xi32>], vector<16xf32>,
      %add3A_1546 = arith.constant 48 : i32
      %add3A_1547 = vector.broadcast %add3A_1546 : i32 to vector<16xi32>
      %add3A_1548 = arith.addi %iota3A, %add3A_1547 : vector<16xi32>
      %gather3A_1549 = arith.constant 3 : i32
      %gather3A_1550 = arith.constant 0 : i32
      %gather3A_1551 = arith.constant 0 : i32
      %gather3A_1552 = tpu.memref_slice %arg6[%gather3A_1549, %gather3A_1550, %gather3A_1551] : memref<4x64x128xf32, #tpu.memory_space<vmem>> -> memref<1x64x128xf32, #tpu.memory_space<vmem>>
      %gather3A_1553 = tpu.memref_squeeze %gather3A_1552 : memref<1x64x128xf32, #tpu.memory_space<vmem>> -> memref<64x128xf32, #tpu.memory_space<vmem>>
      %gather3A_1554 = tpu.vector_load_idx %gather3A_1553[%add3A_1548, %broadcast_in_dim3A_1506] : memref<64x128xf32, #tpu.memory_space<vmem>>[vector<16xi32>, vector<16xi32>], vector<16xf32>,
      %add3A_1555 = arith.constant 48 : i32
      %add3A_1556 = vector.broadcast %add3A_1555 : i32 to vector<16xi32>
      %add3A_1557 = arith.addi %iota3A, %add3A_1556 : vector<16xi32>
      tpu.vector_store_idx %arg7[%add3A_1557, %broadcast_in_dim3A_1509], %gather3A_1554 : memref<64x256xf32, #tpu.memory_space<vmem>>[vector<16xi32>, vector<16xi32>], vector<16xf32>,
      %slice3A_1558 = vector.extract_strided_slice %get3A_215 {offsets = [3], sizes = [1], strides = [1]} : vector<16xi32> to vector<1xi32>
      %squeeze3A_1559 = vector.extract %slice3A_1558[0] : i32 from vector<1xi32>
      %add3A_1560 = arith.constant 15 : i32
      %add3A_1561 = arith.addi %add3A_204, %add3A_1560 : i32
      %add3A_1562 = arith.constant 4 : i32
      %add3A_1563 = arith.addi %add3A_1561, %add3A_1562 : i32
      %lt3A_1564 = arith.constant 256 : i32
      %lt3A_1565 = arith.cmpi slt, %add3A_1563, %lt3A_1564 : i32
      %convert_element_type3A_1566 = arith.extui %lt3A_1565 : i1 to i32
      %cond3A_1567 = arith.constant 0 : i32
      %cond3A_1568 = arith.cmpi ne, %convert_element_type3A_1566, %cond3A_1567 : i32
      scf.if %cond3A_1568 {
        %shift_right_arithmetic3A_1569 = arith.constant 7 : i32
        %shift_right_arithmetic3A_1570 = arith.shrsi %squeeze3A_1559, %shift_right_arithmetic3A_1569 : i32
        %mul3A_1571 = arith.constant 128 : i32
        %mul3A_1572 = arith.muli %shift_right_arithmetic3A_1570, %mul3A_1571 : i32
        %multiple_of3A_1573 = tpu.assume_multiple %mul3A_1572, 128 : i32
        %dma_start3A_1574 = arith.constant 3 : i32
        %dma_start3A_1575 = arith.constant 3 : i32
        %dma_start3A_1576 = arith.constant 0 : i32
        %dma_start3A_1577 = arith.constant 0 : i32
        %dma_start3A_1578 = tpu.memref_slice %arg6[%dma_start3A_1574, %dma_start3A_1576, %dma_start3A_1577] : memref<4x64x128xf32, #tpu.memory_space<vmem>> -> memref<1x64x128xf32, #tpu.memory_space<vmem>>
        %dma_start3A_1579 = tpu.memref_squeeze %dma_start3A_1578 : memref<1x64x128xf32, #tpu.memory_space<vmem>> -> memref<64x128xf32, #tpu.memory_space<vmem>>
        %dma_start3A_1580 = arith.constant 0 : i32
        %dma_start3A_1581 = tpu.memref_slice %arg2[%dma_start3A_1580, %multiple_of3A_1573] : memref<64x1000000xf32, #tpu.memory_space<hbm>> -> memref<64x128xf32, #tpu.memory_space<hbm>>
        %dma_start3A_1582 = tpu.memref_slice %arg8[%dma_start3A_1575] : memref<4x!tpu.dma_semaphore, #tpu.memory_space<semaphore_mem>> -> memref<1x!tpu.dma_semaphore, #tpu.memory_space<semaphore_mem>>
        %dma_start3A_1583 = tpu.memref_squeeze %dma_start3A_1582 : memref<1x!tpu.dma_semaphore, #tpu.memory_space<semaphore_mem>> -> memref<!tpu.dma_semaphore, #tpu.memory_space<semaphore_mem>>
        %dma_start3A_1584 = arith.constant 0 : i32
        %dma_start3A_1585 = arith.constant 0 : i32
        %dma_start3A_1586 = tpu.memref_slice %arg6[%dma_start3A_1574, %dma_start3A_1584, %dma_start3A_1585] : memref<4x64x128xf32, #tpu.memory_space<vmem>> -> memref<1x64x128xf32, #tpu.memory_space<vmem>>
        %dma_start3A_1587 = tpu.memref_squeeze %dma_start3A_1586 : memref<1x64x128xf32, #tpu.memory_space<vmem>> -> memref<64x128xf32, #tpu.memory_space<vmem>>
        %dma_start3A_1588 = arith.constant 0 : i32
        %dma_start3A_1589 = tpu.memref_slice %arg2[%dma_start3A_1588, %multiple_of3A_1573] : memref<64x1000000xf32, #tpu.memory_space<hbm>> -> memref<64x128xf32, #tpu.memory_space<hbm>>
        tpu.enqueue_dma source(%dma_start3A_1589 : memref<64x128xf32, #tpu.memory_space<hbm>>) target(%dma_start3A_1587 : memref<64x128xf32, #tpu.memory_space<vmem>>) target_semaphore(%dma_start3A_1583 : memref<!tpu.dma_semaphore, #tpu.memory_space<semaphore_mem>>)
      } else {
      }
    }
    %scan3A_195 = arith.constant 16 : i32
    %mul3A_196 = arith.constant 512 : i32
    %mul3A_197 = arith.muli %add3A, %mul3A_196 : i32
    %add3A_198 = arith.constant 256 : i32
    %add3A_199 = arith.addi %mul3A_197, %add3A_198 : i32
    "tpu.region"() ({
      %run_scoped3A = tpu.sem_alloc : memref<!tpu.dma_semaphore, #tpu.memory_space<semaphore_mem>>
      %dma_start3A_200 = arith.constant 0 : i32
      %dma_start3A_201 = tpu.memref_slice %arg4[%dma_start3A_200, %add3A_199] : memref<64x16384xf32, #tpu.memory_space<hbm>> -> memref<64x256xf32, #tpu.memory_space<hbm>>
      %dma_start3A_202 = arith.constant 0 : i32
      %dma_start3A_203 = tpu.memref_slice %arg4[%dma_start3A_202, %add3A_199] : memref<64x16384xf32, #tpu.memory_space<hbm>> -> memref<64x256xf32, #tpu.memory_space<hbm>>
      tpu.enqueue_dma source(%arg7 : memref<64x256xf32, #tpu.memory_space<vmem>>) target(%dma_start3A_203 : memref<64x256xf32, #tpu.memory_space<hbm>>) target_semaphore(%run_scoped3A : memref<!tpu.dma_semaphore, #tpu.memory_space<semaphore_mem>>)
      %dma_wait3A = arith.constant 0 : i32
      %dma_wait3A_204 = tpu.memref_slice %arg4[%dma_wait3A, %add3A_199] : memref<64x16384xf32, #tpu.memory_space<hbm>> -> memref<64x256xf32, #tpu.memory_space<hbm>>
      %dma_wait3A_205 = arith.constant 0 : i32
      %dma_wait3A_206 = tpu.memref_slice %arg4[%dma_wait3A_205, %add3A_199] : memref<64x16384xf32, #tpu.memory_space<hbm>> -> memref<64x256xf32, #tpu.memory_space<hbm>>
      tpu.wait_dma2 semaphore(%run_scoped3A : memref<!tpu.dma_semaphore, #tpu.memory_space<semaphore_mem>>) src(%arg7 : memref<64x256xf32, #tpu.memory_space<vmem>>) dst(%dma_wait3A_206 : memref<64x256xf32, #tpu.memory_space<hbm>>)
      tpu.yield
    }) : () -> ()
    return
  }
}

</mosaic_0001>

<sc_bundles>
// kernel: kernel.3.cloned.1.call-start
scs
__scs_entry_jumppad:
0x0: {  	(pc) =	sbr.rel $0x88, $3  }
0x1: {  	(tag) =	ssettag $0x0;
	lr =	simm.s32 $0x1  }
0x2: {  	[smem:$0x3F9F] =	sst lr;
	_ =	strace $0xD0000000  }
0x3: {  	_ = 	snop  }
0x4: {  	_ = 	snop  }
0x5: {  	_ = 	snop  }
0x6: {  	_ = 	snop  }
0x7: {  	_ = 	snop  }
__scs_overlays_trampoline_lowered:
0x8: {  	[smem:$0x3FAE] =	sst s0  }
0x9: {  	[smem:$0x3FAF] =	sst s1  }
0xa: {  	[smem:$0x3FB0] =	sst s2  }
0xb: {  	[smem:$0x3FB1] =	sst s3  }
0xc: {  	[smem:$0x3FB2] =	sst s4  }
0xd: {  	[smem:$0x3FB3] =	sst s5  }
0xe: {  	[smem:$0x3FB4] =	sst s6  }
0xf: {  	[smem:$0x3FB5] =	sst s7  }
0x10: {  	[smem:$0x3FB6] =	sst s8  }
0x11: {  	[smem:$0x3FB7] =	sst s9;
	s0 =	simm.s32 @!p0 $0x0  }
0x12: {  	s1 =	sld [smem:$0x3F9D];
	s0 =	simm.s32 @p0 $0x1  }
0x13: {  	[smem:$0x3FB8] =	sst s0;
	s0 =	simm.s32 @!p1 $0x0  }
0x14: {  	s2 =	sld [smem:$0x3F9C];
	s0 =	simm.s32 @p1 $0x1  }
0x15: {  	[smem:$0x3FB9] =	sst s0;
	s0 =	simm.s32 @!p2 $0x0  }
0x16: {  	s3 =	sld [smem:$0x3FDB];
	s0 =	simm.s32 @p2 $0x1  }
0x17: {  	s4 =	simm.s32 $0x1BF5;
	[smem:$0x3FBB] =	sst s0  }
0x18: {  	s0 =	sld [smem:$0x3F9E];
	_ =	swait.ge [sflag:s4], $0x0  }
0x19: {  	s7 =	sld [smem:$0x3F9F]  }
0x1a: {  	s8 =	sadd.s32 $0xFFFFE003, lr  }
0x1b: {  	s9 =	sadd.s32 $0xFFFFFEF7, lr;
	s5 =	simm.s32 $0xFFFFFFFF;
	p2 =	slt.u32 s8, $0xFFFFF086  }
0x1c: {  	p1 =	slt.u32 s9, $0xF7A;
	s5 =	simm.s32 @!p2 $0x0  }
0x1d: {  	s5 =	simm.s32 @p1 $0x1;
	p0 =	seq.s32 s7, s2  }
0x1e: {  	s7 =	smul.u32 @!p0 $0xF7A, s2;
	p2 =	seq.s32 @!p0 s5, $0x0  }
0x1f: {  	s9 =	smul.u32 $0xF7A, s1;
	s8 =	simm.s32 @!p0 $0x1BF5;
	p2 =	por !p2, p0  }
0x20: {  	[sflag:s8] =	ssyncset.s32 @!p0 $0xFFFFF086;
	s6 =	sadd.s32 @!p0 s3, s7;
	s7 =	simm.s32 @!p0 $0x108  }
0x21: {  	s3 =	sadd.s32 s3, s9;
	s6 =	sadd.s32 @!p0 $0x88, s6;
	s7 =	simm.s32 @p2 $0x1082  }
0x22: {  	[simem:s7], [sflag:s8] =	dma.local @!p0 [hbm:s6], $0xF7A  }
0x23: {  	s9 =	sor.u32 $0xD0000000, s2;
	s6 =	simm.s32 $0x108;
	_ =	swait.ge @!p0 [sflag:s8], $0x0  }
0x24: {  	s3 =	sadd.s32 $0x88, s3;
	s6 =	simm.s32 @!p1 $0x1082;
	[sflag:s4] =	ssyncset.s32 $0xFFFFF086  }
0x25: {  	[simem:s6], [sflag:s4] =	dma.local [hbm:s3], $0xF7A  }
0x26: {  	[smem:$0x3F9F] =	sst s1;
	(tag) =	ssettag s2;
	_ =	strace s9  }
0x27: {  	s1 =	sld [smem:$0x3FAF]  }
0x28: {  	s2 =	sld [smem:$0x3FB0]  }
0x29: {  	s4 =	sld [smem:$0x3FB2]  }
0x2a: {  	p0 =	seq.s32 s5, $0x0;
	s5 =	sld [smem:$0x3FB3]  }
0x2b: {  	s6 =	sld [smem:$0x3FB4]  }
0x2c: {  	s7 =	sld [smem:$0x3FB5]  }
0x2d: {  	s3 =	simm.s32 $0x108;
	s8 =	sld [smem:$0x3FB6]  }
0x2e: {  	s3 =	simm.s32 @!p0 $0x1082;
	s9 =	sld [smem:$0x3FB7]  }
0x2f: {  	lr =	sadd.s32 s0, s3;
	s0 =	sld [smem:$0x3FAE]  }
0x30: {  	s3 =	sld [smem:$0x3FB1]  }
0x31: {  	[smem:$0x3FBA] =	sst s10  }
0x32: {  	s10 =	sld [smem:$0x3FB8];
	_ =	sdelay $0x3  }
0x33: {  	p0 =	seq.s32 s10, $0x1;
	s10 =	sld [smem:$0x3FBA];
	_ =	sdelay $0x3  }
0x34: {  	[smem:$0x3FBA] =	sst s10  }
0x35: {  	s10 =	sld [smem:$0x3FB9];
	_ =	sdelay $0x3  }
0x36: {  	p1 =	seq.s32 s10, $0x1;
	s10 =	sld [smem:$0x3FBA];
	_ =	sdelay $0x3  }
0x37: {  	[smem:$0x3FBA] =	sst s10  }
0x38: {  	s10 =	sld [smem:$0x3FBB]  }
0x39: {  	_ = 	snop;
	(pc) =	sbr.ind lr, $3  }
0x3a: {  	_ = 	snop  }
0x3b: {  	_ = 	snop  }
0x3c: {  	p2 =	seq.s32 s10, $0x1;
	s10 =	sld [smem:$0x3FBA]  }
0x3d: {  	_ =	shalt  }
0x3e: {  	_ =	shalt  }
0x3f: {  	_ =	shalt  }
0x40: {  	_ =	shalt  }
0x41: {  	_ =	shalt  }
0x42: {  	_ =	shalt  }
0x43: {  	_ =	shalt  }
0x44: {  	_ =	shalt  }
0x45: {  	_ =	shalt  }
0x46: {  	_ =	shalt  }
0x47: {  	_ =	shalt  }
0x48: {  	_ =	shalt  }
0x49: {  	_ =	shalt  }
0x4a: {  	_ =	shalt  }
0x4b: {  	_ =	shalt  }
0x4c: {  	_ =	shalt  }
0x4d: {  	_ =	shalt  }
0x4e: {  	_ =	shalt  }
0x4f: {  	_ =	shalt  }
0x50: {  	_ =	shalt  }
0x51: {  	_ =	shalt  }
0x52: {  	_ =	shalt  }
0x53: {  	_ =	shalt  }
0x54: {  	_ =	shalt  }
0x55: {  	_ =	shalt  }
0x56: {  	_ =	shalt  }
0x57: {  	_ =	shalt  }
0x58: {  	_ =	shalt  }
0x59: {  	_ =	shalt  }
0x5a: {  	_ =	shalt  }
0x5b: {  	_ =	shalt  }
0x5c: {  	_ =	shalt  }
0x5d: {  	_ =	shalt  }
0x5e: {  	_ =	shalt  }
0x5f: {  	_ =	shalt  }
0x60: {  	_ =	shalt  }
0x61: {  	_ =	shalt  }
0x62: {  	_ =	shalt  }
0x63: {  	_ =	shalt  }
0x64: {  	_ =	shalt  }
0x65: {  	_ =	shalt  }
0x66: {  	_ =	shalt  }
0x67: {  	_ =	shalt  }
0x68: {  	_ =	shalt  }
0x69: {  	_ =	shalt  }
0x6a: {  	_ =	shalt  }
0x6b: {  	_ =	shalt  }
0x6c: {  	_ =	shalt  }
0x6d: {  	_ =	shalt  }
0x6e: {  	_ =	shalt  }
0x6f: {  	_ =	shalt  }
0x70: {  	_ =	shalt  }
0x71: {  	_ =	shalt  }
0x72: {  	_ =	shalt  }
0x73: {  	_ =	shalt  }
0x74: {  	_ =	shalt  }
0x75: {  	_ =	shalt  }
0x76: {  	_ =	shalt  }
0x77: {  	_ =	shalt  }
0x78: {  	_ =	shalt  }
0x79: {  	_ =	shalt  }
0x7a: {  	_ =	shalt  }
0x7b: {  	_ =	shalt  }
0x7c: {  	_ =	shalt  }
0x7d: {  	_ =	shalt  }
0x7e: {  	_ =	shalt  }
0x7f: {  	_ =	shalt  }
0x80: {  	_ =	shalt  }
0x81: {  	_ =	shalt  }
0x82: {  	_ =	shalt  }
0x83: {  	_ =	shalt  }
0x84: {  	_ =	shalt  }
0x85: {  	_ =	shalt  }
0x86: {  	_ =	shalt  }
0x87: {  	_ =	shalt  }
.Lfunc_end0:
.L_simem_size_0:
called_computation_lowered:
.L_overlay_start_0:
0x88: {  	s2 =	sld [smem:$0x3FD9]  }
0x89: {  	s3 =	sld [smem:$0x3FFE];
	_ =	sdelay $0x1  }
0x8a: {  	s1 =	srdreg.scid  }
0x8b: {  	s0 =	sand.u32 $0x1, s1  }
0x8c: {  	s17 =	sshll.u32 s0, $0xA;
	s2 =	sadd.s32 s3, s2  }
0x8d: {  	s2 =	sadd.s32 s2, s17  }
0x8e: {  	[smem:$0x3FC6] =	sst s2  }
0x8f: {  	_ = 	snop  }
0x90: {  	s2 =	sld [smem:$0x3FC8]  }
0x91: {  	s18 =	sld [smem:$0x3FD0];
	(tm) =	ssettm $0x1  }
0x92: {  	s4 =	sld [smem:$0x3FFB];
	_ =	sdelay $0x3  }
0x93: {  	_ =	strace s4  }
0x94: {  	s4 =	sld [smem:$0x3FFC];
	_ =	sdelay $0x3  }
0x95: {  	_ =	strace s4  }
0x96: {  	s4 =	sld [smem:$0x3FFD];
	_ =	sdelay $0x3  }
0x97: {  	_ =	strace s4  }
0x98: {  	_ =	strace $0x8FFFFFFF  }
0x99: {  	s19 =	sld [smem:$0x3FDB];
	_ =	sdelay $0x1  }
0x9a: {  	s5 =	simm.s32 $_scs_section_size  }
0x9b: {  	s6 =	simm.s32 $_size__tile_overlayer_lowered;
	s7 =	simm.s32 $_tile_overlayer_lowered  }
0x9c: {  	s22 =	simm.s32 $0x1BFF;
	s21 =	sshll.u32 s7, $0x1;
	s4 =	sadd.s32 s5, s19  }
0x9d: {  	s8 =	simm.s32 $0x0;
	s20 =	sshll.u32 s6, $0x1;
	s6 =	sadd.s32 s21, s4  }
0x9e: {  	[timem:s8], [sflag:s22] =	dma.local [hbm:s6], s20  }
0x9f: {  	_ =	swait.ge [sflag:s22], s20  }
0xa0: {  	s5 =	ssub.s32 $0x0, s20;
	[sflag:s22] =	ssyncset.done $0x0  }
0xa1: {  	[sflag:s22] =	ssyncadd.s32 s5;
	_ =	sdelay $0x1  }
0xa2: {  	s23 =	simm.s32 $0x1B8B  }
0xa3: {  	_ =	swait.ge [sflag:s23], $0x1  }
0xa4: {  	[sflag:s23] =	ssyncset.done $0x0  }
0xa5: {  	s25 =	simm.s32 $0x1B8E;
	s24 =	sld [smem:$0x3FFE];
	[sflag:s23] =	ssyncadd.s32 $0xFFFFFFFF  }
0xa6: {  	s26 =	simm.s32 $execute0_lowered;
	[smem:$0x3FD2] =	sst s25  }
0xa7: {  	s6 =	sshll.u32 s26, $0x1;
	_ =	strace $0x80000046;
	[dreg:$0x1] =	wrdreg $0xFFFFFFFF  }
0xa8: {  	s28 =	simm.s32 $_size_execute0_lowered;
	s4 =	sadd.s32 s4, s6;
	[dreg:$0x0] =	wrdreg $0x0  }
0xa9: {  	s6 =	sshll.u32 s28, $0x1;
	[dreg:$0x2] =	wrdreg s4  }
0xaa: {  	[dreg:$0x3] =	wrdreg s6  }
0xab: {  	[dreg:$0x4] =	wrdreg $0xC0  }
0xac: {  	_ =	task [dreg:s8], $0x5FFFF  }
0xad: {  	[dreg:$0x1] =	wrdreg $0xFFFFFFFF  }
0xae: {  	[dreg:$0x0] =	wrdreg $0x60  }
0xaf: {  	[dreg:$0x2] =	wrdreg s2  }
0xb0: {  	[dreg:$0x3] =	wrdreg s24  }
0xb1: {  	[dreg:$0x4] =	wrdreg s18  }
0xb2: {  	[dreg:$0x5] =	wrdreg $0x9  }
0xb3: {  	_ =	task.clear_ibuf [dreg:s8], $0x6FFFF;
	_ =	strace $0x90000046  }
0xb4: {  	s29 =	simm.s32 $0x9;
	_ =	strace $0x80000048  }
0xb5: {  	_ =	swait.ge [sflag:s29], $0x1  }
0xb6: {  	[sflag:s29] =	ssyncadd.s32 $0xFFFFFFFF  }
0xb7: {  	_ =	strace $0x90000048  }
0xb8: {  	_ =	sfence  }
0xb9: {  	s30 =	sld [smem:$0x0];
	_ =	sdelay $0x2  }
0xba: {  	s31 =	sshll.u32 s1, $0xD;
	s1 =	sshrl.u32 s1, $0x2  }
0xbb: {  	s3 =	sand.u32 $0x4000, s31;
	s1 =	sadd.s32 s1, s30  }
0xbc: {  	s0 =	sor.u32 s3, s0;
	s1 =	sshll.u32 s1, $0x11  }
0xbd: {  	s0 =	sor.u32 s1, s0  }
0xbe: {  	s0 =	sadd.s32 $0x8F2B, s0  }
0xbf: {  	[sflag:s0] =	ssyncadd.remote.s32 $0x1  }
0xc0: {  	_ =	sfence.sel $0xFFFF  }
0xc1: {  	[dreg:$0x0] =	wrdreg $0xFFFFFFFF;
	(pc) =	sbr.abs _section_cstart, $3  }
0xc2: {  	[dreg:$0x1] =	wrdreg $0xFFFFFFFF  }
0xc3: {  	_ =	task.clear_ibuf [dreg:s8], $0x2FFFF;
	_ =	strace $0x9FFFFFFF  }
0xc4: {  	(tm) =	ssettm $0x7FFFFFFF  }
0xc5: {  	_ =	shalt  }
tec
execute0_lowered:
.L_overlay_start_1:
0x0: {  	(tag) =	ssettag $0x1  }
0x1: {  	v0 =	vimm.s32 $0xB80;
	vm14 =	vcmask $0x300;
	vm13 =	vcmask $0x704  }
0x2: {  	vm12 =	vcmask $0xB08;
	vm11 =	vcmask $0xF0C;
	vm10 =	vcmask $0x1310  }
0x3: {  	vm9 =	vcmask $0x1714;
	vm8 =	vcmask $0x1B18;
	vm7 =	vcmask $0x1F1C  }
0x4: {  	vm6 =	vcmask $0x2320;
	vm5 =	vcmask $0x2724;
	vm4 =	vcmask $0x2B28  }
0x5: {  	vm3 =	vcmask $0x2F2C;
	v1 =	vlaneseq.u32;
	vm1 =	vcmask $0x3330  }
0x6: {  	vm2 =	vcmask $0x3734;
	vm0 =	vcmask $0x3B38;
	v3 =	vimm.s32 $0x1B80  }
0x7: {  	v4 =	vimm.s32 $0x2B80;
	v5 =	vimm.s32 $0x3B80;
	v0 =	vsel vm14, $0x0, v0  }
0x8: {  	v3 =	vsel vm14, $0x1000, v3;
	v4 =	vsel vm14, $0x2000, v4;
	v5 =	vsel vm14, $0x3000, v5  }
0x9: {  	v0 =	vsel vm13, $0x80, v0;
	v3 =	vsel vm13, $0x1080, v3;
	v4 =	vsel vm13, $0x2080, v4  }
0xa: {  	v5 =	vsel vm13, $0x3080, v5;
	v0 =	vsel vm12, $0x100, v0;
	v3 =	vsel vm12, $0x1100, v3  }
0xb: {  	v4 =	vsel vm12, $0x2100, v4;
	v5 =	vsel vm12, $0x3100, v5;
	v0 =	vsel vm11, $0x180, v0  }
0xc: {  	v3 =	vsel vm11, $0x1180, v3;
	v4 =	vsel vm11, $0x2180, v4;
	v5 =	vsel vm11, $0x3180, v5  }
0xd: {  	v0 =	vsel vm10, $0x200, v0;
	v3 =	vsel vm10, $0x1200, v3;
	v4 =	vsel vm10, $0x2200, v4  }
0xe: {  	v5 =	vsel vm10, $0x3200, v5;
	v0 =	vsel vm9, $0x280, v0;
	v3 =	vsel vm9, $0x1280, v3  }
0xf: {  	s1 =	srdreg.scid;
	s4 =	rddreg [dreg:$0x1];
	v4 =	vsel vm9, $0x2280, v4;
	v5 =	vsel vm9, $0x3280, v5;
	v0 =	vsel vm8, $0x300, v0  }
0x10: {  	s0 =	stileid.u32;
	s6 =	rddreg [dreg:$0x2];
	s9 =	simm.s32 $0x400;
	v3 =	vsel vm8, $0x1300, v3;
	v4 =	vsel vm8, $0x2300, v4;
	v5 =	vsel vm8, $0x3300, v5  }
0x11: {  	s10 =	simm.s32 $0x5;
	s11 =	simm.s32 $0x7A1400;
	s12 =	simm.s32 $0x200;
	v0 =	vsel vm7, $0x380, v0;
	v3 =	vsel vm7, $0x1380, v3;
	v4 =	vsel vm7, $0x2380, v4  }
0x12: {  	s13 =	simm.s32 $0x2200;
	s14 =	simm.s32 $0x4200;
	s15 =	simm.s32 $0x6200;
	v5 =	vsel vm7, $0x3380, v5;
	v0 =	vsel vm6, $0x800, v0;
	v3 =	vsel vm6, $0x1800, v3  }
0x13: {  	s16 =	simm.s32 $0x1;
	s17 =	simm.s32 $0x8200;
	s18 =	simm.s32 $0x2;
	v4 =	vsel vm6, $0x2800, v4;
	v5 =	vsel vm6, $0x3800, v5;
	v0 =	vsel vm5, $0x880, v0  }
0x14: {  	s19 =	simm.s32 $0x3;
	s20 =	simm.s32 $0x4;
	s21 =	simm.s32 $0x800;
	v3 =	vsel vm5, $0x1880, v3;
	v4 =	vsel vm5, $0x2880, v4;
	v5 =	vsel vm5, $0x3880, v5  }
0x15: {  	s22 =	simm.s32 $0x20000;
	s2 =	sand.u32 $0x1, s1;
	s3 =	sshll.u32 s0, $0x1;
	v0 =	vsel vm4, $0x900, v0;
	v3 =	vsel vm4, $0x1900, v3;
	v4 =	vsel vm4, $0x2900, v4  }
0x16: {  	s23 =	simm.s32 $0x0;
	s1 =	rddreg [dreg:$0x0];
	s3 =	sor.u32 s2, s3;
	v5 =	vsel vm4, $0x3900, v5;
	v2 =	vsel vm3, $0x980, v0;
	v0 =	vmul.u32 $0x80, v1  }
0x17: {  	s2 =	ssub.s32 $0x2, s2;
	s5 =	sshll.u32 s3, $0x9;
	s3 =	sshll.u32 s3, $0x7;
	v3 =	vsel vm3, $0x1980, v3;
	v4 =	vsel vm3, $0x2980, v4;
	v5 =	vsel vm3, $0x3980, v5  }
.Ltmp0:
0x18: {  	s7 =	sand.u32 $0x3000, s5;
	s8 =	sand.u32 $0x380, s3;
	v1 =	vsel vm1, $0xA00, v2;
	v3 =	vsel vm1, $0x1A00, v3;
	v6 =	vsel vm1, $0x2A00, v4;
	(pc) =	sbr.rel .LBB2_1-.Ltmp0, $4  }
0x19: {  	s31 =	sshrl.u32 s2, $0x1;
	s3 =	simm.s32 $0x0;
	s7 =	sor.u32 s8, s7;
	v5 =	vsel vm1, $0x3A00, v5;
	v1 =	vsel vm2, $0xA80, v1;
	v2 =	vor.u32 $0x800, v0  }
0x1a: {  	s2 =	ssub.s32 s2, s31;
	s5 =	sadd.s32 s6, s5;
	s7 =	sshrl.u32 s7, $0x3;
	v3 =	vsel vm2, $0x1A80, v3;
	v4 =	vor.u32 $0x1000, v0;
	v6 =	vsel vm2, $0x2A80, v6  }
0x1b: {  	[smem:$0x7FF] =	sst s3;
	s6 =	sadd.s32 $0x100, s5;
	s4 =	sadd.s32 s7, s4;
	v7 =	vsel vm2, $0x3A80, v5;
	v1 =	vsel vm0, $0xB00, v1;
	v3 =	vsel vm0, $0x1B00, v3  }
0x1c: {  	_ =	strace $0x80000047;
	s7 =	smax.u32 s2, $0x1;
	s4 =	sadd.s32 $0x400, s4;
	v5 =	vsel vm0, $0x2B00, v6;
	v6 =	vor.u32 $0x1800, v0;
	v7 =	vsel vm0, $0x3B00, v7  }
.LBB2_7:
0x1d: {  	s23 =	sadd.s32 $0x1, s23  }
0x1e: {  	p0 =	sne.s32 s23, s7  }
.Ltmp1:
0x1f: {  	_ = 	snop;
	(pc) =	sbr.rel @!p0 .LBB2_8-.Ltmp1, $4  }
0x20: {  	[hbm4b:s6+s21] =	stream.strided.scatter [tilespmem:s17], [sflag:$0x5], $0x4000, s22, s21, $0x38;
	[tilespmem:$0xC200] =	vst v63  }
0x21: {  	_ =	swait.ge [sflag:s10], $0x4000  }
0x22: {  	[sflag:s10] =	ssyncset.done $0x0  }
0x23: {  	[sflag:s10] =	ssyncadd.s32 $0xFFFFC000  }
.LBB2_1:
0x24: {  	s0 =	simm.s32 $0x80  }
0x25: {  	[tilespmem:s3], [sflag:$0x5] =	stream.strided.gather [hbm4b:s4+s0], $0x200, s9, s0, $0x38;
	[tilespmem:$0xC200] =	vst v63  }
0x26: {  	_ =	swait.ge [sflag:s10], $0x200  }
0x27: {  	[sflag:s10] =	ssyncset.done $0x0  }
0x28: {  	[sflag:s10] =	ssyncadd.s32 $0xFFFFFE00  }
0x29: {  	v8 =	vld [tilespmem:$0x0];
	_ =	sdelay $0x4  }
0x2a: {  	(v2sf) =	vpush v8, $0x0  }
0x2b: {  	(v2sf) =	vpush v8, $0x1  }
0x2c: {  	(v2sf) =	vpush v8, $0x2;
	_ =	sdelay $0x3  }
0x2d: {  	(v2sf) =	vpush v8, $0x3;
	_ =	sdelay $0x8  }
0x2e: {  	s2 =	spop (v2sf)  }
0x2f: {  	s2 =	sand.u32 $0xFFFFF80, s2;
	s24 =	spop (v2sf)  }
0x30: {  	s2 =	sadd.s32 s1, s2;
	s28 =	sand.u32 $0xFFFFF80, s24;
	s29 =	spop (v2sf)  }
0x31: {  	[tilespmem:s12], [sflag:$0x1] =	stream.strided.gather [hbm4b:s2+s9], $0x2000, s11, s9, $0x38;
	[tilespmem:$0xC200] =	vst v63  }
0x32: {  	s2 =	sadd.s32 s1, s28;
	s30 =	sand.u32 $0xFFFFF80, s29  }
0x33: {  	[tilespmem:s13], [sflag:$0x2] =	stream.strided.gather [hbm4b:s2+s9], $0x2000, s11, s9, $0x38;
	[tilespmem:$0xC200] =	vst v63  }
0x34: {  	s31 =	spop (v2sf);
	s2 =	sadd.s32 s1, s30  }
0x35: {  	[tilespmem:s14], [sflag:$0x3] =	stream.strided.gather [hbm4b:s2+s9], $0x2000, s11, s9, $0x38;
	[tilespmem:$0xC200] =	vst v63  }
0x36: {  	s2 =	sand.u32 $0xFFFFF80, s31  }
0x37: {  	s25 =	simm.s32 $0x10;
	s24 =	simm.s32 $0xF;
	s2 =	sadd.s32 s1, s2  }
0x38: {  	[tilespmem:s15], [sflag:$0x4] =	stream.strided.gather [hbm4b:s2+s9], $0x2000, s11, s9, $0x38;
	[tilespmem:$0xC200] =	vst v63  }
.LBB2_2:
0x39: {  	v9 =	vld [tilespmem:s25+$0xFFFFFFF0];
	_ =	sdelay $0x3  }
0x3a: {  	v8 =	vld [tilespmem:s25+$0x0];
	_ =	swait.ge [sflag:s16], $0x2000  }
0x3b: {  	(v2sf) =	vpush v9, $0x0;
	_ =	sdelay $0xe  }
0x3c: {  	s2 =	spop (v2sf)  }
0x3d: {  	s2 =	sand.u32 $0x7F, s2  }
0x3e: {  	s26 =	sadd.s32 $0xFFFFFFF1, s24;
	v10 =	vor.u32 s2, v0  }
0x3f: {  	v11 =	vmov s26  }
0x40: {  	v12 =	vshll.u32 v11, $0x3  }
0x41: {  	[sflag:s16] =	ssyncset.done $0x0;
	v11 =	vand.u32 $0x70, v11;
	v12 =	vand.u32 $0x400, v12  }
0x42: {  	[sflag:s16] =	ssyncadd.s32 $0xFFFFE000;
	v11 =	vor.u32 v11, v12  }
0x43: {  	v12 =	vor.u32 v1, v11;
	v10 =	vld.idx.msk [tilespmem:v10+s12+$0x0], $0xffff  }
0x44: {  	v13 =	vor.u32 s2, v2;
	_ =	sdelay $0x3  }
0x45: {  	[tilespmem:v12+s17+$0x0] =	vst.idx.msk $0xffff, v10  }
0x46: {  	v32 =	vor.u32 v3, v11;
	(v2sf) =	vpush v9, $0x4;
	v10 =	vld.idx.msk [tilespmem:v13+s12+$0x0], $0xffff  }
0x47: {  	v33 =	vor.u32 s2, v4;
	_ =	sdelay $0x3  }
0x48: {  	[tilespmem:v32+s17+$0x0] =	vst.idx.msk $0xffff, v10  }
0x49: {  	v34 =	vor.u32 v5, v11;
	v10 =	vld.idx.msk [tilespmem:v33+s12+$0x0], $0xffff  }
0x4a: {  	v35 =	vor.u32 s2, v6;
	_ =	sdelay $0x3  }
0x4b: {  	[tilespmem:v34+s17+$0x0] =	vst.idx.msk $0xffff, v10  }
0x4c: {  	v11 =	vor.u32 v7, v11;
	v10 =	vld.idx.msk [tilespmem:v35+s12+$0x0], $0xffff;
	_ =	sdelay $0x2  }
0x4d: {  	s26 =	spop (v2sf)  }
0x4e: {  	s8 =	sand.u32 $0xFFFFF80, s26  }
0x4f: {  	s2 =	sadd.s32 s1, s8;
	[tilespmem:v11+s17+$0x0] =	vst.idx.msk $0xffff, v10  }
0x50: {  	[tilespmem:s12], [sflag:$0x1] =	stream.strided.gather [hbm4b:s2+s9], $0x2000, s11, s9, $0x38;
	[tilespmem:$0xC200] =	vst v63  }
0x51: {  	_ =	swait.ge [sflag:s18], $0x2000  }
0x52: {  	(v2sf) =	vpush v9, $0x1;
	_ =	sdelay $0xe  }
0x53: {  	s28 =	spop (v2sf)  }
0x54: {  	s2 =	sand.u32 $0x7F, s28  }
0x55: {  	s28 =	sadd.s32 $0xFFFFFFF2, s24;
	v10 =	vor.u32 s2, v0  }
0x56: {  	v11 =	vmov s28  }
0x57: {  	v36 =	vshll.u32 v11, $0x3  }
0x58: {  	[sflag:s18] =	ssyncset.done $0x0;
	v11 =	vand.u32 $0x71, v11;
	v12 =	vand.u32 $0x400, v36  }
0x59: {  	[sflag:s18] =	ssyncadd.s32 $0xFFFFE000;
	v11 =	vor.u32 v11, v12  }
0x5a: {  	v12 =	vor.u32 v1, v11;
	v10 =	vld.idx.msk [tilespmem:v10+s13+$0x0], $0xffff  }
0x5b: {  	v37 =	vor.u32 s2, v2;
	_ =	sdelay $0x3  }
0x5c: {  	[tilespmem:v12+s17+$0x0] =	vst.idx.msk $0xffff, v10  }
0x5d: {  	(v2sf) =	vpush v9, $0x5;
	v38 =	vor.u32 v3, v11;
	v10 =	vld.idx.msk [tilespmem:v37+s13+$0x0], $0xffff  }
0x5e: {  	v39 =	vor.u32 s2, v4;
	_ =	sdelay $0x3  }
0x5f: {  	[tilespmem:v38+s17+$0x0] =	vst.idx.msk $0xffff, v10  }
0x60: {  	v40 =	vor.u32 v5, v11;
	v10 =	vld.idx.msk [tilespmem:v39+s13+$0x0], $0xffff  }
0x61: {  	v41 =	vor.u32 s2, v6;
	_ =	sdelay $0x3  }
0x62: {  	[tilespmem:v40+s17+$0x0] =	vst.idx.msk $0xffff, v10  }
0x63: {  	v11 =	vor.u32 v7, v11;
	v10 =	vld.idx.msk [tilespmem:v41+s13+$0x0], $0xffff;
	_ =	sdelay $0x2  }
0x64: {  	s28 =	spop (v2sf)  }
0x65: {  	s29 =	sand.u32 $0xFFFFF80, s28  }
0x66: {  	s2 =	sadd.s32 s1, s29;
	[tilespmem:v11+s17+$0x0] =	vst.idx.msk $0xffff, v10  }
0x67: {  	[tilespmem:s13], [sflag:$0x2] =	stream.strided.gather [hbm4b:s2+s9], $0x2000, s11, s9, $0x38;
	[tilespmem:$0xC200] =	vst v63  }
0x68: {  	_ =	swait.ge [sflag:s19], $0x2000  }
0x69: {  	(v2sf) =	vpush v9, $0x2;
	_ =	sdelay $0xe  }
0x6a: {  	s30 =	spop (v2sf)  }
0x6b: {  	s2 =	sand.u32 $0x7F, s30  }
0x6c: {  	s29 =	sadd.s32 $0xFFFFFFF3, s24;
	v10 =	vor.u32 s2, v0  }
0x6d: {  	v11 =	vmov s29  }
0x6e: {  	v42 =	vshll.u32 v11, $0x3  }
0x6f: {  	v11 =	vand.u32 $0x72, v11;
	v12 =	vand.u32 $0x400, v42;
	[sflag:s19] =	ssyncset.done $0x0  }
0x70: {  	v11 =	vor.u32 v11, v12;
	[sflag:s19] =	ssyncadd.s32 $0xFFFFE000  }
0x71: {  	v12 =	vor.u32 v1, v11;
	v10 =	vld.idx.msk [tilespmem:v10+s14+$0x0], $0xffff  }
0x72: {  	v43 =	vor.u32 s2, v2;
	_ =	sdelay $0x3  }
0x73: {  	[tilespmem:v12+s17+$0x0] =	vst.idx.msk $0xffff, v10  }
0x74: {  	v44 =	vor.u32 v3, v11;
	(v2sf) =	vpush v9, $0x6;
	v10 =	vld.idx.msk [tilespmem:v43+s14+$0x0], $0xffff  }
0x75: {  	v45 =	vor.u32 s2, v4;
	_ =	sdelay $0x3  }
0x76: {  	[tilespmem:v44+s17+$0x0] =	vst.idx.msk $0xffff, v10  }
0x77: {  	v46 =	vor.u32 v5, v11;
	v10 =	vld.idx.msk [tilespmem:v45+s14+$0x0], $0xffff  }
0x78: {  	v47 =	vor.u32 s2, v6;
	_ =	sdelay $0x3  }
0x79: {  	[tilespmem:v46+s17+$0x0] =	vst.idx.msk $0xffff, v10  }
0x7a: {  	v11 =	vor.u32 v7, v11;
	v10 =	vld.idx.msk [tilespmem:v47+s14+$0x0], $0xffff;
	_ =	sdelay $0x2  }
0x7b: {  	s29 =	spop (v2sf)  }
0x7c: {  	s31 =	sand.u32 $0xFFFFF80, s29  }
0x7d: {  	s2 =	sadd.s32 s1, s31;
	[tilespmem:v11+s17+$0x0] =	vst.idx.msk $0xffff, v10  }
0x7e: {  	[tilespmem:s14], [sflag:$0x3] =	stream.strided.gather [hbm4b:s2+s9], $0x2000, s11, s9, $0x38;
	[tilespmem:$0xC200] =	vst v63  }
0x7f: {  	_ =	swait.ge [sflag:s20], $0x2000  }
0x80: {  	(v2sf) =	vpush v9, $0x3;
	_ =	sdelay $0xe  }
0x81: {  	s0 =	spop (v2sf)  }
0x82: {  	s2 =	sand.u32 $0x7F, s0  }
0x83: {  	s30 =	sadd.s32 $0xFFFFFFF4, s24;
	v10 =	vor.u32 s2, v0  }
0x84: {  	v11 =	vmov s30  }
0x85: {  	v48 =	vshll.u32 v11, $0x3  }
0x86: {  	v11 =	vand.u32 $0x73, v11;
	v12 =	vand.u32 $0x400, v48;
	[sflag:s20] =	ssyncset.done $0x0  }
0x87: {  	v11 =	vor.u32 v11, v12;
	[sflag:s20] =	ssyncadd.s32 $0xFFFFE000  }
0x88: {  	v12 =	vor.u32 v1, v11;
	v10 =	vld.idx.msk [tilespmem:v10+s15+$0x0], $0xffff  }
0x89: {  	v49 =	vor.u32 s2, v2;
	_ =	sdelay $0x3  }
0x8a: {  	[tilespmem:v12+s17+$0x0] =	vst.idx.msk $0xffff, v10  }
0x8b: {  	v50 =	vor.u32 v3, v11;
	(v2sf) =	vpush v9, $0x7;
	v10 =	vld.idx.msk [tilespmem:v49+s15+$0x0], $0xffff  }
0x8c: {  	v51 =	vor.u32 s2, v4;
	_ =	sdelay $0x3  }
0x8d: {  	[tilespmem:v50+s17+$0x0] =	vst.idx.msk $0xffff, v10  }
0x8e: {  	v52 =	vor.u32 v5, v11;
	v10 =	vld.idx.msk [tilespmem:v51+s15+$0x0], $0xffff  }
0x8f: {  	v53 =	vor.u32 s2, v6;
	_ =	sdelay $0x3  }
0x90: {  	[tilespmem:v52+s17+$0x0] =	vst.idx.msk $0xffff, v10  }
0x91: {  	v11 =	vor.u32 v7, v11;
	v10 =	vld.idx.msk [tilespmem:v53+s15+$0x0], $0xffff;
	_ =	sdelay $0x2  }
0x92: {  	s30 =	spop (v2sf)  }
0x93: {  	s26 =	sand.u32 $0x7F, s26;
	s8 =	sand.u32 $0xFFFFF80, s30  }
0x94: {  	s31 =	sadd.s32 $0xFFFFFFF5, s24;
	s2 =	sadd.s32 s1, s8;
	[tilespmem:v11+s17+$0x0] =	vst.idx.msk $0xffff, v10;
	v10 =	vor.u32 s26, v0  }
0x95: {  	v11 =	vmov s31;
	[tilespmem:s15], [sflag:$0x4] =	stream.strided.gather [hbm4b:s2+s9], $0x2000, s11, s9, $0x38;
	[tilespmem:$0xC200] =	vst v63  }
0x96: {  	v54 =	vshll.u32 v11, $0x3;
	_ =	swait.ge [sflag:s16], $0x2000  }
0x97: {  	v11 =	vand.u32 $0x74, v11;
	v12 =	vand.u32 $0x400, v54;
	[sflag:s16] =	ssyncset.done $0x0  }
0x98: {  	v11 =	vor.u32 v11, v12;
	[sflag:s16] =	ssyncadd.s32 $0xFFFFE000  }
0x99: {  	v12 =	vor.u32 v1, v11;
	v10 =	vld.idx.msk [tilespmem:v10+s12+$0x0], $0xffff  }
0x9a: {  	v55 =	vor.u32 s26, v2;
	_ =	sdelay $0x3  }
0x9b: {  	[tilespmem:v12+s17+$0x0] =	vst.idx.msk $0xffff, v10  }
0x9c: {  	(v2sf) =	vpush v9, $0x8;
	v56 =	vor.u32 v3, v11;
	v10 =	vld.idx.msk [tilespmem:v55+s12+$0x0], $0xffff  }
0x9d: {  	v57 =	vor.u32 s26, v4;
	_ =	sdelay $0x3  }
0x9e: {  	[tilespmem:v56+s17+$0x0] =	vst.idx.msk $0xffff, v10  }
0x9f: {  	v58 =	vor.u32 v5, v11;
	v10 =	vld.idx.msk [tilespmem:v57+s12+$0x0], $0xffff  }
0xa0: {  	v59 =	vor.u32 s26, v6;
	_ =	sdelay $0x3  }
0xa1: {  	[tilespmem:v58+s17+$0x0] =	vst.idx.msk $0xffff, v10  }
0xa2: {  	v11 =	vor.u32 v7, v11;
	v10 =	vld.idx.msk [tilespmem:v59+s12+$0x0], $0xffff;
	_ =	sdelay $0x2  }
0xa3: {  	s26 =	spop (v2sf)  }
0xa4: {  	s28 =	sand.u32 $0x7F, s28;
	s0 =	sand.u32 $0xFFFFF80, s26  }
0xa5: {  	s8 =	sadd.s32 $0xFFFFFFF6, s24;
	s2 =	sadd.s32 s1, s0;
	[tilespmem:v11+s17+$0x0] =	vst.idx.msk $0xffff, v10;
	v10 =	vor.u32 s28, v0  }
0xa6: {  	v11 =	vmov s8;
	[tilespmem:s12], [sflag:$0x1] =	stream.strided.gather [hbm4b:s2+s9], $0x2000, s11, s9, $0x38;
	[tilespmem:$0xC200] =	vst v63  }
0xa7: {  	v60 =	vshll.u32 v11, $0x3;
	_ =	swait.ge [sflag:s18], $0x2000  }
0xa8: {  	v11 =	vand.u32 $0x75, v11;
	v12 =	vand.u32 $0x400, v60;
	[sflag:s18] =	ssyncset.done $0x0  }
0xa9: {  	v11 =	vor.u32 v11, v12;
	[sflag:s18] =	ssyncadd.s32 $0xFFFFE000  }
0xaa: {  	v12 =	vor.u32 v1, v11;
	v10 =	vld.idx.msk [tilespmem:v10+s13+$0x0], $0xffff  }
0xab: {  	v61 =	vor.u32 s28, v2;
	_ =	sdelay $0x3  }
0xac: {  	[tilespmem:v12+s17+$0x0] =	vst.idx.msk $0xffff, v10  }
0xad: {  	(v2sf) =	vpush v9, $0x9;
	v62 =	vor.u32 v3, v11;
	v10 =	vld.idx.msk [tilespmem:v61+s13+$0x0], $0xffff  }
0xae: {  	v63 =	vor.u32 s28, v4;
	_ =	sdelay $0x3  }
0xaf: {  	[tilespmem:v62+s17+$0x0] =	vst.idx.msk $0xffff, v10  }
0xb0: {  	v16 =	vor.u32 v5, v11;
	v10 =	vld.idx.msk [tilespmem:v63+s13+$0x0], $0xffff  }
0xb1: {  	v17 =	vor.u32 s28, v6;
	_ =	sdelay $0x3  }
0xb2: {  	[tilespmem:v16+s17+$0x0] =	vst.idx.msk $0xffff, v10  }
0xb3: {  	v11 =	vor.u32 v7, v11;
	v10 =	vld.idx.msk [tilespmem:v17+s13+$0x0], $0xffff;
	_ =	sdelay $0x2  }
0xb4: {  	s28 =	spop (v2sf)  }
0xb5: {  	s29 =	sand.u32 $0x7F, s29;
	s0 =	sand.u32 $0xFFFFF80, s28  }
0xb6: {  	s8 =	sadd.s32 $0xFFFFFFF7, s24;
	s2 =	sadd.s32 s1, s0;
	[tilespmem:v11+s17+$0x0] =	vst.idx.msk $0xffff, v10;
	v10 =	vor.u32 s29, v0  }
0xb7: {  	v11 =	vmov s8;
	[tilespmem:s13], [sflag:$0x2] =	stream.strided.gather [hbm4b:s2+s9], $0x2000, s11, s9, $0x38;
	[tilespmem:$0xC200] =	vst v63  }
0xb8: {  	v18 =	vshll.u32 v11, $0x3;
	_ =	swait.ge [sflag:s19], $0x2000  }
0xb9: {  	v11 =	vand.u32 $0x76, v11;
	v12 =	vand.u32 $0x400, v18;
	[sflag:s19] =	ssyncset.done $0x0  }
0xba: {  	v11 =	vor.u32 v11, v12;
	[sflag:s19] =	ssyncadd.s32 $0xFFFFE000  }
0xbb: {  	v12 =	vor.u32 v1, v11;
	v10 =	vld.idx.msk [tilespmem:v10+s14+$0x0], $0xffff  }
0xbc: {  	v19 =	vor.u32 s29, v2;
	_ =	sdelay $0x3  }
0xbd: {  	[tilespmem:v12+s17+$0x0] =	vst.idx.msk $0xffff, v10  }
0xbe: {  	(v2sf) =	vpush v9, $0xA;
	v20 =	vor.u32 v3, v11;
	v10 =	vld.idx.msk [tilespmem:v19+s14+$0x0], $0xffff  }
0xbf: {  	v21 =	vor.u32 s29, v4;
	_ =	sdelay $0x3  }
0xc0: {  	[tilespmem:v20+s17+$0x0] =	vst.idx.msk $0xffff, v10  }
0xc1: {  	v22 =	vor.u32 v5, v11;
	v10 =	vld.idx.msk [tilespmem:v21+s14+$0x0], $0xffff  }
0xc2: {  	v23 =	vor.u32 s29, v6;
	_ =	sdelay $0x3  }
0xc3: {  	[tilespmem:v22+s17+$0x0] =	vst.idx.msk $0xffff, v10  }
0xc4: {  	v11 =	vor.u32 v7, v11;
	v10 =	vld.idx.msk [tilespmem:v23+s14+$0x0], $0xffff;
	_ =	sdelay $0x2  }
0xc5: {  	s31 =	spop (v2sf)  }
0xc6: {  	s0 =	sand.u32 $0x7F, s30;
	s2 =	sand.u32 $0xFFFFF80, s31  }
0xc7: {  	s8 =	sadd.s32 $0xFFFFFFF8, s24;
	s2 =	sadd.s32 s1, s2;
	[tilespmem:v11+s17+$0x0] =	vst.idx.msk $0xffff, v10;
	v10 =	vor.u32 s0, v0  }
0xc8: {  	v11 =	vmov s8;
	[tilespmem:s14], [sflag:$0x3] =	stream.strided.gather [hbm4b:s2+s9], $0x2000, s11, s9, $0x38;
	[tilespmem:$0xC200] =	vst v63  }
0xc9: {  	v24 =	vshll.u32 v11, $0x3;
	_ =	swait.ge [sflag:s20], $0x2000  }
0xca: {  	v11 =	vand.u32 $0x77, v11;
	v12 =	vand.u32 $0x400, v24;
	[sflag:s20] =	ssyncset.done $0x0  }
0xcb: {  	v11 =	vor.u32 v11, v12;
	[sflag:s20] =	ssyncadd.s32 $0xFFFFE000  }
0xcc: {  	v12 =	vor.u32 v1, v11;
	v10 =	vld.idx.msk [tilespmem:v10+s15+$0x0], $0xffff  }
0xcd: {  	v25 =	vor.u32 s0, v2;
	_ =	sdelay $0x3  }
0xce: {  	[tilespmem:v12+s17+$0x0] =	vst.idx.msk $0xffff, v10  }
0xcf: {  	(v2sf) =	vpush v9, $0xB;
	v26 =	vor.u32 v3, v11;
	v10 =	vld.idx.msk [tilespmem:v25+s15+$0x0], $0xffff  }
0xd0: {  	v27 =	vor.u32 s0, v4;
	_ =	sdelay $0x3  }
0xd1: {  	[tilespmem:v26+s17+$0x0] =	vst.idx.msk $0xffff, v10  }
0xd2: {  	v28 =	vor.u32 v5, v11;
	v10 =	vld.idx.msk [tilespmem:v27+s15+$0x0], $0xffff  }
0xd3: {  	v29 =	vor.u32 s0, v6;
	_ =	sdelay $0x3  }
0xd4: {  	[tilespmem:v28+s17+$0x0] =	vst.idx.msk $0xffff, v10  }
0xd5: {  	v11 =	vor.u32 v7, v11;
	v10 =	vld.idx.msk [tilespmem:v29+s15+$0x0], $0xffff;
	_ =	sdelay $0x2  }
0xd6: {  	s30 =	spop (v2sf)  }
0xd7: {  	s26 =	sand.u32 $0x7F, s26;
	s0 =	sand.u32 $0xFFFFF80, s30  }
0xd8: {  	s8 =	sadd.s32 $0xFFFFFFF9, s24;
	s2 =	sadd.s32 s1, s0;
	[tilespmem:v11+s17+$0x0] =	vst.idx.msk $0xffff, v10;
	v10 =	vor.u32 s26, v0  }
0xd9: {  	v11 =	vmov s8;
	[tilespmem:s15], [sflag:$0x4] =	stream.strided.gather [hbm4b:s2+s9], $0x2000, s11, s9, $0x38;
	[tilespmem:$0xC200] =	vst v63  }
0xda: {  	v30 =	vshll.u32 v11, $0x3;
	_ =	swait.ge [sflag:s16], $0x2000  }
0xdb: {  	v11 =	vand.u32 $0x78, v11;
	v12 =	vand.u32 $0x400, v30;
	[sflag:s16] =	ssyncset.done $0x0  }
0xdc: {  	v11 =	vor.u32 v11, v12;
	[sflag:s16] =	ssyncadd.s32 $0xFFFFE000  }
0xdd: {  	v12 =	vor.u32 v1, v11;
	v10 =	vld.idx.msk [tilespmem:v10+s12+$0x0], $0xffff  }
0xde: {  	v31 =	vor.u32 s26, v2;
	_ =	sdelay $0x3  }
0xdf: {  	[tilespmem:v12+s17+$0x0] =	vst.idx.msk $0xffff, v10  }
0xe0: {  	(v2sf) =	vpush v9, $0xC;
	v32 =	vor.u32 v3, v11;
	v10 =	vld.idx.msk [tilespmem:v31+s12+$0x0], $0xffff  }
0xe1: {  	v33 =	vor.u32 s26, v4;
	_ =	sdelay $0x3  }
0xe2: {  	[tilespmem:v32+s17+$0x0] =	vst.idx.msk $0xffff, v10  }
0xe3: {  	v34 =	vor.u32 v5, v11;
	v10 =	vld.idx.msk [tilespmem:v33+s12+$0x0], $0xffff  }
0xe4: {  	v35 =	vor.u32 s26, v6;
	_ =	sdelay $0x3  }
0xe5: {  	[tilespmem:v34+s17+$0x0] =	vst.idx.msk $0xffff, v10  }
0xe6: {  	v11 =	vor.u32 v7, v11;
	v10 =	vld.idx.msk [tilespmem:v35+s12+$0x0], $0xffff;
	_ =	sdelay $0x2  }
0xe7: {  	s2 =	spop (v2sf)  }
0xe8: {  	s28 =	sand.u32 $0x7F, s28;
	s0 =	sand.u32 $0xFFFFF80, s2  }
0xe9: {  	s8 =	sadd.s32 $0xFFFFFFFA, s24;
	s26 =	sadd.s32 s1, s0;
	[tilespmem:v11+s17+$0x0] =	vst.idx.msk $0xffff, v10;
	v10 =	vor.u32 s28, v0  }
0xea: {  	v11 =	vmov s8;
	[tilespmem:s12], [sflag:$0x1] =	stream.strided.gather [hbm4b:s26+s9], $0x2000, s11, s9, $0x38;
	[tilespmem:$0xC200] =	vst v63  }
0xeb: {  	v36 =	vshll.u32 v11, $0x3;
	_ =	swait.ge [sflag:s18], $0x2000  }
0xec: {  	v11 =	vand.u32 $0x79, v11;
	v12 =	vand.u32 $0x400, v36;
	[sflag:s18] =	ssyncset.done $0x0  }
0xed: {  	v11 =	vor.u32 v11, v12;
	[sflag:s18] =	ssyncadd.s32 $0xFFFFE000  }
0xee: {  	v12 =	vor.u32 v1, v11;
	v10 =	vld.idx.msk [tilespmem:v10+s13+$0x0], $0xffff  }
0xef: {  	v37 =	vor.u32 s28, v2;
	_ =	sdelay $0x3  }
0xf0: {  	[tilespmem:v12+s17+$0x0] =	vst.idx.msk $0xffff, v10  }
0xf1: {  	(v2sf) =	vpush v9, $0xD;
	v38 =	vor.u32 v3, v11;
	v10 =	vld.idx.msk [tilespmem:v37+s13+$0x0], $0xffff  }
0xf2: {  	v39 =	vor.u32 s28, v4;
	_ =	sdelay $0x3  }
0xf3: {  	[tilespmem:v38+s17+$0x0] =	vst.idx.msk $0xffff, v10  }
0xf4: {  	v40 =	vor.u32 v5, v11;
	v10 =	vld.idx.msk [tilespmem:v39+s13+$0x0], $0xffff  }
0xf5: {  	v41 =	vor.u32 s28, v6;
	_ =	sdelay $0x3  }
0xf6: {  	[tilespmem:v40+s17+$0x0] =	vst.idx.msk $0xffff, v10  }
0xf7: {  	v11 =	vor.u32 v7, v11;
	v10 =	vld.idx.msk [tilespmem:v41+s13+$0x0], $0xffff;
	_ =	sdelay $0x2  }
0xf8: {  	s29 =	spop (v2sf)  }
0xf9: {  	s0 =	sand.u32 $0x7F, s31;
	s26 =	sand.u32 $0xFFFFF80, s29  }
0xfa: {  	s8 =	sadd.s32 $0xFFFFFFFB, s24;
	s26 =	sadd.s32 s1, s26;
	[tilespmem:v11+s17+$0x0] =	vst.idx.msk $0xffff, v10;
	v10 =	vor.u32 s0, v0  }
0xfb: {  	v11 =	vmov s8;
	[tilespmem:s13], [sflag:$0x2] =	stream.strided.gather [hbm4b:s26+s9], $0x2000, s11, s9, $0x38;
	[tilespmem:$0xC200] =	vst v63  }
0xfc: {  	v42 =	vshll.u32 v11, $0x3;
	_ =	swait.ge [sflag:s19], $0x2000  }
0xfd: {  	v11 =	vand.u32 $0x7A, v11;
	v12 =	vand.u32 $0x400, v42;
	[sflag:s19] =	ssyncset.done $0x0  }
0xfe: {  	v11 =	vor.u32 v11, v12;
	[sflag:s19] =	ssyncadd.s32 $0xFFFFE000  }
0xff: {  	v12 =	vor.u32 v1, v11;
	v10 =	vld.idx.msk [tilespmem:v10+s14+$0x0], $0xffff  }
0x100: {  	v43 =	vor.u32 s0, v2;
	_ =	sdelay $0x3  }
0x101: {  	[tilespmem:v12+s17+$0x0] =	vst.idx.msk $0xffff, v10  }
0x102: {  	(v2sf) =	vpush v9, $0xE;
	v44 =	vor.u32 v3, v11;
	v10 =	vld.idx.msk [tilespmem:v43+s14+$0x0], $0xffff  }
0x103: {  	v45 =	vor.u32 s0, v4;
	_ =	sdelay $0x3  }
0x104: {  	[tilespmem:v44+s17+$0x0] =	vst.idx.msk $0xffff, v10  }
0x105: {  	v46 =	vor.u32 v5, v11;
	v10 =	vld.idx.msk [tilespmem:v45+s14+$0x0], $0xffff  }
0x106: {  	v47 =	vor.u32 s0, v6;
	_ =	sdelay $0x3  }
0x107: {  	[tilespmem:v46+s17+$0x0] =	vst.idx.msk $0xffff, v10  }
0x108: {  	v11 =	vor.u32 v7, v11;
	v10 =	vld.idx.msk [tilespmem:v47+s14+$0x0], $0xffff;
	_ =	sdelay $0x2  }
0x109: {  	s28 =	spop (v2sf)  }
0x10a: {  	s30 =	sand.u32 $0x7F, s30;
	s0 =	sand.u32 $0xFFFFF80, s28  }
0x10b: {  	s8 =	sadd.s32 $0xFFFFFFFC, s24;
	s26 =	sadd.s32 s1, s0;
	[tilespmem:v11+s17+$0x0] =	vst.idx.msk $0xffff, v10;
	v10 =	vor.u32 s30, v0  }
0x10c: {  	v11 =	vmov s8;
	[tilespmem:s14], [sflag:$0x3] =	stream.strided.gather [hbm4b:s26+s9], $0x2000, s11, s9, $0x38;
	[tilespmem:$0xC200] =	vst v63  }
0x10d: {  	v48 =	vshll.u32 v11, $0x3;
	_ =	swait.ge [sflag:s20], $0x2000  }
0x10e: {  	v11 =	vand.u32 $0x7B, v11;
	v12 =	vand.u32 $0x400, v48;
	[sflag:s20] =	ssyncset.done $0x0  }
0x10f: {  	v11 =	vor.u32 v11, v12;
	[sflag:s20] =	ssyncadd.s32 $0xFFFFE000  }
0x110: {  	v12 =	vor.u32 v1, v11;
	v10 =	vld.idx.msk [tilespmem:v10+s15+$0x0], $0xffff  }
0x111: {  	v49 =	vor.u32 s30, v2;
	_ =	sdelay $0x3  }
0x112: {  	[tilespmem:v12+s17+$0x0] =	vst.idx.msk $0xffff, v10  }
0x113: {  	(v2sf) =	vpush v9, $0xF;
	v50 =	vor.u32 v3, v11;
	v10 =	vld.idx.msk [tilespmem:v49+s15+$0x0], $0xffff  }
0x114: {  	v9 =	vor.u32 s30, v4;
	_ =	sdelay $0x3  }
0x115: {  	[tilespmem:v50+s17+$0x0] =	vst.idx.msk $0xffff, v10  }
0x116: {  	v10 =	vor.u32 v5, v11;
	v9 =	vld.idx.msk [tilespmem:v9+s15+$0x0], $0xffff  }
0x117: {  	v51 =	vor.u32 s30, v6;
	_ =	sdelay $0x3  }
0x118: {  	[tilespmem:v10+s17+$0x0] =	vst.idx.msk $0xffff, v9  }
0x119: {  	v10 =	vor.u32 v7, v11;
	v9 =	vld.idx.msk [tilespmem:v51+s15+$0x0], $0xffff;
	_ =	sdelay $0x2  }
0x11a: {  	s26 =	spop (v2sf)  }
0x11b: {  	s2 =	sand.u32 $0x7F, s2;
	s0 =	sand.u32 $0xFFFFF80, s26  }
0x11c: {  	s8 =	sadd.s32 $0xFFFFFFFD, s24;
	s30 =	sadd.s32 s1, s0;
	[tilespmem:v10+s17+$0x0] =	vst.idx.msk $0xffff, v9;
	v9 =	vor.u32 s2, v0  }
0x11d: {  	v10 =	vmov s8;
	[tilespmem:s15], [sflag:$0x4] =	stream.strided.gather [hbm4b:s30+s9], $0x2000, s11, s9, $0x38;
	[tilespmem:$0xC200] =	vst v63  }
0x11e: {  	v11 =	vshll.u32 v10, $0x3;
	_ =	swait.ge [sflag:s16], $0x2000  }
0x11f: {  	v10 =	vand.u32 $0x7C, v10;
	v11 =	vand.u32 $0x400, v11;
	[sflag:s16] =	ssyncset.done $0x0  }
0x120: {  	v10 =	vor.u32 v10, v11;
	[sflag:s16] =	ssyncadd.s32 $0xFFFFE000  }
0x121: {  	v11 =	vor.u32 v1, v10;
	v9 =	vld.idx.msk [tilespmem:v9+s12+$0x0], $0xffff  }
0x122: {  	v52 =	vor.u32 s2, v2;
	_ =	sdelay $0x3  }
0x123: {  	p0 =	seq.s32 s24, $0xFF;
	[tilespmem:v11+s17+$0x0] =	vst.idx.msk $0xffff, v9  }
0x124: {  	(v2sf) =	vpush @!p0 v8, $0x0;
	v11 =	vor.u32 v3, v10;
	v9 =	vld.idx.msk [tilespmem:v52+s12+$0x0], $0xffff  }
0x125: {  	v53 =	vor.u32 s2, v4;
	_ =	sdelay $0x3  }
0x126: {  	[tilespmem:v11+s17+$0x0] =	vst.idx.msk $0xffff, v9  }
0x127: {  	v11 =	vor.u32 v5, v10;
	v9 =	vld.idx.msk [tilespmem:v53+s12+$0x0], $0xffff  }
0x128: {  	v54 =	vor.u32 s2, v6;
	_ =	sdelay $0x3  }
0x129: {  	[tilespmem:v11+s17+$0x0] =	vst.idx.msk $0xffff, v9  }
0x12a: {  	v10 =	vor.u32 v7, v10;
	v9 =	vld.idx.msk [tilespmem:v54+s12+$0x0], $0xffff;
	_ =	sdelay $0x2  }
0x12b: {  	s0 =	sand.u32 $0x7F, s29;
	s29 =	simm.s32 @!p0 $0x7A1400;
	s2 =	spop @!p0 (v2sf)  }
0x12c: {  	s8 =	simm.s32 @!p0 $0x200;
	s2 =	sand.u32 @!p0 $0xFFFFF80, s2  }
0x12d: {  	s30 =	sadd.s32 $0xFFFFFFFE, s24;
	s31 =	sadd.s32 @!p0 s1, s2;
	s2 =	simm.s32 @!p0 $0x400;
	[tilespmem:v10+s17+$0x0] =	vst.idx.msk $0xffff, v9;
	v9 =	vor.u32 s0, v0  }
0x12e: {  	v10 =	vmov s30;
	[tilespmem:s8], [sflag:$0x1] =	stream.strided.gather @!p0 [hbm4b:s31+s2], $0x2000, s29, s2, $0x38;
	[tilespmem:$0xC200] =	vst v63  }
0x12f: {  	v11 =	vshll.u32 v10, $0x3;
	_ =	swait.ge [sflag:s18], $0x2000  }
0x130: {  	v10 =	vand.u32 $0x7D, v10;
	v11 =	vand.u32 $0x400, v11;
	[sflag:s18] =	ssyncset.done $0x0  }
0x131: {  	v10 =	vor.u32 v10, v11;
	[sflag:s18] =	ssyncadd.s32 $0xFFFFE000  }
0x132: {  	v11 =	vor.u32 v1, v10;
	v9 =	vld.idx.msk [tilespmem:v9+s13+$0x0], $0xffff  }
0x133: {  	v55 =	vor.u32 s0, v2;
	_ =	sdelay $0x3  }
0x134: {  	[tilespmem:v11+s17+$0x0] =	vst.idx.msk $0xffff, v9  }
0x135: {  	(v2sf) =	vpush @!p0 v8, $0x1;
	v11 =	vor.u32 v3, v10;
	v9 =	vld.idx.msk [tilespmem:v55+s13+$0x0], $0xffff  }
0x136: {  	v56 =	vor.u32 s0, v4;
	_ =	sdelay $0x3  }
0x137: {  	[tilespmem:v11+s17+$0x0] =	vst.idx.msk $0xffff, v9  }
0x138: {  	v11 =	vor.u32 v5, v10;
	v9 =	vld.idx.msk [tilespmem:v56+s13+$0x0], $0xffff  }
0x139: {  	v57 =	vor.u32 s0, v6;
	_ =	sdelay $0x3  }
0x13a: {  	[tilespmem:v11+s17+$0x0] =	vst.idx.msk $0xffff, v9  }
0x13b: {  	v10 =	vor.u32 v7, v10;
	v9 =	vld.idx.msk [tilespmem:v57+s13+$0x0], $0xffff;
	_ =	sdelay $0x2  }
0x13c: {  	s0 =	spop @!p0 (v2sf)  }
0x13d: {  	s8 =	sand.u32 $0x7F, s28;
	s0 =	sand.u32 @!p0 $0xFFFFF80, s0  }
0x13e: {  	s30 =	simm.s32 @!p0 $0x2200;
	s31 =	sadd.s32 $0xFFFFFFFF, s24;
	s0 =	sadd.s32 @!p0 s1, s0;
	[tilespmem:v10+s17+$0x0] =	vst.idx.msk $0xffff, v9;
	v9 =	vor.u32 s8, v0  }
0x13f: {  	v10 =	vmov s31;
	[tilespmem:s30], [sflag:$0x2] =	stream.strided.gather @!p0 [hbm4b:s0+s2], $0x2000, s29, s2, $0x38;
	[tilespmem:$0xC200] =	vst v63  }
0x140: {  	v11 =	vshll.u32 v10, $0x3;
	_ =	swait.ge [sflag:s19], $0x2000  }
0x141: {  	v10 =	vand.u32 $0x7E, v10;
	v11 =	vand.u32 $0x400, v11;
	[sflag:s19] =	ssyncset.done $0x0  }
0x142: {  	v10 =	vor.u32 v10, v11;
	[sflag:s19] =	ssyncadd.s32 $0xFFFFE000  }
0x143: {  	v11 =	vor.u32 v1, v10;
	v9 =	vld.idx.msk [tilespmem:v9+s14+$0x0], $0xffff  }
0x144: {  	v58 =	vor.u32 s8, v2;
	_ =	sdelay $0x3  }
0x145: {  	[tilespmem:v11+s17+$0x0] =	vst.idx.msk $0xffff, v9  }
0x146: {  	(v2sf) =	vpush @!p0 v8, $0x2;
	v11 =	vor.u32 v3, v10;
	v9 =	vld.idx.msk [tilespmem:v58+s14+$0x0], $0xffff  }
0x147: {  	v59 =	vor.u32 s8, v4;
	_ =	sdelay $0x3  }
0x148: {  	[tilespmem:v11+s17+$0x0] =	vst.idx.msk $0xffff, v9  }
0x149: {  	v11 =	vor.u32 v5, v10;
	v9 =	vld.idx.msk [tilespmem:v59+s14+$0x0], $0xffff  }
0x14a: {  	v60 =	vor.u32 s8, v6;
	_ =	sdelay $0x3  }
0x14b: {  	[tilespmem:v11+s17+$0x0] =	vst.idx.msk $0xffff, v9  }
0x14c: {  	v10 =	vor.u32 v7, v10;
	v9 =	vld.idx.msk [tilespmem:v60+s14+$0x0], $0xffff;
	_ =	sdelay $0x2  }
0x14d: {  	s0 =	spop @!p0 (v2sf)  }
0x14e: {  	s31 =	sand.u32 $0x7F, s26;
	s0 =	sand.u32 @!p0 $0xFFFFF80, s0  }
0x14f: {  	s26 =	simm.s32 @!p0 $0x4200;
	s0 =	sadd.s32 @!p0 s1, s0;
	[tilespmem:v10+s17+$0x0] =	vst.idx.msk $0xffff, v9;
	v9 =	vor.u32 s31, v0  }
0x150: {  	v10 =	vmov s24;
	[tilespmem:s26], [sflag:$0x3] =	stream.strided.gather @!p0 [hbm4b:s0+s2], $0x2000, s29, s2, $0x38;
	[tilespmem:$0xC200] =	vst v63  }
0x151: {  	v11 =	vshll.u32 v10, $0x3;
	_ =	swait.ge [sflag:s20], $0x2000  }
0x152: {  	v10 =	vand.u32 $0x7F, v10;
	v11 =	vand.u32 $0x400, v11;
	[sflag:s20] =	ssyncset.done $0x0  }
0x153: {  	v10 =	vor.u32 v10, v11;
	[sflag:s20] =	ssyncadd.s32 $0xFFFFE000  }
0x154: {  	v11 =	vor.u32 v1, v10;
	v9 =	vld.idx.msk [tilespmem:v9+s15+$0x0], $0xffff  }
0x155: {  	v61 =	vor.u32 s31, v2;
	_ =	sdelay $0x3  }
0x156: {  	[tilespmem:v11+s17+$0x0] =	vst.idx.msk $0xffff, v9  }
0x157: {  	v11 =	vor.u32 v3, v10;
	v9 =	vld.idx.msk [tilespmem:v61+s15+$0x0], $0xffff  }
0x158: {  	v62 =	vor.u32 s31, v4;
	_ =	sdelay $0x3  }
0x159: {  	[tilespmem:v11+s17+$0x0] =	vst.idx.msk $0xffff, v9  }
0x15a: {  	v11 =	vor.u32 v5, v10;
	v9 =	vld.idx.msk [tilespmem:v62+s15+$0x0], $0xffff  }
0x15b: {  	v63 =	vor.u32 s31, v6;
	_ =	sdelay $0x3  }
0x15c: {  	[tilespmem:v11+s17+$0x0] =	vst.idx.msk $0xffff, v9  }
0x15d: {  	v10 =	vor.u32 v7, v10;
	v9 =	vld.idx.msk [tilespmem:v63+s15+$0x0], $0xffff  }
.Ltmp2:
0x15e: {  	_ = 	snop;
	(pc) =	sbr.rel @p0 .LBB2_4-.Ltmp2, $2  }
0x15f: {  	_ =	sdelay $0x2  }
0x160: {  	[tilespmem:v10+s17+$0x0] =	vst.idx.msk $0xffff, v9  }
0x161: {  	(v2sf) =	vpush v8, $0x3;
	_ =	sdelay $0xd  }
.Ltmp3:
0x162: {  	_ = 	snop;
	(pc) =	sbr.rel .LBB2_2-.Ltmp3, $4  }
0x163: {  	s0 =	spop (v2sf)  }
0x164: {  	s0 =	sand.u32 $0xFFFFF80, s0  }
0x165: {  	s24 =	sadd.s32 $0x10, s24;
	s25 =	sadd.s32 $0x10, s25;
	s0 =	sadd.s32 s1, s0  }
0x166: {  	[tilespmem:s15], [sflag:$0x4] =	stream.strided.gather [hbm4b:s0+s9], $0x2000, s11, s9, $0x38;
	[tilespmem:$0xC200] =	vst v63  }
.LBB2_4:
0x167: {  	[hbm4b:s5+s21] =	stream.strided.scatter [tilespmem:s17], [sflag:$0x5], $0x4000, s22, s21, $0x38;
	[tilespmem:$0xC200] =	vst v63  }
0x168: {  	_ =	swait.ge [sflag:s10], $0x4000  }
0x169: {  	[sflag:s10] =	ssyncset.done $0x0  }
0x16a: {  	[sflag:s10] =	ssyncadd.s32 $0xFFFFC000  }
0x16b: {  	v8 =	vld [tilespmem:$0x100];
	_ =	sdelay $0x4  }
0x16c: {  	(v2sf) =	vpush v8, $0x0;
	_ =	sdelay $0x1  }
0x16d: {  	(v2sf) =	vpush v8, $0x1;
	_ =	sdelay $0x2  }
0x16e: {  	(v2sf) =	vpush v8, $0x2;
	_ =	sdelay $0x2  }
0x16f: {  	(v2sf) =	vpush v8, $0x3;
	_ =	sdelay $0x6  }
0x170: {  	s0 =	spop (v2sf)  }
0x171: {  	s0 =	sand.u32 $0xFFFFF80, s0  }
0x172: {  	s29 =	spop (v2sf);
	s0 =	sadd.s32 s1, s0  }
0x173: {  	[tilespmem:s12], [sflag:$0x1] =	stream.strided.gather [hbm4b:s0+s9], $0x2000, s11, s9, $0x38;
	[tilespmem:$0xC200] =	vst v63  }
0x174: {  	s0 =	sand.u32 $0xFFFFF80, s29  }
0x175: {  	s30 =	spop (v2sf);
	s0 =	sadd.s32 s1, s0  }
0x176: {  	[tilespmem:s13], [sflag:$0x2] =	stream.strided.gather [hbm4b:s0+s9], $0x2000, s11, s9, $0x38;
	[tilespmem:$0xC200] =	vst v63  }
0x177: {  	s0 =	sand.u32 $0xFFFFF80, s30  }
0x178: {  	s31 =	spop (v2sf);
	s0 =	sadd.s32 s1, s0  }
0x179: {  	[tilespmem:s14], [sflag:$0x3] =	stream.strided.gather [hbm4b:s0+s9], $0x2000, s11, s9, $0x38;
	[tilespmem:$0xC200] =	vst v63  }
0x17a: {  	s0 =	sand.u32 $0xFFFFF80, s31  }
0x17b: {  	s24 =	simm.s32 $0x0;
	s0 =	sadd.s32 s1, s0  }
0x17c: {  	[tilespmem:s15], [sflag:$0x4] =	stream.strided.gather [hbm4b:s0+s9], $0x2000, s11, s9, $0x38;
	[tilespmem:$0xC200] =	vst v63  }
.LBB2_5:
0x17d: {  	s0 =	sand.u32 $0xF0, s24  }
0x17e: {  	v9 =	vld [tilespmem:s0+$0x100];
	_ =	sdelay $0x2  }
0x17f: {  	s8 =	smin.u32 s24, $0xE0  }
0x180: {  	v8 =	vld [tilespmem:s8+$0x110];
	_ =	swait.ge [sflag:s16], $0x2000  }
0x181: {  	(v2sf) =	vpush v9, $0x0;
	_ =	sdelay $0xe  }
0x182: {  	s25 =	spop (v2sf)  }
0x183: {  	s0 =	sand.u32 $0x7F, s25  }
0x184: {  	v10 =	vor.u32 s0, v0  }
0x185: {  	v11 =	vmov s24  }
0x186: {  	v12 =	vshll.u32 v11, $0x3  }
0x187: {  	v11 =	vand.u32 $0x70, v11;
	[sflag:s16] =	ssyncset.done $0x0;
	v12 =	vand.u32 $0x400, v12  }
0x188: {  	[sflag:s16] =	ssyncadd.s32 $0xFFFFE000;
	v11 =	vor.u32 v11, v12  }
0x189: {  	v12 =	vor.u32 v1, v11;
	v10 =	vld.idx.msk [tilespmem:v10+s12+$0x0], $0xffff  }
0x18a: {  	v13 =	vor.u32 s0, v2;
	_ =	sdelay $0x3  }
0x18b: {  	[tilespmem:v12+s17+$0x0] =	vst.idx.msk $0xffff, v10  }
0x18c: {  	v32 =	vor.u32 v3, v11;
	(v2sf) =	vpush v9, $0x4;
	v10 =	vld.idx.msk [tilespmem:v13+s12+$0x0], $0xffff  }
0x18d: {  	v33 =	vor.u32 s0, v4;
	_ =	sdelay $0x3  }
0x18e: {  	[tilespmem:v32+s17+$0x0] =	vst.idx.msk $0xffff, v10  }
0x18f: {  	v34 =	vor.u32 v5, v11;
	v10 =	vld.idx.msk [tilespmem:v33+s12+$0x0], $0xffff  }
0x190: {  	v35 =	vor.u32 s0, v6;
	_ =	sdelay $0x3  }
0x191: {  	[tilespmem:v34+s17+$0x0] =	vst.idx.msk $0xffff, v10  }
0x192: {  	v11 =	vor.u32 v7, v11;
	v10 =	vld.idx.msk [tilespmem:v35+s12+$0x0], $0xffff;
	_ =	sdelay $0x2  }
0x193: {  	s25 =	spop (v2sf)  }
0x194: {  	s26 =	sand.u32 $0xFFFFF80, s25  }
0x195: {  	s0 =	sadd.s32 s1, s26;
	[tilespmem:v11+s17+$0x0] =	vst.idx.msk $0xffff, v10  }
0x196: {  	[tilespmem:s12], [sflag:$0x1] =	stream.strided.gather [hbm4b:s0+s9], $0x2000, s11, s9, $0x38;
	[tilespmem:$0xC200] =	vst v63  }
0x197: {  	_ =	swait.ge [sflag:s18], $0x2000  }
0x198: {  	(v2sf) =	vpush v9, $0x1;
	_ =	sdelay $0xe  }
0x199: {  	s28 =	spop (v2sf)  }
0x19a: {  	s0 =	sand.u32 $0x7F, s28  }
0x19b: {  	s2 =	sadd.s32 $0x1, s24;
	v10 =	vor.u32 s0, v0  }
0x19c: {  	v11 =	vmov s2  }
0x19d: {  	v36 =	vshll.u32 v11, $0x3  }
0x19e: {  	v11 =	vand.u32 $0x71, v11;
	v12 =	vand.u32 $0x400, v36;
	[sflag:s18] =	ssyncset.done $0x0  }
0x19f: {  	v11 =	vor.u32 v11, v12;
	[sflag:s18] =	ssyncadd.s32 $0xFFFFE000  }
0x1a0: {  	v12 =	vor.u32 v1, v11;
	v10 =	vld.idx.msk [tilespmem:v10+s13+$0x0], $0xffff  }
0x1a1: {  	v37 =	vor.u32 s0, v2;
	_ =	sdelay $0x3  }
0x1a2: {  	[tilespmem:v12+s17+$0x0] =	vst.idx.msk $0xffff, v10  }
0x1a3: {  	v38 =	vor.u32 v3, v11;
	(v2sf) =	vpush v9, $0x5;
	v10 =	vld.idx.msk [tilespmem:v37+s13+$0x0], $0xffff  }
0x1a4: {  	v39 =	vor.u32 s0, v4;
	_ =	sdelay $0x3  }
0x1a5: {  	[tilespmem:v38+s17+$0x0] =	vst.idx.msk $0xffff, v10  }
0x1a6: {  	v40 =	vor.u32 v5, v11;
	v10 =	vld.idx.msk [tilespmem:v39+s13+$0x0], $0xffff  }
0x1a7: {  	v41 =	vor.u32 s0, v6;
	_ =	sdelay $0x3  }
0x1a8: {  	[tilespmem:v40+s17+$0x0] =	vst.idx.msk $0xffff, v10  }
0x1a9: {  	v11 =	vor.u32 v7, v11;
	v10 =	vld.idx.msk [tilespmem:v41+s13+$0x0], $0xffff;
	_ =	sdelay $0x2  }
0x1aa: {  	s26 =	spop (v2sf)  }
0x1ab: {  	s29 =	sand.u32 $0xFFFFF80, s26  }
0x1ac: {  	s0 =	sadd.s32 s1, s29;
	[tilespmem:v11+s17+$0x0] =	vst.idx.msk $0xffff, v10  }
0x1ad: {  	[tilespmem:s13], [sflag:$0x2] =	stream.strided.gather [hbm4b:s0+s9], $0x2000, s11, s9, $0x38;
	[tilespmem:$0xC200] =	vst v63  }
0x1ae: {  	_ =	swait.ge [sflag:s19], $0x2000  }
0x1af: {  	(v2sf) =	vpush v9, $0x2;
	_ =	sdelay $0xe  }
0x1b0: {  	s30 =	spop (v2sf)  }
0x1b1: {  	s0 =	sand.u32 $0x7F, s30  }
0x1b2: {  	s31 =	sadd.s32 $0x2, s24;
	v10 =	vor.u32 s0, v0  }
0x1b3: {  	v11 =	vmov s31  }
0x1b4: {  	v42 =	vshll.u32 v11, $0x3  }
0x1b5: {  	v11 =	vand.u32 $0x72, v11;
	v12 =	vand.u32 $0x400, v42;
	[sflag:s19] =	ssyncset.done $0x0  }
0x1b6: {  	v11 =	vor.u32 v11, v12;
	[sflag:s19] =	ssyncadd.s32 $0xFFFFE000  }
0x1b7: {  	v12 =	vor.u32 v1, v11;
	v10 =	vld.idx.msk [tilespmem:v10+s14+$0x0], $0xffff  }
0x1b8: {  	v43 =	vor.u32 s0, v2;
	_ =	sdelay $0x3  }
0x1b9: {  	[tilespmem:v12+s17+$0x0] =	vst.idx.msk $0xffff, v10  }
0x1ba: {  	v44 =	vor.u32 v3, v11;
	(v2sf) =	vpush v9, $0x6;
	v10 =	vld.idx.msk [tilespmem:v43+s14+$0x0], $0xffff  }
0x1bb: {  	v45 =	vor.u32 s0, v4;
	_ =	sdelay $0x3  }
0x1bc: {  	[tilespmem:v44+s17+$0x0] =	vst.idx.msk $0xffff, v10  }
0x1bd: {  	v46 =	vor.u32 v5, v11;
	v10 =	vld.idx.msk [tilespmem:v45+s14+$0x0], $0xffff  }
0x1be: {  	v47 =	vor.u32 s0, v6;
	_ =	sdelay $0x3  }
0x1bf: {  	[tilespmem:v46+s17+$0x0] =	vst.idx.msk $0xffff, v10  }
0x1c0: {  	v11 =	vor.u32 v7, v11;
	v10 =	vld.idx.msk [tilespmem:v47+s14+$0x0], $0xffff;
	_ =	sdelay $0x2  }
0x1c1: {  	s28 =	spop (v2sf)  }
0x1c2: {  	s8 =	sand.u32 $0xFFFFF80, s28  }
0x1c3: {  	s0 =	sadd.s32 s1, s8;
	[tilespmem:v11+s17+$0x0] =	vst.idx.msk $0xffff, v10  }
0x1c4: {  	[tilespmem:s14], [sflag:$0x3] =	stream.strided.gather [hbm4b:s0+s9], $0x2000, s11, s9, $0x38;
	[tilespmem:$0xC200] =	vst v63  }
0x1c5: {  	_ =	swait.ge [sflag:s20], $0x2000  }
0x1c6: {  	(v2sf) =	vpush v9, $0x3;
	_ =	sdelay $0xe  }
0x1c7: {  	s29 =	spop (v2sf)  }
0x1c8: {  	s0 =	sand.u32 $0x7F, s29  }
0x1c9: {  	s30 =	sadd.s32 $0x3, s24;
	v10 =	vor.u32 s0, v0  }
0x1ca: {  	v11 =	vmov s30  }
0x1cb: {  	v48 =	vshll.u32 v11, $0x3  }
0x1cc: {  	v11 =	vand.u32 $0x73, v11;
	v12 =	vand.u32 $0x400, v48;
	[sflag:s20] =	ssyncset.done $0x0  }
0x1cd: {  	v11 =	vor.u32 v11, v12;
	[sflag:s20] =	ssyncadd.s32 $0xFFFFE000  }
0x1ce: {  	v12 =	vor.u32 v1, v11;
	v10 =	vld.idx.msk [tilespmem:v10+s15+$0x0], $0xffff  }
0x1cf: {  	v49 =	vor.u32 s0, v2;
	_ =	sdelay $0x3  }
0x1d0: {  	[tilespmem:v12+s17+$0x0] =	vst.idx.msk $0xffff, v10  }
0x1d1: {  	v50 =	vor.u32 v3, v11;
	(v2sf) =	vpush v9, $0x7;
	v10 =	vld.idx.msk [tilespmem:v49+s15+$0x0], $0xffff  }
0x1d2: {  	v51 =	vor.u32 s0, v4;
	_ =	sdelay $0x3  }
0x1d3: {  	[tilespmem:v50+s17+$0x0] =	vst.idx.msk $0xffff, v10  }
0x1d4: {  	v52 =	vor.u32 v5, v11;
	v10 =	vld.idx.msk [tilespmem:v51+s15+$0x0], $0xffff  }
0x1d5: {  	v53 =	vor.u32 s0, v6;
	_ =	sdelay $0x3  }
0x1d6: {  	[tilespmem:v52+s17+$0x0] =	vst.idx.msk $0xffff, v10  }
0x1d7: {  	v11 =	vor.u32 v7, v11;
	v10 =	vld.idx.msk [tilespmem:v53+s15+$0x0], $0xffff;
	_ =	sdelay $0x2  }
0x1d8: {  	s2 =	spop (v2sf)  }
0x1d9: {  	s8 =	sand.u32 $0x7F, s25;
	s31 =	sand.u32 $0xFFFFF80, s2  }
0x1da: {  	s29 =	sadd.s32 $0x4, s24;
	s0 =	sadd.s32 s1, s31;
	[tilespmem:v11+s17+$0x0] =	vst.idx.msk $0xffff, v10;
	v10 =	vor.u32 s8, v0  }
0x1db: {  	v11 =	vmov s29;
	[tilespmem:s15], [sflag:$0x4] =	stream.strided.gather [hbm4b:s0+s9], $0x2000, s11, s9, $0x38;
	[tilespmem:$0xC200] =	vst v63  }
0x1dc: {  	v54 =	vshll.u32 v11, $0x3;
	_ =	swait.ge [sflag:s16], $0x2000  }
0x1dd: {  	v11 =	vand.u32 $0x74, v11;
	v12 =	vand.u32 $0x400, v54;
	[sflag:s16] =	ssyncset.done $0x0  }
0x1de: {  	v11 =	vor.u32 v11, v12;
	[sflag:s16] =	ssyncadd.s32 $0xFFFFE000  }
0x1df: {  	v12 =	vor.u32 v1, v11;
	v10 =	vld.idx.msk [tilespmem:v10+s12+$0x0], $0xffff  }
0x1e0: {  	v55 =	vor.u32 s8, v2;
	_ =	sdelay $0x3  }
0x1e1: {  	[tilespmem:v12+s17+$0x0] =	vst.idx.msk $0xffff, v10  }
0x1e2: {  	(v2sf) =	vpush v9, $0x8;
	v56 =	vor.u32 v3, v11;
	v10 =	vld.idx.msk [tilespmem:v55+s12+$0x0], $0xffff  }
0x1e3: {  	v57 =	vor.u32 s8, v4;
	_ =	sdelay $0x3  }
0x1e4: {  	[tilespmem:v56+s17+$0x0] =	vst.idx.msk $0xffff, v10  }
0x1e5: {  	v58 =	vor.u32 v5, v11;
	v10 =	vld.idx.msk [tilespmem:v57+s12+$0x0], $0xffff  }
0x1e6: {  	v59 =	vor.u32 s8, v6;
	_ =	sdelay $0x3  }
0x1e7: {  	[tilespmem:v58+s17+$0x0] =	vst.idx.msk $0xffff, v10  }
0x1e8: {  	v11 =	vor.u32 v7, v11;
	v10 =	vld.idx.msk [tilespmem:v59+s12+$0x0], $0xffff;
	_ =	sdelay $0x2  }
0x1e9: {  	s25 =	spop (v2sf)  }
0x1ea: {  	s31 =	sand.u32 $0x7F, s26;
	s30 =	sand.u32 $0xFFFFF80, s25  }
0x1eb: {  	s29 =	sadd.s32 $0x5, s24;
	s0 =	sadd.s32 s1, s30;
	[tilespmem:v11+s17+$0x0] =	vst.idx.msk $0xffff, v10;
	v10 =	vor.u32 s31, v0  }
0x1ec: {  	v11 =	vmov s29;
	[tilespmem:s12], [sflag:$0x1] =	stream.strided.gather [hbm4b:s0+s9], $0x2000, s11, s9, $0x38;
	[tilespmem:$0xC200] =	vst v63  }
0x1ed: {  	v60 =	vshll.u32 v11, $0x3;
	_ =	swait.ge [sflag:s18], $0x2000  }
0x1ee: {  	v11 =	vand.u32 $0x75, v11;
	v12 =	vand.u32 $0x400, v60;
	[sflag:s18] =	ssyncset.done $0x0  }
0x1ef: {  	v11 =	vor.u32 v11, v12;
	[sflag:s18] =	ssyncadd.s32 $0xFFFFE000  }
0x1f0: {  	v12 =	vor.u32 v1, v11;
	v10 =	vld.idx.msk [tilespmem:v10+s13+$0x0], $0xffff  }
0x1f1: {  	v61 =	vor.u32 s31, v2;
	_ =	sdelay $0x3  }
0x1f2: {  	[tilespmem:v12+s17+$0x0] =	vst.idx.msk $0xffff, v10  }
0x1f3: {  	(v2sf) =	vpush v9, $0x9;
	v62 =	vor.u32 v3, v11;
	v10 =	vld.idx.msk [tilespmem:v61+s13+$0x0], $0xffff  }
0x1f4: {  	v63 =	vor.u32 s31, v4;
	_ =	sdelay $0x3  }
0x1f5: {  	[tilespmem:v62+s17+$0x0] =	vst.idx.msk $0xffff, v10  }
0x1f6: {  	v16 =	vor.u32 v5, v11;
	v10 =	vld.idx.msk [tilespmem:v63+s13+$0x0], $0xffff  }
0x1f7: {  	v17 =	vor.u32 s31, v6;
	_ =	sdelay $0x3  }
0x1f8: {  	[tilespmem:v16+s17+$0x0] =	vst.idx.msk $0xffff, v10  }
0x1f9: {  	v11 =	vor.u32 v7, v11;
	v10 =	vld.idx.msk [tilespmem:v17+s13+$0x0], $0xffff;
	_ =	sdelay $0x2  }
0x1fa: {  	s26 =	spop (v2sf)  }
0x1fb: {  	s31 =	sand.u32 $0x7F, s28;
	s30 =	sand.u32 $0xFFFFF80, s26  }
0x1fc: {  	s29 =	sadd.s32 $0x6, s24;
	s0 =	sadd.s32 s1, s30;
	[tilespmem:v11+s17+$0x0] =	vst.idx.msk $0xffff, v10;
	v10 =	vor.u32 s31, v0  }
0x1fd: {  	v11 =	vmov s29;
	[tilespmem:s13], [sflag:$0x2] =	stream.strided.gather [hbm4b:s0+s9], $0x2000, s11, s9, $0x38;
	[tilespmem:$0xC200] =	vst v63  }
0x1fe: {  	v18 =	vshll.u32 v11, $0x3;
	_ =	swait.ge [sflag:s19], $0x2000  }
0x1ff: {  	v11 =	vand.u32 $0x76, v11;
	v12 =	vand.u32 $0x400, v18;
	[sflag:s19] =	ssyncset.done $0x0  }
0x200: {  	v11 =	vor.u32 v11, v12;
	[sflag:s19] =	ssyncadd.s32 $0xFFFFE000  }
0x201: {  	v12 =	vor.u32 v1, v11;
	v10 =	vld.idx.msk [tilespmem:v10+s14+$0x0], $0xffff  }
0x202: {  	v19 =	vor.u32 s31, v2;
	_ =	sdelay $0x3  }
0x203: {  	[tilespmem:v12+s17+$0x0] =	vst.idx.msk $0xffff, v10  }
0x204: {  	(v2sf) =	vpush v9, $0xA;
	v20 =	vor.u32 v3, v11;
	v10 =	vld.idx.msk [tilespmem:v19+s14+$0x0], $0xffff  }
0x205: {  	v21 =	vor.u32 s31, v4;
	_ =	sdelay $0x3  }
0x206: {  	[tilespmem:v20+s17+$0x0] =	vst.idx.msk $0xffff, v10  }
0x207: {  	v22 =	vor.u32 v5, v11;
	v10 =	vld.idx.msk [tilespmem:v21+s14+$0x0], $0xffff  }
0x208: {  	v23 =	vor.u32 s31, v6;
	_ =	sdelay $0x3  }
0x209: {  	[tilespmem:v22+s17+$0x0] =	vst.idx.msk $0xffff, v10  }
0x20a: {  	v11 =	vor.u32 v7, v11;
	v10 =	vld.idx.msk [tilespmem:v23+s14+$0x0], $0xffff;
	_ =	sdelay $0x2  }
0x20b: {  	s29 =	spop (v2sf)  }
0x20c: {  	s2 =	sand.u32 $0x7F, s2;
	s30 =	sand.u32 $0xFFFFF80, s29  }
0x20d: {  	s31 =	sadd.s32 $0x7, s24;
	s0 =	sadd.s32 s1, s30;
	[tilespmem:v11+s17+$0x0] =	vst.idx.msk $0xffff, v10;
	v10 =	vor.u32 s2, v0  }
0x20e: {  	v11 =	vmov s31;
	[tilespmem:s14], [sflag:$0x3] =	stream.strided.gather [hbm4b:s0+s9], $0x2000, s11, s9, $0x38;
	[tilespmem:$0xC200] =	vst v63  }
0x20f: {  	v24 =	vshll.u32 v11, $0x3;
	_ =	swait.ge [sflag:s20], $0x2000  }
0x210: {  	v11 =	vand.u32 $0x77, v11;
	v12 =	vand.u32 $0x400, v24;
	[sflag:s20] =	ssyncset.done $0x0  }
0x211: {  	v11 =	vor.u32 v11, v12;
	[sflag:s20] =	ssyncadd.s32 $0xFFFFE000  }
0x212: {  	v12 =	vor.u32 v1, v11;
	v10 =	vld.idx.msk [tilespmem:v10+s15+$0x0], $0xffff  }
0x213: {  	v25 =	vor.u32 s2, v2;
	_ =	sdelay $0x3  }
0x214: {  	[tilespmem:v12+s17+$0x0] =	vst.idx.msk $0xffff, v10  }
0x215: {  	(v2sf) =	vpush v9, $0xB;
	v26 =	vor.u32 v3, v11;
	v10 =	vld.idx.msk [tilespmem:v25+s15+$0x0], $0xffff  }
0x216: {  	v27 =	vor.u32 s2, v4;
	_ =	sdelay $0x3  }
0x217: {  	[tilespmem:v26+s17+$0x0] =	vst.idx.msk $0xffff, v10  }
0x218: {  	v28 =	vor.u32 v5, v11;
	v10 =	vld.idx.msk [tilespmem:v27+s15+$0x0], $0xffff  }
0x219: {  	v29 =	vor.u32 s2, v6;
	_ =	sdelay $0x3  }
0x21a: {  	[tilespmem:v28+s17+$0x0] =	vst.idx.msk $0xffff, v10  }
0x21b: {  	v11 =	vor.u32 v7, v11;
	v10 =	vld.idx.msk [tilespmem:v29+s15+$0x0], $0xffff;
	_ =	sdelay $0x2  }
0x21c: {  	s2 =	spop (v2sf)  }
0x21d: {  	s30 =	sand.u32 $0x7F, s25;
	s28 =	sand.u32 $0xFFFFF80, s2  }
0x21e: {  	s31 =	sadd.s32 $0x8, s24;
	s0 =	sadd.s32 s1, s28;
	[tilespmem:v11+s17+$0x0] =	vst.idx.msk $0xffff, v10;
	v10 =	vor.u32 s30, v0  }
0x21f: {  	v11 =	vmov s31;
	[tilespmem:s15], [sflag:$0x4] =	stream.strided.gather [hbm4b:s0+s9], $0x2000, s11, s9, $0x38;
	[tilespmem:$0xC200] =	vst v63  }
0x220: {  	v30 =	vshll.u32 v11, $0x3;
	_ =	swait.ge [sflag:s16], $0x2000  }
0x221: {  	v11 =	vand.u32 $0x78, v11;
	v12 =	vand.u32 $0x400, v30;
	[sflag:s16] =	ssyncset.done $0x0  }
0x222: {  	v11 =	vor.u32 v11, v12;
	[sflag:s16] =	ssyncadd.s32 $0xFFFFE000  }
0x223: {  	v12 =	vor.u32 v1, v11;
	v10 =	vld.idx.msk [tilespmem:v10+s12+$0x0], $0xffff  }
0x224: {  	v31 =	vor.u32 s30, v2;
	_ =	sdelay $0x3  }
0x225: {  	[tilespmem:v12+s17+$0x0] =	vst.idx.msk $0xffff, v10  }
0x226: {  	(v2sf) =	vpush v9, $0xC;
	v32 =	vor.u32 v3, v11;
	v10 =	vld.idx.msk [tilespmem:v31+s12+$0x0], $0xffff  }
0x227: {  	v33 =	vor.u32 s30, v4;
	_ =	sdelay $0x3  }
0x228: {  	[tilespmem:v32+s17+$0x0] =	vst.idx.msk $0xffff, v10  }
0x229: {  	v34 =	vor.u32 v5, v11;
	v10 =	vld.idx.msk [tilespmem:v33+s12+$0x0], $0xffff  }
0x22a: {  	v35 =	vor.u32 s30, v6;
	_ =	sdelay $0x3  }
0x22b: {  	[tilespmem:v34+s17+$0x0] =	vst.idx.msk $0xffff, v10  }
0x22c: {  	v11 =	vor.u32 v7, v11;
	v10 =	vld.idx.msk [tilespmem:v35+s12+$0x0], $0xffff;
	_ =	sdelay $0x2  }
0x22d: {  	s30 =	spop (v2sf)  }
0x22e: {  	s28 =	sand.u32 $0x7F, s26;
	s25 =	sand.u32 $0xFFFFF80, s30  }
0x22f: {  	s31 =	sadd.s32 $0x9, s24;
	s0 =	sadd.s32 s1, s25;
	[tilespmem:v11+s17+$0x0] =	vst.idx.msk $0xffff, v10;
	v10 =	vor.u32 s28, v0  }
0x230: {  	v11 =	vmov s31;
	[tilespmem:s12], [sflag:$0x1] =	stream.strided.gather [hbm4b:s0+s9], $0x2000, s11, s9, $0x38;
	[tilespmem:$0xC200] =	vst v63  }
0x231: {  	v36 =	vshll.u32 v11, $0x3;
	_ =	swait.ge [sflag:s18], $0x2000  }
0x232: {  	v11 =	vand.u32 $0x79, v11;
	v12 =	vand.u32 $0x400, v36;
	[sflag:s18] =	ssyncset.done $0x0  }
0x233: {  	v11 =	vor.u32 v11, v12;
	[sflag:s18] =	ssyncadd.s32 $0xFFFFE000  }
0x234: {  	v12 =	vor.u32 v1, v11;
	v10 =	vld.idx.msk [tilespmem:v10+s13+$0x0], $0xffff  }
0x235: {  	v37 =	vor.u32 s28, v2;
	_ =	sdelay $0x3  }
0x236: {  	[tilespmem:v12+s17+$0x0] =	vst.idx.msk $0xffff, v10  }
0x237: {  	(v2sf) =	vpush v9, $0xD;
	v38 =	vor.u32 v3, v11;
	v10 =	vld.idx.msk [tilespmem:v37+s13+$0x0], $0xffff  }
0x238: {  	v39 =	vor.u32 s28, v4;
	_ =	sdelay $0x3  }
0x239: {  	[tilespmem:v38+s17+$0x0] =	vst.idx.msk $0xffff, v10  }
0x23a: {  	v40 =	vor.u32 v5, v11;
	v10 =	vld.idx.msk [tilespmem:v39+s13+$0x0], $0xffff  }
0x23b: {  	v41 =	vor.u32 s28, v6;
	_ =	sdelay $0x3  }
0x23c: {  	[tilespmem:v40+s17+$0x0] =	vst.idx.msk $0xffff, v10  }
0x23d: {  	v11 =	vor.u32 v7, v11;
	v10 =	vld.idx.msk [tilespmem:v41+s13+$0x0], $0xffff;
	_ =	sdelay $0x2  }
0x23e: {  	s28 =	spop (v2sf)  }
0x23f: {  	s31 =	sand.u32 $0x7F, s29;
	s25 =	sand.u32 $0xFFFFF80, s28  }
0x240: {  	s26 =	sadd.s32 $0xA, s24;
	s0 =	sadd.s32 s1, s25;
	[tilespmem:v11+s17+$0x0] =	vst.idx.msk $0xffff, v10;
	v10 =	vor.u32 s31, v0  }
0x241: {  	v11 =	vmov s26;
	[tilespmem:s13], [sflag:$0x2] =	stream.strided.gather [hbm4b:s0+s9], $0x2000, s11, s9, $0x38;
	[tilespmem:$0xC200] =	vst v63  }
0x242: {  	v42 =	vshll.u32 v11, $0x3;
	_ =	swait.ge [sflag:s19], $0x2000  }
0x243: {  	v11 =	vand.u32 $0x7A, v11;
	v12 =	vand.u32 $0x400, v42;
	[sflag:s19] =	ssyncset.done $0x0  }
0x244: {  	v11 =	vor.u32 v11, v12;
	[sflag:s19] =	ssyncadd.s32 $0xFFFFE000  }
0x245: {  	v12 =	vor.u32 v1, v11;
	v10 =	vld.idx.msk [tilespmem:v10+s14+$0x0], $0xffff  }
0x246: {  	v43 =	vor.u32 s31, v2;
	_ =	sdelay $0x3  }
0x247: {  	[tilespmem:v12+s17+$0x0] =	vst.idx.msk $0xffff, v10  }
0x248: {  	(v2sf) =	vpush v9, $0xE;
	v44 =	vor.u32 v3, v11;
	v10 =	vld.idx.msk [tilespmem:v43+s14+$0x0], $0xffff  }
0x249: {  	v45 =	vor.u32 s31, v4;
	_ =	sdelay $0x3  }
0x24a: {  	[tilespmem:v44+s17+$0x0] =	vst.idx.msk $0xffff, v10  }
0x24b: {  	v46 =	vor.u32 v5, v11;
	v10 =	vld.idx.msk [tilespmem:v45+s14+$0x0], $0xffff  }
0x24c: {  	v47 =	vor.u32 s31, v6;
	_ =	sdelay $0x3  }
0x24d: {  	[tilespmem:v46+s17+$0x0] =	vst.idx.msk $0xffff, v10  }
0x24e: {  	v11 =	vor.u32 v7, v11;
	v10 =	vld.idx.msk [tilespmem:v47+s14+$0x0], $0xffff;
	_ =	sdelay $0x2  }
0x24f: {  	s26 =	spop (v2sf)  }
0x250: {  	s2 =	sand.u32 $0x7F, s2;
	s29 =	sand.u32 $0xFFFFF80, s26  }
0x251: {  	s31 =	sadd.s32 $0xB, s24;
	s0 =	sadd.s32 s1, s29;
	[tilespmem:v11+s17+$0x0] =	vst.idx.msk $0xffff, v10;
	v10 =	vor.u32 s2, v0  }
0x252: {  	v11 =	vmov s31;
	[tilespmem:s14], [sflag:$0x3] =	stream.strided.gather [hbm4b:s0+s9], $0x2000, s11, s9, $0x38;
	[tilespmem:$0xC200] =	vst v63  }
0x253: {  	v48 =	vshll.u32 v11, $0x3;
	_ =	swait.ge [sflag:s20], $0x2000  }
0x254: {  	v11 =	vand.u32 $0x7B, v11;
	v12 =	vand.u32 $0x400, v48;
	[sflag:s20] =	ssyncset.done $0x0  }
0x255: {  	v11 =	vor.u32 v11, v12;
	[sflag:s20] =	ssyncadd.s32 $0xFFFFE000  }
0x256: {  	v12 =	vor.u32 v1, v11;
	v10 =	vld.idx.msk [tilespmem:v10+s15+$0x0], $0xffff  }
0x257: {  	v49 =	vor.u32 s2, v2;
	_ =	sdelay $0x3  }
0x258: {  	[tilespmem:v12+s17+$0x0] =	vst.idx.msk $0xffff, v10  }
0x259: {  	(v2sf) =	vpush v9, $0xF;
	v50 =	vor.u32 v3, v11;
	v10 =	vld.idx.msk [tilespmem:v49+s15+$0x0], $0xffff  }
0x25a: {  	v9 =	vor.u32 s2, v4;
	_ =	sdelay $0x3  }
0x25b: {  	[tilespmem:v50+s17+$0x0] =	vst.idx.msk $0xffff, v10  }
0x25c: {  	v10 =	vor.u32 v5, v11;
	v9 =	vld.idx.msk [tilespmem:v9+s15+$0x0], $0xffff  }
0x25d: {  	v51 =	vor.u32 s2, v6;
	_ =	sdelay $0x3  }
0x25e: {  	[tilespmem:v10+s17+$0x0] =	vst.idx.msk $0xffff, v9  }
0x25f: {  	v10 =	vor.u32 v7, v11;
	v9 =	vld.idx.msk [tilespmem:v51+s15+$0x0], $0xffff;
	_ =	sdelay $0x2  }
0x260: {  	s25 =	spop (v2sf)  }
0x261: {  	s29 =	sand.u32 $0x7F, s30;
	s8 =	sand.u32 $0xFFFFF80, s25  }
0x262: {  	s30 =	sadd.s32 $0xC, s24;
	s0 =	sadd.s32 s1, s8;
	[tilespmem:v10+s17+$0x0] =	vst.idx.msk $0xffff, v9;
	v9 =	vor.u32 s29, v0  }
0x263: {  	v10 =	vmov s30;
	[tilespmem:s15], [sflag:$0x4] =	stream.strided.gather [hbm4b:s0+s9], $0x2000, s11, s9, $0x38;
	[tilespmem:$0xC200] =	vst v63  }
0x264: {  	v11 =	vshll.u32 v10, $0x3;
	_ =	swait.ge [sflag:s16], $0x2000  }
0x265: {  	v10 =	vand.u32 $0x7C, v10;
	v11 =	vand.u32 $0x400, v11;
	[sflag:s16] =	ssyncset.done $0x0  }
0x266: {  	v10 =	vor.u32 v10, v11;
	[sflag:s16] =	ssyncadd.s32 $0xFFFFE000  }
0x267: {  	v11 =	vor.u32 v1, v10;
	v9 =	vld.idx.msk [tilespmem:v9+s12+$0x0], $0xffff  }
0x268: {  	v52 =	vor.u32 s29, v2;
	_ =	sdelay $0x3  }
0x269: {  	p0 =	seq.s32 s24, $0xF0;
	[tilespmem:v11+s17+$0x0] =	vst.idx.msk $0xffff, v9  }
0x26a: {  	(v2sf) =	vpush @!p0 v8, $0x0;
	v11 =	vor.u32 v3, v10;
	v9 =	vld.idx.msk [tilespmem:v52+s12+$0x0], $0xffff  }
0x26b: {  	v53 =	vor.u32 s29, v4;
	_ =	sdelay $0x3  }
0x26c: {  	[tilespmem:v11+s17+$0x0] =	vst.idx.msk $0xffff, v9  }
0x26d: {  	v11 =	vor.u32 v5, v10;
	v9 =	vld.idx.msk [tilespmem:v53+s12+$0x0], $0xffff  }
0x26e: {  	v54 =	vor.u32 s29, v6;
	_ =	sdelay $0x3  }
0x26f: {  	[tilespmem:v11+s17+$0x0] =	vst.idx.msk $0xffff, v9  }
0x270: {  	v10 =	vor.u32 v7, v10;
	v9 =	vld.idx.msk [tilespmem:v54+s12+$0x0], $0xffff;
	_ =	sdelay $0x2  }
0x271: {  	s31 =	sand.u32 $0x7F, s28;
	s28 =	simm.s32 @!p0 $0x7A1400;
	s0 =	spop @!p0 (v2sf)  }
0x272: {  	s2 =	simm.s32 @!p0 $0x400;
	s0 =	sand.u32 @!p0 $0xFFFFF80, s0  }
0x273: {  	s8 =	sadd.s32 $0xD, s24;
	s30 =	simm.s32 @!p0 $0x200;
	s0 =	sadd.s32 @!p0 s1, s0;
	[tilespmem:v10+s17+$0x0] =	vst.idx.msk $0xffff, v9;
	v9 =	vor.u32 s31, v0  }
0x274: {  	v10 =	vmov s8;
	[tilespmem:s30], [sflag:$0x1] =	stream.strided.gather @!p0 [hbm4b:s0+s2], $0x2000, s28, s2, $0x38;
	[tilespmem:$0xC200] =	vst v63  }
0x275: {  	v11 =	vshll.u32 v10, $0x3;
	_ =	swait.ge [sflag:s18], $0x2000  }
0x276: {  	v10 =	vand.u32 $0x7D, v10;
	v11 =	vand.u32 $0x400, v11;
	[sflag:s18] =	ssyncset.done $0x0  }
0x277: {  	v10 =	vor.u32 v10, v11;
	[sflag:s18] =	ssyncadd.s32 $0xFFFFE000  }
0x278: {  	v11 =	vor.u32 v1, v10;
	v9 =	vld.idx.msk [tilespmem:v9+s13+$0x0], $0xffff  }
0x279: {  	v55 =	vor.u32 s31, v2;
	_ =	sdelay $0x3  }
0x27a: {  	[tilespmem:v11+s17+$0x0] =	vst.idx.msk $0xffff, v9  }
0x27b: {  	(v2sf) =	vpush @!p0 v8, $0x1;
	v11 =	vor.u32 v3, v10;
	v9 =	vld.idx.msk [tilespmem:v55+s13+$0x0], $0xffff  }
0x27c: {  	v56 =	vor.u32 s31, v4;
	_ =	sdelay $0x3  }
0x27d: {  	[tilespmem:v11+s17+$0x0] =	vst.idx.msk $0xffff, v9  }
0x27e: {  	v11 =	vor.u32 v5, v10;
	v9 =	vld.idx.msk [tilespmem:v56+s13+$0x0], $0xffff  }
0x27f: {  	v57 =	vor.u32 s31, v6;
	_ =	sdelay $0x3  }
0x280: {  	[tilespmem:v11+s17+$0x0] =	vst.idx.msk $0xffff, v9  }
0x281: {  	v10 =	vor.u32 v7, v10;
	v9 =	vld.idx.msk [tilespmem:v57+s13+$0x0], $0xffff;
	_ =	sdelay $0x2  }
0x282: {  	s0 =	spop @!p0 (v2sf)  }
0x283: {  	s30 =	sand.u32 $0x7F, s26;
	s0 =	sand.u32 @!p0 $0xFFFFF80, s0  }
0x284: {  	s29 =	simm.s32 @!p0 $0x2200;
	s31 =	sadd.s32 $0xE, s24;
	s0 =	sadd.s32 @!p0 s1, s0;
	[tilespmem:v10+s17+$0x0] =	vst.idx.msk $0xffff, v9;
	v9 =	vor.u32 s30, v0  }
0x285: {  	v10 =	vmov s31;
	[tilespmem:s29], [sflag:$0x2] =	stream.strided.gather @!p0 [hbm4b:s0+s2], $0x2000, s28, s2, $0x38;
	[tilespmem:$0xC200] =	vst v63  }
0x286: {  	v11 =	vshll.u32 v10, $0x3;
	_ =	swait.ge [sflag:s19], $0x2000  }
0x287: {  	v10 =	vand.u32 $0x7E, v10;
	v11 =	vand.u32 $0x400, v11;
	[sflag:s19] =	ssyncset.done $0x0  }
0x288: {  	v10 =	vor.u32 v10, v11;
	[sflag:s19] =	ssyncadd.s32 $0xFFFFE000  }
0x289: {  	v11 =	vor.u32 v1, v10;
	v9 =	vld.idx.msk [tilespmem:v9+s14+$0x0], $0xffff  }
0x28a: {  	v58 =	vor.u32 s30, v2;
	_ =	sdelay $0x3  }
0x28b: {  	[tilespmem:v11+s17+$0x0] =	vst.idx.msk $0xffff, v9  }
0x28c: {  	(v2sf) =	vpush @!p0 v8, $0x2;
	v11 =	vor.u32 v3, v10;
	v9 =	vld.idx.msk [tilespmem:v58+s14+$0x0], $0xffff  }
0x28d: {  	v59 =	vor.u32 s30, v4;
	_ =	sdelay $0x3  }
0x28e: {  	[tilespmem:v11+s17+$0x0] =	vst.idx.msk $0xffff, v9  }
0x28f: {  	v11 =	vor.u32 v5, v10;
	v9 =	vld.idx.msk [tilespmem:v59+s14+$0x0], $0xffff  }
0x290: {  	v60 =	vor.u32 s30, v6;
	_ =	sdelay $0x3  }
0x291: {  	[tilespmem:v11+s17+$0x0] =	vst.idx.msk $0xffff, v9  }
0x292: {  	v10 =	vor.u32 v7, v10;
	v9 =	vld.idx.msk [tilespmem:v60+s14+$0x0], $0xffff;
	_ =	sdelay $0x2  }
0x293: {  	s0 =	spop @!p0 (v2sf)  }
0x294: {  	s30 =	sand.u32 $0x7F, s25;
	s0 =	sand.u32 @!p0 $0xFFFFF80, s0  }
0x295: {  	s26 =	simm.s32 @!p0 $0x4200;
	s31 =	sadd.s32 $0xF, s24;
	s0 =	sadd.s32 @!p0 s1, s0;
	[tilespmem:v10+s17+$0x0] =	vst.idx.msk $0xffff, v9;
	v9 =	vor.u32 s30, v0  }
0x296: {  	v10 =	vmov s31;
	[tilespmem:s26], [sflag:$0x3] =	stream.strided.gather @!p0 [hbm4b:s0+s2], $0x2000, s28, s2, $0x38;
	[tilespmem:$0xC200] =	vst v63  }
0x297: {  	v11 =	vshll.u32 v10, $0x3;
	_ =	swait.ge [sflag:s20], $0x2000  }
0x298: {  	v10 =	vand.u32 $0x7F, v10;
	v11 =	vand.u32 $0x400, v11;
	[sflag:s20] =	ssyncset.done $0x0  }
0x299: {  	v10 =	vor.u32 v10, v11;
	[sflag:s20] =	ssyncadd.s32 $0xFFFFE000  }
0x29a: {  	v11 =	vor.u32 v1, v10;
	v9 =	vld.idx.msk [tilespmem:v9+s15+$0x0], $0xffff  }
0x29b: {  	v61 =	vor.u32 s30, v2;
	_ =	sdelay $0x3  }
0x29c: {  	[tilespmem:v11+s17+$0x0] =	vst.idx.msk $0xffff, v9  }
0x29d: {  	v11 =	vor.u32 v3, v10;
	v9 =	vld.idx.msk [tilespmem:v61+s15+$0x0], $0xffff  }
0x29e: {  	v62 =	vor.u32 s30, v4;
	_ =	sdelay $0x3  }
0x29f: {  	[tilespmem:v11+s17+$0x0] =	vst.idx.msk $0xffff, v9  }
0x2a0: {  	v11 =	vor.u32 v5, v10;
	v9 =	vld.idx.msk [tilespmem:v62+s15+$0x0], $0xffff  }
0x2a1: {  	v63 =	vor.u32 s30, v6;
	_ =	sdelay $0x3  }
0x2a2: {  	[tilespmem:v11+s17+$0x0] =	vst.idx.msk $0xffff, v9  }
0x2a3: {  	v10 =	vor.u32 v7, v10;
	v9 =	vld.idx.msk [tilespmem:v63+s15+$0x0], $0xffff  }
.Ltmp4:
0x2a4: {  	_ = 	snop;
	(pc) =	sbr.rel @p0 .LBB2_7-.Ltmp4, $2  }
0x2a5: {  	_ =	sdelay $0x2  }
0x2a6: {  	[tilespmem:v10+s17+$0x0] =	vst.idx.msk $0xffff, v9  }
0x2a7: {  	(v2sf) =	vpush v8, $0x3;
	_ =	sdelay $0xd  }
.Ltmp5:
0x2a8: {  	_ = 	snop;
	(pc) =	sbr.rel .LBB2_5-.Ltmp5, $4  }
0x2a9: {  	s0 =	spop (v2sf)  }
0x2aa: {  	s0 =	sand.u32 $0xFFFFF80, s0  }
0x2ab: {  	s24 =	sadd.s32 $0x10, s24;
	s0 =	sadd.s32 s1, s0  }
0x2ac: {  	[tilespmem:s15], [sflag:$0x4] =	stream.strided.gather [hbm4b:s0+s9], $0x2000, s11, s9, $0x38;
	[tilespmem:$0xC200] =	vst v63  }
.LBB2_8:
0x2ad: {  	_ =	sfence.sel $0x180000  }
0x2ae: {  	[bflag:$0x0] =	sbarrier.arrive $0xFFFF  }
0x2af: {  	_ =	strace $0x90000047  }
0x2b0: {  	s0 =	stileid.u32;
	[bflag:$0x2] =	sbarrier.arrive $0xFFFF  }
0x2b1: {  	p0 =	sne.s32 s0, $0x0;
	s0 =	rddreg [dreg:$0x3]  }
0x2b2: {  	s0 =	sadd.s32 @!p0 $0x100000, s0  }
0x2b3: {  	[sflag:s0] =	ssyncadd.tile.s32 @!p0 $0x1;
	_ =	shalt  }
.Lfunc_end2:
_tile_overlayer_lowered:
.L_overlay_start_2:
0x2b4: {  	(tag) =	ssettag $0x2  }
0x2b5: {  	s0 =	rddreg [dreg:$0x0];
	s2 =	stileid.u32  }
0x2b6: {  	s1 =	rddreg [dreg:$0x1];
	p0 =	sne.s32 s2, $0x0  }
0x2b7: {  	s3 =	rddreg [dreg:$0x2];
	[bflag:$0x3] =	sbarrier.arrive $0xFFFF;
	s2 =	simm.s32 @!p0 $0x1C05  }
0x2b8: {  	[timem:s3], [sflag:s2] =	dma.local @!p0 [hbm:s0], s1  }
0x2b9: {  	s0 =	simm.s32 @!p0 $0x5  }
0x2ba: {  	_ =	swait.ge @!p0 [sflag:s0], s1  }
0x2bb: {  	s1 =	ssub.s32 @!p0 $0x0, s1;
	[sflag:s0] =	ssyncset.done @!p0 $0x0  }
0x2bc: {  	[sflag:s0] =	ssyncadd.s32 @!p0 s1  }
0x2bd: {  	[bflag:$0x3] =	sbarrier.arrive $0xFFFF  }
0x2be: {  	_ =	shalt  }

</sc_bundles>
